<compile_context>
chip_gen: v7x
topology: tpu7x:2x2x1
jax: 0.10.2.dev20260603
libtpu: 0.0.44.dev20260713+nightly
codegen_flags: <defaults>
</compile_context>

<pallas_src>
import functools

import jax
import jax.numpy as jnp
from jax import lax
from jax.experimental import pallas as pl
from jax.experimental.pallas import tpu as pltpu
from jax.experimental.pallas import tpu_sc as plsc

_N = 10000
_E = 320000
_DF = 128
_H = 64
_OUT = 3
_P = 4

_NP = 10240
_NC = 2
_NS = 16
_NW = _NC * _NS
_RPS = _NP // _NS

_EW = _E // _NW
_CH = 80
_NCHUNK = _EW // _CH

_DEGW = 8
_DLAG = 8
_NBUF = 8

_mesh = plsc.VectorSubcoreMesh(core_axis_name="c", subcore_axis_name="s")
_sc_params = pltpu.CompilerParams(use_tc_tiling_on_sc=False)


def _deg_body(src3, dst3, ones_hbm, zdeg, degp, sdeg, idx_v, ones_v, sem):
    cid = lax.axis_index("c")
    sid = lax.axis_index("s")
    zslab = pl.ds(sid * _RPS, _RPS)
    pltpu.sync_copy(zdeg.at[zslab], sdeg.at[zslab])
    pltpu.sync_copy(ones_hbm, ones_v)

    @pl.when(cid == 0)
    def _():
        pltpu.sync_copy(src3.at[2 * sid], idx_v.at[0])
        pltpu.sync_copy(src3.at[2 * sid + 1], idx_v.at[1])

    @pl.when(cid == 1)
    def _():
        pltpu.sync_copy(dst3.at[2 * sid], idx_v.at[0])
        pltpu.sync_copy(dst3.at[2 * sid + 1], idx_v.at[1])

    plsc.subcore_barrier()
    for s in range(2):
        islab = idx_v.at[s]

        def body(i, carry):
            pltpu.async_copy(ones_v, sdeg.at[islab.at[i]], sem, add=True)

            @pl.when(i >= _DLAG)
            def _():
                pltpu.make_async_copy(ones_v, sdeg.at[islab.at[i - _DLAG]],
                                      sem).wait()

            return carry

        lax.fori_loop(0, _NCHUNK, body, 0)
        for i in range(_NCHUNK - _DLAG, _NCHUNK):
            pltpu.make_async_copy(ones_v, sdeg.at[islab.at[i]], sem).wait()
    plsc.subcore_barrier()
    pltpu.sync_copy(sdeg.at[zslab], degp.at[cid, zslab])


_deg_call = pl.kernel(
    _deg_body,
    out_type=jax.ShapeDtypeStruct((_NC, _NP, _DEGW), jnp.float32),
    mesh=_mesh,
    scratch_types=[
        pltpu.VMEM_SHARED((_NP, _DEGW), jnp.float32),
        pltpu.VMEM((2, _NCHUNK, _CH), jnp.int32),
        pltpu.VMEM((_CH, _DEGW), jnp.float32),
        pltpu.SemaphoreType.DMA,
    ],
    compiler_params=_sc_params,
)


def _agg_body(hs, src3, dst3, zagg, aggp, sagg, src_v, dst_v, *rest):
    rows = rest[:_NBUF]
    sems = rest[_NBUF:]
    cid = lax.axis_index("c")
    sid = lax.axis_index("s")
    wid = sid * _NC + cid
    zslab = pl.ds(sid * _RPS, _RPS)
    pltpu.sync_copy(zagg.at[zslab], sagg.at[zslab])
    pltpu.sync_copy(src3.at[wid], src_v)
    pltpu.sync_copy(dst3.at[wid], dst_v)
    plsc.subcore_barrier()

    def gather(i, buf, sem):
        pltpu.async_copy(hs.at[src_v.at[i]], buf, sem)

    def wait(i, buf, sem):
        pltpu.make_async_copy(hs.at[src_v.at[i]], buf, sem).wait()

    def scatter(i, buf):
        pltpu.sync_copy(buf, sagg.at[dst_v.at[i]], add=True)

    bufs = list(zip(rows, sems))
    for b in range(_NBUF):
        gather(b, *bufs[b])

    def body(j, carry):
        for b in range(_NBUF):
            i = _NBUF * j + b
            wait(i, *bufs[b])
            scatter(i, bufs[b][0])

            @pl.when(i + _NBUF < _NCHUNK)
            def _():
                gather(i + _NBUF, *bufs[b])

        return carry

    lax.fori_loop(0, _NCHUNK // _NBUF, body, 0)
    for i in range((_NCHUNK // _NBUF) * _NBUF, _NCHUNK):
        wait(i, *bufs[i % _NBUF])
        scatter(i, bufs[i % _NBUF][0])
    plsc.subcore_barrier()
    pltpu.sync_copy(sagg.at[zslab], aggp.at[cid, zslab])


_agg_call = pl.kernel(
    _agg_body,
    out_type=jax.ShapeDtypeStruct((_NC, _NP, _H), jnp.float32),
    mesh=_mesh,
    scratch_types=[
        pltpu.VMEM_SHARED((_NP, _H), jnp.float32),
        pltpu.VMEM((_NCHUNK, _CH), jnp.int32),
        pltpu.VMEM((_NCHUNK, _CH), jnp.int32),
    ] + [pltpu.VMEM((_CH, _H), jnp.float32)] * _NBUF
      + [pltpu.SemaphoreType.DMA] * _NBUF,
    compiler_params=_sc_params,
)


def _silu(x):
    return x * jax.nn.sigmoid(x)


def _enc_body(x_ref, Wn_ref, bn_ref, gn_ref, betan_ref, degp_ref,
              h_ref, hs_ref, ns_ref, nd_ref):
    t = jnp.dot(x_ref[...], Wn_ref[...], preferred_element_type=jnp.float32)
    t = _silu(t + bn_ref[...])
    mu = jnp.mean(t, axis=-1, keepdims=True)
    var = jnp.mean((t - mu) * (t - mu), axis=-1, keepdims=True)
    h = (t - mu) * lax.rsqrt(var + 1e-5) * gn_ref[...] + betan_ref[...]
    inv = 1.0 / _DEGW
    dego = jnp.sum(degp_ref[0], axis=-1, keepdims=True) * inv
    degi = jnp.sum(degp_ref[1], axis=-1, keepdims=True) * inv
    ns = lax.rsqrt(jnp.maximum(dego, 1.0))
    nd = lax.rsqrt(jnp.maximum(degi, 1.0))
    h_ref[...] = h
    hs_ref[...] = h * ns
    ns_ref[...] = ns
    nd_ref[...] = nd


_enc_call = pl.pallas_call(
    _enc_body,
    out_shape=[
        jax.ShapeDtypeStruct((_NP, _H), jnp.float32),
        jax.ShapeDtypeStruct((_NP, _H), jnp.float32),
        jax.ShapeDtypeStruct((_NP, 1), jnp.float32),
        jax.ShapeDtypeStruct((_NP, 1), jnp.float32),
    ],
)


def _layer_body(aggp_ref, nd_ref, ns_ref, h_ref, W_ref, b_ref,
                ho_ref, hso_ref):
    agg = aggp_ref[0] + aggp_ref[1]
    a = agg * nd_ref[...]
    t = jnp.dot(a, W_ref[...], preferred_element_type=jnp.float32)
    h = h_ref[...] + _silu(t + b_ref[...])
    ho_ref[...] = h
    hso_ref[...] = h * ns_ref[...]


_layer_call = pl.pallas_call(
    _layer_body,
    out_shape=[
        jax.ShapeDtypeStruct((_NP, _H), jnp.float32),
        jax.ShapeDtypeStruct((_NP, _H), jnp.float32),
    ],
)


def _final_body(aggp_ref, nd_ref, h_ref, W_ref, b_ref,
                Wd1_ref, bd1_ref, Wd2_ref, bd2_ref, out_ref):
    agg = aggp_ref[0] + aggp_ref[1]
    a = agg * nd_ref[...]
    t = jnp.dot(a, W_ref[...], preferred_element_type=jnp.float32)
    h = h_ref[...] + _silu(t + b_ref[...])
    d = _silu(jnp.dot(h, Wd1_ref[...], preferred_element_type=jnp.float32)
              + bd1_ref[...])
    out_ref[...] = (jnp.dot(d, Wd2_ref[...], preferred_element_type=jnp.float32)
                    + bd2_ref[...])


_final_call = pl.pallas_call(
    _final_body,
    out_shape=jax.ShapeDtypeStruct((_NP, _OUT), jnp.float32),
)


def kernel(node_feats, edge_feats, edge_index, Wn, bn, gn, betan, We, be, ge,
           betae, convW, convb, Wd1, bd1, Wd2, bd2):
    src3 = edge_index[0].reshape(_NW, _NCHUNK, _CH)
    dst3 = edge_index[1].reshape(_NW, _NCHUNK, _CH)
    x_p = jnp.pad(node_feats, ((0, _NP - _N), (0, 0)))
    zagg = jnp.zeros((_NP, _H), jnp.float32)
    zdeg = jnp.zeros((_NP, _DEGW), jnp.float32)
    ones_hbm = jnp.ones((_CH, _DEGW), jnp.float32)

    degp = _deg_call(src3, dst3, ones_hbm, zdeg)
    h, hs, ns, nd = _enc_call(x_p, Wn, bn, gn, betan, degp)
    for i in range(_P - 1):
        aggp = _agg_call(hs, src3, dst3, zagg)
        h, hs = _layer_call(aggp, nd, ns, h, convW[i], convb[i])
    aggp = _agg_call(hs, src3, dst3, zagg)
    out_p = _final_call(aggp, nd, h, convW[_P - 1], convb[_P - 1],
                        Wd1, bd1, Wd2, bd2)
    return out_p[:_N]

# --- scband reference (transcript-rebuilt; emitter-appended) ---
"""Pipeline reference for scband-stable-graph-net-with-edges-61727269978613 (READ-ONLY COPY).

The authoritative reference and input builder live on the scoring server;
editing this copy changes nothing except your own understanding.
"""

import jax, jax.numpy as jnp
import numpy as np

N = 10000
E = 320000
DF = 128
DE = 16
H = 64
OUT = 3
P = 4


def setup_inputs(seed: int = 0) -> dict:
    key = jax.random.key(seed)
    ks = jax.random.split(key, 16)
    s = 0.02
    inp = {}
    inp['node_feats'] = jax.random.normal(ks[0], (N, DF), jnp.float32)
    inp['edge_feats'] = jax.random.normal(ks[1], (E, DE), jnp.float32)
    inp['edge_index'] = jax.random.randint(ks[2], (2, E), 0, N, jnp.int32)
    inp['Wn'] = jax.random.normal(ks[3], (DF, H), jnp.float32) * s
    inp['bn'] = jnp.zeros((H,), jnp.float32)
    inp['gn'] = jnp.ones((H,), jnp.float32)
    inp['betan'] = jnp.zeros((H,), jnp.float32)
    inp['We'] = jax.random.normal(ks[4], (DE, H), jnp.float32) * s
    inp['be'] = jnp.zeros((H,), jnp.float32)
    inp['ge'] = jnp.ones((H,), jnp.float32)
    inp['betae'] = jnp.zeros((H,), jnp.float32)
    inp['convW'] = jax.random.normal(ks[5], (P, H, H), jnp.float32) * s
    inp['convb'] = jnp.zeros((P, H), jnp.float32)
    inp['Wd1'] = jax.random.normal(ks[6], (H, H), jnp.float32) * s
    inp['bd1'] = jnp.zeros((H,), jnp.float32)
    inp['Wd2'] = jax.random.normal(ks[7], (H, OUT), jnp.float32) * s
    inp['bd2'] = jnp.zeros((OUT,), jnp.float32)
    return inp


def _layer_norm(x, g, b):
    mu = jnp.mean(x, axis=-1, keepdims=True)
    var = jnp.var(x, axis=-1, keepdims=True)
    return (x - mu) / jnp.sqrt(var + 1e-5) * g + b


def reference(node_feats, edge_feats, edge_index, Wn, bn, gn, betan, We, be, ge, betae, convW, convb, Wd1, bd1, Wd2, bd2):
    src = edge_index[0]
    dst = edge_index[1]
    ones = jnp.ones((E,), jnp.float32)
    deg_out = jnp.clip(jnp.zeros((N,), jnp.float32).at[src].add(ones), 1.0, None)
    deg_in = jnp.clip(jnp.zeros((N,), jnp.float32).at[dst].add(ones), 1.0, None)
    ns = jax.lax.rsqrt(deg_out)[:, None]
    nd = jax.lax.rsqrt(deg_in)[:, None]
    # encoders
    h = _layer_norm(jax.nn.silu(node_feats @ Wn + bn), gn, betan)
    he = _layer_norm(jax.nn.silu(edge_feats @ We + be), ge, betae)
    # he is stored on g.edata['he'] in the original; DGL GraphConv does not consume it.
    for i in range(P):
        hs = h * ns                                   # symmetric norm (source side)
        msg = jnp.take(hs, src, axis=0)               # gather over edges
        agg = jnp.zeros((N, H), jnp.float32).at[dst].add(msg)  # scatter-add
        hn = jax.nn.silu((agg * nd) @ convW[i] + convb[i])
        h = h + hn                                    # residual
    out = jax.nn.silu(h @ Wd1 + bd1) @ Wd2 + bd2
    return out

if __name__ == "__main__":
    import jax
    _d = setup_inputs()
    print(jax.jit(kernel)(*tuple(_d.values())))

</pallas_src>

<mosaic_0001>
#map = affine_map<(d0, d1) -> (0, 0, 0)>
#map1 = affine_map<(d0, d1) -> (0, 0)>
module attributes {stable_mosaic.version = 14 : i64} {
  func.func @_deg_body(%arg0: i32, %arg1: i32, %arg2: memref<32x125x80xi32, #tpu.memory_space<hbm>>, %arg3: memref<32x125x80xi32, #tpu.memory_space<hbm>>, %arg4: memref<80x8xf32, #tpu.memory_space<hbm>>, %arg5: memref<10240x8xf32, #tpu.memory_space<hbm>>, %arg6: memref<2x10240x8xf32, #tpu.memory_space<hbm>>, %arg7: memref<10240x8xf32, #tpu.memory_space<vmem_shared>>, %arg8: memref<2x125x80xi32, #tpu.memory_space<vmem>>, %arg9: memref<80x8xf32, #tpu.memory_space<vmem>>, %arg10: memref<!tpu.dma_semaphore, #tpu.memory_space<semaphore_mem>>) attributes {dimension_semantics = [#tpu.dimension_semantics<core_parallel>, #tpu.dimension_semantics<subcore_parallel>], iteration_bounds = array<i64: 2, 16>, scalar_prefetch = 0 : i64, scratch_operands = 4 : i64, tpu.core_type = #tpu.core_type<sc_vector_subcore>, window_params = [{transform_indices = #map}, {transform_indices = #map}, {transform_indices = #map1}, {transform_indices = #map1}, {transform_indices = #map}]} {
    %mul3A = arith.constant 640 : i32
    %mul3A_0 = arith.muli %arg1, %mul3A : i32
    "tpu.region"() ({
      %run_scoped3A = tpu.sem_alloc : memref<!tpu.dma_semaphore, #tpu.memory_space<semaphore_mem>>
      %dma_start3A = arith.constant 0 : i32
      %dma_start3A_213 = tpu.memref_slice %arg7[%mul3A_0, %dma_start3A] : memref<10240x8xf32, #tpu.memory_space<vmem_shared>> -> memref<640x8xf32, #tpu.memory_space<vmem_shared>>
      %dma_start3A_214 = arith.constant 0 : i32
      %dma_start3A_215 = tpu.memref_slice %arg5[%mul3A_0, %dma_start3A_214] : memref<10240x8xf32, #tpu.memory_space<hbm>> -> memref<640x8xf32, #tpu.memory_space<hbm>>
      tpu.enqueue_dma source(%dma_start3A_215 : memref<640x8xf32, #tpu.memory_space<hbm>>) target(%dma_start3A_213 : memref<640x8xf32, #tpu.memory_space<vmem_shared>>) target_semaphore(%run_scoped3A : memref<!tpu.dma_semaphore, #tpu.memory_space<semaphore_mem>>)
      %dma_wait3A_216 = arith.constant 0 : i32
      %dma_wait3A_217 = tpu.memref_slice %arg7[%mul3A_0, %dma_wait3A_216] : memref<10240x8xf32, #tpu.memory_space<vmem_shared>> -> memref<640x8xf32, #tpu.memory_space<vmem_shared>>
      %dma_wait3A_218 = arith.constant 0 : i32
      %dma_wait3A_219 = tpu.memref_slice %arg5[%mul3A_0, %dma_wait3A_218] : memref<10240x8xf32, #tpu.memory_space<hbm>> -> memref<640x8xf32, #tpu.memory_space<hbm>>
      tpu.wait_dma2 semaphore(%run_scoped3A : memref<!tpu.dma_semaphore, #tpu.memory_space<semaphore_mem>>) src(%dma_wait3A_219 : memref<640x8xf32, #tpu.memory_space<hbm>>) dst(%dma_wait3A_217 : memref<640x8xf32, #tpu.memory_space<vmem_shared>>)
      tpu.yield
    }) : () -> ()
    "tpu.region"() ({
      %run_scoped3A = tpu.sem_alloc : memref<!tpu.dma_semaphore, #tpu.memory_space<semaphore_mem>>
      tpu.enqueue_dma source(%arg4 : memref<80x8xf32, #tpu.memory_space<hbm>>) target(%arg9 : memref<80x8xf32, #tpu.memory_space<vmem>>) target_semaphore(%run_scoped3A : memref<!tpu.dma_semaphore, #tpu.memory_space<semaphore_mem>>)
      tpu.wait_dma2 semaphore(%run_scoped3A : memref<!tpu.dma_semaphore, #tpu.memory_space<semaphore_mem>>) src(%arg4 : memref<80x8xf32, #tpu.memory_space<hbm>>) dst(%arg9 : memref<80x8xf32, #tpu.memory_space<vmem>>)
      tpu.yield
    }) : () -> ()
    %eq3A = arith.constant 0 : i32
    %eq3A_1 = arith.cmpi eq, %arg0, %eq3A : i32
    %convert_element_type3A = arith.extui %eq3A_1 : i1 to i32
    %cond3A = arith.constant 0 : i32
    %cond3A_2 = arith.cmpi ne, %convert_element_type3A, %cond3A : i32
    scf.if %cond3A_2 {
      %mul3A_213 = arith.constant 2 : i32
      %mul3A_214 = arith.muli %mul3A_213, %arg1 : i32
      %run_scoped3A = arith.constant 0 : i32
      "tpu.region"() ({
        %run_scoped3A_219 = tpu.sem_alloc : memref<!tpu.dma_semaphore, #tpu.memory_space<semaphore_mem>>
        %dma_start3A = arith.constant 0 : i32
        %dma_start3A_220 = arith.constant 0 : i32
        %dma_start3A_221 = tpu.memref_slice %arg8[%run_scoped3A, %dma_start3A, %dma_start3A_220] : memref<2x125x80xi32, #tpu.memory_space<vmem>> -> memref<1x125x80xi32, #tpu.memory_space<vmem>>
        %dma_start3A_222 = tpu.memref_squeeze %dma_start3A_221 : memref<1x125x80xi32, #tpu.memory_space<vmem>> -> memref<125x80xi32, #tpu.memory_space<vmem>>
        %dma_start3A_223 = arith.constant 0 : i32
        %dma_start3A_224 = arith.constant 0 : i32
        %dma_start3A_225 = tpu.memref_slice %arg2[%mul3A_214, %dma_start3A_223, %dma_start3A_224] : memref<32x125x80xi32, #tpu.memory_space<hbm>> -> memref<1x125x80xi32, #tpu.memory_space<hbm>>
        %dma_start3A_226 = tpu.memref_squeeze %dma_start3A_225 : memref<1x125x80xi32, #tpu.memory_space<hbm>> -> memref<125x80xi32, #tpu.memory_space<hbm>>
        %dma_start3A_227 = arith.constant 0 : i32
        %dma_start3A_228 = arith.constant 0 : i32
        %dma_start3A_229 = tpu.memref_slice %arg8[%run_scoped3A, %dma_start3A_227, %dma_start3A_228] : memref<2x125x80xi32, #tpu.memory_space<vmem>> -> memref<1x125x80xi32, #tpu.memory_space<vmem>>
        %dma_start3A_230 = tpu.memref_squeeze %dma_start3A_229 : memref<1x125x80xi32, #tpu.memory_space<vmem>> -> memref<125x80xi32, #tpu.memory_space<vmem>>
        %dma_start3A_231 = arith.constant 0 : i32
        %dma_start3A_232 = arith.constant 0 : i32
        %dma_start3A_233 = tpu.memref_slice %arg2[%mul3A_214, %dma_start3A_231, %dma_start3A_232] : memref<32x125x80xi32, #tpu.memory_space<hbm>> -> memref<1x125x80xi32, #tpu.memory_space<hbm>>
        %dma_start3A_234 = tpu.memref_squeeze %dma_start3A_233 : memref<1x125x80xi32, #tpu.memory_space<hbm>> -> memref<125x80xi32, #tpu.memory_space<hbm>>
        tpu.enqueue_dma source(%dma_start3A_234 : memref<125x80xi32, #tpu.memory_space<hbm>>) target(%dma_start3A_230 : memref<125x80xi32, #tpu.memory_space<vmem>>) target_semaphore(%run_scoped3A_219 : memref<!tpu.dma_semaphore, #tpu.memory_space<semaphore_mem>>)
        %dma_wait3A_235 = arith.constant 0 : i32
        %dma_wait3A_236 = arith.constant 0 : i32
        %dma_wait3A_237 = tpu.memref_slice %arg8[%run_scoped3A, %dma_wait3A_235, %dma_wait3A_236] : memref<2x125x80xi32, #tpu.memory_space<vmem>> -> memref<1x125x80xi32, #tpu.memory_space<vmem>>
        %dma_wait3A_238 = tpu.memref_squeeze %dma_wait3A_237 : memref<1x125x80xi32, #tpu.memory_space<vmem>> -> memref<125x80xi32, #tpu.memory_space<vmem>>
        %dma_wait3A_239 = arith.constant 0 : i32
        %dma_wait3A_240 = arith.constant 0 : i32
        %dma_wait3A_241 = tpu.memref_slice %arg2[%mul3A_214, %dma_wait3A_239, %dma_wait3A_240] : memref<32x125x80xi32, #tpu.memory_space<hbm>> -> memref<1x125x80xi32, #tpu.memory_space<hbm>>
        %dma_wait3A_242 = tpu.memref_squeeze %dma_wait3A_241 : memref<1x125x80xi32, #tpu.memory_space<hbm>> -> memref<125x80xi32, #tpu.memory_space<hbm>>
        %dma_wait3A_243 = arith.constant 0 : i32
        %dma_wait3A_244 = arith.constant 0 : i32
        %dma_wait3A_245 = tpu.memref_slice %arg8[%run_scoped3A, %dma_wait3A_243, %dma_wait3A_244] : memref<2x125x80xi32, #tpu.memory_space<vmem>> -> memref<1x125x80xi32, #tpu.memory_space<vmem>>
        %dma_wait3A_246 = tpu.memref_squeeze %dma_wait3A_245 : memref<1x125x80xi32, #tpu.memory_space<vmem>> -> memref<125x80xi32, #tpu.memory_space<vmem>>
        %dma_wait3A_247 = arith.constant 0 : i32
        %dma_wait3A_248 = arith.constant 0 : i32
        %dma_wait3A_249 = tpu.memref_slice %arg2[%mul3A_214, %dma_wait3A_247, %dma_wait3A_248] : memref<32x125x80xi32, #tpu.memory_space<hbm>> -> memref<1x125x80xi32, #tpu.memory_space<hbm>>
        %dma_wait3A_250 = tpu.memref_squeeze %dma_wait3A_249 : memref<1x125x80xi32, #tpu.memory_space<hbm>> -> memref<125x80xi32, #tpu.memory_space<hbm>>
        tpu.wait_dma2 semaphore(%run_scoped3A_219 : memref<!tpu.dma_semaphore, #tpu.memory_space<semaphore_mem>>) src(%dma_wait3A_250 : memref<125x80xi32, #tpu.memory_space<hbm>>) dst(%dma_wait3A_246 : memref<125x80xi32, #tpu.memory_space<vmem>>)
        tpu.yield
      }) : () -> ()
      %mul3A_215 = arith.constant 2 : i32
      %mul3A_216 = arith.muli %mul3A_215, %arg1 : i32
      %add3A = arith.constant 1 : i32
      %add3A_217 = arith.addi %mul3A_216, %add3A : i32
      %run_scoped3A_218 = arith.constant 1 : i32
      "tpu.region"() ({
        %run_scoped3A_219 = tpu.sem_alloc : memref<!tpu.dma_semaphore, #tpu.memory_space<semaphore_mem>>
        %dma_start3A = arith.constant 0 : i32
        %dma_start3A_220 = arith.constant 0 : i32
        %dma_start3A_221 = tpu.memref_slice %arg8[%run_scoped3A_218, %dma_start3A, %dma_start3A_220] : memref<2x125x80xi32, #tpu.memory_space<vmem>> -> memref<1x125x80xi32, #tpu.memory_space<vmem>>
        %dma_start3A_222 = tpu.memref_squeeze %dma_start3A_221 : memref<1x125x80xi32, #tpu.memory_space<vmem>> -> memref<125x80xi32, #tpu.memory_space<vmem>>
        %dma_start3A_223 = arith.constant 0 : i32
        %dma_start3A_224 = arith.constant 0 : i32
        %dma_start3A_225 = tpu.memref_slice %arg2[%add3A_217, %dma_start3A_223, %dma_start3A_224] : memref<32x125x80xi32, #tpu.memory_space<hbm>> -> memref<1x125x80xi32, #tpu.memory_space<hbm>>
        %dma_start3A_226 = tpu.memref_squeeze %dma_start3A_225 : memref<1x125x80xi32, #tpu.memory_space<hbm>> -> memref<125x80xi32, #tpu.memory_space<hbm>>
        %dma_start3A_227 = arith.constant 0 : i32
        %dma_start3A_228 = arith.constant 0 : i32
        %dma_start3A_229 = tpu.memref_slice %arg8[%run_scoped3A_218, %dma_start3A_227, %dma_start3A_228] : memref<2x125x80xi32, #tpu.memory_space<vmem>> -> memref<1x125x80xi32, #tpu.memory_space<vmem>>
        %dma_start3A_230 = tpu.memref_squeeze %dma_start3A_229 : memref<1x125x80xi32, #tpu.memory_space<vmem>> -> memref<125x80xi32, #tpu.memory_space<vmem>>
        %dma_start3A_231 = arith.constant 0 : i32
        %dma_start3A_232 = arith.constant 0 : i32
        %dma_start3A_233 = tpu.memref_slice %arg2[%add3A_217, %dma_start3A_231, %dma_start3A_232] : memref<32x125x80xi32, #tpu.memory_space<hbm>> -> memref<1x125x80xi32, #tpu.memory_space<hbm>>
        %dma_start3A_234 = tpu.memref_squeeze %dma_start3A_233 : memref<1x125x80xi32, #tpu.memory_space<hbm>> -> memref<125x80xi32, #tpu.memory_space<hbm>>
        tpu.enqueue_dma source(%dma_start3A_234 : memref<125x80xi32, #tpu.memory_space<hbm>>) target(%dma_start3A_230 : memref<125x80xi32, #tpu.memory_space<vmem>>) target_semaphore(%run_scoped3A_219 : memref<!tpu.dma_semaphore, #tpu.memory_space<semaphore_mem>>)
        %dma_wait3A_235 = arith.constant 0 : i32
        %dma_wait3A_236 = arith.constant 0 : i32
        %dma_wait3A_237 = tpu.memref_slice %arg8[%run_scoped3A_218, %dma_wait3A_235, %dma_wait3A_236] : memref<2x125x80xi32, #tpu.memory_space<vmem>> -> memref<1x125x80xi32, #tpu.memory_space<vmem>>
        %dma_wait3A_238 = tpu.memref_squeeze %dma_wait3A_237 : memref<1x125x80xi32, #tpu.memory_space<vmem>> -> memref<125x80xi32, #tpu.memory_space<vmem>>
        %dma_wait3A_239 = arith.constant 0 : i32
        %dma_wait3A_240 = arith.constant 0 : i32
        %dma_wait3A_241 = tpu.memref_slice %arg2[%add3A_217, %dma_wait3A_239, %dma_wait3A_240] : memref<32x125x80xi32, #tpu.memory_space<hbm>> -> memref<1x125x80xi32, #tpu.memory_space<hbm>>
        %dma_wait3A_242 = tpu.memref_squeeze %dma_wait3A_241 : memref<1x125x80xi32, #tpu.memory_space<hbm>> -> memref<125x80xi32, #tpu.memory_space<hbm>>
        %dma_wait3A_243 = arith.constant 0 : i32
        %dma_wait3A_244 = arith.constant 0 : i32
        %dma_wait3A_245 = tpu.memref_slice %arg8[%run_scoped3A_218, %dma_wait3A_243, %dma_wait3A_244] : memref<2x125x80xi32, #tpu.memory_space<vmem>> -> memref<1x125x80xi32, #tpu.memory_space<vmem>>
        %dma_wait3A_246 = tpu.memref_squeeze %dma_wait3A_245 : memref<1x125x80xi32, #tpu.memory_space<vmem>> -> memref<125x80xi32, #tpu.memory_space<vmem>>
        %dma_wait3A_247 = arith.constant 0 : i32
        %dma_wait3A_248 = arith.constant 0 : i32
        %dma_wait3A_249 = tpu.memref_slice %arg2[%add3A_217, %dma_wait3A_247, %dma_wait3A_248] : memref<32x125x80xi32, #tpu.memory_space<hbm>> -> memref<1x125x80xi32, #tpu.memory_space<hbm>>
        %dma_wait3A_250 = tpu.memref_squeeze %dma_wait3A_249 : memref<1x125x80xi32, #tpu.memory_space<hbm>> -> memref<125x80xi32, #tpu.memory_space<hbm>>
        tpu.wait_dma2 semaphore(%run_scoped3A_219 : memref<!tpu.dma_semaphore, #tpu.memory_space<semaphore_mem>>) src(%dma_wait3A_250 : memref<125x80xi32, #tpu.memory_space<hbm>>) dst(%dma_wait3A_246 : memref<125x80xi32, #tpu.memory_space<vmem>>)
        tpu.yield
      }) : () -> ()
    } else {
    }
    %eq3A_3 = arith.constant 1 : i32
    %eq3A_4 = arith.cmpi eq, %arg0, %eq3A_3 : i32
    %convert_element_type3A_5 = arith.extui %eq3A_4 : i1 to i32
    %cond3A_6 = arith.constant 0 : i32
    %cond3A_7 = arith.cmpi ne, %convert_element_type3A_5, %cond3A_6 : i32
    scf.if %cond3A_7 {
      %mul3A_213 = arith.constant 2 : i32
      %mul3A_214 = arith.muli %mul3A_213, %arg1 : i32
      %run_scoped3A = arith.constant 0 : i32
      "tpu.region"() ({
        %run_scoped3A_219 = tpu.sem_alloc : memref<!tpu.dma_semaphore, #tpu.memory_space<semaphore_mem>>
        %dma_start3A = arith.constant 0 : i32
        %dma_start3A_220 = arith.constant 0 : i32
        %dma_start3A_221 = tpu.memref_slice %arg8[%run_scoped3A, %dma_start3A, %dma_start3A_220] : memref<2x125x80xi32, #tpu.memory_space<vmem>> -> memref<1x125x80xi32, #tpu.memory_space<vmem>>
        %dma_start3A_222 = tpu.memref_squeeze %dma_start3A_221 : memref<1x125x80xi32, #tpu.memory_space<vmem>> -> memref<125x80xi32, #tpu.memory_space<vmem>>
        %dma_start3A_223 = arith.constant 0 : i32
        %dma_start3A_224 = arith.constant 0 : i32
        %dma_start3A_225 = tpu.memref_slice %arg3[%mul3A_214, %dma_start3A_223, %dma_start3A_224] : memref<32x125x80xi32, #tpu.memory_space<hbm>> -> memref<1x125x80xi32, #tpu.memory_space<hbm>>
        %dma_start3A_226 = tpu.memref_squeeze %dma_start3A_225 : memref<1x125x80xi32, #tpu.memory_space<hbm>> -> memref<125x80xi32, #tpu.memory_space<hbm>>
        %dma_start3A_227 = arith.constant 0 : i32
        %dma_start3A_228 = arith.constant 0 : i32
        %dma_start3A_229 = tpu.memref_slice %arg8[%run_scoped3A, %dma_start3A_227, %dma_start3A_228] : memref<2x125x80xi32, #tpu.memory_space<vmem>> -> memref<1x125x80xi32, #tpu.memory_space<vmem>>
        %dma_start3A_230 = tpu.memref_squeeze %dma_start3A_229 : memref<1x125x80xi32, #tpu.memory_space<vmem>> -> memref<125x80xi32, #tpu.memory_space<vmem>>
        %dma_start3A_231 = arith.constant 0 : i32
        %dma_start3A_232 = arith.constant 0 : i32
        %dma_start3A_233 = tpu.memref_slice %arg3[%mul3A_214, %dma_start3A_231, %dma_start3A_232] : memref<32x125x80xi32, #tpu.memory_space<hbm>> -> memref<1x125x80xi32, #tpu.memory_space<hbm>>
        %dma_start3A_234 = tpu.memref_squeeze %dma_start3A_233 : memref<1x125x80xi32, #tpu.memory_space<hbm>> -> memref<125x80xi32, #tpu.memory_space<hbm>>
        tpu.enqueue_dma source(%dma_start3A_234 : memref<125x80xi32, #tpu.memory_space<hbm>>) target(%dma_start3A_230 : memref<125x80xi32, #tpu.memory_space<vmem>>) target_semaphore(%run_scoped3A_219 : memref<!tpu.dma_semaphore, #tpu.memory_space<semaphore_mem>>)
        %dma_wait3A_235 = arith.constant 0 : i32
        %dma_wait3A_236 = arith.constant 0 : i32
        %dma_wait3A_237 = tpu.memref_slice %arg8[%run_scoped3A, %dma_wait3A_235, %dma_wait3A_236] : memref<2x125x80xi32, #tpu.memory_space<vmem>> -> memref<1x125x80xi32, #tpu.memory_space<vmem>>
        %dma_wait3A_238 = tpu.memref_squeeze %dma_wait3A_237 : memref<1x125x80xi32, #tpu.memory_space<vmem>> -> memref<125x80xi32, #tpu.memory_space<vmem>>
        %dma_wait3A_239 = arith.constant 0 : i32
        %dma_wait3A_240 = arith.constant 0 : i32
        %dma_wait3A_241 = tpu.memref_slice %arg3[%mul3A_214, %dma_wait3A_239, %dma_wait3A_240] : memref<32x125x80xi32, #tpu.memory_space<hbm>> -> memref<1x125x80xi32, #tpu.memory_space<hbm>>
        %dma_wait3A_242 = tpu.memref_squeeze %dma_wait3A_241 : memref<1x125x80xi32, #tpu.memory_space<hbm>> -> memref<125x80xi32, #tpu.memory_space<hbm>>
        %dma_wait3A_243 = arith.constant 0 : i32
        %dma_wait3A_244 = arith.constant 0 : i32
        %dma_wait3A_245 = tpu.memref_slice %arg8[%run_scoped3A, %dma_wait3A_243, %dma_wait3A_244] : memref<2x125x80xi32, #tpu.memory_space<vmem>> -> memref<1x125x80xi32, #tpu.memory_space<vmem>>
        %dma_wait3A_246 = tpu.memref_squeeze %dma_wait3A_245 : memref<1x125x80xi32, #tpu.memory_space<vmem>> -> memref<125x80xi32, #tpu.memory_space<vmem>>
        %dma_wait3A_247 = arith.constant 0 : i32
        %dma_wait3A_248 = arith.constant 0 : i32
        %dma_wait3A_249 = tpu.memref_slice %arg3[%mul3A_214, %dma_wait3A_247, %dma_wait3A_248] : memref<32x125x80xi32, #tpu.memory_space<hbm>> -> memref<1x125x80xi32, #tpu.memory_space<hbm>>
        %dma_wait3A_250 = tpu.memref_squeeze %dma_wait3A_249 : memref<1x125x80xi32, #tpu.memory_space<hbm>> -> memref<125x80xi32, #tpu.memory_space<hbm>>
        tpu.wait_dma2 semaphore(%run_scoped3A_219 : memref<!tpu.dma_semaphore, #tpu.memory_space<semaphore_mem>>) src(%dma_wait3A_250 : memref<125x80xi32, #tpu.memory_space<hbm>>) dst(%dma_wait3A_246 : memref<125x80xi32, #tpu.memory_space<vmem>>)
        tpu.yield
      }) : () -> ()
      %mul3A_215 = arith.constant 2 : i32
      %mul3A_216 = arith.muli %mul3A_215, %arg1 : i32
      %add3A = arith.constant 1 : i32
      %add3A_217 = arith.addi %mul3A_216, %add3A : i32
      %run_scoped3A_218 = arith.constant 1 : i32
      "tpu.region"() ({
        %run_scoped3A_219 = tpu.sem_alloc : memref<!tpu.dma_semaphore, #tpu.memory_space<semaphore_mem>>
        %dma_start3A = arith.constant 0 : i32
        %dma_start3A_220 = arith.constant 0 : i32
        %dma_start3A_221 = tpu.memref_slice %arg8[%run_scoped3A_218, %dma_start3A, %dma_start3A_220] : memref<2x125x80xi32, #tpu.memory_space<vmem>> -> memref<1x125x80xi32, #tpu.memory_space<vmem>>
        %dma_start3A_222 = tpu.memref_squeeze %dma_start3A_221 : memref<1x125x80xi32, #tpu.memory_space<vmem>> -> memref<125x80xi32, #tpu.memory_space<vmem>>
        %dma_start3A_223 = arith.constant 0 : i32
        %dma_start3A_224 = arith.constant 0 : i32
        %dma_start3A_225 = tpu.memref_slice %arg3[%add3A_217, %dma_start3A_223, %dma_start3A_224] : memref<32x125x80xi32, #tpu.memory_space<hbm>> -> memref<1x125x80xi32, #tpu.memory_space<hbm>>
        %dma_start3A_226 = tpu.memref_squeeze %dma_start3A_225 : memref<1x125x80xi32, #tpu.memory_space<hbm>> -> memref<125x80xi32, #tpu.memory_space<hbm>>
        %dma_start3A_227 = arith.constant 0 : i32
        %dma_start3A_228 = arith.constant 0 : i32
        %dma_start3A_229 = tpu.memref_slice %arg8[%run_scoped3A_218, %dma_start3A_227, %dma_start3A_228] : memref<2x125x80xi32, #tpu.memory_space<vmem>> -> memref<1x125x80xi32, #tpu.memory_space<vmem>>
        %dma_start3A_230 = tpu.memref_squeeze %dma_start3A_229 : memref<1x125x80xi32, #tpu.memory_space<vmem>> -> memref<125x80xi32, #tpu.memory_space<vmem>>
        %dma_start3A_231 = arith.constant 0 : i32
        %dma_start3A_232 = arith.constant 0 : i32
        %dma_start3A_233 = tpu.memref_slice %arg3[%add3A_217, %dma_start3A_231, %dma_start3A_232] : memref<32x125x80xi32, #tpu.memory_space<hbm>> -> memref<1x125x80xi32, #tpu.memory_space<hbm>>
        %dma_start3A_234 = tpu.memref_squeeze %dma_start3A_233 : memref<1x125x80xi32, #tpu.memory_space<hbm>> -> memref<125x80xi32, #tpu.memory_space<hbm>>
        tpu.enqueue_dma source(%dma_start3A_234 : memref<125x80xi32, #tpu.memory_space<hbm>>) target(%dma_start3A_230 : memref<125x80xi32, #tpu.memory_space<vmem>>) target_semaphore(%run_scoped3A_219 : memref<!tpu.dma_semaphore, #tpu.memory_space<semaphore_mem>>)
        %dma_wait3A_235 = arith.constant 0 : i32
        %dma_wait3A_236 = arith.constant 0 : i32
        %dma_wait3A_237 = tpu.memref_slice %arg8[%run_scoped3A_218, %dma_wait3A_235, %dma_wait3A_236] : memref<2x125x80xi32, #tpu.memory_space<vmem>> -> memref<1x125x80xi32, #tpu.memory_space<vmem>>
        %dma_wait3A_238 = tpu.memref_squeeze %dma_wait3A_237 : memref<1x125x80xi32, #tpu.memory_space<vmem>> -> memref<125x80xi32, #tpu.memory_space<vmem>>
        %dma_wait3A_239 = arith.constant 0 : i32
        %dma_wait3A_240 = arith.constant 0 : i32
        %dma_wait3A_241 = tpu.memref_slice %arg3[%add3A_217, %dma_wait3A_239, %dma_wait3A_240] : memref<32x125x80xi32, #tpu.memory_space<hbm>> -> memref<1x125x80xi32, #tpu.memory_space<hbm>>
        %dma_wait3A_242 = tpu.memref_squeeze %dma_wait3A_241 : memref<1x125x80xi32, #tpu.memory_space<hbm>> -> memref<125x80xi32, #tpu.memory_space<hbm>>
        %dma_wait3A_243 = arith.constant 0 : i32
        %dma_wait3A_244 = arith.constant 0 : i32
        %dma_wait3A_245 = tpu.memref_slice %arg8[%run_scoped3A_218, %dma_wait3A_243, %dma_wait3A_244] : memref<2x125x80xi32, #tpu.memory_space<vmem>> -> memref<1x125x80xi32, #tpu.memory_space<vmem>>
        %dma_wait3A_246 = tpu.memref_squeeze %dma_wait3A_245 : memref<1x125x80xi32, #tpu.memory_space<vmem>> -> memref<125x80xi32, #tpu.memory_space<vmem>>
        %dma_wait3A_247 = arith.constant 0 : i32
        %dma_wait3A_248 = arith.constant 0 : i32
        %dma_wait3A_249 = tpu.memref_slice %arg3[%add3A_217, %dma_wait3A_247, %dma_wait3A_248] : memref<32x125x80xi32, #tpu.memory_space<hbm>> -> memref<1x125x80xi32, #tpu.memory_space<hbm>>
        %dma_wait3A_250 = tpu.memref_squeeze %dma_wait3A_249 : memref<1x125x80xi32, #tpu.memory_space<hbm>> -> memref<125x80xi32, #tpu.memory_space<hbm>>
        tpu.wait_dma2 semaphore(%run_scoped3A_219 : memref<!tpu.dma_semaphore, #tpu.memory_space<semaphore_mem>>) src(%dma_wait3A_250 : memref<125x80xi32, #tpu.memory_space<hbm>>) dst(%dma_wait3A_246 : memref<125x80xi32, #tpu.memory_space<vmem>>)
        tpu.yield
      }) : () -> ()
    } else {
    }
    %barrier3A = arith.constant 0 : index
    tpu.barrier barrier_id(%barrier3A)
    %scan3A = arith.constant 0 : i32
    %scan3A_8 = arith.constant 0 : i32
    %scan3A_9 = arith.constant 0 : i32
    %scan3A_10 = arith.constant 125 : i32
    %scan3A_11 = arith.addi %scan3A_9, %scan3A_10 : i32
    %scan3A_12 = arith.constant 1 : i32
    scf.for %scan3A_213 = %scan3A_9 to %scan3A_11 step %scan3A_12  : i32 {
      %dma_start3A = arith.constant 0 : i32
      %dma_start3A_214 = arith.constant 0 : i32
      %dma_start3A_215 = tpu.memref_slice %arg8[%scan3A_8, %dma_start3A, %dma_start3A_214] : memref<2x125x80xi32, #tpu.memory_space<vmem>> -> memref<1x125x80xi32, #tpu.memory_space<vmem>>
      %dma_start3A_216 = tpu.memref_squeeze %dma_start3A_215 : memref<1x125x80xi32, #tpu.memory_space<vmem>> -> memref<125x80xi32, #tpu.memory_space<vmem>>
      %dma_start3A_217 = arith.constant 0 : i32
      %dma_start3A_218 = tpu.memref_slice %dma_start3A_216[%scan3A_213, %dma_start3A_217] : memref<125x80xi32, #tpu.memory_space<vmem>> -> memref<1x80xi32, #tpu.memory_space<vmem>>
      %dma_start3A_219 = tpu.memref_squeeze %dma_start3A_218 : memref<1x80xi32, #tpu.memory_space<vmem>> -> memref<80xi32, #tpu.memory_space<vmem>>
      %dma_start3A_220 = arith.constant 0 : i32
      %dma_start3A_221 = arith.constant 0 : i32
      %dma_start3A_222 = tpu.memref_slice %arg7[%dma_start3A_220, %dma_start3A_221] : memref<10240x8xf32, #tpu.memory_space<vmem_shared>> -> memref<10240x8xf32, #tpu.memory_space<vmem_shared>>
      tpu.enqueue_indirect_dma source(%arg9 : memref<80x8xf32, #tpu.memory_space<vmem>>) target(%dma_start3A_222 : memref<10240x8xf32, #tpu.memory_space<vmem_shared>>) offsets(%dma_start3A_219 : memref<80xi32, #tpu.memory_space<vmem>>) semaphore(%arg10 : memref<!tpu.dma_semaphore, #tpu.memory_space<semaphore_mem>>) {add = true}
      %ge3A = arith.constant 8 : i32
      %ge3A_223 = arith.cmpi sge, %scan3A_213, %ge3A : i32
      %convert_element_type3A_224 = arith.extui %ge3A_223 : i1 to i32
      %cond3A_225 = arith.constant 0 : i32
      %cond3A_226 = arith.cmpi ne, %convert_element_type3A_224, %cond3A_225 : i32
      scf.if %cond3A_226 {
        %sub3A = arith.constant 8 : i32
        %sub3A_227 = arith.subi %scan3A_213, %sub3A : i32
        %dma_wait3A_228 = arith.constant 0 : i32
        %dma_wait3A_229 = arith.constant 0 : i32
        %dma_wait3A_230 = tpu.memref_slice %arg8[%scan3A_8, %dma_wait3A_228, %dma_wait3A_229] : memref<2x125x80xi32, #tpu.memory_space<vmem>> -> memref<1x125x80xi32, #tpu.memory_space<vmem>>
        %dma_wait3A_231 = tpu.memref_squeeze %dma_wait3A_230 : memref<1x125x80xi32, #tpu.memory_space<vmem>> -> memref<125x80xi32, #tpu.memory_space<vmem>>
        %dma_wait3A_232 = arith.constant 0 : i32
        %dma_wait3A_233 = tpu.memref_slice %dma_wait3A_231[%sub3A_227, %dma_wait3A_232] : memref<125x80xi32, #tpu.memory_space<vmem>> -> memref<1x80xi32, #tpu.memory_space<vmem>>
        %dma_wait3A_234 = tpu.memref_squeeze %dma_wait3A_233 : memref<1x80xi32, #tpu.memory_space<vmem>> -> memref<80xi32, #tpu.memory_space<vmem>>
        %dma_wait3A_235 = arith.constant 0 : i32
        %dma_wait3A_236 = arith.constant 0 : i32
        %dma_wait3A_237 = tpu.memref_slice %arg7[%dma_wait3A_235, %dma_wait3A_236] : memref<10240x8xf32, #tpu.memory_space<vmem_shared>> -> memref<10240x8xf32, #tpu.memory_space<vmem_shared>>
        tpu.wait_indirect_dma semaphore(%arg10 : memref<!tpu.dma_semaphore, #tpu.memory_space<semaphore_mem>>) src(%arg9 : memref<80x8xf32, #tpu.memory_space<vmem>>) dst(%dma_wait3A_237 : memref<10240x8xf32, #tpu.memory_space<vmem_shared>>)
      } else {
      }
    }
    %scan3A_13 = arith.constant 125 : i32
    %dma_wait3A = arith.constant 0 : i32
    %dma_wait3A_14 = arith.constant 117 : i32
    %dma_wait3A_15 = arith.constant 0 : i32
    %dma_wait3A_16 = arith.constant 0 : i32
    %dma_wait3A_17 = tpu.memref_slice %arg8[%dma_wait3A, %dma_wait3A_15, %dma_wait3A_16] : memref<2x125x80xi32, #tpu.memory_space<vmem>> -> memref<1x125x80xi32, #tpu.memory_space<vmem>>
    %dma_wait3A_18 = tpu.memref_squeeze %dma_wait3A_17 : memref<1x125x80xi32, #tpu.memory_space<vmem>> -> memref<125x80xi32, #tpu.memory_space<vmem>>
    %dma_wait3A_19 = arith.constant 0 : i32
    %dma_wait3A_20 = tpu.memref_slice %dma_wait3A_18[%dma_wait3A_14, %dma_wait3A_19] : memref<125x80xi32, #tpu.memory_space<vmem>> -> memref<1x80xi32, #tpu.memory_space<vmem>>
    %dma_wait3A_21 = tpu.memref_squeeze %dma_wait3A_20 : memref<1x80xi32, #tpu.memory_space<vmem>> -> memref<80xi32, #tpu.memory_space<vmem>>
    %dma_wait3A_22 = arith.constant 0 : i32
    %dma_wait3A_23 = arith.constant 0 : i32
    %dma_wait3A_24 = tpu.memref_slice %arg7[%dma_wait3A_22, %dma_wait3A_23] : memref<10240x8xf32, #tpu.memory_space<vmem_shared>> -> memref<10240x8xf32, #tpu.memory_space<vmem_shared>>
    tpu.wait_indirect_dma semaphore(%arg10 : memref<!tpu.dma_semaphore, #tpu.memory_space<semaphore_mem>>) src(%arg9 : memref<80x8xf32, #tpu.memory_space<vmem>>) dst(%dma_wait3A_24 : memref<10240x8xf32, #tpu.memory_space<vmem_shared>>)
    %dma_wait3A_25 = arith.constant 0 : i32
    %dma_wait3A_26 = arith.constant 118 : i32
    %dma_wait3A_27 = arith.constant 0 : i32
    %dma_wait3A_28 = arith.constant 0 : i32
    %dma_wait3A_29 = tpu.memref_slice %arg8[%dma_wait3A_25, %dma_wait3A_27, %dma_wait3A_28] : memref<2x125x80xi32, #tpu.memory_space<vmem>> -> memref<1x125x80xi32, #tpu.memory_space<vmem>>
    %dma_wait3A_30 = tpu.memref_squeeze %dma_wait3A_29 : memref<1x125x80xi32, #tpu.memory_space<vmem>> -> memref<125x80xi32, #tpu.memory_space<vmem>>
    %dma_wait3A_31 = arith.constant 0 : i32
    %dma_wait3A_32 = tpu.memref_slice %dma_wait3A_30[%dma_wait3A_26, %dma_wait3A_31] : memref<125x80xi32, #tpu.memory_space<vmem>> -> memref<1x80xi32, #tpu.memory_space<vmem>>
    %dma_wait3A_33 = tpu.memref_squeeze %dma_wait3A_32 : memref<1x80xi32, #tpu.memory_space<vmem>> -> memref<80xi32, #tpu.memory_space<vmem>>
    %dma_wait3A_34 = arith.constant 0 : i32
    %dma_wait3A_35 = arith.constant 0 : i32
    %dma_wait3A_36 = tpu.memref_slice %arg7[%dma_wait3A_34, %dma_wait3A_35] : memref<10240x8xf32, #tpu.memory_space<vmem_shared>> -> memref<10240x8xf32, #tpu.memory_space<vmem_shared>>
    tpu.wait_indirect_dma semaphore(%arg10 : memref<!tpu.dma_semaphore, #tpu.memory_space<semaphore_mem>>) src(%arg9 : memref<80x8xf32, #tpu.memory_space<vmem>>) dst(%dma_wait3A_36 : memref<10240x8xf32, #tpu.memory_space<vmem_shared>>)
    %dma_wait3A_37 = arith.constant 0 : i32
    %dma_wait3A_38 = arith.constant 119 : i32
    %dma_wait3A_39 = arith.constant 0 : i32
    %dma_wait3A_40 = arith.constant 0 : i32
    %dma_wait3A_41 = tpu.memref_slice %arg8[%dma_wait3A_37, %dma_wait3A_39, %dma_wait3A_40] : memref<2x125x80xi32, #tpu.memory_space<vmem>> -> memref<1x125x80xi32, #tpu.memory_space<vmem>>
    %dma_wait3A_42 = tpu.memref_squeeze %dma_wait3A_41 : memref<1x125x80xi32, #tpu.memory_space<vmem>> -> memref<125x80xi32, #tpu.memory_space<vmem>>
    %dma_wait3A_43 = arith.constant 0 : i32
    %dma_wait3A_44 = tpu.memref_slice %dma_wait3A_42[%dma_wait3A_38, %dma_wait3A_43] : memref<125x80xi32, #tpu.memory_space<vmem>> -> memref<1x80xi32, #tpu.memory_space<vmem>>
    %dma_wait3A_45 = tpu.memref_squeeze %dma_wait3A_44 : memref<1x80xi32, #tpu.memory_space<vmem>> -> memref<80xi32, #tpu.memory_space<vmem>>
    %dma_wait3A_46 = arith.constant 0 : i32
    %dma_wait3A_47 = arith.constant 0 : i32
    %dma_wait3A_48 = tpu.memref_slice %arg7[%dma_wait3A_46, %dma_wait3A_47] : memref<10240x8xf32, #tpu.memory_space<vmem_shared>> -> memref<10240x8xf32, #tpu.memory_space<vmem_shared>>
    tpu.wait_indirect_dma semaphore(%arg10 : memref<!tpu.dma_semaphore, #tpu.memory_space<semaphore_mem>>) src(%arg9 : memref<80x8xf32, #tpu.memory_space<vmem>>) dst(%dma_wait3A_48 : memref<10240x8xf32, #tpu.memory_space<vmem_shared>>)
    %dma_wait3A_49 = arith.constant 0 : i32
    %dma_wait3A_50 = arith.constant 120 : i32
    %dma_wait3A_51 = arith.constant 0 : i32
    %dma_wait3A_52 = arith.constant 0 : i32
    %dma_wait3A_53 = tpu.memref_slice %arg8[%dma_wait3A_49, %dma_wait3A_51, %dma_wait3A_52] : memref<2x125x80xi32, #tpu.memory_space<vmem>> -> memref<1x125x80xi32, #tpu.memory_space<vmem>>
    %dma_wait3A_54 = tpu.memref_squeeze %dma_wait3A_53 : memref<1x125x80xi32, #tpu.memory_space<vmem>> -> memref<125x80xi32, #tpu.memory_space<vmem>>
    %dma_wait3A_55 = arith.constant 0 : i32
    %dma_wait3A_56 = tpu.memref_slice %dma_wait3A_54[%dma_wait3A_50, %dma_wait3A_55] : memref<125x80xi32, #tpu.memory_space<vmem>> -> memref<1x80xi32, #tpu.memory_space<vmem>>
    %dma_wait3A_57 = tpu.memref_squeeze %dma_wait3A_56 : memref<1x80xi32, #tpu.memory_space<vmem>> -> memref<80xi32, #tpu.memory_space<vmem>>
    %dma_wait3A_58 = arith.constant 0 : i32
    %dma_wait3A_59 = arith.constant 0 : i32
    %dma_wait3A_60 = tpu.memref_slice %arg7[%dma_wait3A_58, %dma_wait3A_59] : memref<10240x8xf32, #tpu.memory_space<vmem_shared>> -> memref<10240x8xf32, #tpu.memory_space<vmem_shared>>
    tpu.wait_indirect_dma semaphore(%arg10 : memref<!tpu.dma_semaphore, #tpu.memory_space<semaphore_mem>>) src(%arg9 : memref<80x8xf32, #tpu.memory_space<vmem>>) dst(%dma_wait3A_60 : memref<10240x8xf32, #tpu.memory_space<vmem_shared>>)
    %dma_wait3A_61 = arith.constant 0 : i32
    %dma_wait3A_62 = arith.constant 121 : i32
    %dma_wait3A_63 = arith.constant 0 : i32
    %dma_wait3A_64 = arith.constant 0 : i32
    %dma_wait3A_65 = tpu.memref_slice %arg8[%dma_wait3A_61, %dma_wait3A_63, %dma_wait3A_64] : memref<2x125x80xi32, #tpu.memory_space<vmem>> -> memref<1x125x80xi32, #tpu.memory_space<vmem>>
    %dma_wait3A_66 = tpu.memref_squeeze %dma_wait3A_65 : memref<1x125x80xi32, #tpu.memory_space<vmem>> -> memref<125x80xi32, #tpu.memory_space<vmem>>
    %dma_wait3A_67 = arith.constant 0 : i32
    %dma_wait3A_68 = tpu.memref_slice %dma_wait3A_66[%dma_wait3A_62, %dma_wait3A_67] : memref<125x80xi32, #tpu.memory_space<vmem>> -> memref<1x80xi32, #tpu.memory_space<vmem>>
    %dma_wait3A_69 = tpu.memref_squeeze %dma_wait3A_68 : memref<1x80xi32, #tpu.memory_space<vmem>> -> memref<80xi32, #tpu.memory_space<vmem>>
    %dma_wait3A_70 = arith.constant 0 : i32
    %dma_wait3A_71 = arith.constant 0 : i32
    %dma_wait3A_72 = tpu.memref_slice %arg7[%dma_wait3A_70, %dma_wait3A_71] : memref<10240x8xf32, #tpu.memory_space<vmem_shared>> -> memref<10240x8xf32, #tpu.memory_space<vmem_shared>>
    tpu.wait_indirect_dma semaphore(%arg10 : memref<!tpu.dma_semaphore, #tpu.memory_space<semaphore_mem>>) src(%arg9 : memref<80x8xf32, #tpu.memory_space<vmem>>) dst(%dma_wait3A_72 : memref<10240x8xf32, #tpu.memory_space<vmem_shared>>)
    %dma_wait3A_73 = arith.constant 0 : i32
    %dma_wait3A_74 = arith.constant 122 : i32
    %dma_wait3A_75 = arith.constant 0 : i32
    %dma_wait3A_76 = arith.constant 0 : i32
    %dma_wait3A_77 = tpu.memref_slice %arg8[%dma_wait3A_73, %dma_wait3A_75, %dma_wait3A_76] : memref<2x125x80xi32, #tpu.memory_space<vmem>> -> memref<1x125x80xi32, #tpu.memory_space<vmem>>
    %dma_wait3A_78 = tpu.memref_squeeze %dma_wait3A_77 : memref<1x125x80xi32, #tpu.memory_space<vmem>> -> memref<125x80xi32, #tpu.memory_space<vmem>>
    %dma_wait3A_79 = arith.constant 0 : i32
    %dma_wait3A_80 = tpu.memref_slice %dma_wait3A_78[%dma_wait3A_74, %dma_wait3A_79] : memref<125x80xi32, #tpu.memory_space<vmem>> -> memref<1x80xi32, #tpu.memory_space<vmem>>
    %dma_wait3A_81 = tpu.memref_squeeze %dma_wait3A_80 : memref<1x80xi32, #tpu.memory_space<vmem>> -> memref<80xi32, #tpu.memory_space<vmem>>
    %dma_wait3A_82 = arith.constant 0 : i32
    %dma_wait3A_83 = arith.constant 0 : i32
    %dma_wait3A_84 = tpu.memref_slice %arg7[%dma_wait3A_82, %dma_wait3A_83] : memref<10240x8xf32, #tpu.memory_space<vmem_shared>> -> memref<10240x8xf32, #tpu.memory_space<vmem_shared>>
    tpu.wait_indirect_dma semaphore(%arg10 : memref<!tpu.dma_semaphore, #tpu.memory_space<semaphore_mem>>) src(%arg9 : memref<80x8xf32, #tpu.memory_space<vmem>>) dst(%dma_wait3A_84 : memref<10240x8xf32, #tpu.memory_space<vmem_shared>>)
    %dma_wait3A_85 = arith.constant 0 : i32
    %dma_wait3A_86 = arith.constant 123 : i32
    %dma_wait3A_87 = arith.constant 0 : i32
    %dma_wait3A_88 = arith.constant 0 : i32
    %dma_wait3A_89 = tpu.memref_slice %arg8[%dma_wait3A_85, %dma_wait3A_87, %dma_wait3A_88] : memref<2x125x80xi32, #tpu.memory_space<vmem>> -> memref<1x125x80xi32, #tpu.memory_space<vmem>>
    %dma_wait3A_90 = tpu.memref_squeeze %dma_wait3A_89 : memref<1x125x80xi32, #tpu.memory_space<vmem>> -> memref<125x80xi32, #tpu.memory_space<vmem>>
    %dma_wait3A_91 = arith.constant 0 : i32
    %dma_wait3A_92 = tpu.memref_slice %dma_wait3A_90[%dma_wait3A_86, %dma_wait3A_91] : memref<125x80xi32, #tpu.memory_space<vmem>> -> memref<1x80xi32, #tpu.memory_space<vmem>>
    %dma_wait3A_93 = tpu.memref_squeeze %dma_wait3A_92 : memref<1x80xi32, #tpu.memory_space<vmem>> -> memref<80xi32, #tpu.memory_space<vmem>>
    %dma_wait3A_94 = arith.constant 0 : i32
    %dma_wait3A_95 = arith.constant 0 : i32
    %dma_wait3A_96 = tpu.memref_slice %arg7[%dma_wait3A_94, %dma_wait3A_95] : memref<10240x8xf32, #tpu.memory_space<vmem_shared>> -> memref<10240x8xf32, #tpu.memory_space<vmem_shared>>
    tpu.wait_indirect_dma semaphore(%arg10 : memref<!tpu.dma_semaphore, #tpu.memory_space<semaphore_mem>>) src(%arg9 : memref<80x8xf32, #tpu.memory_space<vmem>>) dst(%dma_wait3A_96 : memref<10240x8xf32, #tpu.memory_space<vmem_shared>>)
    %dma_wait3A_97 = arith.constant 0 : i32
    %dma_wait3A_98 = arith.constant 124 : i32
    %dma_wait3A_99 = arith.constant 0 : i32
    %dma_wait3A_100 = arith.constant 0 : i32
    %dma_wait3A_101 = tpu.memref_slice %arg8[%dma_wait3A_97, %dma_wait3A_99, %dma_wait3A_100] : memref<2x125x80xi32, #tpu.memory_space<vmem>> -> memref<1x125x80xi32, #tpu.memory_space<vmem>>
    %dma_wait3A_102 = tpu.memref_squeeze %dma_wait3A_101 : memref<1x125x80xi32, #tpu.memory_space<vmem>> -> memref<125x80xi32, #tpu.memory_space<vmem>>
    %dma_wait3A_103 = arith.constant 0 : i32
    %dma_wait3A_104 = tpu.memref_slice %dma_wait3A_102[%dma_wait3A_98, %dma_wait3A_103] : memref<125x80xi32, #tpu.memory_space<vmem>> -> memref<1x80xi32, #tpu.memory_space<vmem>>
    %dma_wait3A_105 = tpu.memref_squeeze %dma_wait3A_104 : memref<1x80xi32, #tpu.memory_space<vmem>> -> memref<80xi32, #tpu.memory_space<vmem>>
    %dma_wait3A_106 = arith.constant 0 : i32
    %dma_wait3A_107 = arith.constant 0 : i32
    %dma_wait3A_108 = tpu.memref_slice %arg7[%dma_wait3A_106, %dma_wait3A_107] : memref<10240x8xf32, #tpu.memory_space<vmem_shared>> -> memref<10240x8xf32, #tpu.memory_space<vmem_shared>>
    tpu.wait_indirect_dma semaphore(%arg10 : memref<!tpu.dma_semaphore, #tpu.memory_space<semaphore_mem>>) src(%arg9 : memref<80x8xf32, #tpu.memory_space<vmem>>) dst(%dma_wait3A_108 : memref<10240x8xf32, #tpu.memory_space<vmem_shared>>)
    %scan3A_109 = arith.constant 0 : i32
    %scan3A_110 = arith.constant 1 : i32
    %scan3A_111 = arith.constant 0 : i32
    %scan3A_112 = arith.constant 125 : i32
    %scan3A_113 = arith.addi %scan3A_111, %scan3A_112 : i32
    %scan3A_114 = arith.constant 1 : i32
    scf.for %scan3A_213 = %scan3A_111 to %scan3A_113 step %scan3A_114  : i32 {
      %dma_start3A = arith.constant 0 : i32
      %dma_start3A_214 = arith.constant 0 : i32
      %dma_start3A_215 = tpu.memref_slice %arg8[%scan3A_110, %dma_start3A, %dma_start3A_214] : memref<2x125x80xi32, #tpu.memory_space<vmem>> -> memref<1x125x80xi32, #tpu.memory_space<vmem>>
      %dma_start3A_216 = tpu.memref_squeeze %dma_start3A_215 : memref<1x125x80xi32, #tpu.memory_space<vmem>> -> memref<125x80xi32, #tpu.memory_space<vmem>>
      %dma_start3A_217 = arith.constant 0 : i32
      %dma_start3A_218 = tpu.memref_slice %dma_start3A_216[%scan3A_213, %dma_start3A_217] : memref<125x80xi32, #tpu.memory_space<vmem>> -> memref<1x80xi32, #tpu.memory_space<vmem>>
      %dma_start3A_219 = tpu.memref_squeeze %dma_start3A_218 : memref<1x80xi32, #tpu.memory_space<vmem>> -> memref<80xi32, #tpu.memory_space<vmem>>
      %dma_start3A_220 = arith.constant 0 : i32
      %dma_start3A_221 = arith.constant 0 : i32
      %dma_start3A_222 = tpu.memref_slice %arg7[%dma_start3A_220, %dma_start3A_221] : memref<10240x8xf32, #tpu.memory_space<vmem_shared>> -> memref<10240x8xf32, #tpu.memory_space<vmem_shared>>
      tpu.enqueue_indirect_dma source(%arg9 : memref<80x8xf32, #tpu.memory_space<vmem>>) target(%dma_start3A_222 : memref<10240x8xf32, #tpu.memory_space<vmem_shared>>) offsets(%dma_start3A_219 : memref<80xi32, #tpu.memory_space<vmem>>) semaphore(%arg10 : memref<!tpu.dma_semaphore, #tpu.memory_space<semaphore_mem>>) {add = true}
      %ge3A = arith.constant 8 : i32
      %ge3A_223 = arith.cmpi sge, %scan3A_213, %ge3A : i32
      %convert_element_type3A_224 = arith.extui %ge3A_223 : i1 to i32
      %cond3A_225 = arith.constant 0 : i32
      %cond3A_226 = arith.cmpi ne, %convert_element_type3A_224, %cond3A_225 : i32
      scf.if %cond3A_226 {
        %sub3A = arith.constant 8 : i32
        %sub3A_227 = arith.subi %scan3A_213, %sub3A : i32
        %dma_wait3A_228 = arith.constant 0 : i32
        %dma_wait3A_229 = arith.constant 0 : i32
        %dma_wait3A_230 = tpu.memref_slice %arg8[%scan3A_110, %dma_wait3A_228, %dma_wait3A_229] : memref<2x125x80xi32, #tpu.memory_space<vmem>> -> memref<1x125x80xi32, #tpu.memory_space<vmem>>
        %dma_wait3A_231 = tpu.memref_squeeze %dma_wait3A_230 : memref<1x125x80xi32, #tpu.memory_space<vmem>> -> memref<125x80xi32, #tpu.memory_space<vmem>>
        %dma_wait3A_232 = arith.constant 0 : i32
        %dma_wait3A_233 = tpu.memref_slice %dma_wait3A_231[%sub3A_227, %dma_wait3A_232] : memref<125x80xi32, #tpu.memory_space<vmem>> -> memref<1x80xi32, #tpu.memory_space<vmem>>
        %dma_wait3A_234 = tpu.memref_squeeze %dma_wait3A_233 : memref<1x80xi32, #tpu.memory_space<vmem>> -> memref<80xi32, #tpu.memory_space<vmem>>
        %dma_wait3A_235 = arith.constant 0 : i32
        %dma_wait3A_236 = arith.constant 0 : i32
        %dma_wait3A_237 = tpu.memref_slice %arg7[%dma_wait3A_235, %dma_wait3A_236] : memref<10240x8xf32, #tpu.memory_space<vmem_shared>> -> memref<10240x8xf32, #tpu.memory_space<vmem_shared>>
        tpu.wait_indirect_dma semaphore(%arg10 : memref<!tpu.dma_semaphore, #tpu.memory_space<semaphore_mem>>) src(%arg9 : memref<80x8xf32, #tpu.memory_space<vmem>>) dst(%dma_wait3A_237 : memref<10240x8xf32, #tpu.memory_space<vmem_shared>>)
      } else {
      }
    }
    %scan3A_115 = arith.constant 125 : i32
    %dma_wait3A_116 = arith.constant 1 : i32
    %dma_wait3A_117 = arith.constant 117 : i32
    %dma_wait3A_118 = arith.constant 0 : i32
    %dma_wait3A_119 = arith.constant 0 : i32
    %dma_wait3A_120 = tpu.memref_slice %arg8[%dma_wait3A_116, %dma_wait3A_118, %dma_wait3A_119] : memref<2x125x80xi32, #tpu.memory_space<vmem>> -> memref<1x125x80xi32, #tpu.memory_space<vmem>>
    %dma_wait3A_121 = tpu.memref_squeeze %dma_wait3A_120 : memref<1x125x80xi32, #tpu.memory_space<vmem>> -> memref<125x80xi32, #tpu.memory_space<vmem>>
    %dma_wait3A_122 = arith.constant 0 : i32
    %dma_wait3A_123 = tpu.memref_slice %dma_wait3A_121[%dma_wait3A_117, %dma_wait3A_122] : memref<125x80xi32, #tpu.memory_space<vmem>> -> memref<1x80xi32, #tpu.memory_space<vmem>>
    %dma_wait3A_124 = tpu.memref_squeeze %dma_wait3A_123 : memref<1x80xi32, #tpu.memory_space<vmem>> -> memref<80xi32, #tpu.memory_space<vmem>>
    %dma_wait3A_125 = arith.constant 0 : i32
    %dma_wait3A_126 = arith.constant 0 : i32
    %dma_wait3A_127 = tpu.memref_slice %arg7[%dma_wait3A_125, %dma_wait3A_126] : memref<10240x8xf32, #tpu.memory_space<vmem_shared>> -> memref<10240x8xf32, #tpu.memory_space<vmem_shared>>
    tpu.wait_indirect_dma semaphore(%arg10 : memref<!tpu.dma_semaphore, #tpu.memory_space<semaphore_mem>>) src(%arg9 : memref<80x8xf32, #tpu.memory_space<vmem>>) dst(%dma_wait3A_127 : memref<10240x8xf32, #tpu.memory_space<vmem_shared>>)
    %dma_wait3A_128 = arith.constant 1 : i32
    %dma_wait3A_129 = arith.constant 118 : i32
    %dma_wait3A_130 = arith.constant 0 : i32
    %dma_wait3A_131 = arith.constant 0 : i32
    %dma_wait3A_132 = tpu.memref_slice %arg8[%dma_wait3A_128, %dma_wait3A_130, %dma_wait3A_131] : memref<2x125x80xi32, #tpu.memory_space<vmem>> -> memref<1x125x80xi32, #tpu.memory_space<vmem>>
    %dma_wait3A_133 = tpu.memref_squeeze %dma_wait3A_132 : memref<1x125x80xi32, #tpu.memory_space<vmem>> -> memref<125x80xi32, #tpu.memory_space<vmem>>
    %dma_wait3A_134 = arith.constant 0 : i32
    %dma_wait3A_135 = tpu.memref_slice %dma_wait3A_133[%dma_wait3A_129, %dma_wait3A_134] : memref<125x80xi32, #tpu.memory_space<vmem>> -> memref<1x80xi32, #tpu.memory_space<vmem>>
    %dma_wait3A_136 = tpu.memref_squeeze %dma_wait3A_135 : memref<1x80xi32, #tpu.memory_space<vmem>> -> memref<80xi32, #tpu.memory_space<vmem>>
    %dma_wait3A_137 = arith.constant 0 : i32
    %dma_wait3A_138 = arith.constant 0 : i32
    %dma_wait3A_139 = tpu.memref_slice %arg7[%dma_wait3A_137, %dma_wait3A_138] : memref<10240x8xf32, #tpu.memory_space<vmem_shared>> -> memref<10240x8xf32, #tpu.memory_space<vmem_shared>>
    tpu.wait_indirect_dma semaphore(%arg10 : memref<!tpu.dma_semaphore, #tpu.memory_space<semaphore_mem>>) src(%arg9 : memref<80x8xf32, #tpu.memory_space<vmem>>) dst(%dma_wait3A_139 : memref<10240x8xf32, #tpu.memory_space<vmem_shared>>)
    %dma_wait3A_140 = arith.constant 1 : i32
    %dma_wait3A_141 = arith.constant 119 : i32
    %dma_wait3A_142 = arith.constant 0 : i32
    %dma_wait3A_143 = arith.constant 0 : i32
    %dma_wait3A_144 = tpu.memref_slice %arg8[%dma_wait3A_140, %dma_wait3A_142, %dma_wait3A_143] : memref<2x125x80xi32, #tpu.memory_space<vmem>> -> memref<1x125x80xi32, #tpu.memory_space<vmem>>
    %dma_wait3A_145 = tpu.memref_squeeze %dma_wait3A_144 : memref<1x125x80xi32, #tpu.memory_space<vmem>> -> memref<125x80xi32, #tpu.memory_space<vmem>>
    %dma_wait3A_146 = arith.constant 0 : i32
    %dma_wait3A_147 = tpu.memref_slice %dma_wait3A_145[%dma_wait3A_141, %dma_wait3A_146] : memref<125x80xi32, #tpu.memory_space<vmem>> -> memref<1x80xi32, #tpu.memory_space<vmem>>
    %dma_wait3A_148 = tpu.memref_squeeze %dma_wait3A_147 : memref<1x80xi32, #tpu.memory_space<vmem>> -> memref<80xi32, #tpu.memory_space<vmem>>
    %dma_wait3A_149 = arith.constant 0 : i32
    %dma_wait3A_150 = arith.constant 0 : i32
    %dma_wait3A_151 = tpu.memref_slice %arg7[%dma_wait3A_149, %dma_wait3A_150] : memref<10240x8xf32, #tpu.memory_space<vmem_shared>> -> memref<10240x8xf32, #tpu.memory_space<vmem_shared>>
    tpu.wait_indirect_dma semaphore(%arg10 : memref<!tpu.dma_semaphore, #tpu.memory_space<semaphore_mem>>) src(%arg9 : memref<80x8xf32, #tpu.memory_space<vmem>>) dst(%dma_wait3A_151 : memref<10240x8xf32, #tpu.memory_space<vmem_shared>>)
    %dma_wait3A_152 = arith.constant 1 : i32
    %dma_wait3A_153 = arith.constant 120 : i32
    %dma_wait3A_154 = arith.constant 0 : i32
    %dma_wait3A_155 = arith.constant 0 : i32
    %dma_wait3A_156 = tpu.memref_slice %arg8[%dma_wait3A_152, %dma_wait3A_154, %dma_wait3A_155] : memref<2x125x80xi32, #tpu.memory_space<vmem>> -> memref<1x125x80xi32, #tpu.memory_space<vmem>>
    %dma_wait3A_157 = tpu.memref_squeeze %dma_wait3A_156 : memref<1x125x80xi32, #tpu.memory_space<vmem>> -> memref<125x80xi32, #tpu.memory_space<vmem>>
    %dma_wait3A_158 = arith.constant 0 : i32
    %dma_wait3A_159 = tpu.memref_slice %dma_wait3A_157[%dma_wait3A_153, %dma_wait3A_158] : memref<125x80xi32, #tpu.memory_space<vmem>> -> memref<1x80xi32, #tpu.memory_space<vmem>>
    %dma_wait3A_160 = tpu.memref_squeeze %dma_wait3A_159 : memref<1x80xi32, #tpu.memory_space<vmem>> -> memref<80xi32, #tpu.memory_space<vmem>>
    %dma_wait3A_161 = arith.constant 0 : i32
    %dma_wait3A_162 = arith.constant 0 : i32
    %dma_wait3A_163 = tpu.memref_slice %arg7[%dma_wait3A_161, %dma_wait3A_162] : memref<10240x8xf32, #tpu.memory_space<vmem_shared>> -> memref<10240x8xf32, #tpu.memory_space<vmem_shared>>
    tpu.wait_indirect_dma semaphore(%arg10 : memref<!tpu.dma_semaphore, #tpu.memory_space<semaphore_mem>>) src(%arg9 : memref<80x8xf32, #tpu.memory_space<vmem>>) dst(%dma_wait3A_163 : memref<10240x8xf32, #tpu.memory_space<vmem_shared>>)
    %dma_wait3A_164 = arith.constant 1 : i32
    %dma_wait3A_165 = arith.constant 121 : i32
    %dma_wait3A_166 = arith.constant 0 : i32
    %dma_wait3A_167 = arith.constant 0 : i32
    %dma_wait3A_168 = tpu.memref_slice %arg8[%dma_wait3A_164, %dma_wait3A_166, %dma_wait3A_167] : memref<2x125x80xi32, #tpu.memory_space<vmem>> -> memref<1x125x80xi32, #tpu.memory_space<vmem>>
    %dma_wait3A_169 = tpu.memref_squeeze %dma_wait3A_168 : memref<1x125x80xi32, #tpu.memory_space<vmem>> -> memref<125x80xi32, #tpu.memory_space<vmem>>
    %dma_wait3A_170 = arith.constant 0 : i32
    %dma_wait3A_171 = tpu.memref_slice %dma_wait3A_169[%dma_wait3A_165, %dma_wait3A_170] : memref<125x80xi32, #tpu.memory_space<vmem>> -> memref<1x80xi32, #tpu.memory_space<vmem>>
    %dma_wait3A_172 = tpu.memref_squeeze %dma_wait3A_171 : memref<1x80xi32, #tpu.memory_space<vmem>> -> memref<80xi32, #tpu.memory_space<vmem>>
    %dma_wait3A_173 = arith.constant 0 : i32
    %dma_wait3A_174 = arith.constant 0 : i32
    %dma_wait3A_175 = tpu.memref_slice %arg7[%dma_wait3A_173, %dma_wait3A_174] : memref<10240x8xf32, #tpu.memory_space<vmem_shared>> -> memref<10240x8xf32, #tpu.memory_space<vmem_shared>>
    tpu.wait_indirect_dma semaphore(%arg10 : memref<!tpu.dma_semaphore, #tpu.memory_space<semaphore_mem>>) src(%arg9 : memref<80x8xf32, #tpu.memory_space<vmem>>) dst(%dma_wait3A_175 : memref<10240x8xf32, #tpu.memory_space<vmem_shared>>)
    %dma_wait3A_176 = arith.constant 1 : i32
    %dma_wait3A_177 = arith.constant 122 : i32
    %dma_wait3A_178 = arith.constant 0 : i32
    %dma_wait3A_179 = arith.constant 0 : i32
    %dma_wait3A_180 = tpu.memref_slice %arg8[%dma_wait3A_176, %dma_wait3A_178, %dma_wait3A_179] : memref<2x125x80xi32, #tpu.memory_space<vmem>> -> memref<1x125x80xi32, #tpu.memory_space<vmem>>
    %dma_wait3A_181 = tpu.memref_squeeze %dma_wait3A_180 : memref<1x125x80xi32, #tpu.memory_space<vmem>> -> memref<125x80xi32, #tpu.memory_space<vmem>>
    %dma_wait3A_182 = arith.constant 0 : i32
    %dma_wait3A_183 = tpu.memref_slice %dma_wait3A_181[%dma_wait3A_177, %dma_wait3A_182] : memref<125x80xi32, #tpu.memory_space<vmem>> -> memref<1x80xi32, #tpu.memory_space<vmem>>
    %dma_wait3A_184 = tpu.memref_squeeze %dma_wait3A_183 : memref<1x80xi32, #tpu.memory_space<vmem>> -> memref<80xi32, #tpu.memory_space<vmem>>
    %dma_wait3A_185 = arith.constant 0 : i32
    %dma_wait3A_186 = arith.constant 0 : i32
    %dma_wait3A_187 = tpu.memref_slice %arg7[%dma_wait3A_185, %dma_wait3A_186] : memref<10240x8xf32, #tpu.memory_space<vmem_shared>> -> memref<10240x8xf32, #tpu.memory_space<vmem_shared>>
    tpu.wait_indirect_dma semaphore(%arg10 : memref<!tpu.dma_semaphore, #tpu.memory_space<semaphore_mem>>) src(%arg9 : memref<80x8xf32, #tpu.memory_space<vmem>>) dst(%dma_wait3A_187 : memref<10240x8xf32, #tpu.memory_space<vmem_shared>>)
    %dma_wait3A_188 = arith.constant 1 : i32
    %dma_wait3A_189 = arith.constant 123 : i32
    %dma_wait3A_190 = arith.constant 0 : i32
    %dma_wait3A_191 = arith.constant 0 : i32
    %dma_wait3A_192 = tpu.memref_slice %arg8[%dma_wait3A_188, %dma_wait3A_190, %dma_wait3A_191] : memref<2x125x80xi32, #tpu.memory_space<vmem>> -> memref<1x125x80xi32, #tpu.memory_space<vmem>>
    %dma_wait3A_193 = tpu.memref_squeeze %dma_wait3A_192 : memref<1x125x80xi32, #tpu.memory_space<vmem>> -> memref<125x80xi32, #tpu.memory_space<vmem>>
    %dma_wait3A_194 = arith.constant 0 : i32
    %dma_wait3A_195 = tpu.memref_slice %dma_wait3A_193[%dma_wait3A_189, %dma_wait3A_194] : memref<125x80xi32, #tpu.memory_space<vmem>> -> memref<1x80xi32, #tpu.memory_space<vmem>>
    %dma_wait3A_196 = tpu.memref_squeeze %dma_wait3A_195 : memref<1x80xi32, #tpu.memory_space<vmem>> -> memref<80xi32, #tpu.memory_space<vmem>>
    %dma_wait3A_197 = arith.constant 0 : i32
    %dma_wait3A_198 = arith.constant 0 : i32
    %dma_wait3A_199 = tpu.memref_slice %arg7[%dma_wait3A_197, %dma_wait3A_198] : memref<10240x8xf32, #tpu.memory_space<vmem_shared>> -> memref<10240x8xf32, #tpu.memory_space<vmem_shared>>
    tpu.wait_indirect_dma semaphore(%arg10 : memref<!tpu.dma_semaphore, #tpu.memory_space<semaphore_mem>>) src(%arg9 : memref<80x8xf32, #tpu.memory_space<vmem>>) dst(%dma_wait3A_199 : memref<10240x8xf32, #tpu.memory_space<vmem_shared>>)
    %dma_wait3A_200 = arith.constant 1 : i32
    %dma_wait3A_201 = arith.constant 124 : i32
    %dma_wait3A_202 = arith.constant 0 : i32
    %dma_wait3A_203 = arith.constant 0 : i32
    %dma_wait3A_204 = tpu.memref_slice %arg8[%dma_wait3A_200, %dma_wait3A_202, %dma_wait3A_203] : memref<2x125x80xi32, #tpu.memory_space<vmem>> -> memref<1x125x80xi32, #tpu.memory_space<vmem>>
    %dma_wait3A_205 = tpu.memref_squeeze %dma_wait3A_204 : memref<1x125x80xi32, #tpu.memory_space<vmem>> -> memref<125x80xi32, #tpu.memory_space<vmem>>
    %dma_wait3A_206 = arith.constant 0 : i32
    %dma_wait3A_207 = tpu.memref_slice %dma_wait3A_205[%dma_wait3A_201, %dma_wait3A_206] : memref<125x80xi32, #tpu.memory_space<vmem>> -> memref<1x80xi32, #tpu.memory_space<vmem>>
    %dma_wait3A_208 = tpu.memref_squeeze %dma_wait3A_207 : memref<1x80xi32, #tpu.memory_space<vmem>> -> memref<80xi32, #tpu.memory_space<vmem>>
    %dma_wait3A_209 = arith.constant 0 : i32
    %dma_wait3A_210 = arith.constant 0 : i32
    %dma_wait3A_211 = tpu.memref_slice %arg7[%dma_wait3A_209, %dma_wait3A_210] : memref<10240x8xf32, #tpu.memory_space<vmem_shared>> -> memref<10240x8xf32, #tpu.memory_space<vmem_shared>>
    tpu.wait_indirect_dma semaphore(%arg10 : memref<!tpu.dma_semaphore, #tpu.memory_space<semaphore_mem>>) src(%arg9 : memref<80x8xf32, #tpu.memory_space<vmem>>) dst(%dma_wait3A_211 : memref<10240x8xf32, #tpu.memory_space<vmem_shared>>)
    %barrier3A_212 = arith.constant 0 : index
    tpu.barrier barrier_id(%barrier3A_212)
    "tpu.region"() ({
      %run_scoped3A = tpu.sem_alloc : memref<!tpu.dma_semaphore, #tpu.memory_space<semaphore_mem>>
      %dma_start3A = arith.constant 0 : i32
      %dma_start3A_213 = tpu.memref_slice %arg6[%arg0, %mul3A_0, %dma_start3A] : memref<2x10240x8xf32, #tpu.memory_space<hbm>> -> memref<1x640x8xf32, #tpu.memory_space<hbm>>
      %dma_start3A_214 = tpu.memref_squeeze %dma_start3A_213 : memref<1x640x8xf32, #tpu.memory_space<hbm>> -> memref<640x8xf32, #tpu.memory_space<hbm>>
      %dma_start3A_215 = arith.constant 0 : i32
      %dma_start3A_216 = tpu.memref_slice %arg7[%mul3A_0, %dma_start3A_215] : memref<10240x8xf32, #tpu.memory_space<vmem_shared>> -> memref<640x8xf32, #tpu.memory_space<vmem_shared>>
      tpu.enqueue_dma source(%dma_start3A_216 : memref<640x8xf32, #tpu.memory_space<vmem_shared>>) target(%dma_start3A_214 : memref<640x8xf32, #tpu.memory_space<hbm>>) target_semaphore(%run_scoped3A : memref<!tpu.dma_semaphore, #tpu.memory_space<semaphore_mem>>)
      %dma_wait3A_217 = arith.constant 0 : i32
      %dma_wait3A_218 = tpu.memref_slice %arg6[%arg0, %mul3A_0, %dma_wait3A_217] : memref<2x10240x8xf32, #tpu.memory_space<hbm>> -> memref<1x640x8xf32, #tpu.memory_space<hbm>>
      %dma_wait3A_219 = tpu.memref_squeeze %dma_wait3A_218 : memref<1x640x8xf32, #tpu.memory_space<hbm>> -> memref<640x8xf32, #tpu.memory_space<hbm>>
      %dma_wait3A_220 = arith.constant 0 : i32
      %dma_wait3A_221 = tpu.memref_slice %arg7[%mul3A_0, %dma_wait3A_220] : memref<10240x8xf32, #tpu.memory_space<vmem_shared>> -> memref<640x8xf32, #tpu.memory_space<vmem_shared>>
      tpu.wait_dma2 semaphore(%run_scoped3A : memref<!tpu.dma_semaphore, #tpu.memory_space<semaphore_mem>>) src(%dma_wait3A_221 : memref<640x8xf32, #tpu.memory_space<vmem_shared>>) dst(%dma_wait3A_219 : memref<640x8xf32, #tpu.memory_space<hbm>>)
      tpu.yield
    }) : () -> ()
    return
  }
}

#map = affine_map<(d0, d1) -> (0, 0)>
#map1 = affine_map<(d0, d1) -> (0, 0, 0)>
module attributes {stable_mosaic.version = 14 : i64} {
  func.func @_agg_body(%arg0: i32, %arg1: i32, %arg2: memref<10240x64xf32, #tpu.memory_space<hbm>>, %arg3: memref<32x125x80xi32, #tpu.memory_space<hbm>>, %arg4: memref<32x125x80xi32, #tpu.memory_space<hbm>>, %arg5: memref<10240x64xf32, #tpu.memory_space<hbm>>, %arg6: memref<2x10240x64xf32, #tpu.memory_space<hbm>>, %arg7: memref<10240x64xf32, #tpu.memory_space<vmem_shared>>, %arg8: memref<125x80xi32, #tpu.memory_space<vmem>>, %arg9: memref<125x80xi32, #tpu.memory_space<vmem>>, %arg10: memref<80x64xf32, #tpu.memory_space<vmem>>, %arg11: memref<80x64xf32, #tpu.memory_space<vmem>>, %arg12: memref<80x64xf32, #tpu.memory_space<vmem>>, %arg13: memref<80x64xf32, #tpu.memory_space<vmem>>, %arg14: memref<80x64xf32, #tpu.memory_space<vmem>>, %arg15: memref<80x64xf32, #tpu.memory_space<vmem>>, %arg16: memref<80x64xf32, #tpu.memory_space<vmem>>, %arg17: memref<80x64xf32, #tpu.memory_space<vmem>>, %arg18: memref<!tpu.dma_semaphore, #tpu.memory_space<semaphore_mem>>, %arg19: memref<!tpu.dma_semaphore, #tpu.memory_space<semaphore_mem>>, %arg20: memref<!tpu.dma_semaphore, #tpu.memory_space<semaphore_mem>>, %arg21: memref<!tpu.dma_semaphore, #tpu.memory_space<semaphore_mem>>, %arg22: memref<!tpu.dma_semaphore, #tpu.memory_space<semaphore_mem>>, %arg23: memref<!tpu.dma_semaphore, #tpu.memory_space<semaphore_mem>>, %arg24: memref<!tpu.dma_semaphore, #tpu.memory_space<semaphore_mem>>, %arg25: memref<!tpu.dma_semaphore, #tpu.memory_space<semaphore_mem>>) attributes {dimension_semantics = [#tpu.dimension_semantics<core_parallel>, #tpu.dimension_semantics<subcore_parallel>], iteration_bounds = array<i64: 2, 16>, scalar_prefetch = 0 : i64, scratch_operands = 19 : i64, tpu.core_type = #tpu.core_type<sc_vector_subcore>, window_params = [{transform_indices = #map}, {transform_indices = #map1}, {transform_indices = #map1}, {transform_indices = #map}, {transform_indices = #map1}]} {
    %mul3A = arith.constant 2 : i32
    %mul3A_0 = arith.muli %arg1, %mul3A : i32
    %add3A = arith.addi %mul3A_0, %arg0 : i32
    %mul3A_1 = arith.constant 640 : i32
    %mul3A_2 = arith.muli %arg1, %mul3A_1 : i32
    "tpu.region"() ({
      %run_scoped3A_102 = tpu.sem_alloc : memref<!tpu.dma_semaphore, #tpu.memory_space<semaphore_mem>>
      %dma_start3A_103 = arith.constant 0 : i32
      %dma_start3A_104 = tpu.memref_slice %arg7[%mul3A_2, %dma_start3A_103] : memref<10240x64xf32, #tpu.memory_space<vmem_shared>> -> memref<640x64xf32, #tpu.memory_space<vmem_shared>>
      %dma_start3A_105 = arith.constant 0 : i32
      %dma_start3A_106 = tpu.memref_slice %arg5[%mul3A_2, %dma_start3A_105] : memref<10240x64xf32, #tpu.memory_space<hbm>> -> memref<640x64xf32, #tpu.memory_space<hbm>>
      tpu.enqueue_dma source(%dma_start3A_106 : memref<640x64xf32, #tpu.memory_space<hbm>>) target(%dma_start3A_104 : memref<640x64xf32, #tpu.memory_space<vmem_shared>>) target_semaphore(%run_scoped3A_102 : memref<!tpu.dma_semaphore, #tpu.memory_space<semaphore_mem>>)
      %dma_wait3A_107 = arith.constant 0 : i32
      %dma_wait3A_108 = tpu.memref_slice %arg7[%mul3A_2, %dma_wait3A_107] : memref<10240x64xf32, #tpu.memory_space<vmem_shared>> -> memref<640x64xf32, #tpu.memory_space<vmem_shared>>
      %dma_wait3A_109 = arith.constant 0 : i32
      %dma_wait3A_110 = tpu.memref_slice %arg5[%mul3A_2, %dma_wait3A_109] : memref<10240x64xf32, #tpu.memory_space<hbm>> -> memref<640x64xf32, #tpu.memory_space<hbm>>
      tpu.wait_dma2 semaphore(%run_scoped3A_102 : memref<!tpu.dma_semaphore, #tpu.memory_space<semaphore_mem>>) src(%dma_wait3A_110 : memref<640x64xf32, #tpu.memory_space<hbm>>) dst(%dma_wait3A_108 : memref<640x64xf32, #tpu.memory_space<vmem_shared>>)
      tpu.yield
    }) : () -> ()
    "tpu.region"() ({
      %run_scoped3A_102 = tpu.sem_alloc : memref<!tpu.dma_semaphore, #tpu.memory_space<semaphore_mem>>
      %dma_start3A_103 = arith.constant 0 : i32
      %dma_start3A_104 = arith.constant 0 : i32
      %dma_start3A_105 = tpu.memref_slice %arg3[%add3A, %dma_start3A_103, %dma_start3A_104] : memref<32x125x80xi32, #tpu.memory_space<hbm>> -> memref<1x125x80xi32, #tpu.memory_space<hbm>>
      %dma_start3A_106 = tpu.memref_squeeze %dma_start3A_105 : memref<1x125x80xi32, #tpu.memory_space<hbm>> -> memref<125x80xi32, #tpu.memory_space<hbm>>
      %dma_start3A_107 = arith.constant 0 : i32
      %dma_start3A_108 = arith.constant 0 : i32
      %dma_start3A_109 = tpu.memref_slice %arg3[%add3A, %dma_start3A_107, %dma_start3A_108] : memref<32x125x80xi32, #tpu.memory_space<hbm>> -> memref<1x125x80xi32, #tpu.memory_space<hbm>>
      %dma_start3A_110 = tpu.memref_squeeze %dma_start3A_109 : memref<1x125x80xi32, #tpu.memory_space<hbm>> -> memref<125x80xi32, #tpu.memory_space<hbm>>
      tpu.enqueue_dma source(%dma_start3A_110 : memref<125x80xi32, #tpu.memory_space<hbm>>) target(%arg8 : memref<125x80xi32, #tpu.memory_space<vmem>>) target_semaphore(%run_scoped3A_102 : memref<!tpu.dma_semaphore, #tpu.memory_space<semaphore_mem>>)
      %dma_wait3A_111 = arith.constant 0 : i32
      %dma_wait3A_112 = arith.constant 0 : i32
      %dma_wait3A_113 = tpu.memref_slice %arg3[%add3A, %dma_wait3A_111, %dma_wait3A_112] : memref<32x125x80xi32, #tpu.memory_space<hbm>> -> memref<1x125x80xi32, #tpu.memory_space<hbm>>
      %dma_wait3A_114 = tpu.memref_squeeze %dma_wait3A_113 : memref<1x125x80xi32, #tpu.memory_space<hbm>> -> memref<125x80xi32, #tpu.memory_space<hbm>>
      %dma_wait3A_115 = arith.constant 0 : i32
      %dma_wait3A_116 = arith.constant 0 : i32
      %dma_wait3A_117 = tpu.memref_slice %arg3[%add3A, %dma_wait3A_115, %dma_wait3A_116] : memref<32x125x80xi32, #tpu.memory_space<hbm>> -> memref<1x125x80xi32, #tpu.memory_space<hbm>>
      %dma_wait3A_118 = tpu.memref_squeeze %dma_wait3A_117 : memref<1x125x80xi32, #tpu.memory_space<hbm>> -> memref<125x80xi32, #tpu.memory_space<hbm>>
      tpu.wait_dma2 semaphore(%run_scoped3A_102 : memref<!tpu.dma_semaphore, #tpu.memory_space<semaphore_mem>>) src(%dma_wait3A_118 : memref<125x80xi32, #tpu.memory_space<hbm>>) dst(%arg8 : memref<125x80xi32, #tpu.memory_space<vmem>>)
      tpu.yield
    }) : () -> ()
    "tpu.region"() ({
      %run_scoped3A_102 = tpu.sem_alloc : memref<!tpu.dma_semaphore, #tpu.memory_space<semaphore_mem>>
      %dma_start3A_103 = arith.constant 0 : i32
      %dma_start3A_104 = arith.constant 0 : i32
      %dma_start3A_105 = tpu.memref_slice %arg4[%add3A, %dma_start3A_103, %dma_start3A_104] : memref<32x125x80xi32, #tpu.memory_space<hbm>> -> memref<1x125x80xi32, #tpu.memory_space<hbm>>
      %dma_start3A_106 = tpu.memref_squeeze %dma_start3A_105 : memref<1x125x80xi32, #tpu.memory_space<hbm>> -> memref<125x80xi32, #tpu.memory_space<hbm>>
      %dma_start3A_107 = arith.constant 0 : i32
      %dma_start3A_108 = arith.constant 0 : i32
      %dma_start3A_109 = tpu.memref_slice %arg4[%add3A, %dma_start3A_107, %dma_start3A_108] : memref<32x125x80xi32, #tpu.memory_space<hbm>> -> memref<1x125x80xi32, #tpu.memory_space<hbm>>
      %dma_start3A_110 = tpu.memref_squeeze %dma_start3A_109 : memref<1x125x80xi32, #tpu.memory_space<hbm>> -> memref<125x80xi32, #tpu.memory_space<hbm>>
      tpu.enqueue_dma source(%dma_start3A_110 : memref<125x80xi32, #tpu.memory_space<hbm>>) target(%arg9 : memref<125x80xi32, #tpu.memory_space<vmem>>) target_semaphore(%run_scoped3A_102 : memref<!tpu.dma_semaphore, #tpu.memory_space<semaphore_mem>>)
      %dma_wait3A_111 = arith.constant 0 : i32
      %dma_wait3A_112 = arith.constant 0 : i32
      %dma_wait3A_113 = tpu.memref_slice %arg4[%add3A, %dma_wait3A_111, %dma_wait3A_112] : memref<32x125x80xi32, #tpu.memory_space<hbm>> -> memref<1x125x80xi32, #tpu.memory_space<hbm>>
      %dma_wait3A_114 = tpu.memref_squeeze %dma_wait3A_113 : memref<1x125x80xi32, #tpu.memory_space<hbm>> -> memref<125x80xi32, #tpu.memory_space<hbm>>
      %dma_wait3A_115 = arith.constant 0 : i32
      %dma_wait3A_116 = arith.constant 0 : i32
      %dma_wait3A_117 = tpu.memref_slice %arg4[%add3A, %dma_wait3A_115, %dma_wait3A_116] : memref<32x125x80xi32, #tpu.memory_space<hbm>> -> memref<1x125x80xi32, #tpu.memory_space<hbm>>
      %dma_wait3A_118 = tpu.memref_squeeze %dma_wait3A_117 : memref<1x125x80xi32, #tpu.memory_space<hbm>> -> memref<125x80xi32, #tpu.memory_space<hbm>>
      tpu.wait_dma2 semaphore(%run_scoped3A_102 : memref<!tpu.dma_semaphore, #tpu.memory_space<semaphore_mem>>) src(%dma_wait3A_118 : memref<125x80xi32, #tpu.memory_space<hbm>>) dst(%arg9 : memref<125x80xi32, #tpu.memory_space<vmem>>)
      tpu.yield
    }) : () -> ()
    %barrier3A = arith.constant 0 : index
    tpu.barrier barrier_id(%barrier3A)
    %dma_start3A = arith.constant 0 : i32
    %dma_start3A_3 = arith.constant 0 : i32
    %dma_start3A_4 = tpu.memref_slice %arg8[%dma_start3A, %dma_start3A_3] : memref<125x80xi32, #tpu.memory_space<vmem>> -> memref<1x80xi32, #tpu.memory_space<vmem>>
    %dma_start3A_5 = tpu.memref_squeeze %dma_start3A_4 : memref<1x80xi32, #tpu.memory_space<vmem>> -> memref<80xi32, #tpu.memory_space<vmem>>
    %dma_start3A_6 = arith.constant 0 : i32
    %dma_start3A_7 = arith.constant 0 : i32
    %dma_start3A_8 = tpu.memref_slice %arg2[%dma_start3A_6, %dma_start3A_7] : memref<10240x64xf32, #tpu.memory_space<hbm>> -> memref<10240x64xf32, #tpu.memory_space<hbm>>
    tpu.enqueue_indirect_dma source(%dma_start3A_8 : memref<10240x64xf32, #tpu.memory_space<hbm>>) target(%arg10 : memref<80x64xf32, #tpu.memory_space<vmem>>) offsets(%dma_start3A_5 : memref<80xi32, #tpu.memory_space<vmem>>) semaphore(%arg18 : memref<!tpu.dma_semaphore, #tpu.memory_space<semaphore_mem>>)
    %dma_start3A_9 = arith.constant 1 : i32
    %dma_start3A_10 = arith.constant 0 : i32
    %dma_start3A_11 = tpu.memref_slice %arg8[%dma_start3A_9, %dma_start3A_10] : memref<125x80xi32, #tpu.memory_space<vmem>> -> memref<1x80xi32, #tpu.memory_space<vmem>>
    %dma_start3A_12 = tpu.memref_squeeze %dma_start3A_11 : memref<1x80xi32, #tpu.memory_space<vmem>> -> memref<80xi32, #tpu.memory_space<vmem>>
    %dma_start3A_13 = arith.constant 0 : i32
    %dma_start3A_14 = arith.constant 0 : i32
    %dma_start3A_15 = tpu.memref_slice %arg2[%dma_start3A_13, %dma_start3A_14] : memref<10240x64xf32, #tpu.memory_space<hbm>> -> memref<10240x64xf32, #tpu.memory_space<hbm>>
    tpu.enqueue_indirect_dma source(%dma_start3A_15 : memref<10240x64xf32, #tpu.memory_space<hbm>>) target(%arg11 : memref<80x64xf32, #tpu.memory_space<vmem>>) offsets(%dma_start3A_12 : memref<80xi32, #tpu.memory_space<vmem>>) semaphore(%arg19 : memref<!tpu.dma_semaphore, #tpu.memory_space<semaphore_mem>>)
    %dma_start3A_16 = arith.constant 2 : i32
    %dma_start3A_17 = arith.constant 0 : i32
    %dma_start3A_18 = tpu.memref_slice %arg8[%dma_start3A_16, %dma_start3A_17] : memref<125x80xi32, #tpu.memory_space<vmem>> -> memref<1x80xi32, #tpu.memory_space<vmem>>
    %dma_start3A_19 = tpu.memref_squeeze %dma_start3A_18 : memref<1x80xi32, #tpu.memory_space<vmem>> -> memref<80xi32, #tpu.memory_space<vmem>>
    %dma_start3A_20 = arith.constant 0 : i32
    %dma_start3A_21 = arith.constant 0 : i32
    %dma_start3A_22 = tpu.memref_slice %arg2[%dma_start3A_20, %dma_start3A_21] : memref<10240x64xf32, #tpu.memory_space<hbm>> -> memref<10240x64xf32, #tpu.memory_space<hbm>>
    tpu.enqueue_indirect_dma source(%dma_start3A_22 : memref<10240x64xf32, #tpu.memory_space<hbm>>) target(%arg12 : memref<80x64xf32, #tpu.memory_space<vmem>>) offsets(%dma_start3A_19 : memref<80xi32, #tpu.memory_space<vmem>>) semaphore(%arg20 : memref<!tpu.dma_semaphore, #tpu.memory_space<semaphore_mem>>)
    %dma_start3A_23 = arith.constant 3 : i32
    %dma_start3A_24 = arith.constant 0 : i32
    %dma_start3A_25 = tpu.memref_slice %arg8[%dma_start3A_23, %dma_start3A_24] : memref<125x80xi32, #tpu.memory_space<vmem>> -> memref<1x80xi32, #tpu.memory_space<vmem>>
    %dma_start3A_26 = tpu.memref_squeeze %dma_start3A_25 : memref<1x80xi32, #tpu.memory_space<vmem>> -> memref<80xi32, #tpu.memory_space<vmem>>
    %dma_start3A_27 = arith.constant 0 : i32
    %dma_start3A_28 = arith.constant 0 : i32
    %dma_start3A_29 = tpu.memref_slice %arg2[%dma_start3A_27, %dma_start3A_28] : memref<10240x64xf32, #tpu.memory_space<hbm>> -> memref<10240x64xf32, #tpu.memory_space<hbm>>
    tpu.enqueue_indirect_dma source(%dma_start3A_29 : memref<10240x64xf32, #tpu.memory_space<hbm>>) target(%arg13 : memref<80x64xf32, #tpu.memory_space<vmem>>) offsets(%dma_start3A_26 : memref<80xi32, #tpu.memory_space<vmem>>) semaphore(%arg21 : memref<!tpu.dma_semaphore, #tpu.memory_space<semaphore_mem>>)
    %dma_start3A_30 = arith.constant 4 : i32
    %dma_start3A_31 = arith.constant 0 : i32
    %dma_start3A_32 = tpu.memref_slice %arg8[%dma_start3A_30, %dma_start3A_31] : memref<125x80xi32, #tpu.memory_space<vmem>> -> memref<1x80xi32, #tpu.memory_space<vmem>>
    %dma_start3A_33 = tpu.memref_squeeze %dma_start3A_32 : memref<1x80xi32, #tpu.memory_space<vmem>> -> memref<80xi32, #tpu.memory_space<vmem>>
    %dma_start3A_34 = arith.constant 0 : i32
    %dma_start3A_35 = arith.constant 0 : i32
    %dma_start3A_36 = tpu.memref_slice %arg2[%dma_start3A_34, %dma_start3A_35] : memref<10240x64xf32, #tpu.memory_space<hbm>> -> memref<10240x64xf32, #tpu.memory_space<hbm>>
    tpu.enqueue_indirect_dma source(%dma_start3A_36 : memref<10240x64xf32, #tpu.memory_space<hbm>>) target(%arg14 : memref<80x64xf32, #tpu.memory_space<vmem>>) offsets(%dma_start3A_33 : memref<80xi32, #tpu.memory_space<vmem>>) semaphore(%arg22 : memref<!tpu.dma_semaphore, #tpu.memory_space<semaphore_mem>>)
    %dma_start3A_37 = arith.constant 5 : i32
    %dma_start3A_38 = arith.constant 0 : i32
    %dma_start3A_39 = tpu.memref_slice %arg8[%dma_start3A_37, %dma_start3A_38] : memref<125x80xi32, #tpu.memory_space<vmem>> -> memref<1x80xi32, #tpu.memory_space<vmem>>
    %dma_start3A_40 = tpu.memref_squeeze %dma_start3A_39 : memref<1x80xi32, #tpu.memory_space<vmem>> -> memref<80xi32, #tpu.memory_space<vmem>>
    %dma_start3A_41 = arith.constant 0 : i32
    %dma_start3A_42 = arith.constant 0 : i32
    %dma_start3A_43 = tpu.memref_slice %arg2[%dma_start3A_41, %dma_start3A_42] : memref<10240x64xf32, #tpu.memory_space<hbm>> -> memref<10240x64xf32, #tpu.memory_space<hbm>>
    tpu.enqueue_indirect_dma source(%dma_start3A_43 : memref<10240x64xf32, #tpu.memory_space<hbm>>) target(%arg15 : memref<80x64xf32, #tpu.memory_space<vmem>>) offsets(%dma_start3A_40 : memref<80xi32, #tpu.memory_space<vmem>>) semaphore(%arg23 : memref<!tpu.dma_semaphore, #tpu.memory_space<semaphore_mem>>)
    %dma_start3A_44 = arith.constant 6 : i32
    %dma_start3A_45 = arith.constant 0 : i32
    %dma_start3A_46 = tpu.memref_slice %arg8[%dma_start3A_44, %dma_start3A_45] : memref<125x80xi32, #tpu.memory_space<vmem>> -> memref<1x80xi32, #tpu.memory_space<vmem>>
    %dma_start3A_47 = tpu.memref_squeeze %dma_start3A_46 : memref<1x80xi32, #tpu.memory_space<vmem>> -> memref<80xi32, #tpu.memory_space<vmem>>
    %dma_start3A_48 = arith.constant 0 : i32
    %dma_start3A_49 = arith.constant 0 : i32
    %dma_start3A_50 = tpu.memref_slice %arg2[%dma_start3A_48, %dma_start3A_49] : memref<10240x64xf32, #tpu.memory_space<hbm>> -> memref<10240x64xf32, #tpu.memory_space<hbm>>
    tpu.enqueue_indirect_dma source(%dma_start3A_50 : memref<10240x64xf32, #tpu.memory_space<hbm>>) target(%arg16 : memref<80x64xf32, #tpu.memory_space<vmem>>) offsets(%dma_start3A_47 : memref<80xi32, #tpu.memory_space<vmem>>) semaphore(%arg24 : memref<!tpu.dma_semaphore, #tpu.memory_space<semaphore_mem>>)
    %dma_start3A_51 = arith.constant 7 : i32
    %dma_start3A_52 = arith.constant 0 : i32
    %dma_start3A_53 = tpu.memref_slice %arg8[%dma_start3A_51, %dma_start3A_52] : memref<125x80xi32, #tpu.memory_space<vmem>> -> memref<1x80xi32, #tpu.memory_space<vmem>>
    %dma_start3A_54 = tpu.memref_squeeze %dma_start3A_53 : memref<1x80xi32, #tpu.memory_space<vmem>> -> memref<80xi32, #tpu.memory_space<vmem>>
    %dma_start3A_55 = arith.constant 0 : i32
    %dma_start3A_56 = arith.constant 0 : i32
    %dma_start3A_57 = tpu.memref_slice %arg2[%dma_start3A_55, %dma_start3A_56] : memref<10240x64xf32, #tpu.memory_space<hbm>> -> memref<10240x64xf32, #tpu.memory_space<hbm>>
    tpu.enqueue_indirect_dma source(%dma_start3A_57 : memref<10240x64xf32, #tpu.memory_space<hbm>>) target(%arg17 : memref<80x64xf32, #tpu.memory_space<vmem>>) offsets(%dma_start3A_54 : memref<80xi32, #tpu.memory_space<vmem>>) semaphore(%arg25 : memref<!tpu.dma_semaphore, #tpu.memory_space<semaphore_mem>>)
    %scan3A = arith.constant 0 : i32
    %scan3A_58 = arith.constant 0 : i32
    %scan3A_59 = arith.constant 15 : i32
    %scan3A_60 = arith.addi %scan3A_58, %scan3A_59 : i32
    %scan3A_61 = arith.constant 1 : i32
    scf.for %scan3A_102 = %scan3A_58 to %scan3A_60 step %scan3A_61  : i32 {
      %mul3A_103 = arith.constant 8 : i32
      %mul3A_104 = arith.muli %mul3A_103, %scan3A_102 : i32
      %add3A_105 = arith.constant 0 : i32
      %add3A_106 = arith.addi %mul3A_104, %add3A_105 : i32
      %dma_wait3A_107 = arith.constant 0 : i32
      %dma_wait3A_108 = tpu.memref_slice %arg8[%add3A_106, %dma_wait3A_107] : memref<125x80xi32, #tpu.memory_space<vmem>> -> memref<1x80xi32, #tpu.memory_space<vmem>>
      %dma_wait3A_109 = tpu.memref_squeeze %dma_wait3A_108 : memref<1x80xi32, #tpu.memory_space<vmem>> -> memref<80xi32, #tpu.memory_space<vmem>>
      %dma_wait3A_110 = arith.constant 0 : i32
      %dma_wait3A_111 = arith.constant 0 : i32
      %dma_wait3A_112 = tpu.memref_slice %arg2[%dma_wait3A_110, %dma_wait3A_111] : memref<10240x64xf32, #tpu.memory_space<hbm>> -> memref<10240x64xf32, #tpu.memory_space<hbm>>
      tpu.wait_indirect_dma semaphore(%arg18 : memref<!tpu.dma_semaphore, #tpu.memory_space<semaphore_mem>>) src(%dma_wait3A_112 : memref<10240x64xf32, #tpu.memory_space<hbm>>) dst(%arg10 : memref<80x64xf32, #tpu.memory_space<vmem>>)
      "tpu.region"() ({
        %run_scoped3A_236 = tpu.sem_alloc : memref<!tpu.dma_semaphore, #tpu.memory_space<semaphore_mem>>
        %dma_start3A_237 = arith.constant 0 : i32
        %dma_start3A_238 = tpu.memref_slice %arg9[%add3A_106, %dma_start3A_237] : memref<125x80xi32, #tpu.memory_space<vmem>> -> memref<1x80xi32, #tpu.memory_space<vmem>>
        %dma_start3A_239 = tpu.memref_squeeze %dma_start3A_238 : memref<1x80xi32, #tpu.memory_space<vmem>> -> memref<80xi32, #tpu.memory_space<vmem>>
        %dma_start3A_240 = arith.constant 0 : i32
        %dma_start3A_241 = arith.constant 0 : i32
        %dma_start3A_242 = tpu.memref_slice %arg7[%dma_start3A_240, %dma_start3A_241] : memref<10240x64xf32, #tpu.memory_space<vmem_shared>> -> memref<10240x64xf32, #tpu.memory_space<vmem_shared>>
        tpu.enqueue_indirect_dma source(%arg10 : memref<80x64xf32, #tpu.memory_space<vmem>>) target(%dma_start3A_242 : memref<10240x64xf32, #tpu.memory_space<vmem_shared>>) offsets(%dma_start3A_239 : memref<80xi32, #tpu.memory_space<vmem>>) semaphore(%run_scoped3A_236 : memref<!tpu.dma_semaphore, #tpu.memory_space<semaphore_mem>>) {add = true}
        %dma_wait3A_243 = arith.constant 0 : i32
        %dma_wait3A_244 = tpu.memref_slice %arg9[%add3A_106, %dma_wait3A_243] : memref<125x80xi32, #tpu.memory_space<vmem>> -> memref<1x80xi32, #tpu.memory_space<vmem>>
        %dma_wait3A_245 = tpu.memref_squeeze %dma_wait3A_244 : memref<1x80xi32, #tpu.memory_space<vmem>> -> memref<80xi32, #tpu.memory_space<vmem>>
        %dma_wait3A_246 = arith.constant 0 : i32
        %dma_wait3A_247 = arith.constant 0 : i32
        %dma_wait3A_248 = tpu.memref_slice %arg7[%dma_wait3A_246, %dma_wait3A_247] : memref<10240x64xf32, #tpu.memory_space<vmem_shared>> -> memref<10240x64xf32, #tpu.memory_space<vmem_shared>>
        tpu.wait_indirect_dma semaphore(%run_scoped3A_236 : memref<!tpu.dma_semaphore, #tpu.memory_space<semaphore_mem>>) src(%arg10 : memref<80x64xf32, #tpu.memory_space<vmem>>) dst(%dma_wait3A_248 : memref<10240x64xf32, #tpu.memory_space<vmem_shared>>)
        tpu.yield
      }) : () -> ()
      %add3A_113 = arith.constant 8 : i32
      %add3A_114 = arith.addi %add3A_106, %add3A_113 : i32
      %lt3A = arith.constant 125 : i32
      %lt3A_115 = arith.cmpi slt, %add3A_114, %lt3A : i32
      %convert_element_type3A = arith.extui %lt3A_115 : i1 to i32
      %cond3A = arith.constant 0 : i32
      %cond3A_116 = arith.cmpi ne, %convert_element_type3A, %cond3A : i32
      scf.if %cond3A_116 {
        %add3A_236 = arith.constant 8 : i32
        %add3A_237 = arith.addi %add3A_106, %add3A_236 : i32
        %dma_start3A_238 = arith.constant 0 : i32
        %dma_start3A_239 = tpu.memref_slice %arg8[%add3A_237, %dma_start3A_238] : memref<125x80xi32, #tpu.memory_space<vmem>> -> memref<1x80xi32, #tpu.memory_space<vmem>>
        %dma_start3A_240 = tpu.memref_squeeze %dma_start3A_239 : memref<1x80xi32, #tpu.memory_space<vmem>> -> memref<80xi32, #tpu.memory_space<vmem>>
        %dma_start3A_241 = arith.constant 0 : i32
        %dma_start3A_242 = arith.constant 0 : i32
        %dma_start3A_243 = tpu.memref_slice %arg2[%dma_start3A_241, %dma_start3A_242] : memref<10240x64xf32, #tpu.memory_space<hbm>> -> memref<10240x64xf32, #tpu.memory_space<hbm>>
        tpu.enqueue_indirect_dma source(%dma_start3A_243 : memref<10240x64xf32, #tpu.memory_space<hbm>>) target(%arg10 : memref<80x64xf32, #tpu.memory_space<vmem>>) offsets(%dma_start3A_240 : memref<80xi32, #tpu.memory_space<vmem>>) semaphore(%arg18 : memref<!tpu.dma_semaphore, #tpu.memory_space<semaphore_mem>>)
      } else {
      }
      %mul3A_117 = arith.constant 8 : i32
      %mul3A_118 = arith.muli %mul3A_117, %scan3A_102 : i32
      %add3A_119 = arith.constant 1 : i32
      %add3A_120 = arith.addi %mul3A_118, %add3A_119 : i32
      %dma_wait3A_121 = arith.constant 0 : i32
      %dma_wait3A_122 = tpu.memref_slice %arg8[%add3A_120, %dma_wait3A_121] : memref<125x80xi32, #tpu.memory_space<vmem>> -> memref<1x80xi32, #tpu.memory_space<vmem>>
      %dma_wait3A_123 = tpu.memref_squeeze %dma_wait3A_122 : memref<1x80xi32, #tpu.memory_space<vmem>> -> memref<80xi32, #tpu.memory_space<vmem>>
      %dma_wait3A_124 = arith.constant 0 : i32
      %dma_wait3A_125 = arith.constant 0 : i32
      %dma_wait3A_126 = tpu.memref_slice %arg2[%dma_wait3A_124, %dma_wait3A_125] : memref<10240x64xf32, #tpu.memory_space<hbm>> -> memref<10240x64xf32, #tpu.memory_space<hbm>>
      tpu.wait_indirect_dma semaphore(%arg19 : memref<!tpu.dma_semaphore, #tpu.memory_space<semaphore_mem>>) src(%dma_wait3A_126 : memref<10240x64xf32, #tpu.memory_space<hbm>>) dst(%arg11 : memref<80x64xf32, #tpu.memory_space<vmem>>)
      "tpu.region"() ({
        %run_scoped3A_236 = tpu.sem_alloc : memref<!tpu.dma_semaphore, #tpu.memory_space<semaphore_mem>>
        %dma_start3A_237 = arith.constant 0 : i32
        %dma_start3A_238 = tpu.memref_slice %arg9[%add3A_120, %dma_start3A_237] : memref<125x80xi32, #tpu.memory_space<vmem>> -> memref<1x80xi32, #tpu.memory_space<vmem>>
        %dma_start3A_239 = tpu.memref_squeeze %dma_start3A_238 : memref<1x80xi32, #tpu.memory_space<vmem>> -> memref<80xi32, #tpu.memory_space<vmem>>
        %dma_start3A_240 = arith.constant 0 : i32
        %dma_start3A_241 = arith.constant 0 : i32
        %dma_start3A_242 = tpu.memref_slice %arg7[%dma_start3A_240, %dma_start3A_241] : memref<10240x64xf32, #tpu.memory_space<vmem_shared>> -> memref<10240x64xf32, #tpu.memory_space<vmem_shared>>
        tpu.enqueue_indirect_dma source(%arg11 : memref<80x64xf32, #tpu.memory_space<vmem>>) target(%dma_start3A_242 : memref<10240x64xf32, #tpu.memory_space<vmem_shared>>) offsets(%dma_start3A_239 : memref<80xi32, #tpu.memory_space<vmem>>) semaphore(%run_scoped3A_236 : memref<!tpu.dma_semaphore, #tpu.memory_space<semaphore_mem>>) {add = true}
        %dma_wait3A_243 = arith.constant 0 : i32
        %dma_wait3A_244 = tpu.memref_slice %arg9[%add3A_120, %dma_wait3A_243] : memref<125x80xi32, #tpu.memory_space<vmem>> -> memref<1x80xi32, #tpu.memory_space<vmem>>
        %dma_wait3A_245 = tpu.memref_squeeze %dma_wait3A_244 : memref<1x80xi32, #tpu.memory_space<vmem>> -> memref<80xi32, #tpu.memory_space<vmem>>
        %dma_wait3A_246 = arith.constant 0 : i32
        %dma_wait3A_247 = arith.constant 0 : i32
        %dma_wait3A_248 = tpu.memref_slice %arg7[%dma_wait3A_246, %dma_wait3A_247] : memref<10240x64xf32, #tpu.memory_space<vmem_shared>> -> memref<10240x64xf32, #tpu.memory_space<vmem_shared>>
        tpu.wait_indirect_dma semaphore(%run_scoped3A_236 : memref<!tpu.dma_semaphore, #tpu.memory_space<semaphore_mem>>) src(%arg11 : memref<80x64xf32, #tpu.memory_space<vmem>>) dst(%dma_wait3A_248 : memref<10240x64xf32, #tpu.memory_space<vmem_shared>>)
        tpu.yield
      }) : () -> ()
      %add3A_127 = arith.constant 8 : i32
      %add3A_128 = arith.addi %add3A_120, %add3A_127 : i32
      %lt3A_129 = arith.constant 125 : i32
      %lt3A_130 = arith.cmpi slt, %add3A_128, %lt3A_129 : i32
      %convert_element_type3A_131 = arith.extui %lt3A_130 : i1 to i32
      %cond3A_132 = arith.constant 0 : i32
      %cond3A_133 = arith.cmpi ne, %convert_element_type3A_131, %cond3A_132 : i32
      scf.if %cond3A_133 {
        %add3A_236 = arith.constant 8 : i32
        %add3A_237 = arith.addi %add3A_120, %add3A_236 : i32
        %dma_start3A_238 = arith.constant 0 : i32
        %dma_start3A_239 = tpu.memref_slice %arg8[%add3A_237, %dma_start3A_238] : memref<125x80xi32, #tpu.memory_space<vmem>> -> memref<1x80xi32, #tpu.memory_space<vmem>>
        %dma_start3A_240 = tpu.memref_squeeze %dma_start3A_239 : memref<1x80xi32, #tpu.memory_space<vmem>> -> memref<80xi32, #tpu.memory_space<vmem>>
        %dma_start3A_241 = arith.constant 0 : i32
        %dma_start3A_242 = arith.constant 0 : i32
        %dma_start3A_243 = tpu.memref_slice %arg2[%dma_start3A_241, %dma_start3A_242] : memref<10240x64xf32, #tpu.memory_space<hbm>> -> memref<10240x64xf32, #tpu.memory_space<hbm>>
        tpu.enqueue_indirect_dma source(%dma_start3A_243 : memref<10240x64xf32, #tpu.memory_space<hbm>>) target(%arg11 : memref<80x64xf32, #tpu.memory_space<vmem>>) offsets(%dma_start3A_240 : memref<80xi32, #tpu.memory_space<vmem>>) semaphore(%arg19 : memref<!tpu.dma_semaphore, #tpu.memory_space<semaphore_mem>>)
      } else {
      }
      %mul3A_134 = arith.constant 8 : i32
      %mul3A_135 = arith.muli %mul3A_134, %scan3A_102 : i32
      %add3A_136 = arith.constant 2 : i32
      %add3A_137 = arith.addi %mul3A_135, %add3A_136 : i32
      %dma_wait3A_138 = arith.constant 0 : i32
      %dma_wait3A_139 = tpu.memref_slice %arg8[%add3A_137, %dma_wait3A_138] : memref<125x80xi32, #tpu.memory_space<vmem>> -> memref<1x80xi32, #tpu.memory_space<vmem>>
      %dma_wait3A_140 = tpu.memref_squeeze %dma_wait3A_139 : memref<1x80xi32, #tpu.memory_space<vmem>> -> memref<80xi32, #tpu.memory_space<vmem>>
      %dma_wait3A_141 = arith.constant 0 : i32
      %dma_wait3A_142 = arith.constant 0 : i32
      %dma_wait3A_143 = tpu.memref_slice %arg2[%dma_wait3A_141, %dma_wait3A_142] : memref<10240x64xf32, #tpu.memory_space<hbm>> -> memref<10240x64xf32, #tpu.memory_space<hbm>>
      tpu.wait_indirect_dma semaphore(%arg20 : memref<!tpu.dma_semaphore, #tpu.memory_space<semaphore_mem>>) src(%dma_wait3A_143 : memref<10240x64xf32, #tpu.memory_space<hbm>>) dst(%arg12 : memref<80x64xf32, #tpu.memory_space<vmem>>)
      "tpu.region"() ({
        %run_scoped3A_236 = tpu.sem_alloc : memref<!tpu.dma_semaphore, #tpu.memory_space<semaphore_mem>>
        %dma_start3A_237 = arith.constant 0 : i32
        %dma_start3A_238 = tpu.memref_slice %arg9[%add3A_137, %dma_start3A_237] : memref<125x80xi32, #tpu.memory_space<vmem>> -> memref<1x80xi32, #tpu.memory_space<vmem>>
        %dma_start3A_239 = tpu.memref_squeeze %dma_start3A_238 : memref<1x80xi32, #tpu.memory_space<vmem>> -> memref<80xi32, #tpu.memory_space<vmem>>
        %dma_start3A_240 = arith.constant 0 : i32
        %dma_start3A_241 = arith.constant 0 : i32
        %dma_start3A_242 = tpu.memref_slice %arg7[%dma_start3A_240, %dma_start3A_241] : memref<10240x64xf32, #tpu.memory_space<vmem_shared>> -> memref<10240x64xf32, #tpu.memory_space<vmem_shared>>
        tpu.enqueue_indirect_dma source(%arg12 : memref<80x64xf32, #tpu.memory_space<vmem>>) target(%dma_start3A_242 : memref<10240x64xf32, #tpu.memory_space<vmem_shared>>) offsets(%dma_start3A_239 : memref<80xi32, #tpu.memory_space<vmem>>) semaphore(%run_scoped3A_236 : memref<!tpu.dma_semaphore, #tpu.memory_space<semaphore_mem>>) {add = true}
        %dma_wait3A_243 = arith.constant 0 : i32
        %dma_wait3A_244 = tpu.memref_slice %arg9[%add3A_137, %dma_wait3A_243] : memref<125x80xi32, #tpu.memory_space<vmem>> -> memref<1x80xi32, #tpu.memory_space<vmem>>
        %dma_wait3A_245 = tpu.memref_squeeze %dma_wait3A_244 : memref<1x80xi32, #tpu.memory_space<vmem>> -> memref<80xi32, #tpu.memory_space<vmem>>
        %dma_wait3A_246 = arith.constant 0 : i32
        %dma_wait3A_247 = arith.constant 0 : i32
        %dma_wait3A_248 = tpu.memref_slice %arg7[%dma_wait3A_246, %dma_wait3A_247] : memref<10240x64xf32, #tpu.memory_space<vmem_shared>> -> memref<10240x64xf32, #tpu.memory_space<vmem_shared>>
        tpu.wait_indirect_dma semaphore(%run_scoped3A_236 : memref<!tpu.dma_semaphore, #tpu.memory_space<semaphore_mem>>) src(%arg12 : memref<80x64xf32, #tpu.memory_space<vmem>>) dst(%dma_wait3A_248 : memref<10240x64xf32, #tpu.memory_space<vmem_shared>>)
        tpu.yield
      }) : () -> ()
      %add3A_144 = arith.constant 8 : i32
      %add3A_145 = arith.addi %add3A_137, %add3A_144 : i32
      %lt3A_146 = arith.constant 125 : i32
      %lt3A_147 = arith.cmpi slt, %add3A_145, %lt3A_146 : i32
      %convert_element_type3A_148 = arith.extui %lt3A_147 : i1 to i32
      %cond3A_149 = arith.constant 0 : i32
      %cond3A_150 = arith.cmpi ne, %convert_element_type3A_148, %cond3A_149 : i32
      scf.if %cond3A_150 {
        %add3A_236 = arith.constant 8 : i32
        %add3A_237 = arith.addi %add3A_137, %add3A_236 : i32
        %dma_start3A_238 = arith.constant 0 : i32
        %dma_start3A_239 = tpu.memref_slice %arg8[%add3A_237, %dma_start3A_238] : memref<125x80xi32, #tpu.memory_space<vmem>> -> memref<1x80xi32, #tpu.memory_space<vmem>>
        %dma_start3A_240 = tpu.memref_squeeze %dma_start3A_239 : memref<1x80xi32, #tpu.memory_space<vmem>> -> memref<80xi32, #tpu.memory_space<vmem>>
        %dma_start3A_241 = arith.constant 0 : i32
        %dma_start3A_242 = arith.constant 0 : i32
        %dma_start3A_243 = tpu.memref_slice %arg2[%dma_start3A_241, %dma_start3A_242] : memref<10240x64xf32, #tpu.memory_space<hbm>> -> memref<10240x64xf32, #tpu.memory_space<hbm>>
        tpu.enqueue_indirect_dma source(%dma_start3A_243 : memref<10240x64xf32, #tpu.memory_space<hbm>>) target(%arg12 : memref<80x64xf32, #tpu.memory_space<vmem>>) offsets(%dma_start3A_240 : memref<80xi32, #tpu.memory_space<vmem>>) semaphore(%arg20 : memref<!tpu.dma_semaphore, #tpu.memory_space<semaphore_mem>>)
      } else {
      }
      %mul3A_151 = arith.constant 8 : i32
      %mul3A_152 = arith.muli %mul3A_151, %scan3A_102 : i32
      %add3A_153 = arith.constant 3 : i32
      %add3A_154 = arith.addi %mul3A_152, %add3A_153 : i32
      %dma_wait3A_155 = arith.constant 0 : i32
      %dma_wait3A_156 = tpu.memref_slice %arg8[%add3A_154, %dma_wait3A_155] : memref<125x80xi32, #tpu.memory_space<vmem>> -> memref<1x80xi32, #tpu.memory_space<vmem>>
      %dma_wait3A_157 = tpu.memref_squeeze %dma_wait3A_156 : memref<1x80xi32, #tpu.memory_space<vmem>> -> memref<80xi32, #tpu.memory_space<vmem>>
      %dma_wait3A_158 = arith.constant 0 : i32
      %dma_wait3A_159 = arith.constant 0 : i32
      %dma_wait3A_160 = tpu.memref_slice %arg2[%dma_wait3A_158, %dma_wait3A_159] : memref<10240x64xf32, #tpu.memory_space<hbm>> -> memref<10240x64xf32, #tpu.memory_space<hbm>>
      tpu.wait_indirect_dma semaphore(%arg21 : memref<!tpu.dma_semaphore, #tpu.memory_space<semaphore_mem>>) src(%dma_wait3A_160 : memref<10240x64xf32, #tpu.memory_space<hbm>>) dst(%arg13 : memref<80x64xf32, #tpu.memory_space<vmem>>)
      "tpu.region"() ({
        %run_scoped3A_236 = tpu.sem_alloc : memref<!tpu.dma_semaphore, #tpu.memory_space<semaphore_mem>>
        %dma_start3A_237 = arith.constant 0 : i32
        %dma_start3A_238 = tpu.memref_slice %arg9[%add3A_154, %dma_start3A_237] : memref<125x80xi32, #tpu.memory_space<vmem>> -> memref<1x80xi32, #tpu.memory_space<vmem>>
        %dma_start3A_239 = tpu.memref_squeeze %dma_start3A_238 : memref<1x80xi32, #tpu.memory_space<vmem>> -> memref<80xi32, #tpu.memory_space<vmem>>
        %dma_start3A_240 = arith.constant 0 : i32
        %dma_start3A_241 = arith.constant 0 : i32
        %dma_start3A_242 = tpu.memref_slice %arg7[%dma_start3A_240, %dma_start3A_241] : memref<10240x64xf32, #tpu.memory_space<vmem_shared>> -> memref<10240x64xf32, #tpu.memory_space<vmem_shared>>
        tpu.enqueue_indirect_dma source(%arg13 : memref<80x64xf32, #tpu.memory_space<vmem>>) target(%dma_start3A_242 : memref<10240x64xf32, #tpu.memory_space<vmem_shared>>) offsets(%dma_start3A_239 : memref<80xi32, #tpu.memory_space<vmem>>) semaphore(%run_scoped3A_236 : memref<!tpu.dma_semaphore, #tpu.memory_space<semaphore_mem>>) {add = true}
        %dma_wait3A_243 = arith.constant 0 : i32
        %dma_wait3A_244 = tpu.memref_slice %arg9[%add3A_154, %dma_wait3A_243] : memref<125x80xi32, #tpu.memory_space<vmem>> -> memref<1x80xi32, #tpu.memory_space<vmem>>
        %dma_wait3A_245 = tpu.memref_squeeze %dma_wait3A_244 : memref<1x80xi32, #tpu.memory_space<vmem>> -> memref<80xi32, #tpu.memory_space<vmem>>
        %dma_wait3A_246 = arith.constant 0 : i32
        %dma_wait3A_247 = arith.constant 0 : i32
        %dma_wait3A_248 = tpu.memref_slice %arg7[%dma_wait3A_246, %dma_wait3A_247] : memref<10240x64xf32, #tpu.memory_space<vmem_shared>> -> memref<10240x64xf32, #tpu.memory_space<vmem_shared>>
        tpu.wait_indirect_dma semaphore(%run_scoped3A_236 : memref<!tpu.dma_semaphore, #tpu.memory_space<semaphore_mem>>) src(%arg13 : memref<80x64xf32, #tpu.memory_space<vmem>>) dst(%dma_wait3A_248 : memref<10240x64xf32, #tpu.memory_space<vmem_shared>>)
        tpu.yield
      }) : () -> ()
      %add3A_161 = arith.constant 8 : i32
      %add3A_162 = arith.addi %add3A_154, %add3A_161 : i32
      %lt3A_163 = arith.constant 125 : i32
      %lt3A_164 = arith.cmpi slt, %add3A_162, %lt3A_163 : i32
      %convert_element_type3A_165 = arith.extui %lt3A_164 : i1 to i32
      %cond3A_166 = arith.constant 0 : i32
      %cond3A_167 = arith.cmpi ne, %convert_element_type3A_165, %cond3A_166 : i32
      scf.if %cond3A_167 {
        %add3A_236 = arith.constant 8 : i32
        %add3A_237 = arith.addi %add3A_154, %add3A_236 : i32
        %dma_start3A_238 = arith.constant 0 : i32
        %dma_start3A_239 = tpu.memref_slice %arg8[%add3A_237, %dma_start3A_238] : memref<125x80xi32, #tpu.memory_space<vmem>> -> memref<1x80xi32, #tpu.memory_space<vmem>>
        %dma_start3A_240 = tpu.memref_squeeze %dma_start3A_239 : memref<1x80xi32, #tpu.memory_space<vmem>> -> memref<80xi32, #tpu.memory_space<vmem>>
        %dma_start3A_241 = arith.constant 0 : i32
        %dma_start3A_242 = arith.constant 0 : i32
        %dma_start3A_243 = tpu.memref_slice %arg2[%dma_start3A_241, %dma_start3A_242] : memref<10240x64xf32, #tpu.memory_space<hbm>> -> memref<10240x64xf32, #tpu.memory_space<hbm>>
        tpu.enqueue_indirect_dma source(%dma_start3A_243 : memref<10240x64xf32, #tpu.memory_space<hbm>>) target(%arg13 : memref<80x64xf32, #tpu.memory_space<vmem>>) offsets(%dma_start3A_240 : memref<80xi32, #tpu.memory_space<vmem>>) semaphore(%arg21 : memref<!tpu.dma_semaphore, #tpu.memory_space<semaphore_mem>>)
      } else {
      }
      %mul3A_168 = arith.constant 8 : i32
      %mul3A_169 = arith.muli %mul3A_168, %scan3A_102 : i32
      %add3A_170 = arith.constant 4 : i32
      %add3A_171 = arith.addi %mul3A_169, %add3A_170 : i32
      %dma_wait3A_172 = arith.constant 0 : i32
      %dma_wait3A_173 = tpu.memref_slice %arg8[%add3A_171, %dma_wait3A_172] : memref<125x80xi32, #tpu.memory_space<vmem>> -> memref<1x80xi32, #tpu.memory_space<vmem>>
      %dma_wait3A_174 = tpu.memref_squeeze %dma_wait3A_173 : memref<1x80xi32, #tpu.memory_space<vmem>> -> memref<80xi32, #tpu.memory_space<vmem>>
      %dma_wait3A_175 = arith.constant 0 : i32
      %dma_wait3A_176 = arith.constant 0 : i32
      %dma_wait3A_177 = tpu.memref_slice %arg2[%dma_wait3A_175, %dma_wait3A_176] : memref<10240x64xf32, #tpu.memory_space<hbm>> -> memref<10240x64xf32, #tpu.memory_space<hbm>>
      tpu.wait_indirect_dma semaphore(%arg22 : memref<!tpu.dma_semaphore, #tpu.memory_space<semaphore_mem>>) src(%dma_wait3A_177 : memref<10240x64xf32, #tpu.memory_space<hbm>>) dst(%arg14 : memref<80x64xf32, #tpu.memory_space<vmem>>)
      "tpu.region"() ({
        %run_scoped3A_236 = tpu.sem_alloc : memref<!tpu.dma_semaphore, #tpu.memory_space<semaphore_mem>>
        %dma_start3A_237 = arith.constant 0 : i32
        %dma_start3A_238 = tpu.memref_slice %arg9[%add3A_171, %dma_start3A_237] : memref<125x80xi32, #tpu.memory_space<vmem>> -> memref<1x80xi32, #tpu.memory_space<vmem>>
        %dma_start3A_239 = tpu.memref_squeeze %dma_start3A_238 : memref<1x80xi32, #tpu.memory_space<vmem>> -> memref<80xi32, #tpu.memory_space<vmem>>
        %dma_start3A_240 = arith.constant 0 : i32
        %dma_start3A_241 = arith.constant 0 : i32
        %dma_start3A_242 = tpu.memref_slice %arg7[%dma_start3A_240, %dma_start3A_241] : memref<10240x64xf32, #tpu.memory_space<vmem_shared>> -> memref<10240x64xf32, #tpu.memory_space<vmem_shared>>
        tpu.enqueue_indirect_dma source(%arg14 : memref<80x64xf32, #tpu.memory_space<vmem>>) target(%dma_start3A_242 : memref<10240x64xf32, #tpu.memory_space<vmem_shared>>) offsets(%dma_start3A_239 : memref<80xi32, #tpu.memory_space<vmem>>) semaphore(%run_scoped3A_236 : memref<!tpu.dma_semaphore, #tpu.memory_space<semaphore_mem>>) {add = true}
        %dma_wait3A_243 = arith.constant 0 : i32
        %dma_wait3A_244 = tpu.memref_slice %arg9[%add3A_171, %dma_wait3A_243] : memref<125x80xi32, #tpu.memory_space<vmem>> -> memref<1x80xi32, #tpu.memory_space<vmem>>
        %dma_wait3A_245 = tpu.memref_squeeze %dma_wait3A_244 : memref<1x80xi32, #tpu.memory_space<vmem>> -> memref<80xi32, #tpu.memory_space<vmem>>
        %dma_wait3A_246 = arith.constant 0 : i32
        %dma_wait3A_247 = arith.constant 0 : i32
        %dma_wait3A_248 = tpu.memref_slice %arg7[%dma_wait3A_246, %dma_wait3A_247] : memref<10240x64xf32, #tpu.memory_space<vmem_shared>> -> memref<10240x64xf32, #tpu.memory_space<vmem_shared>>
        tpu.wait_indirect_dma semaphore(%run_scoped3A_236 : memref<!tpu.dma_semaphore, #tpu.memory_space<semaphore_mem>>) src(%arg14 : memref<80x64xf32, #tpu.memory_space<vmem>>) dst(%dma_wait3A_248 : memref<10240x64xf32, #tpu.memory_space<vmem_shared>>)
        tpu.yield
      }) : () -> ()
      %add3A_178 = arith.constant 8 : i32
      %add3A_179 = arith.addi %add3A_171, %add3A_178 : i32
      %lt3A_180 = arith.constant 125 : i32
      %lt3A_181 = arith.cmpi slt, %add3A_179, %lt3A_180 : i32
      %convert_element_type3A_182 = arith.extui %lt3A_181 : i1 to i32
      %cond3A_183 = arith.constant 0 : i32
      %cond3A_184 = arith.cmpi ne, %convert_element_type3A_182, %cond3A_183 : i32
      scf.if %cond3A_184 {
        %add3A_236 = arith.constant 8 : i32
        %add3A_237 = arith.addi %add3A_171, %add3A_236 : i32
        %dma_start3A_238 = arith.constant 0 : i32
        %dma_start3A_239 = tpu.memref_slice %arg8[%add3A_237, %dma_start3A_238] : memref<125x80xi32, #tpu.memory_space<vmem>> -> memref<1x80xi32, #tpu.memory_space<vmem>>
        %dma_start3A_240 = tpu.memref_squeeze %dma_start3A_239 : memref<1x80xi32, #tpu.memory_space<vmem>> -> memref<80xi32, #tpu.memory_space<vmem>>
        %dma_start3A_241 = arith.constant 0 : i32
        %dma_start3A_242 = arith.constant 0 : i32
        %dma_start3A_243 = tpu.memref_slice %arg2[%dma_start3A_241, %dma_start3A_242] : memref<10240x64xf32, #tpu.memory_space<hbm>> -> memref<10240x64xf32, #tpu.memory_space<hbm>>
        tpu.enqueue_indirect_dma source(%dma_start3A_243 : memref<10240x64xf32, #tpu.memory_space<hbm>>) target(%arg14 : memref<80x64xf32, #tpu.memory_space<vmem>>) offsets(%dma_start3A_240 : memref<80xi32, #tpu.memory_space<vmem>>) semaphore(%arg22 : memref<!tpu.dma_semaphore, #tpu.memory_space<semaphore_mem>>)
      } else {
      }
      %mul3A_185 = arith.constant 8 : i32
      %mul3A_186 = arith.muli %mul3A_185, %scan3A_102 : i32
      %add3A_187 = arith.constant 5 : i32
      %add3A_188 = arith.addi %mul3A_186, %add3A_187 : i32
      %dma_wait3A_189 = arith.constant 0 : i32
      %dma_wait3A_190 = tpu.memref_slice %arg8[%add3A_188, %dma_wait3A_189] : memref<125x80xi32, #tpu.memory_space<vmem>> -> memref<1x80xi32, #tpu.memory_space<vmem>>
      %dma_wait3A_191 = tpu.memref_squeeze %dma_wait3A_190 : memref<1x80xi32, #tpu.memory_space<vmem>> -> memref<80xi32, #tpu.memory_space<vmem>>
      %dma_wait3A_192 = arith.constant 0 : i32
      %dma_wait3A_193 = arith.constant 0 : i32
      %dma_wait3A_194 = tpu.memref_slice %arg2[%dma_wait3A_192, %dma_wait3A_193] : memref<10240x64xf32, #tpu.memory_space<hbm>> -> memref<10240x64xf32, #tpu.memory_space<hbm>>
      tpu.wait_indirect_dma semaphore(%arg23 : memref<!tpu.dma_semaphore, #tpu.memory_space<semaphore_mem>>) src(%dma_wait3A_194 : memref<10240x64xf32, #tpu.memory_space<hbm>>) dst(%arg15 : memref<80x64xf32, #tpu.memory_space<vmem>>)
      "tpu.region"() ({
        %run_scoped3A_236 = tpu.sem_alloc : memref<!tpu.dma_semaphore, #tpu.memory_space<semaphore_mem>>
        %dma_start3A_237 = arith.constant 0 : i32
        %dma_start3A_238 = tpu.memref_slice %arg9[%add3A_188, %dma_start3A_237] : memref<125x80xi32, #tpu.memory_space<vmem>> -> memref<1x80xi32, #tpu.memory_space<vmem>>
        %dma_start3A_239 = tpu.memref_squeeze %dma_start3A_238 : memref<1x80xi32, #tpu.memory_space<vmem>> -> memref<80xi32, #tpu.memory_space<vmem>>
        %dma_start3A_240 = arith.constant 0 : i32
        %dma_start3A_241 = arith.constant 0 : i32
        %dma_start3A_242 = tpu.memref_slice %arg7[%dma_start3A_240, %dma_start3A_241] : memref<10240x64xf32, #tpu.memory_space<vmem_shared>> -> memref<10240x64xf32, #tpu.memory_space<vmem_shared>>
        tpu.enqueue_indirect_dma source(%arg15 : memref<80x64xf32, #tpu.memory_space<vmem>>) target(%dma_start3A_242 : memref<10240x64xf32, #tpu.memory_space<vmem_shared>>) offsets(%dma_start3A_239 : memref<80xi32, #tpu.memory_space<vmem>>) semaphore(%run_scoped3A_236 : memref<!tpu.dma_semaphore, #tpu.memory_space<semaphore_mem>>) {add = true}
        %dma_wait3A_243 = arith.constant 0 : i32
        %dma_wait3A_244 = tpu.memref_slice %arg9[%add3A_188, %dma_wait3A_243] : memref<125x80xi32, #tpu.memory_space<vmem>> -> memref<1x80xi32, #tpu.memory_space<vmem>>
        %dma_wait3A_245 = tpu.memref_squeeze %dma_wait3A_244 : memref<1x80xi32, #tpu.memory_space<vmem>> -> memref<80xi32, #tpu.memory_space<vmem>>
        %dma_wait3A_246 = arith.constant 0 : i32
        %dma_wait3A_247 = arith.constant 0 : i32
        %dma_wait3A_248 = tpu.memref_slice %arg7[%dma_wait3A_246, %dma_wait3A_247] : memref<10240x64xf32, #tpu.memory_space<vmem_shared>> -> memref<10240x64xf32, #tpu.memory_space<vmem_shared>>
        tpu.wait_indirect_dma semaphore(%run_scoped3A_236 : memref<!tpu.dma_semaphore, #tpu.memory_space<semaphore_mem>>) src(%arg15 : memref<80x64xf32, #tpu.memory_space<vmem>>) dst(%dma_wait3A_248 : memref<10240x64xf32, #tpu.memory_space<vmem_shared>>)
        tpu.yield
      }) : () -> ()
      %add3A_195 = arith.constant 8 : i32
      %add3A_196 = arith.addi %add3A_188, %add3A_195 : i32
      %lt3A_197 = arith.constant 125 : i32
      %lt3A_198 = arith.cmpi slt, %add3A_196, %lt3A_197 : i32
      %convert_element_type3A_199 = arith.extui %lt3A_198 : i1 to i32
      %cond3A_200 = arith.constant 0 : i32
      %cond3A_201 = arith.cmpi ne, %convert_element_type3A_199, %cond3A_200 : i32
      scf.if %cond3A_201 {
        %add3A_236 = arith.constant 8 : i32
        %add3A_237 = arith.addi %add3A_188, %add3A_236 : i32
        %dma_start3A_238 = arith.constant 0 : i32
        %dma_start3A_239 = tpu.memref_slice %arg8[%add3A_237, %dma_start3A_238] : memref<125x80xi32, #tpu.memory_space<vmem>> -> memref<1x80xi32, #tpu.memory_space<vmem>>
        %dma_start3A_240 = tpu.memref_squeeze %dma_start3A_239 : memref<1x80xi32, #tpu.memory_space<vmem>> -> memref<80xi32, #tpu.memory_space<vmem>>
        %dma_start3A_241 = arith.constant 0 : i32
        %dma_start3A_242 = arith.constant 0 : i32
        %dma_start3A_243 = tpu.memref_slice %arg2[%dma_start3A_241, %dma_start3A_242] : memref<10240x64xf32, #tpu.memory_space<hbm>> -> memref<10240x64xf32, #tpu.memory_space<hbm>>
        tpu.enqueue_indirect_dma source(%dma_start3A_243 : memref<10240x64xf32, #tpu.memory_space<hbm>>) target(%arg15 : memref<80x64xf32, #tpu.memory_space<vmem>>) offsets(%dma_start3A_240 : memref<80xi32, #tpu.memory_space<vmem>>) semaphore(%arg23 : memref<!tpu.dma_semaphore, #tpu.memory_space<semaphore_mem>>)
      } else {
      }
      %mul3A_202 = arith.constant 8 : i32
      %mul3A_203 = arith.muli %mul3A_202, %scan3A_102 : i32
      %add3A_204 = arith.constant 6 : i32
      %add3A_205 = arith.addi %mul3A_203, %add3A_204 : i32
      %dma_wait3A_206 = arith.constant 0 : i32
      %dma_wait3A_207 = tpu.memref_slice %arg8[%add3A_205, %dma_wait3A_206] : memref<125x80xi32, #tpu.memory_space<vmem>> -> memref<1x80xi32, #tpu.memory_space<vmem>>
      %dma_wait3A_208 = tpu.memref_squeeze %dma_wait3A_207 : memref<1x80xi32, #tpu.memory_space<vmem>> -> memref<80xi32, #tpu.memory_space<vmem>>
      %dma_wait3A_209 = arith.constant 0 : i32
      %dma_wait3A_210 = arith.constant 0 : i32
      %dma_wait3A_211 = tpu.memref_slice %arg2[%dma_wait3A_209, %dma_wait3A_210] : memref<10240x64xf32, #tpu.memory_space<hbm>> -> memref<10240x64xf32, #tpu.memory_space<hbm>>
      tpu.wait_indirect_dma semaphore(%arg24 : memref<!tpu.dma_semaphore, #tpu.memory_space<semaphore_mem>>) src(%dma_wait3A_211 : memref<10240x64xf32, #tpu.memory_space<hbm>>) dst(%arg16 : memref<80x64xf32, #tpu.memory_space<vmem>>)
      "tpu.region"() ({
        %run_scoped3A_236 = tpu.sem_alloc : memref<!tpu.dma_semaphore, #tpu.memory_space<semaphore_mem>>
        %dma_start3A_237 = arith.constant 0 : i32
        %dma_start3A_238 = tpu.memref_slice %arg9[%add3A_205, %dma_start3A_237] : memref<125x80xi32, #tpu.memory_space<vmem>> -> memref<1x80xi32, #tpu.memory_space<vmem>>
        %dma_start3A_239 = tpu.memref_squeeze %dma_start3A_238 : memref<1x80xi32, #tpu.memory_space<vmem>> -> memref<80xi32, #tpu.memory_space<vmem>>
        %dma_start3A_240 = arith.constant 0 : i32
        %dma_start3A_241 = arith.constant 0 : i32
        %dma_start3A_242 = tpu.memref_slice %arg7[%dma_start3A_240, %dma_start3A_241] : memref<10240x64xf32, #tpu.memory_space<vmem_shared>> -> memref<10240x64xf32, #tpu.memory_space<vmem_shared>>
        tpu.enqueue_indirect_dma source(%arg16 : memref<80x64xf32, #tpu.memory_space<vmem>>) target(%dma_start3A_242 : memref<10240x64xf32, #tpu.memory_space<vmem_shared>>) offsets(%dma_start3A_239 : memref<80xi32, #tpu.memory_space<vmem>>) semaphore(%run_scoped3A_236 : memref<!tpu.dma_semaphore, #tpu.memory_space<semaphore_mem>>) {add = true}
        %dma_wait3A_243 = arith.constant 0 : i32
        %dma_wait3A_244 = tpu.memref_slice %arg9[%add3A_205, %dma_wait3A_243] : memref<125x80xi32, #tpu.memory_space<vmem>> -> memref<1x80xi32, #tpu.memory_space<vmem>>
        %dma_wait3A_245 = tpu.memref_squeeze %dma_wait3A_244 : memref<1x80xi32, #tpu.memory_space<vmem>> -> memref<80xi32, #tpu.memory_space<vmem>>
        %dma_wait3A_246 = arith.constant 0 : i32
        %dma_wait3A_247 = arith.constant 0 : i32
        %dma_wait3A_248 = tpu.memref_slice %arg7[%dma_wait3A_246, %dma_wait3A_247] : memref<10240x64xf32, #tpu.memory_space<vmem_shared>> -> memref<10240x64xf32, #tpu.memory_space<vmem_shared>>
        tpu.wait_indirect_dma semaphore(%run_scoped3A_236 : memref<!tpu.dma_semaphore, #tpu.memory_space<semaphore_mem>>) src(%arg16 : memref<80x64xf32, #tpu.memory_space<vmem>>) dst(%dma_wait3A_248 : memref<10240x64xf32, #tpu.memory_space<vmem_shared>>)
        tpu.yield
      }) : () -> ()
      %add3A_212 = arith.constant 8 : i32
      %add3A_213 = arith.addi %add3A_205, %add3A_212 : i32
      %lt3A_214 = arith.constant 125 : i32
      %lt3A_215 = arith.cmpi slt, %add3A_213, %lt3A_214 : i32
      %convert_element_type3A_216 = arith.extui %lt3A_215 : i1 to i32
      %cond3A_217 = arith.constant 0 : i32
      %cond3A_218 = arith.cmpi ne, %convert_element_type3A_216, %cond3A_217 : i32
      scf.if %cond3A_218 {
        %add3A_236 = arith.constant 8 : i32
        %add3A_237 = arith.addi %add3A_205, %add3A_236 : i32
        %dma_start3A_238 = arith.constant 0 : i32
        %dma_start3A_239 = tpu.memref_slice %arg8[%add3A_237, %dma_start3A_238] : memref<125x80xi32, #tpu.memory_space<vmem>> -> memref<1x80xi32, #tpu.memory_space<vmem>>
        %dma_start3A_240 = tpu.memref_squeeze %dma_start3A_239 : memref<1x80xi32, #tpu.memory_space<vmem>> -> memref<80xi32, #tpu.memory_space<vmem>>
        %dma_start3A_241 = arith.constant 0 : i32
        %dma_start3A_242 = arith.constant 0 : i32
        %dma_start3A_243 = tpu.memref_slice %arg2[%dma_start3A_241, %dma_start3A_242] : memref<10240x64xf32, #tpu.memory_space<hbm>> -> memref<10240x64xf32, #tpu.memory_space<hbm>>
        tpu.enqueue_indirect_dma source(%dma_start3A_243 : memref<10240x64xf32, #tpu.memory_space<hbm>>) target(%arg16 : memref<80x64xf32, #tpu.memory_space<vmem>>) offsets(%dma_start3A_240 : memref<80xi32, #tpu.memory_space<vmem>>) semaphore(%arg24 : memref<!tpu.dma_semaphore, #tpu.memory_space<semaphore_mem>>)
      } else {
      }
      %mul3A_219 = arith.constant 8 : i32
      %mul3A_220 = arith.muli %mul3A_219, %scan3A_102 : i32
      %add3A_221 = arith.constant 7 : i32
      %add3A_222 = arith.addi %mul3A_220, %add3A_221 : i32
      %dma_wait3A_223 = arith.constant 0 : i32
      %dma_wait3A_224 = tpu.memref_slice %arg8[%add3A_222, %dma_wait3A_223] : memref<125x80xi32, #tpu.memory_space<vmem>> -> memref<1x80xi32, #tpu.memory_space<vmem>>
      %dma_wait3A_225 = tpu.memref_squeeze %dma_wait3A_224 : memref<1x80xi32, #tpu.memory_space<vmem>> -> memref<80xi32, #tpu.memory_space<vmem>>
      %dma_wait3A_226 = arith.constant 0 : i32
      %dma_wait3A_227 = arith.constant 0 : i32
      %dma_wait3A_228 = tpu.memref_slice %arg2[%dma_wait3A_226, %dma_wait3A_227] : memref<10240x64xf32, #tpu.memory_space<hbm>> -> memref<10240x64xf32, #tpu.memory_space<hbm>>
      tpu.wait_indirect_dma semaphore(%arg25 : memref<!tpu.dma_semaphore, #tpu.memory_space<semaphore_mem>>) src(%dma_wait3A_228 : memref<10240x64xf32, #tpu.memory_space<hbm>>) dst(%arg17 : memref<80x64xf32, #tpu.memory_space<vmem>>)
      "tpu.region"() ({
        %run_scoped3A_236 = tpu.sem_alloc : memref<!tpu.dma_semaphore, #tpu.memory_space<semaphore_mem>>
        %dma_start3A_237 = arith.constant 0 : i32
        %dma_start3A_238 = tpu.memref_slice %arg9[%add3A_222, %dma_start3A_237] : memref<125x80xi32, #tpu.memory_space<vmem>> -> memref<1x80xi32, #tpu.memory_space<vmem>>
        %dma_start3A_239 = tpu.memref_squeeze %dma_start3A_238 : memref<1x80xi32, #tpu.memory_space<vmem>> -> memref<80xi32, #tpu.memory_space<vmem>>
        %dma_start3A_240 = arith.constant 0 : i32
        %dma_start3A_241 = arith.constant 0 : i32
        %dma_start3A_242 = tpu.memref_slice %arg7[%dma_start3A_240, %dma_start3A_241] : memref<10240x64xf32, #tpu.memory_space<vmem_shared>> -> memref<10240x64xf32, #tpu.memory_space<vmem_shared>>
        tpu.enqueue_indirect_dma source(%arg17 : memref<80x64xf32, #tpu.memory_space<vmem>>) target(%dma_start3A_242 : memref<10240x64xf32, #tpu.memory_space<vmem_shared>>) offsets(%dma_start3A_239 : memref<80xi32, #tpu.memory_space<vmem>>) semaphore(%run_scoped3A_236 : memref<!tpu.dma_semaphore, #tpu.memory_space<semaphore_mem>>) {add = true}
        %dma_wait3A_243 = arith.constant 0 : i32
        %dma_wait3A_244 = tpu.memref_slice %arg9[%add3A_222, %dma_wait3A_243] : memref<125x80xi32, #tpu.memory_space<vmem>> -> memref<1x80xi32, #tpu.memory_space<vmem>>
        %dma_wait3A_245 = tpu.memref_squeeze %dma_wait3A_244 : memref<1x80xi32, #tpu.memory_space<vmem>> -> memref<80xi32, #tpu.memory_space<vmem>>
        %dma_wait3A_246 = arith.constant 0 : i32
        %dma_wait3A_247 = arith.constant 0 : i32
        %dma_wait3A_248 = tpu.memref_slice %arg7[%dma_wait3A_246, %dma_wait3A_247] : memref<10240x64xf32, #tpu.memory_space<vmem_shared>> -> memref<10240x64xf32, #tpu.memory_space<vmem_shared>>
        tpu.wait_indirect_dma semaphore(%run_scoped3A_236 : memref<!tpu.dma_semaphore, #tpu.memory_space<semaphore_mem>>) src(%arg17 : memref<80x64xf32, #tpu.memory_space<vmem>>) dst(%dma_wait3A_248 : memref<10240x64xf32, #tpu.memory_space<vmem_shared>>)
        tpu.yield
      }) : () -> ()
      %add3A_229 = arith.constant 8 : i32
      %add3A_230 = arith.addi %add3A_222, %add3A_229 : i32
      %lt3A_231 = arith.constant 125 : i32
      %lt3A_232 = arith.cmpi slt, %add3A_230, %lt3A_231 : i32
      %convert_element_type3A_233 = arith.extui %lt3A_232 : i1 to i32
      %cond3A_234 = arith.constant 0 : i32
      %cond3A_235 = arith.cmpi ne, %convert_element_type3A_233, %cond3A_234 : i32
      scf.if %cond3A_235 {
        %add3A_236 = arith.constant 8 : i32
        %add3A_237 = arith.addi %add3A_222, %add3A_236 : i32
        %dma_start3A_238 = arith.constant 0 : i32
        %dma_start3A_239 = tpu.memref_slice %arg8[%add3A_237, %dma_start3A_238] : memref<125x80xi32, #tpu.memory_space<vmem>> -> memref<1x80xi32, #tpu.memory_space<vmem>>
        %dma_start3A_240 = tpu.memref_squeeze %dma_start3A_239 : memref<1x80xi32, #tpu.memory_space<vmem>> -> memref<80xi32, #tpu.memory_space<vmem>>
        %dma_start3A_241 = arith.constant 0 : i32
        %dma_start3A_242 = arith.constant 0 : i32
        %dma_start3A_243 = tpu.memref_slice %arg2[%dma_start3A_241, %dma_start3A_242] : memref<10240x64xf32, #tpu.memory_space<hbm>> -> memref<10240x64xf32, #tpu.memory_space<hbm>>
        tpu.enqueue_indirect_dma source(%dma_start3A_243 : memref<10240x64xf32, #tpu.memory_space<hbm>>) target(%arg17 : memref<80x64xf32, #tpu.memory_space<vmem>>) offsets(%dma_start3A_240 : memref<80xi32, #tpu.memory_space<vmem>>) semaphore(%arg25 : memref<!tpu.dma_semaphore, #tpu.memory_space<semaphore_mem>>)
      } else {
      }
    }
    %scan3A_62 = arith.constant 15 : i32
    %dma_wait3A = arith.constant 120 : i32
    %dma_wait3A_63 = arith.constant 0 : i32
    %dma_wait3A_64 = tpu.memref_slice %arg8[%dma_wait3A, %dma_wait3A_63] : memref<125x80xi32, #tpu.memory_space<vmem>> -> memref<1x80xi32, #tpu.memory_space<vmem>>
    %dma_wait3A_65 = tpu.memref_squeeze %dma_wait3A_64 : memref<1x80xi32, #tpu.memory_space<vmem>> -> memref<80xi32, #tpu.memory_space<vmem>>
    %dma_wait3A_66 = arith.constant 0 : i32
    %dma_wait3A_67 = arith.constant 0 : i32
    %dma_wait3A_68 = tpu.memref_slice %arg2[%dma_wait3A_66, %dma_wait3A_67] : memref<10240x64xf32, #tpu.memory_space<hbm>> -> memref<10240x64xf32, #tpu.memory_space<hbm>>
    tpu.wait_indirect_dma semaphore(%arg18 : memref<!tpu.dma_semaphore, #tpu.memory_space<semaphore_mem>>) src(%dma_wait3A_68 : memref<10240x64xf32, #tpu.memory_space<hbm>>) dst(%arg10 : memref<80x64xf32, #tpu.memory_space<vmem>>)
    %run_scoped3A = arith.constant 120 : i32
    "tpu.region"() ({
      %run_scoped3A_102 = tpu.sem_alloc : memref<!tpu.dma_semaphore, #tpu.memory_space<semaphore_mem>>
      %dma_start3A_103 = arith.constant 0 : i32
      %dma_start3A_104 = tpu.memref_slice %arg9[%run_scoped3A, %dma_start3A_103] : memref<125x80xi32, #tpu.memory_space<vmem>> -> memref<1x80xi32, #tpu.memory_space<vmem>>
      %dma_start3A_105 = tpu.memref_squeeze %dma_start3A_104 : memref<1x80xi32, #tpu.memory_space<vmem>> -> memref<80xi32, #tpu.memory_space<vmem>>
      %dma_start3A_106 = arith.constant 0 : i32
      %dma_start3A_107 = arith.constant 0 : i32
      %dma_start3A_108 = tpu.memref_slice %arg7[%dma_start3A_106, %dma_start3A_107] : memref<10240x64xf32, #tpu.memory_space<vmem_shared>> -> memref<10240x64xf32, #tpu.memory_space<vmem_shared>>
      tpu.enqueue_indirect_dma source(%arg10 : memref<80x64xf32, #tpu.memory_space<vmem>>) target(%dma_start3A_108 : memref<10240x64xf32, #tpu.memory_space<vmem_shared>>) offsets(%dma_start3A_105 : memref<80xi32, #tpu.memory_space<vmem>>) semaphore(%run_scoped3A_102 : memref<!tpu.dma_semaphore, #tpu.memory_space<semaphore_mem>>) {add = true}
      %dma_wait3A_109 = arith.constant 0 : i32
      %dma_wait3A_110 = tpu.memref_slice %arg9[%run_scoped3A, %dma_wait3A_109] : memref<125x80xi32, #tpu.memory_space<vmem>> -> memref<1x80xi32, #tpu.memory_space<vmem>>
      %dma_wait3A_111 = tpu.memref_squeeze %dma_wait3A_110 : memref<1x80xi32, #tpu.memory_space<vmem>> -> memref<80xi32, #tpu.memory_space<vmem>>
      %dma_wait3A_112 = arith.constant 0 : i32
      %dma_wait3A_113 = arith.constant 0 : i32
      %dma_wait3A_114 = tpu.memref_slice %arg7[%dma_wait3A_112, %dma_wait3A_113] : memref<10240x64xf32, #tpu.memory_space<vmem_shared>> -> memref<10240x64xf32, #tpu.memory_space<vmem_shared>>
      tpu.wait_indirect_dma semaphore(%run_scoped3A_102 : memref<!tpu.dma_semaphore, #tpu.memory_space<semaphore_mem>>) src(%arg10 : memref<80x64xf32, #tpu.memory_space<vmem>>) dst(%dma_wait3A_114 : memref<10240x64xf32, #tpu.memory_space<vmem_shared>>)
      tpu.yield
    }) : () -> ()
    %dma_wait3A_69 = arith.constant 121 : i32
    %dma_wait3A_70 = arith.constant 0 : i32
    %dma_wait3A_71 = tpu.memref_slice %arg8[%dma_wait3A_69, %dma_wait3A_70] : memref<125x80xi32, #tpu.memory_space<vmem>> -> memref<1x80xi32, #tpu.memory_space<vmem>>
    %dma_wait3A_72 = tpu.memref_squeeze %dma_wait3A_71 : memref<1x80xi32, #tpu.memory_space<vmem>> -> memref<80xi32, #tpu.memory_space<vmem>>
    %dma_wait3A_73 = arith.constant 0 : i32
    %dma_wait3A_74 = arith.constant 0 : i32
    %dma_wait3A_75 = tpu.memref_slice %arg2[%dma_wait3A_73, %dma_wait3A_74] : memref<10240x64xf32, #tpu.memory_space<hbm>> -> memref<10240x64xf32, #tpu.memory_space<hbm>>
    tpu.wait_indirect_dma semaphore(%arg19 : memref<!tpu.dma_semaphore, #tpu.memory_space<semaphore_mem>>) src(%dma_wait3A_75 : memref<10240x64xf32, #tpu.memory_space<hbm>>) dst(%arg11 : memref<80x64xf32, #tpu.memory_space<vmem>>)
    %run_scoped3A_76 = arith.constant 121 : i32
    "tpu.region"() ({
      %run_scoped3A_102 = tpu.sem_alloc : memref<!tpu.dma_semaphore, #tpu.memory_space<semaphore_mem>>
      %dma_start3A_103 = arith.constant 0 : i32
      %dma_start3A_104 = tpu.memref_slice %arg9[%run_scoped3A_76, %dma_start3A_103] : memref<125x80xi32, #tpu.memory_space<vmem>> -> memref<1x80xi32, #tpu.memory_space<vmem>>
      %dma_start3A_105 = tpu.memref_squeeze %dma_start3A_104 : memref<1x80xi32, #tpu.memory_space<vmem>> -> memref<80xi32, #tpu.memory_space<vmem>>
      %dma_start3A_106 = arith.constant 0 : i32
      %dma_start3A_107 = arith.constant 0 : i32
      %dma_start3A_108 = tpu.memref_slice %arg7[%dma_start3A_106, %dma_start3A_107] : memref<10240x64xf32, #tpu.memory_space<vmem_shared>> -> memref<10240x64xf32, #tpu.memory_space<vmem_shared>>
      tpu.enqueue_indirect_dma source(%arg11 : memref<80x64xf32, #tpu.memory_space<vmem>>) target(%dma_start3A_108 : memref<10240x64xf32, #tpu.memory_space<vmem_shared>>) offsets(%dma_start3A_105 : memref<80xi32, #tpu.memory_space<vmem>>) semaphore(%run_scoped3A_102 : memref<!tpu.dma_semaphore, #tpu.memory_space<semaphore_mem>>) {add = true}
      %dma_wait3A_109 = arith.constant 0 : i32
      %dma_wait3A_110 = tpu.memref_slice %arg9[%run_scoped3A_76, %dma_wait3A_109] : memref<125x80xi32, #tpu.memory_space<vmem>> -> memref<1x80xi32, #tpu.memory_space<vmem>>
      %dma_wait3A_111 = tpu.memref_squeeze %dma_wait3A_110 : memref<1x80xi32, #tpu.memory_space<vmem>> -> memref<80xi32, #tpu.memory_space<vmem>>
      %dma_wait3A_112 = arith.constant 0 : i32
      %dma_wait3A_113 = arith.constant 0 : i32
      %dma_wait3A_114 = tpu.memref_slice %arg7[%dma_wait3A_112, %dma_wait3A_113] : memref<10240x64xf32, #tpu.memory_space<vmem_shared>> -> memref<10240x64xf32, #tpu.memory_space<vmem_shared>>
      tpu.wait_indirect_dma semaphore(%run_scoped3A_102 : memref<!tpu.dma_semaphore, #tpu.memory_space<semaphore_mem>>) src(%arg11 : memref<80x64xf32, #tpu.memory_space<vmem>>) dst(%dma_wait3A_114 : memref<10240x64xf32, #tpu.memory_space<vmem_shared>>)
      tpu.yield
    }) : () -> ()
    %dma_wait3A_77 = arith.constant 122 : i32
    %dma_wait3A_78 = arith.constant 0 : i32
    %dma_wait3A_79 = tpu.memref_slice %arg8[%dma_wait3A_77, %dma_wait3A_78] : memref<125x80xi32, #tpu.memory_space<vmem>> -> memref<1x80xi32, #tpu.memory_space<vmem>>
    %dma_wait3A_80 = tpu.memref_squeeze %dma_wait3A_79 : memref<1x80xi32, #tpu.memory_space<vmem>> -> memref<80xi32, #tpu.memory_space<vmem>>
    %dma_wait3A_81 = arith.constant 0 : i32
    %dma_wait3A_82 = arith.constant 0 : i32
    %dma_wait3A_83 = tpu.memref_slice %arg2[%dma_wait3A_81, %dma_wait3A_82] : memref<10240x64xf32, #tpu.memory_space<hbm>> -> memref<10240x64xf32, #tpu.memory_space<hbm>>
    tpu.wait_indirect_dma semaphore(%arg20 : memref<!tpu.dma_semaphore, #tpu.memory_space<semaphore_mem>>) src(%dma_wait3A_83 : memref<10240x64xf32, #tpu.memory_space<hbm>>) dst(%arg12 : memref<80x64xf32, #tpu.memory_space<vmem>>)
    %run_scoped3A_84 = arith.constant 122 : i32
    "tpu.region"() ({
      %run_scoped3A_102 = tpu.sem_alloc : memref<!tpu.dma_semaphore, #tpu.memory_space<semaphore_mem>>
      %dma_start3A_103 = arith.constant 0 : i32
      %dma_start3A_104 = tpu.memref_slice %arg9[%run_scoped3A_84, %dma_start3A_103] : memref<125x80xi32, #tpu.memory_space<vmem>> -> memref<1x80xi32, #tpu.memory_space<vmem>>
      %dma_start3A_105 = tpu.memref_squeeze %dma_start3A_104 : memref<1x80xi32, #tpu.memory_space<vmem>> -> memref<80xi32, #tpu.memory_space<vmem>>
      %dma_start3A_106 = arith.constant 0 : i32
      %dma_start3A_107 = arith.constant 0 : i32
      %dma_start3A_108 = tpu.memref_slice %arg7[%dma_start3A_106, %dma_start3A_107] : memref<10240x64xf32, #tpu.memory_space<vmem_shared>> -> memref<10240x64xf32, #tpu.memory_space<vmem_shared>>
      tpu.enqueue_indirect_dma source(%arg12 : memref<80x64xf32, #tpu.memory_space<vmem>>) target(%dma_start3A_108 : memref<10240x64xf32, #tpu.memory_space<vmem_shared>>) offsets(%dma_start3A_105 : memref<80xi32, #tpu.memory_space<vmem>>) semaphore(%run_scoped3A_102 : memref<!tpu.dma_semaphore, #tpu.memory_space<semaphore_mem>>) {add = true}
      %dma_wait3A_109 = arith.constant 0 : i32
      %dma_wait3A_110 = tpu.memref_slice %arg9[%run_scoped3A_84, %dma_wait3A_109] : memref<125x80xi32, #tpu.memory_space<vmem>> -> memref<1x80xi32, #tpu.memory_space<vmem>>
      %dma_wait3A_111 = tpu.memref_squeeze %dma_wait3A_110 : memref<1x80xi32, #tpu.memory_space<vmem>> -> memref<80xi32, #tpu.memory_space<vmem>>
      %dma_wait3A_112 = arith.constant 0 : i32
      %dma_wait3A_113 = arith.constant 0 : i32
      %dma_wait3A_114 = tpu.memref_slice %arg7[%dma_wait3A_112, %dma_wait3A_113] : memref<10240x64xf32, #tpu.memory_space<vmem_shared>> -> memref<10240x64xf32, #tpu.memory_space<vmem_shared>>
      tpu.wait_indirect_dma semaphore(%run_scoped3A_102 : memref<!tpu.dma_semaphore, #tpu.memory_space<semaphore_mem>>) src(%arg12 : memref<80x64xf32, #tpu.memory_space<vmem>>) dst(%dma_wait3A_114 : memref<10240x64xf32, #tpu.memory_space<vmem_shared>>)
      tpu.yield
    }) : () -> ()
    %dma_wait3A_85 = arith.constant 123 : i32
    %dma_wait3A_86 = arith.constant 0 : i32
    %dma_wait3A_87 = tpu.memref_slice %arg8[%dma_wait3A_85, %dma_wait3A_86] : memref<125x80xi32, #tpu.memory_space<vmem>> -> memref<1x80xi32, #tpu.memory_space<vmem>>
    %dma_wait3A_88 = tpu.memref_squeeze %dma_wait3A_87 : memref<1x80xi32, #tpu.memory_space<vmem>> -> memref<80xi32, #tpu.memory_space<vmem>>
    %dma_wait3A_89 = arith.constant 0 : i32
    %dma_wait3A_90 = arith.constant 0 : i32
    %dma_wait3A_91 = tpu.memref_slice %arg2[%dma_wait3A_89, %dma_wait3A_90] : memref<10240x64xf32, #tpu.memory_space<hbm>> -> memref<10240x64xf32, #tpu.memory_space<hbm>>
    tpu.wait_indirect_dma semaphore(%arg21 : memref<!tpu.dma_semaphore, #tpu.memory_space<semaphore_mem>>) src(%dma_wait3A_91 : memref<10240x64xf32, #tpu.memory_space<hbm>>) dst(%arg13 : memref<80x64xf32, #tpu.memory_space<vmem>>)
    %run_scoped3A_92 = arith.constant 123 : i32
    "tpu.region"() ({
      %run_scoped3A_102 = tpu.sem_alloc : memref<!tpu.dma_semaphore, #tpu.memory_space<semaphore_mem>>
      %dma_start3A_103 = arith.constant 0 : i32
      %dma_start3A_104 = tpu.memref_slice %arg9[%run_scoped3A_92, %dma_start3A_103] : memref<125x80xi32, #tpu.memory_space<vmem>> -> memref<1x80xi32, #tpu.memory_space<vmem>>
      %dma_start3A_105 = tpu.memref_squeeze %dma_start3A_104 : memref<1x80xi32, #tpu.memory_space<vmem>> -> memref<80xi32, #tpu.memory_space<vmem>>
      %dma_start3A_106 = arith.constant 0 : i32
      %dma_start3A_107 = arith.constant 0 : i32
      %dma_start3A_108 = tpu.memref_slice %arg7[%dma_start3A_106, %dma_start3A_107] : memref<10240x64xf32, #tpu.memory_space<vmem_shared>> -> memref<10240x64xf32, #tpu.memory_space<vmem_shared>>
      tpu.enqueue_indirect_dma source(%arg13 : memref<80x64xf32, #tpu.memory_space<vmem>>) target(%dma_start3A_108 : memref<10240x64xf32, #tpu.memory_space<vmem_shared>>) offsets(%dma_start3A_105 : memref<80xi32, #tpu.memory_space<vmem>>) semaphore(%run_scoped3A_102 : memref<!tpu.dma_semaphore, #tpu.memory_space<semaphore_mem>>) {add = true}
      %dma_wait3A_109 = arith.constant 0 : i32
      %dma_wait3A_110 = tpu.memref_slice %arg9[%run_scoped3A_92, %dma_wait3A_109] : memref<125x80xi32, #tpu.memory_space<vmem>> -> memref<1x80xi32, #tpu.memory_space<vmem>>
      %dma_wait3A_111 = tpu.memref_squeeze %dma_wait3A_110 : memref<1x80xi32, #tpu.memory_space<vmem>> -> memref<80xi32, #tpu.memory_space<vmem>>
      %dma_wait3A_112 = arith.constant 0 : i32
      %dma_wait3A_113 = arith.constant 0 : i32
      %dma_wait3A_114 = tpu.memref_slice %arg7[%dma_wait3A_112, %dma_wait3A_113] : memref<10240x64xf32, #tpu.memory_space<vmem_shared>> -> memref<10240x64xf32, #tpu.memory_space<vmem_shared>>
      tpu.wait_indirect_dma semaphore(%run_scoped3A_102 : memref<!tpu.dma_semaphore, #tpu.memory_space<semaphore_mem>>) src(%arg13 : memref<80x64xf32, #tpu.memory_space<vmem>>) dst(%dma_wait3A_114 : memref<10240x64xf32, #tpu.memory_space<vmem_shared>>)
      tpu.yield
    }) : () -> ()
    %dma_wait3A_93 = arith.constant 124 : i32
    %dma_wait3A_94 = arith.constant 0 : i32
    %dma_wait3A_95 = tpu.memref_slice %arg8[%dma_wait3A_93, %dma_wait3A_94] : memref<125x80xi32, #tpu.memory_space<vmem>> -> memref<1x80xi32, #tpu.memory_space<vmem>>
    %dma_wait3A_96 = tpu.memref_squeeze %dma_wait3A_95 : memref<1x80xi32, #tpu.memory_space<vmem>> -> memref<80xi32, #tpu.memory_space<vmem>>
    %dma_wait3A_97 = arith.constant 0 : i32
    %dma_wait3A_98 = arith.constant 0 : i32
    %dma_wait3A_99 = tpu.memref_slice %arg2[%dma_wait3A_97, %dma_wait3A_98] : memref<10240x64xf32, #tpu.memory_space<hbm>> -> memref<10240x64xf32, #tpu.memory_space<hbm>>
    tpu.wait_indirect_dma semaphore(%arg22 : memref<!tpu.dma_semaphore, #tpu.memory_space<semaphore_mem>>) src(%dma_wait3A_99 : memref<10240x64xf32, #tpu.memory_space<hbm>>) dst(%arg14 : memref<80x64xf32, #tpu.memory_space<vmem>>)
    %run_scoped3A_100 = arith.constant 124 : i32
    "tpu.region"() ({
      %run_scoped3A_102 = tpu.sem_alloc : memref<!tpu.dma_semaphore, #tpu.memory_space<semaphore_mem>>
      %dma_start3A_103 = arith.constant 0 : i32
      %dma_start3A_104 = tpu.memref_slice %arg9[%run_scoped3A_100, %dma_start3A_103] : memref<125x80xi32, #tpu.memory_space<vmem>> -> memref<1x80xi32, #tpu.memory_space<vmem>>
      %dma_start3A_105 = tpu.memref_squeeze %dma_start3A_104 : memref<1x80xi32, #tpu.memory_space<vmem>> -> memref<80xi32, #tpu.memory_space<vmem>>
      %dma_start3A_106 = arith.constant 0 : i32
      %dma_start3A_107 = arith.constant 0 : i32
      %dma_start3A_108 = tpu.memref_slice %arg7[%dma_start3A_106, %dma_start3A_107] : memref<10240x64xf32, #tpu.memory_space<vmem_shared>> -> memref<10240x64xf32, #tpu.memory_space<vmem_shared>>
      tpu.enqueue_indirect_dma source(%arg14 : memref<80x64xf32, #tpu.memory_space<vmem>>) target(%dma_start3A_108 : memref<10240x64xf32, #tpu.memory_space<vmem_shared>>) offsets(%dma_start3A_105 : memref<80xi32, #tpu.memory_space<vmem>>) semaphore(%run_scoped3A_102 : memref<!tpu.dma_semaphore, #tpu.memory_space<semaphore_mem>>) {add = true}
      %dma_wait3A_109 = arith.constant 0 : i32
      %dma_wait3A_110 = tpu.memref_slice %arg9[%run_scoped3A_100, %dma_wait3A_109] : memref<125x80xi32, #tpu.memory_space<vmem>> -> memref<1x80xi32, #tpu.memory_space<vmem>>
      %dma_wait3A_111 = tpu.memref_squeeze %dma_wait3A_110 : memref<1x80xi32, #tpu.memory_space<vmem>> -> memref<80xi32, #tpu.memory_space<vmem>>
      %dma_wait3A_112 = arith.constant 0 : i32
      %dma_wait3A_113 = arith.constant 0 : i32
      %dma_wait3A_114 = tpu.memref_slice %arg7[%dma_wait3A_112, %dma_wait3A_113] : memref<10240x64xf32, #tpu.memory_space<vmem_shared>> -> memref<10240x64xf32, #tpu.memory_space<vmem_shared>>
      tpu.wait_indirect_dma semaphore(%run_scoped3A_102 : memref<!tpu.dma_semaphore, #tpu.memory_space<semaphore_mem>>) src(%arg14 : memref<80x64xf32, #tpu.memory_space<vmem>>) dst(%dma_wait3A_114 : memref<10240x64xf32, #tpu.memory_space<vmem_shared>>)
      tpu.yield
    }) : () -> ()
    %barrier3A_101 = arith.constant 0 : index
    tpu.barrier barrier_id(%barrier3A_101)
    "tpu.region"() ({
      %run_scoped3A_102 = tpu.sem_alloc : memref<!tpu.dma_semaphore, #tpu.memory_space<semaphore_mem>>
      %dma_start3A_103 = arith.constant 0 : i32
      %dma_start3A_104 = tpu.memref_slice %arg6[%arg0, %mul3A_2, %dma_start3A_103] : memref<2x10240x64xf32, #tpu.memory_space<hbm>> -> memref<1x640x64xf32, #tpu.memory_space<hbm>>
      %dma_start3A_105 = tpu.memref_squeeze %dma_start3A_104 : memref<1x640x64xf32, #tpu.memory_space<hbm>> -> memref<640x64xf32, #tpu.memory_space<hbm>>
      %dma_start3A_106 = arith.constant 0 : i32
      %dma_start3A_107 = tpu.memref_slice %arg7[%mul3A_2, %dma_start3A_106] : memref<10240x64xf32, #tpu.memory_space<vmem_shared>> -> memref<640x64xf32, #tpu.memory_space<vmem_shared>>
      tpu.enqueue_dma source(%dma_start3A_107 : memref<640x64xf32, #tpu.memory_space<vmem_shared>>) target(%dma_start3A_105 : memref<640x64xf32, #tpu.memory_space<hbm>>) target_semaphore(%run_scoped3A_102 : memref<!tpu.dma_semaphore, #tpu.memory_space<semaphore_mem>>)
      %dma_wait3A_108 = arith.constant 0 : i32
      %dma_wait3A_109 = tpu.memref_slice %arg6[%arg0, %mul3A_2, %dma_wait3A_108] : memref<2x10240x64xf32, #tpu.memory_space<hbm>> -> memref<1x640x64xf32, #tpu.memory_space<hbm>>
      %dma_wait3A_110 = tpu.memref_squeeze %dma_wait3A_109 : memref<1x640x64xf32, #tpu.memory_space<hbm>> -> memref<640x64xf32, #tpu.memory_space<hbm>>
      %dma_wait3A_111 = arith.constant 0 : i32
      %dma_wait3A_112 = tpu.memref_slice %arg7[%mul3A_2, %dma_wait3A_111] : memref<10240x64xf32, #tpu.memory_space<vmem_shared>> -> memref<640x64xf32, #tpu.memory_space<vmem_shared>>
      tpu.wait_dma2 semaphore(%run_scoped3A_102 : memref<!tpu.dma_semaphore, #tpu.memory_space<semaphore_mem>>) src(%dma_wait3A_112 : memref<640x64xf32, #tpu.memory_space<vmem_shared>>) dst(%dma_wait3A_110 : memref<640x64xf32, #tpu.memory_space<hbm>>)
      tpu.yield
    }) : () -> ()
    return
  }
}

#map = affine_map<(d0, d1) -> (0, 0)>
#map1 = affine_map<(d0, d1) -> (0, 0, 0)>
module attributes {stable_mosaic.version = 14 : i64} {
  func.func @_agg_body(%arg0: i32, %arg1: i32, %arg2: memref<10240x64xf32, #tpu.memory_space<hbm>>, %arg3: memref<32x125x80xi32, #tpu.memory_space<hbm>>, %arg4: memref<32x125x80xi32, #tpu.memory_space<hbm>>, %arg5: memref<10240x64xf32, #tpu.memory_space<hbm>>, %arg6: memref<2x10240x64xf32, #tpu.memory_space<hbm>>, %arg7: memref<10240x64xf32, #tpu.memory_space<vmem_shared>>, %arg8: memref<125x80xi32, #tpu.memory_space<vmem>>, %arg9: memref<125x80xi32, #tpu.memory_space<vmem>>, %arg10: memref<80x64xf32, #tpu.memory_space<vmem>>, %arg11: memref<80x64xf32, #tpu.memory_space<vmem>>, %arg12: memref<80x64xf32, #tpu.memory_space<vmem>>, %arg13: memref<80x64xf32, #tpu.memory_space<vmem>>, %arg14: memref<80x64xf32, #tpu.memory_space<vmem>>, %arg15: memref<80x64xf32, #tpu.memory_space<vmem>>, %arg16: memref<80x64xf32, #tpu.memory_space<vmem>>, %arg17: memref<80x64xf32, #tpu.memory_space<vmem>>, %arg18: memref<!tpu.dma_semaphore, #tpu.memory_space<semaphore_mem>>, %arg19: memref<!tpu.dma_semaphore, #tpu.memory_space<semaphore_mem>>, %arg20: memref<!tpu.dma_semaphore, #tpu.memory_space<semaphore_mem>>, %arg21: memref<!tpu.dma_semaphore, #tpu.memory_space<semaphore_mem>>, %arg22: memref<!tpu.dma_semaphore, #tpu.memory_space<semaphore_mem>>, %arg23: memref<!tpu.dma_semaphore, #tpu.memory_space<semaphore_mem>>, %arg24: memref<!tpu.dma_semaphore, #tpu.memory_space<semaphore_mem>>, %arg25: memref<!tpu.dma_semaphore, #tpu.memory_space<semaphore_mem>>) attributes {dimension_semantics = [#tpu.dimension_semantics<core_parallel>, #tpu.dimension_semantics<subcore_parallel>], iteration_bounds = array<i64: 2, 16>, scalar_prefetch = 0 : i64, scratch_operands = 19 : i64, tpu.core_type = #tpu.core_type<sc_vector_subcore>, window_params = [{transform_indices = #map}, {transform_indices = #map1}, {transform_indices = #map1}, {transform_indices = #map}, {transform_indices = #map1}]} {
    %mul3A = arith.constant 2 : i32
    %mul3A_0 = arith.muli %arg1, %mul3A : i32
    %add3A = arith.addi %mul3A_0, %arg0 : i32
    %mul3A_1 = arith.constant 640 : i32
    %mul3A_2 = arith.muli %arg1, %mul3A_1 : i32
    "tpu.region"() ({
      %run_scoped3A_102 = tpu.sem_alloc : memref<!tpu.dma_semaphore, #tpu.memory_space<semaphore_mem>>
      %dma_start3A_103 = arith.constant 0 : i32
      %dma_start3A_104 = tpu.memref_slice %arg7[%mul3A_2, %dma_start3A_103] : memref<10240x64xf32, #tpu.memory_space<vmem_shared>> -> memref<640x64xf32, #tpu.memory_space<vmem_shared>>
      %dma_start3A_105 = arith.constant 0 : i32
      %dma_start3A_106 = tpu.memref_slice %arg5[%mul3A_2, %dma_start3A_105] : memref<10240x64xf32, #tpu.memory_space<hbm>> -> memref<640x64xf32, #tpu.memory_space<hbm>>
      tpu.enqueue_dma source(%dma_start3A_106 : memref<640x64xf32, #tpu.memory_space<hbm>>) target(%dma_start3A_104 : memref<640x64xf32, #tpu.memory_space<vmem_shared>>) target_semaphore(%run_scoped3A_102 : memref<!tpu.dma_semaphore, #tpu.memory_space<semaphore_mem>>)
      %dma_wait3A_107 = arith.constant 0 : i32
      %dma_wait3A_108 = tpu.memref_slice %arg7[%mul3A_2, %dma_wait3A_107] : memref<10240x64xf32, #tpu.memory_space<vmem_shared>> -> memref<640x64xf32, #tpu.memory_space<vmem_shared>>
      %dma_wait3A_109 = arith.constant 0 : i32
      %dma_wait3A_110 = tpu.memref_slice %arg5[%mul3A_2, %dma_wait3A_109] : memref<10240x64xf32, #tpu.memory_space<hbm>> -> memref<640x64xf32, #tpu.memory_space<hbm>>
      tpu.wait_dma2 semaphore(%run_scoped3A_102 : memref<!tpu.dma_semaphore, #tpu.memory_space<semaphore_mem>>) src(%dma_wait3A_110 : memref<640x64xf32, #tpu.memory_space<hbm>>) dst(%dma_wait3A_108 : memref<640x64xf32, #tpu.memory_space<vmem_shared>>)
      tpu.yield
    }) : () -> ()
    "tpu.region"() ({
      %run_scoped3A_102 = tpu.sem_alloc : memref<!tpu.dma_semaphore, #tpu.memory_space<semaphore_mem>>
      %dma_start3A_103 = arith.constant 0 : i32
      %dma_start3A_104 = arith.constant 0 : i32
      %dma_start3A_105 = tpu.memref_slice %arg3[%add3A, %dma_start3A_103, %dma_start3A_104] : memref<32x125x80xi32, #tpu.memory_space<hbm>> -> memref<1x125x80xi32, #tpu.memory_space<hbm>>
      %dma_start3A_106 = tpu.memref_squeeze %dma_start3A_105 : memref<1x125x80xi32, #tpu.memory_space<hbm>> -> memref<125x80xi32, #tpu.memory_space<hbm>>
      %dma_start3A_107 = arith.constant 0 : i32
      %dma_start3A_108 = arith.constant 0 : i32
      %dma_start3A_109 = tpu.memref_slice %arg3[%add3A, %dma_start3A_107, %dma_start3A_108] : memref<32x125x80xi32, #tpu.memory_space<hbm>> -> memref<1x125x80xi32, #tpu.memory_space<hbm>>
      %dma_start3A_110 = tpu.memref_squeeze %dma_start3A_109 : memref<1x125x80xi32, #tpu.memory_space<hbm>> -> memref<125x80xi32, #tpu.memory_space<hbm>>
      tpu.enqueue_dma source(%dma_start3A_110 : memref<125x80xi32, #tpu.memory_space<hbm>>) target(%arg8 : memref<125x80xi32, #tpu.memory_space<vmem>>) target_semaphore(%run_scoped3A_102 : memref<!tpu.dma_semaphore, #tpu.memory_space<semaphore_mem>>)
      %dma_wait3A_111 = arith.constant 0 : i32
      %dma_wait3A_112 = arith.constant 0 : i32
      %dma_wait3A_113 = tpu.memref_slice %arg3[%add3A, %dma_wait3A_111, %dma_wait3A_112] : memref<32x125x80xi32, #tpu.memory_space<hbm>> -> memref<1x125x80xi32, #tpu.memory_space<hbm>>
      %dma_wait3A_114 = tpu.memref_squeeze %dma_wait3A_113 : memref<1x125x80xi32, #tpu.memory_space<hbm>> -> memref<125x80xi32, #tpu.memory_space<hbm>>
      %dma_wait3A_115 = arith.constant 0 : i32
      %dma_wait3A_116 = arith.constant 0 : i32
      %dma_wait3A_117 = tpu.memref_slice %arg3[%add3A, %dma_wait3A_115, %dma_wait3A_116] : memref<32x125x80xi32, #tpu.memory_space<hbm>> -> memref<1x125x80xi32, #tpu.memory_space<hbm>>
      %dma_wait3A_118 = tpu.memref_squeeze %dma_wait3A_117 : memref<1x125x80xi32, #tpu.memory_space<hbm>> -> memref<125x80xi32, #tpu.memory_space<hbm>>
      tpu.wait_dma2 semaphore(%run_scoped3A_102 : memref<!tpu.dma_semaphore, #tpu.memory_space<semaphore_mem>>) src(%dma_wait3A_118 : memref<125x80xi32, #tpu.memory_space<hbm>>) dst(%arg8 : memref<125x80xi32, #tpu.memory_space<vmem>>)
      tpu.yield
    }) : () -> ()
    "tpu.region"() ({
      %run_scoped3A_102 = tpu.sem_alloc : memref<!tpu.dma_semaphore, #tpu.memory_space<semaphore_mem>>
      %dma_start3A_103 = arith.constant 0 : i32
      %dma_start3A_104 = arith.constant 0 : i32
      %dma_start3A_105 = tpu.memref_slice %arg4[%add3A, %dma_start3A_103, %dma_start3A_104] : memref<32x125x80xi32, #tpu.memory_space<hbm>> -> memref<1x125x80xi32, #tpu.memory_space<hbm>>
      %dma_start3A_106 = tpu.memref_squeeze %dma_start3A_105 : memref<1x125x80xi32, #tpu.memory_space<hbm>> -> memref<125x80xi32, #tpu.memory_space<hbm>>
      %dma_start3A_107 = arith.constant 0 : i32
      %dma_start3A_108 = arith.constant 0 : i32
      %dma_start3A_109 = tpu.memref_slice %arg4[%add3A, %dma_start3A_107, %dma_start3A_108] : memref<32x125x80xi32, #tpu.memory_space<hbm>> -> memref<1x125x80xi32, #tpu.memory_space<hbm>>
      %dma_start3A_110 = tpu.memref_squeeze %dma_start3A_109 : memref<1x125x80xi32, #tpu.memory_space<hbm>> -> memref<125x80xi32, #tpu.memory_space<hbm>>
      tpu.enqueue_dma source(%dma_start3A_110 : memref<125x80xi32, #tpu.memory_space<hbm>>) target(%arg9 : memref<125x80xi32, #tpu.memory_space<vmem>>) target_semaphore(%run_scoped3A_102 : memref<!tpu.dma_semaphore, #tpu.memory_space<semaphore_mem>>)
      %dma_wait3A_111 = arith.constant 0 : i32
      %dma_wait3A_112 = arith.constant 0 : i32
      %dma_wait3A_113 = tpu.memref_slice %arg4[%add3A, %dma_wait3A_111, %dma_wait3A_112] : memref<32x125x80xi32, #tpu.memory_space<hbm>> -> memref<1x125x80xi32, #tpu.memory_space<hbm>>
      %dma_wait3A_114 = tpu.memref_squeeze %dma_wait3A_113 : memref<1x125x80xi32, #tpu.memory_space<hbm>> -> memref<125x80xi32, #tpu.memory_space<hbm>>
      %dma_wait3A_115 = arith.constant 0 : i32
      %dma_wait3A_116 = arith.constant 0 : i32
      %dma_wait3A_117 = tpu.memref_slice %arg4[%add3A, %dma_wait3A_115, %dma_wait3A_116] : memref<32x125x80xi32, #tpu.memory_space<hbm>> -> memref<1x125x80xi32, #tpu.memory_space<hbm>>
      %dma_wait3A_118 = tpu.memref_squeeze %dma_wait3A_117 : memref<1x125x80xi32, #tpu.memory_space<hbm>> -> memref<125x80xi32, #tpu.memory_space<hbm>>
      tpu.wait_dma2 semaphore(%run_scoped3A_102 : memref<!tpu.dma_semaphore, #tpu.memory_space<semaphore_mem>>) src(%dma_wait3A_118 : memref<125x80xi32, #tpu.memory_space<hbm>>) dst(%arg9 : memref<125x80xi32, #tpu.memory_space<vmem>>)
      tpu.yield
    }) : () -> ()
    %barrier3A = arith.constant 0 : index
    tpu.barrier barrier_id(%barrier3A)
    %dma_start3A = arith.constant 0 : i32
    %dma_start3A_3 = arith.constant 0 : i32
    %dma_start3A_4 = tpu.memref_slice %arg8[%dma_start3A, %dma_start3A_3] : memref<125x80xi32, #tpu.memory_space<vmem>> -> memref<1x80xi32, #tpu.memory_space<vmem>>
    %dma_start3A_5 = tpu.memref_squeeze %dma_start3A_4 : memref<1x80xi32, #tpu.memory_space<vmem>> -> memref<80xi32, #tpu.memory_space<vmem>>
    %dma_start3A_6 = arith.constant 0 : i32
    %dma_start3A_7 = arith.constant 0 : i32
    %dma_start3A_8 = tpu.memref_slice %arg2[%dma_start3A_6, %dma_start3A_7] : memref<10240x64xf32, #tpu.memory_space<hbm>> -> memref<10240x64xf32, #tpu.memory_space<hbm>>
    tpu.enqueue_indirect_dma source(%dma_start3A_8 : memref<10240x64xf32, #tpu.memory_space<hbm>>) target(%arg10 : memref<80x64xf32, #tpu.memory_space<vmem>>) offsets(%dma_start3A_5 : memref<80xi32, #tpu.memory_space<vmem>>) semaphore(%arg18 : memref<!tpu.dma_semaphore, #tpu.memory_space<semaphore_mem>>)
    %dma_start3A_9 = arith.constant 1 : i32
    %dma_start3A_10 = arith.constant 0 : i32
    %dma_start3A_11 = tpu.memref_slice %arg8[%dma_start3A_9, %dma_start3A_10] : memref<125x80xi32, #tpu.memory_space<vmem>> -> memref<1x80xi32, #tpu.memory_space<vmem>>
    %dma_start3A_12 = tpu.memref_squeeze %dma_start3A_11 : memref<1x80xi32, #tpu.memory_space<vmem>> -> memref<80xi32, #tpu.memory_space<vmem>>
    %dma_start3A_13 = arith.constant 0 : i32
    %dma_start3A_14 = arith.constant 0 : i32
    %dma_start3A_15 = tpu.memref_slice %arg2[%dma_start3A_13, %dma_start3A_14] : memref<10240x64xf32, #tpu.memory_space<hbm>> -> memref<10240x64xf32, #tpu.memory_space<hbm>>
    tpu.enqueue_indirect_dma source(%dma_start3A_15 : memref<10240x64xf32, #tpu.memory_space<hbm>>) target(%arg11 : memref<80x64xf32, #tpu.memory_space<vmem>>) offsets(%dma_start3A_12 : memref<80xi32, #tpu.memory_space<vmem>>) semaphore(%arg19 : memref<!tpu.dma_semaphore, #tpu.memory_space<semaphore_mem>>)
    %dma_start3A_16 = arith.constant 2 : i32
    %dma_start3A_17 = arith.constant 0 : i32
    %dma_start3A_18 = tpu.memref_slice %arg8[%dma_start3A_16, %dma_start3A_17] : memref<125x80xi32, #tpu.memory_space<vmem>> -> memref<1x80xi32, #tpu.memory_space<vmem>>
    %dma_start3A_19 = tpu.memref_squeeze %dma_start3A_18 : memref<1x80xi32, #tpu.memory_space<vmem>> -> memref<80xi32, #tpu.memory_space<vmem>>
    %dma_start3A_20 = arith.constant 0 : i32
    %dma_start3A_21 = arith.constant 0 : i32
    %dma_start3A_22 = tpu.memref_slice %arg2[%dma_start3A_20, %dma_start3A_21] : memref<10240x64xf32, #tpu.memory_space<hbm>> -> memref<10240x64xf32, #tpu.memory_space<hbm>>
    tpu.enqueue_indirect_dma source(%dma_start3A_22 : memref<10240x64xf32, #tpu.memory_space<hbm>>) target(%arg12 : memref<80x64xf32, #tpu.memory_space<vmem>>) offsets(%dma_start3A_19 : memref<80xi32, #tpu.memory_space<vmem>>) semaphore(%arg20 : memref<!tpu.dma_semaphore, #tpu.memory_space<semaphore_mem>>)
    %dma_start3A_23 = arith.constant 3 : i32
    %dma_start3A_24 = arith.constant 0 : i32
    %dma_start3A_25 = tpu.memref_slice %arg8[%dma_start3A_23, %dma_start3A_24] : memref<125x80xi32, #tpu.memory_space<vmem>> -> memref<1x80xi32, #tpu.memory_space<vmem>>
    %dma_start3A_26 = tpu.memref_squeeze %dma_start3A_25 : memref<1x80xi32, #tpu.memory_space<vmem>> -> memref<80xi32, #tpu.memory_space<vmem>>
    %dma_start3A_27 = arith.constant 0 : i32
    %dma_start3A_28 = arith.constant 0 : i32
    %dma_start3A_29 = tpu.memref_slice %arg2[%dma_start3A_27, %dma_start3A_28] : memref<10240x64xf32, #tpu.memory_space<hbm>> -> memref<10240x64xf32, #tpu.memory_space<hbm>>
    tpu.enqueue_indirect_dma source(%dma_start3A_29 : memref<10240x64xf32, #tpu.memory_space<hbm>>) target(%arg13 : memref<80x64xf32, #tpu.memory_space<vmem>>) offsets(%dma_start3A_26 : memref<80xi32, #tpu.memory_space<vmem>>) semaphore(%arg21 : memref<!tpu.dma_semaphore, #tpu.memory_space<semaphore_mem>>)
    %dma_start3A_30 = arith.constant 4 : i32
    %dma_start3A_31 = arith.constant 0 : i32
    %dma_start3A_32 = tpu.memref_slice %arg8[%dma_start3A_30, %dma_start3A_31] : memref<125x80xi32, #tpu.memory_space<vmem>> -> memref<1x80xi32, #tpu.memory_space<vmem>>
    %dma_start3A_33 = tpu.memref_squeeze %dma_start3A_32 : memref<1x80xi32, #tpu.memory_space<vmem>> -> memref<80xi32, #tpu.memory_space<vmem>>
    %dma_start3A_34 = arith.constant 0 : i32
    %dma_start3A_35 = arith.constant 0 : i32
    %dma_start3A_36 = tpu.memref_slice %arg2[%dma_start3A_34, %dma_start3A_35] : memref<10240x64xf32, #tpu.memory_space<hbm>> -> memref<10240x64xf32, #tpu.memory_space<hbm>>
    tpu.enqueue_indirect_dma source(%dma_start3A_36 : memref<10240x64xf32, #tpu.memory_space<hbm>>) target(%arg14 : memref<80x64xf32, #tpu.memory_space<vmem>>) offsets(%dma_start3A_33 : memref<80xi32, #tpu.memory_space<vmem>>) semaphore(%arg22 : memref<!tpu.dma_semaphore, #tpu.memory_space<semaphore_mem>>)
    %dma_start3A_37 = arith.constant 5 : i32
    %dma_start3A_38 = arith.constant 0 : i32
    %dma_start3A_39 = tpu.memref_slice %arg8[%dma_start3A_37, %dma_start3A_38] : memref<125x80xi32, #tpu.memory_space<vmem>> -> memref<1x80xi32, #tpu.memory_space<vmem>>
    %dma_start3A_40 = tpu.memref_squeeze %dma_start3A_39 : memref<1x80xi32, #tpu.memory_space<vmem>> -> memref<80xi32, #tpu.memory_space<vmem>>
    %dma_start3A_41 = arith.constant 0 : i32
    %dma_start3A_42 = arith.constant 0 : i32
    %dma_start3A_43 = tpu.memref_slice %arg2[%dma_start3A_41, %dma_start3A_42] : memref<10240x64xf32, #tpu.memory_space<hbm>> -> memref<10240x64xf32, #tpu.memory_space<hbm>>
    tpu.enqueue_indirect_dma source(%dma_start3A_43 : memref<10240x64xf32, #tpu.memory_space<hbm>>) target(%arg15 : memref<80x64xf32, #tpu.memory_space<vmem>>) offsets(%dma_start3A_40 : memref<80xi32, #tpu.memory_space<vmem>>) semaphore(%arg23 : memref<!tpu.dma_semaphore, #tpu.memory_space<semaphore_mem>>)
    %dma_start3A_44 = arith.constant 6 : i32
    %dma_start3A_45 = arith.constant 0 : i32
    %dma_start3A_46 = tpu.memref_slice %arg8[%dma_start3A_44, %dma_start3A_45] : memref<125x80xi32, #tpu.memory_space<vmem>> -> memref<1x80xi32, #tpu.memory_space<vmem>>
    %dma_start3A_47 = tpu.memref_squeeze %dma_start3A_46 : memref<1x80xi32, #tpu.memory_space<vmem>> -> memref<80xi32, #tpu.memory_space<vmem>>
    %dma_start3A_48 = arith.constant 0 : i32
    %dma_start3A_49 = arith.constant 0 : i32
    %dma_start3A_50 = tpu.memref_slice %arg2[%dma_start3A_48, %dma_start3A_49] : memref<10240x64xf32, #tpu.memory_space<hbm>> -> memref<10240x64xf32, #tpu.memory_space<hbm>>
    tpu.enqueue_indirect_dma source(%dma_start3A_50 : memref<10240x64xf32, #tpu.memory_space<hbm>>) target(%arg16 : memref<80x64xf32, #tpu.memory_space<vmem>>) offsets(%dma_start3A_47 : memref<80xi32, #tpu.memory_space<vmem>>) semaphore(%arg24 : memref<!tpu.dma_semaphore, #tpu.memory_space<semaphore_mem>>)
    %dma_start3A_51 = arith.constant 7 : i32
    %dma_start3A_52 = arith.constant 0 : i32
    %dma_start3A_53 = tpu.memref_slice %arg8[%dma_start3A_51, %dma_start3A_52] : memref<125x80xi32, #tpu.memory_space<vmem>> -> memref<1x80xi32, #tpu.memory_space<vmem>>
    %dma_start3A_54 = tpu.memref_squeeze %dma_start3A_53 : memref<1x80xi32, #tpu.memory_space<vmem>> -> memref<80xi32, #tpu.memory_space<vmem>>
    %dma_start3A_55 = arith.constant 0 : i32
    %dma_start3A_56 = arith.constant 0 : i32
    %dma_start3A_57 = tpu.memref_slice %arg2[%dma_start3A_55, %dma_start3A_56] : memref<10240x64xf32, #tpu.memory_space<hbm>> -> memref<10240x64xf32, #tpu.memory_space<hbm>>
    tpu.enqueue_indirect_dma source(%dma_start3A_57 : memref<10240x64xf32, #tpu.memory_space<hbm>>) target(%arg17 : memref<80x64xf32, #tpu.memory_space<vmem>>) offsets(%dma_start3A_54 : memref<80xi32, #tpu.memory_space<vmem>>) semaphore(%arg25 : memref<!tpu.dma_semaphore, #tpu.memory_space<semaphore_mem>>)
    %scan3A = arith.constant 0 : i32
    %scan3A_58 = arith.constant 0 : i32
    %scan3A_59 = arith.constant 15 : i32
    %scan3A_60 = arith.addi %scan3A_58, %scan3A_59 : i32
    %scan3A_61 = arith.constant 1 : i32
    scf.for %scan3A_102 = %scan3A_58 to %scan3A_60 step %scan3A_61  : i32 {
      %mul3A_103 = arith.constant 8 : i32
      %mul3A_104 = arith.muli %mul3A_103, %scan3A_102 : i32
      %add3A_105 = arith.constant 0 : i32
      %add3A_106 = arith.addi %mul3A_104, %add3A_105 : i32
      %dma_wait3A_107 = arith.constant 0 : i32
      %dma_wait3A_108 = tpu.memref_slice %arg8[%add3A_106, %dma_wait3A_107] : memref<125x80xi32, #tpu.memory_space<vmem>> -> memref<1x80xi32, #tpu.memory_space<vmem>>
      %dma_wait3A_109 = tpu.memref_squeeze %dma_wait3A_108 : memref<1x80xi32, #tpu.memory_space<vmem>> -> memref<80xi32, #tpu.memory_space<vmem>>
      %dma_wait3A_110 = arith.constant 0 : i32
      %dma_wait3A_111 = arith.constant 0 : i32
      %dma_wait3A_112 = tpu.memref_slice %arg2[%dma_wait3A_110, %dma_wait3A_111] : memref<10240x64xf32, #tpu.memory_space<hbm>> -> memref<10240x64xf32, #tpu.memory_space<hbm>>
      tpu.wait_indirect_dma semaphore(%arg18 : memref<!tpu.dma_semaphore, #tpu.memory_space<semaphore_mem>>) src(%dma_wait3A_112 : memref<10240x64xf32, #tpu.memory_space<hbm>>) dst(%arg10 : memref<80x64xf32, #tpu.memory_space<vmem>>)
      "tpu.region"() ({
        %run_scoped3A_236 = tpu.sem_alloc : memref<!tpu.dma_semaphore, #tpu.memory_space<semaphore_mem>>
        %dma_start3A_237 = arith.constant 0 : i32
        %dma_start3A_238 = tpu.memref_slice %arg9[%add3A_106, %dma_start3A_237] : memref<125x80xi32, #tpu.memory_space<vmem>> -> memref<1x80xi32, #tpu.memory_space<vmem>>
        %dma_start3A_239 = tpu.memref_squeeze %dma_start3A_238 : memref<1x80xi32, #tpu.memory_space<vmem>> -> memref<80xi32, #tpu.memory_space<vmem>>
        %dma_start3A_240 = arith.constant 0 : i32
        %dma_start3A_241 = arith.constant 0 : i32
        %dma_start3A_242 = tpu.memref_slice %arg7[%dma_start3A_240, %dma_start3A_241] : memref<10240x64xf32, #tpu.memory_space<vmem_shared>> -> memref<10240x64xf32, #tpu.memory_space<vmem_shared>>
        tpu.enqueue_indirect_dma source(%arg10 : memref<80x64xf32, #tpu.memory_space<vmem>>) target(%dma_start3A_242 : memref<10240x64xf32, #tpu.memory_space<vmem_shared>>) offsets(%dma_start3A_239 : memref<80xi32, #tpu.memory_space<vmem>>) semaphore(%run_scoped3A_236 : memref<!tpu.dma_semaphore, #tpu.memory_space<semaphore_mem>>) {add = true}
        %dma_wait3A_243 = arith.constant 0 : i32
        %dma_wait3A_244 = tpu.memref_slice %arg9[%add3A_106, %dma_wait3A_243] : memref<125x80xi32, #tpu.memory_space<vmem>> -> memref<1x80xi32, #tpu.memory_space<vmem>>
        %dma_wait3A_245 = tpu.memref_squeeze %dma_wait3A_244 : memref<1x80xi32, #tpu.memory_space<vmem>> -> memref<80xi32, #tpu.memory_space<vmem>>
        %dma_wait3A_246 = arith.constant 0 : i32
        %dma_wait3A_247 = arith.constant 0 : i32
        %dma_wait3A_248 = tpu.memref_slice %arg7[%dma_wait3A_246, %dma_wait3A_247] : memref<10240x64xf32, #tpu.memory_space<vmem_shared>> -> memref<10240x64xf32, #tpu.memory_space<vmem_shared>>
        tpu.wait_indirect_dma semaphore(%run_scoped3A_236 : memref<!tpu.dma_semaphore, #tpu.memory_space<semaphore_mem>>) src(%arg10 : memref<80x64xf32, #tpu.memory_space<vmem>>) dst(%dma_wait3A_248 : memref<10240x64xf32, #tpu.memory_space<vmem_shared>>)
        tpu.yield
      }) : () -> ()
      %add3A_113 = arith.constant 8 : i32
      %add3A_114 = arith.addi %add3A_106, %add3A_113 : i32
      %lt3A = arith.constant 125 : i32
      %lt3A_115 = arith.cmpi slt, %add3A_114, %lt3A : i32
      %convert_element_type3A = arith.extui %lt3A_115 : i1 to i32
      %cond3A = arith.constant 0 : i32
      %cond3A_116 = arith.cmpi ne, %convert_element_type3A, %cond3A : i32
      scf.if %cond3A_116 {
        %add3A_236 = arith.constant 8 : i32
        %add3A_237 = arith.addi %add3A_106, %add3A_236 : i32
        %dma_start3A_238 = arith.constant 0 : i32
        %dma_start3A_239 = tpu.memref_slice %arg8[%add3A_237, %dma_start3A_238] : memref<125x80xi32, #tpu.memory_space<vmem>> -> memref<1x80xi32, #tpu.memory_space<vmem>>
        %dma_start3A_240 = tpu.memref_squeeze %dma_start3A_239 : memref<1x80xi32, #tpu.memory_space<vmem>> -> memref<80xi32, #tpu.memory_space<vmem>>
        %dma_start3A_241 = arith.constant 0 : i32
        %dma_start3A_242 = arith.constant 0 : i32
        %dma_start3A_243 = tpu.memref_slice %arg2[%dma_start3A_241, %dma_start3A_242] : memref<10240x64xf32, #tpu.memory_space<hbm>> -> memref<10240x64xf32, #tpu.memory_space<hbm>>
        tpu.enqueue_indirect_dma source(%dma_start3A_243 : memref<10240x64xf32, #tpu.memory_space<hbm>>) target(%arg10 : memref<80x64xf32, #tpu.memory_space<vmem>>) offsets(%dma_start3A_240 : memref<80xi32, #tpu.memory_space<vmem>>) semaphore(%arg18 : memref<!tpu.dma_semaphore, #tpu.memory_space<semaphore_mem>>)
      } else {
      }
      %mul3A_117 = arith.constant 8 : i32
      %mul3A_118 = arith.muli %mul3A_117, %scan3A_102 : i32
      %add3A_119 = arith.constant 1 : i32
      %add3A_120 = arith.addi %mul3A_118, %add3A_119 : i32
      %dma_wait3A_121 = arith.constant 0 : i32
      %dma_wait3A_122 = tpu.memref_slice %arg8[%add3A_120, %dma_wait3A_121] : memref<125x80xi32, #tpu.memory_space<vmem>> -> memref<1x80xi32, #tpu.memory_space<vmem>>
      %dma_wait3A_123 = tpu.memref_squeeze %dma_wait3A_122 : memref<1x80xi32, #tpu.memory_space<vmem>> -> memref<80xi32, #tpu.memory_space<vmem>>
      %dma_wait3A_124 = arith.constant 0 : i32
      %dma_wait3A_125 = arith.constant 0 : i32
      %dma_wait3A_126 = tpu.memref_slice %arg2[%dma_wait3A_124, %dma_wait3A_125] : memref<10240x64xf32, #tpu.memory_space<hbm>> -> memref<10240x64xf32, #tpu.memory_space<hbm>>
      tpu.wait_indirect_dma semaphore(%arg19 : memref<!tpu.dma_semaphore, #tpu.memory_space<semaphore_mem>>) src(%dma_wait3A_126 : memref<10240x64xf32, #tpu.memory_space<hbm>>) dst(%arg11 : memref<80x64xf32, #tpu.memory_space<vmem>>)
      "tpu.region"() ({
        %run_scoped3A_236 = tpu.sem_alloc : memref<!tpu.dma_semaphore, #tpu.memory_space<semaphore_mem>>
        %dma_start3A_237 = arith.constant 0 : i32
        %dma_start3A_238 = tpu.memref_slice %arg9[%add3A_120, %dma_start3A_237] : memref<125x80xi32, #tpu.memory_space<vmem>> -> memref<1x80xi32, #tpu.memory_space<vmem>>
        %dma_start3A_239 = tpu.memref_squeeze %dma_start3A_238 : memref<1x80xi32, #tpu.memory_space<vmem>> -> memref<80xi32, #tpu.memory_space<vmem>>
        %dma_start3A_240 = arith.constant 0 : i32
        %dma_start3A_241 = arith.constant 0 : i32
        %dma_start3A_242 = tpu.memref_slice %arg7[%dma_start3A_240, %dma_start3A_241] : memref<10240x64xf32, #tpu.memory_space<vmem_shared>> -> memref<10240x64xf32, #tpu.memory_space<vmem_shared>>
        tpu.enqueue_indirect_dma source(%arg11 : memref<80x64xf32, #tpu.memory_space<vmem>>) target(%dma_start3A_242 : memref<10240x64xf32, #tpu.memory_space<vmem_shared>>) offsets(%dma_start3A_239 : memref<80xi32, #tpu.memory_space<vmem>>) semaphore(%run_scoped3A_236 : memref<!tpu.dma_semaphore, #tpu.memory_space<semaphore_mem>>) {add = true}
        %dma_wait3A_243 = arith.constant 0 : i32
        %dma_wait3A_244 = tpu.memref_slice %arg9[%add3A_120, %dma_wait3A_243] : memref<125x80xi32, #tpu.memory_space<vmem>> -> memref<1x80xi32, #tpu.memory_space<vmem>>
        %dma_wait3A_245 = tpu.memref_squeeze %dma_wait3A_244 : memref<1x80xi32, #tpu.memory_space<vmem>> -> memref<80xi32, #tpu.memory_space<vmem>>
        %dma_wait3A_246 = arith.constant 0 : i32
        %dma_wait3A_247 = arith.constant 0 : i32
        %dma_wait3A_248 = tpu.memref_slice %arg7[%dma_wait3A_246, %dma_wait3A_247] : memref<10240x64xf32, #tpu.memory_space<vmem_shared>> -> memref<10240x64xf32, #tpu.memory_space<vmem_shared>>
        tpu.wait_indirect_dma semaphore(%run_scoped3A_236 : memref<!tpu.dma_semaphore, #tpu.memory_space<semaphore_mem>>) src(%arg11 : memref<80x64xf32, #tpu.memory_space<vmem>>) dst(%dma_wait3A_248 : memref<10240x64xf32, #tpu.memory_space<vmem_shared>>)
        tpu.yield
      }) : () -> ()
      %add3A_127 = arith.constant 8 : i32
      %add3A_128 = arith.addi %add3A_120, %add3A_127 : i32
      %lt3A_129 = arith.constant 125 : i32
      %lt3A_130 = arith.cmpi slt, %add3A_128, %lt3A_129 : i32
      %convert_element_type3A_131 = arith.extui %lt3A_130 : i1 to i32
      %cond3A_132 = arith.constant 0 : i32
      %cond3A_133 = arith.cmpi ne, %convert_element_type3A_131, %cond3A_132 : i32
      scf.if %cond3A_133 {
        %add3A_236 = arith.constant 8 : i32
        %add3A_237 = arith.addi %add3A_120, %add3A_236 : i32
        %dma_start3A_238 = arith.constant 0 : i32
        %dma_start3A_239 = tpu.memref_slice %arg8[%add3A_237, %dma_start3A_238] : memref<125x80xi32, #tpu.memory_space<vmem>> -> memref<1x80xi32, #tpu.memory_space<vmem>>
        %dma_start3A_240 = tpu.memref_squeeze %dma_start3A_239 : memref<1x80xi32, #tpu.memory_space<vmem>> -> memref<80xi32, #tpu.memory_space<vmem>>
        %dma_start3A_241 = arith.constant 0 : i32
        %dma_start3A_242 = arith.constant 0 : i32
        %dma_start3A_243 = tpu.memref_slice %arg2[%dma_start3A_241, %dma_start3A_242] : memref<10240x64xf32, #tpu.memory_space<hbm>> -> memref<10240x64xf32, #tpu.memory_space<hbm>>
        tpu.enqueue_indirect_dma source(%dma_start3A_243 : memref<10240x64xf32, #tpu.memory_space<hbm>>) target(%arg11 : memref<80x64xf32, #tpu.memory_space<vmem>>) offsets(%dma_start3A_240 : memref<80xi32, #tpu.memory_space<vmem>>) semaphore(%arg19 : memref<!tpu.dma_semaphore, #tpu.memory_space<semaphore_mem>>)
      } else {
      }
      %mul3A_134 = arith.constant 8 : i32
      %mul3A_135 = arith.muli %mul3A_134, %scan3A_102 : i32
      %add3A_136 = arith.constant 2 : i32
      %add3A_137 = arith.addi %mul3A_135, %add3A_136 : i32
      %dma_wait3A_138 = arith.constant 0 : i32
      %dma_wait3A_139 = tpu.memref_slice %arg8[%add3A_137, %dma_wait3A_138] : memref<125x80xi32, #tpu.memory_space<vmem>> -> memref<1x80xi32, #tpu.memory_space<vmem>>
      %dma_wait3A_140 = tpu.memref_squeeze %dma_wait3A_139 : memref<1x80xi32, #tpu.memory_space<vmem>> -> memref<80xi32, #tpu.memory_space<vmem>>
      %dma_wait3A_141 = arith.constant 0 : i32
      %dma_wait3A_142 = arith.constant 0 : i32
      %dma_wait3A_143 = tpu.memref_slice %arg2[%dma_wait3A_141, %dma_wait3A_142] : memref<10240x64xf32, #tpu.memory_space<hbm>> -> memref<10240x64xf32, #tpu.memory_space<hbm>>
      tpu.wait_indirect_dma semaphore(%arg20 : memref<!tpu.dma_semaphore, #tpu.memory_space<semaphore_mem>>) src(%dma_wait3A_143 : memref<10240x64xf32, #tpu.memory_space<hbm>>) dst(%arg12 : memref<80x64xf32, #tpu.memory_space<vmem>>)
      "tpu.region"() ({
        %run_scoped3A_236 = tpu.sem_alloc : memref<!tpu.dma_semaphore, #tpu.memory_space<semaphore_mem>>
        %dma_start3A_237 = arith.constant 0 : i32
        %dma_start3A_238 = tpu.memref_slice %arg9[%add3A_137, %dma_start3A_237] : memref<125x80xi32, #tpu.memory_space<vmem>> -> memref<1x80xi32, #tpu.memory_space<vmem>>
        %dma_start3A_239 = tpu.memref_squeeze %dma_start3A_238 : memref<1x80xi32, #tpu.memory_space<vmem>> -> memref<80xi32, #tpu.memory_space<vmem>>
        %dma_start3A_240 = arith.constant 0 : i32
        %dma_start3A_241 = arith.constant 0 : i32
        %dma_start3A_242 = tpu.memref_slice %arg7[%dma_start3A_240, %dma_start3A_241] : memref<10240x64xf32, #tpu.memory_space<vmem_shared>> -> memref<10240x64xf32, #tpu.memory_space<vmem_shared>>
        tpu.enqueue_indirect_dma source(%arg12 : memref<80x64xf32, #tpu.memory_space<vmem>>) target(%dma_start3A_242 : memref<10240x64xf32, #tpu.memory_space<vmem_shared>>) offsets(%dma_start3A_239 : memref<80xi32, #tpu.memory_space<vmem>>) semaphore(%run_scoped3A_236 : memref<!tpu.dma_semaphore, #tpu.memory_space<semaphore_mem>>) {add = true}
        %dma_wait3A_243 = arith.constant 0 : i32
        %dma_wait3A_244 = tpu.memref_slice %arg9[%add3A_137, %dma_wait3A_243] : memref<125x80xi32, #tpu.memory_space<vmem>> -> memref<1x80xi32, #tpu.memory_space<vmem>>
        %dma_wait3A_245 = tpu.memref_squeeze %dma_wait3A_244 : memref<1x80xi32, #tpu.memory_space<vmem>> -> memref<80xi32, #tpu.memory_space<vmem>>
        %dma_wait3A_246 = arith.constant 0 : i32
        %dma_wait3A_247 = arith.constant 0 : i32
        %dma_wait3A_248 = tpu.memref_slice %arg7[%dma_wait3A_246, %dma_wait3A_247] : memref<10240x64xf32, #tpu.memory_space<vmem_shared>> -> memref<10240x64xf32, #tpu.memory_space<vmem_shared>>
        tpu.wait_indirect_dma semaphore(%run_scoped3A_236 : memref<!tpu.dma_semaphore, #tpu.memory_space<semaphore_mem>>) src(%arg12 : memref<80x64xf32, #tpu.memory_space<vmem>>) dst(%dma_wait3A_248 : memref<10240x64xf32, #tpu.memory_space<vmem_shared>>)
        tpu.yield
      }) : () -> ()
      %add3A_144 = arith.constant 8 : i32
      %add3A_145 = arith.addi %add3A_137, %add3A_144 : i32
      %lt3A_146 = arith.constant 125 : i32
      %lt3A_147 = arith.cmpi slt, %add3A_145, %lt3A_146 : i32
      %convert_element_type3A_148 = arith.extui %lt3A_147 : i1 to i32
      %cond3A_149 = arith.constant 0 : i32
      %cond3A_150 = arith.cmpi ne, %convert_element_type3A_148, %cond3A_149 : i32
      scf.if %cond3A_150 {
        %add3A_236 = arith.constant 8 : i32
        %add3A_237 = arith.addi %add3A_137, %add3A_236 : i32
        %dma_start3A_238 = arith.constant 0 : i32
        %dma_start3A_239 = tpu.memref_slice %arg8[%add3A_237, %dma_start3A_238] : memref<125x80xi32, #tpu.memory_space<vmem>> -> memref<1x80xi32, #tpu.memory_space<vmem>>
        %dma_start3A_240 = tpu.memref_squeeze %dma_start3A_239 : memref<1x80xi32, #tpu.memory_space<vmem>> -> memref<80xi32, #tpu.memory_space<vmem>>
        %dma_start3A_241 = arith.constant 0 : i32
        %dma_start3A_242 = arith.constant 0 : i32
        %dma_start3A_243 = tpu.memref_slice %arg2[%dma_start3A_241, %dma_start3A_242] : memref<10240x64xf32, #tpu.memory_space<hbm>> -> memref<10240x64xf32, #tpu.memory_space<hbm>>
        tpu.enqueue_indirect_dma source(%dma_start3A_243 : memref<10240x64xf32, #tpu.memory_space<hbm>>) target(%arg12 : memref<80x64xf32, #tpu.memory_space<vmem>>) offsets(%dma_start3A_240 : memref<80xi32, #tpu.memory_space<vmem>>) semaphore(%arg20 : memref<!tpu.dma_semaphore, #tpu.memory_space<semaphore_mem>>)
      } else {
      }
      %mul3A_151 = arith.constant 8 : i32
      %mul3A_152 = arith.muli %mul3A_151, %scan3A_102 : i32
      %add3A_153 = arith.constant 3 : i32
      %add3A_154 = arith.addi %mul3A_152, %add3A_153 : i32
      %dma_wait3A_155 = arith.constant 0 : i32
      %dma_wait3A_156 = tpu.memref_slice %arg8[%add3A_154, %dma_wait3A_155] : memref<125x80xi32, #tpu.memory_space<vmem>> -> memref<1x80xi32, #tpu.memory_space<vmem>>
      %dma_wait3A_157 = tpu.memref_squeeze %dma_wait3A_156 : memref<1x80xi32, #tpu.memory_space<vmem>> -> memref<80xi32, #tpu.memory_space<vmem>>
      %dma_wait3A_158 = arith.constant 0 : i32
      %dma_wait3A_159 = arith.constant 0 : i32
      %dma_wait3A_160 = tpu.memref_slice %arg2[%dma_wait3A_158, %dma_wait3A_159] : memref<10240x64xf32, #tpu.memory_space<hbm>> -> memref<10240x64xf32, #tpu.memory_space<hbm>>
      tpu.wait_indirect_dma semaphore(%arg21 : memref<!tpu.dma_semaphore, #tpu.memory_space<semaphore_mem>>) src(%dma_wait3A_160 : memref<10240x64xf32, #tpu.memory_space<hbm>>) dst(%arg13 : memref<80x64xf32, #tpu.memory_space<vmem>>)
      "tpu.region"() ({
        %run_scoped3A_236 = tpu.sem_alloc : memref<!tpu.dma_semaphore, #tpu.memory_space<semaphore_mem>>
        %dma_start3A_237 = arith.constant 0 : i32
        %dma_start3A_238 = tpu.memref_slice %arg9[%add3A_154, %dma_start3A_237] : memref<125x80xi32, #tpu.memory_space<vmem>> -> memref<1x80xi32, #tpu.memory_space<vmem>>
        %dma_start3A_239 = tpu.memref_squeeze %dma_start3A_238 : memref<1x80xi32, #tpu.memory_space<vmem>> -> memref<80xi32, #tpu.memory_space<vmem>>
        %dma_start3A_240 = arith.constant 0 : i32
        %dma_start3A_241 = arith.constant 0 : i32
        %dma_start3A_242 = tpu.memref_slice %arg7[%dma_start3A_240, %dma_start3A_241] : memref<10240x64xf32, #tpu.memory_space<vmem_shared>> -> memref<10240x64xf32, #tpu.memory_space<vmem_shared>>
        tpu.enqueue_indirect_dma source(%arg13 : memref<80x64xf32, #tpu.memory_space<vmem>>) target(%dma_start3A_242 : memref<10240x64xf32, #tpu.memory_space<vmem_shared>>) offsets(%dma_start3A_239 : memref<80xi32, #tpu.memory_space<vmem>>) semaphore(%run_scoped3A_236 : memref<!tpu.dma_semaphore, #tpu.memory_space<semaphore_mem>>) {add = true}
        %dma_wait3A_243 = arith.constant 0 : i32
        %dma_wait3A_244 = tpu.memref_slice %arg9[%add3A_154, %dma_wait3A_243] : memref<125x80xi32, #tpu.memory_space<vmem>> -> memref<1x80xi32, #tpu.memory_space<vmem>>
        %dma_wait3A_245 = tpu.memref_squeeze %dma_wait3A_244 : memref<1x80xi32, #tpu.memory_space<vmem>> -> memref<80xi32, #tpu.memory_space<vmem>>
        %dma_wait3A_246 = arith.constant 0 : i32
        %dma_wait3A_247 = arith.constant 0 : i32
        %dma_wait3A_248 = tpu.memref_slice %arg7[%dma_wait3A_246, %dma_wait3A_247] : memref<10240x64xf32, #tpu.memory_space<vmem_shared>> -> memref<10240x64xf32, #tpu.memory_space<vmem_shared>>
        tpu.wait_indirect_dma semaphore(%run_scoped3A_236 : memref<!tpu.dma_semaphore, #tpu.memory_space<semaphore_mem>>) src(%arg13 : memref<80x64xf32, #tpu.memory_space<vmem>>) dst(%dma_wait3A_248 : memref<10240x64xf32, #tpu.memory_space<vmem_shared>>)
        tpu.yield
      }) : () -> ()
      %add3A_161 = arith.constant 8 : i32
      %add3A_162 = arith.addi %add3A_154, %add3A_161 : i32
      %lt3A_163 = arith.constant 125 : i32
      %lt3A_164 = arith.cmpi slt, %add3A_162, %lt3A_163 : i32
      %convert_element_type3A_165 = arith.extui %lt3A_164 : i1 to i32
      %cond3A_166 = arith.constant 0 : i32
      %cond3A_167 = arith.cmpi ne, %convert_element_type3A_165, %cond3A_166 : i32
      scf.if %cond3A_167 {
        %add3A_236 = arith.constant 8 : i32
        %add3A_237 = arith.addi %add3A_154, %add3A_236 : i32
        %dma_start3A_238 = arith.constant 0 : i32
        %dma_start3A_239 = tpu.memref_slice %arg8[%add3A_237, %dma_start3A_238] : memref<125x80xi32, #tpu.memory_space<vmem>> -> memref<1x80xi32, #tpu.memory_space<vmem>>
        %dma_start3A_240 = tpu.memref_squeeze %dma_start3A_239 : memref<1x80xi32, #tpu.memory_space<vmem>> -> memref<80xi32, #tpu.memory_space<vmem>>
        %dma_start3A_241 = arith.constant 0 : i32
        %dma_start3A_242 = arith.constant 0 : i32
        %dma_start3A_243 = tpu.memref_slice %arg2[%dma_start3A_241, %dma_start3A_242] : memref<10240x64xf32, #tpu.memory_space<hbm>> -> memref<10240x64xf32, #tpu.memory_space<hbm>>
        tpu.enqueue_indirect_dma source(%dma_start3A_243 : memref<10240x64xf32, #tpu.memory_space<hbm>>) target(%arg13 : memref<80x64xf32, #tpu.memory_space<vmem>>) offsets(%dma_start3A_240 : memref<80xi32, #tpu.memory_space<vmem>>) semaphore(%arg21 : memref<!tpu.dma_semaphore, #tpu.memory_space<semaphore_mem>>)
      } else {
      }
      %mul3A_168 = arith.constant 8 : i32
      %mul3A_169 = arith.muli %mul3A_168, %scan3A_102 : i32
      %add3A_170 = arith.constant 4 : i32
      %add3A_171 = arith.addi %mul3A_169, %add3A_170 : i32
      %dma_wait3A_172 = arith.constant 0 : i32
      %dma_wait3A_173 = tpu.memref_slice %arg8[%add3A_171, %dma_wait3A_172] : memref<125x80xi32, #tpu.memory_space<vmem>> -> memref<1x80xi32, #tpu.memory_space<vmem>>
      %dma_wait3A_174 = tpu.memref_squeeze %dma_wait3A_173 : memref<1x80xi32, #tpu.memory_space<vmem>> -> memref<80xi32, #tpu.memory_space<vmem>>
      %dma_wait3A_175 = arith.constant 0 : i32
      %dma_wait3A_176 = arith.constant 0 : i32
      %dma_wait3A_177 = tpu.memref_slice %arg2[%dma_wait3A_175, %dma_wait3A_176] : memref<10240x64xf32, #tpu.memory_space<hbm>> -> memref<10240x64xf32, #tpu.memory_space<hbm>>
      tpu.wait_indirect_dma semaphore(%arg22 : memref<!tpu.dma_semaphore, #tpu.memory_space<semaphore_mem>>) src(%dma_wait3A_177 : memref<10240x64xf32, #tpu.memory_space<hbm>>) dst(%arg14 : memref<80x64xf32, #tpu.memory_space<vmem>>)
      "tpu.region"() ({
        %run_scoped3A_236 = tpu.sem_alloc : memref<!tpu.dma_semaphore, #tpu.memory_space<semaphore_mem>>
        %dma_start3A_237 = arith.constant 0 : i32
        %dma_start3A_238 = tpu.memref_slice %arg9[%add3A_171, %dma_start3A_237] : memref<125x80xi32, #tpu.memory_space<vmem>> -> memref<1x80xi32, #tpu.memory_space<vmem>>
        %dma_start3A_239 = tpu.memref_squeeze %dma_start3A_238 : memref<1x80xi32, #tpu.memory_space<vmem>> -> memref<80xi32, #tpu.memory_space<vmem>>
        %dma_start3A_240 = arith.constant 0 : i32
        %dma_start3A_241 = arith.constant 0 : i32
        %dma_start3A_242 = tpu.memref_slice %arg7[%dma_start3A_240, %dma_start3A_241] : memref<10240x64xf32, #tpu.memory_space<vmem_shared>> -> memref<10240x64xf32, #tpu.memory_space<vmem_shared>>
        tpu.enqueue_indirect_dma source(%arg14 : memref<80x64xf32, #tpu.memory_space<vmem>>) target(%dma_start3A_242 : memref<10240x64xf32, #tpu.memory_space<vmem_shared>>) offsets(%dma_start3A_239 : memref<80xi32, #tpu.memory_space<vmem>>) semaphore(%run_scoped3A_236 : memref<!tpu.dma_semaphore, #tpu.memory_space<semaphore_mem>>) {add = true}
        %dma_wait3A_243 = arith.constant 0 : i32
        %dma_wait3A_244 = tpu.memref_slice %arg9[%add3A_171, %dma_wait3A_243] : memref<125x80xi32, #tpu.memory_space<vmem>> -> memref<1x80xi32, #tpu.memory_space<vmem>>
        %dma_wait3A_245 = tpu.memref_squeeze %dma_wait3A_244 : memref<1x80xi32, #tpu.memory_space<vmem>> -> memref<80xi32, #tpu.memory_space<vmem>>
        %dma_wait3A_246 = arith.constant 0 : i32
        %dma_wait3A_247 = arith.constant 0 : i32
        %dma_wait3A_248 = tpu.memref_slice %arg7[%dma_wait3A_246, %dma_wait3A_247] : memref<10240x64xf32, #tpu.memory_space<vmem_shared>> -> memref<10240x64xf32, #tpu.memory_space<vmem_shared>>
        tpu.wait_indirect_dma semaphore(%run_scoped3A_236 : memref<!tpu.dma_semaphore, #tpu.memory_space<semaphore_mem>>) src(%arg14 : memref<80x64xf32, #tpu.memory_space<vmem>>) dst(%dma_wait3A_248 : memref<10240x64xf32, #tpu.memory_space<vmem_shared>>)
        tpu.yield
      }) : () -> ()
      %add3A_178 = arith.constant 8 : i32
      %add3A_179 = arith.addi %add3A_171, %add3A_178 : i32
      %lt3A_180 = arith.constant 125 : i32
      %lt3A_181 = arith.cmpi slt, %add3A_179, %lt3A_180 : i32
      %convert_element_type3A_182 = arith.extui %lt3A_181 : i1 to i32
      %cond3A_183 = arith.constant 0 : i32
      %cond3A_184 = arith.cmpi ne, %convert_element_type3A_182, %cond3A_183 : i32
      scf.if %cond3A_184 {
        %add3A_236 = arith.constant 8 : i32
        %add3A_237 = arith.addi %add3A_171, %add3A_236 : i32
        %dma_start3A_238 = arith.constant 0 : i32
        %dma_start3A_239 = tpu.memref_slice %arg8[%add3A_237, %dma_start3A_238] : memref<125x80xi32, #tpu.memory_space<vmem>> -> memref<1x80xi32, #tpu.memory_space<vmem>>
        %dma_start3A_240 = tpu.memref_squeeze %dma_start3A_239 : memref<1x80xi32, #tpu.memory_space<vmem>> -> memref<80xi32, #tpu.memory_space<vmem>>
        %dma_start3A_241 = arith.constant 0 : i32
        %dma_start3A_242 = arith.constant 0 : i32
        %dma_start3A_243 = tpu.memref_slice %arg2[%dma_start3A_241, %dma_start3A_242] : memref<10240x64xf32, #tpu.memory_space<hbm>> -> memref<10240x64xf32, #tpu.memory_space<hbm>>
        tpu.enqueue_indirect_dma source(%dma_start3A_243 : memref<10240x64xf32, #tpu.memory_space<hbm>>) target(%arg14 : memref<80x64xf32, #tpu.memory_space<vmem>>) offsets(%dma_start3A_240 : memref<80xi32, #tpu.memory_space<vmem>>) semaphore(%arg22 : memref<!tpu.dma_semaphore, #tpu.memory_space<semaphore_mem>>)
      } else {
      }
      %mul3A_185 = arith.constant 8 : i32
      %mul3A_186 = arith.muli %mul3A_185, %scan3A_102 : i32
      %add3A_187 = arith.constant 5 : i32
      %add3A_188 = arith.addi %mul3A_186, %add3A_187 : i32
      %dma_wait3A_189 = arith.constant 0 : i32
      %dma_wait3A_190 = tpu.memref_slice %arg8[%add3A_188, %dma_wait3A_189] : memref<125x80xi32, #tpu.memory_space<vmem>> -> memref<1x80xi32, #tpu.memory_space<vmem>>
      %dma_wait3A_191 = tpu.memref_squeeze %dma_wait3A_190 : memref<1x80xi32, #tpu.memory_space<vmem>> -> memref<80xi32, #tpu.memory_space<vmem>>
      %dma_wait3A_192 = arith.constant 0 : i32
      %dma_wait3A_193 = arith.constant 0 : i32
      %dma_wait3A_194 = tpu.memref_slice %arg2[%dma_wait3A_192, %dma_wait3A_193] : memref<10240x64xf32, #tpu.memory_space<hbm>> -> memref<10240x64xf32, #tpu.memory_space<hbm>>
      tpu.wait_indirect_dma semaphore(%arg23 : memref<!tpu.dma_semaphore, #tpu.memory_space<semaphore_mem>>) src(%dma_wait3A_194 : memref<10240x64xf32, #tpu.memory_space<hbm>>) dst(%arg15 : memref<80x64xf32, #tpu.memory_space<vmem>>)
      "tpu.region"() ({
        %run_scoped3A_236 = tpu.sem_alloc : memref<!tpu.dma_semaphore, #tpu.memory_space<semaphore_mem>>
        %dma_start3A_237 = arith.constant 0 : i32
        %dma_start3A_238 = tpu.memref_slice %arg9[%add3A_188, %dma_start3A_237] : memref<125x80xi32, #tpu.memory_space<vmem>> -> memref<1x80xi32, #tpu.memory_space<vmem>>
        %dma_start3A_239 = tpu.memref_squeeze %dma_start3A_238 : memref<1x80xi32, #tpu.memory_space<vmem>> -> memref<80xi32, #tpu.memory_space<vmem>>
        %dma_start3A_240 = arith.constant 0 : i32
        %dma_start3A_241 = arith.constant 0 : i32
        %dma_start3A_242 = tpu.memref_slice %arg7[%dma_start3A_240, %dma_start3A_241] : memref<10240x64xf32, #tpu.memory_space<vmem_shared>> -> memref<10240x64xf32, #tpu.memory_space<vmem_shared>>
        tpu.enqueue_indirect_dma source(%arg15 : memref<80x64xf32, #tpu.memory_space<vmem>>) target(%dma_start3A_242 : memref<10240x64xf32, #tpu.memory_space<vmem_shared>>) offsets(%dma_start3A_239 : memref<80xi32, #tpu.memory_space<vmem>>) semaphore(%run_scoped3A_236 : memref<!tpu.dma_semaphore, #tpu.memory_space<semaphore_mem>>) {add = true}
        %dma_wait3A_243 = arith.constant 0 : i32
        %dma_wait3A_244 = tpu.memref_slice %arg9[%add3A_188, %dma_wait3A_243] : memref<125x80xi32, #tpu.memory_space<vmem>> -> memref<1x80xi32, #tpu.memory_space<vmem>>
        %dma_wait3A_245 = tpu.memref_squeeze %dma_wait3A_244 : memref<1x80xi32, #tpu.memory_space<vmem>> -> memref<80xi32, #tpu.memory_space<vmem>>
        %dma_wait3A_246 = arith.constant 0 : i32
        %dma_wait3A_247 = arith.constant 0 : i32
        %dma_wait3A_248 = tpu.memref_slice %arg7[%dma_wait3A_246, %dma_wait3A_247] : memref<10240x64xf32, #tpu.memory_space<vmem_shared>> -> memref<10240x64xf32, #tpu.memory_space<vmem_shared>>
        tpu.wait_indirect_dma semaphore(%run_scoped3A_236 : memref<!tpu.dma_semaphore, #tpu.memory_space<semaphore_mem>>) src(%arg15 : memref<80x64xf32, #tpu.memory_space<vmem>>) dst(%dma_wait3A_248 : memref<10240x64xf32, #tpu.memory_space<vmem_shared>>)
        tpu.yield
      }) : () -> ()
      %add3A_195 = arith.constant 8 : i32
      %add3A_196 = arith.addi %add3A_188, %add3A_195 : i32
      %lt3A_197 = arith.constant 125 : i32
      %lt3A_198 = arith.cmpi slt, %add3A_196, %lt3A_197 : i32
      %convert_element_type3A_199 = arith.extui %lt3A_198 : i1 to i32
      %cond3A_200 = arith.constant 0 : i32
      %cond3A_201 = arith.cmpi ne, %convert_element_type3A_199, %cond3A_200 : i32
      scf.if %cond3A_201 {
        %add3A_236 = arith.constant 8 : i32
        %add3A_237 = arith.addi %add3A_188, %add3A_236 : i32
        %dma_start3A_238 = arith.constant 0 : i32
        %dma_start3A_239 = tpu.memref_slice %arg8[%add3A_237, %dma_start3A_238] : memref<125x80xi32, #tpu.memory_space<vmem>> -> memref<1x80xi32, #tpu.memory_space<vmem>>
        %dma_start3A_240 = tpu.memref_squeeze %dma_start3A_239 : memref<1x80xi32, #tpu.memory_space<vmem>> -> memref<80xi32, #tpu.memory_space<vmem>>
        %dma_start3A_241 = arith.constant 0 : i32
        %dma_start3A_242 = arith.constant 0 : i32
        %dma_start3A_243 = tpu.memref_slice %arg2[%dma_start3A_241, %dma_start3A_242] : memref<10240x64xf32, #tpu.memory_space<hbm>> -> memref<10240x64xf32, #tpu.memory_space<hbm>>
        tpu.enqueue_indirect_dma source(%dma_start3A_243 : memref<10240x64xf32, #tpu.memory_space<hbm>>) target(%arg15 : memref<80x64xf32, #tpu.memory_space<vmem>>) offsets(%dma_start3A_240 : memref<80xi32, #tpu.memory_space<vmem>>) semaphore(%arg23 : memref<!tpu.dma_semaphore, #tpu.memory_space<semaphore_mem>>)
      } else {
      }
      %mul3A_202 = arith.constant 8 : i32
      %mul3A_203 = arith.muli %mul3A_202, %scan3A_102 : i32
      %add3A_204 = arith.constant 6 : i32
      %add3A_205 = arith.addi %mul3A_203, %add3A_204 : i32
      %dma_wait3A_206 = arith.constant 0 : i32
      %dma_wait3A_207 = tpu.memref_slice %arg8[%add3A_205, %dma_wait3A_206] : memref<125x80xi32, #tpu.memory_space<vmem>> -> memref<1x80xi32, #tpu.memory_space<vmem>>
      %dma_wait3A_208 = tpu.memref_squeeze %dma_wait3A_207 : memref<1x80xi32, #tpu.memory_space<vmem>> -> memref<80xi32, #tpu.memory_space<vmem>>
      %dma_wait3A_209 = arith.constant 0 : i32
      %dma_wait3A_210 = arith.constant 0 : i32
      %dma_wait3A_211 = tpu.memref_slice %arg2[%dma_wait3A_209, %dma_wait3A_210] : memref<10240x64xf32, #tpu.memory_space<hbm>> -> memref<10240x64xf32, #tpu.memory_space<hbm>>
      tpu.wait_indirect_dma semaphore(%arg24 : memref<!tpu.dma_semaphore, #tpu.memory_space<semaphore_mem>>) src(%dma_wait3A_211 : memref<10240x64xf32, #tpu.memory_space<hbm>>) dst(%arg16 : memref<80x64xf32, #tpu.memory_space<vmem>>)
      "tpu.region"() ({
        %run_scoped3A_236 = tpu.sem_alloc : memref<!tpu.dma_semaphore, #tpu.memory_space<semaphore_mem>>
        %dma_start3A_237 = arith.constant 0 : i32
        %dma_start3A_238 = tpu.memref_slice %arg9[%add3A_205, %dma_start3A_237] : memref<125x80xi32, #tpu.memory_space<vmem>> -> memref<1x80xi32, #tpu.memory_space<vmem>>
        %dma_start3A_239 = tpu.memref_squeeze %dma_start3A_238 : memref<1x80xi32, #tpu.memory_space<vmem>> -> memref<80xi32, #tpu.memory_space<vmem>>
        %dma_start3A_240 = arith.constant 0 : i32
        %dma_start3A_241 = arith.constant 0 : i32
        %dma_start3A_242 = tpu.memref_slice %arg7[%dma_start3A_240, %dma_start3A_241] : memref<10240x64xf32, #tpu.memory_space<vmem_shared>> -> memref<10240x64xf32, #tpu.memory_space<vmem_shared>>
        tpu.enqueue_indirect_dma source(%arg16 : memref<80x64xf32, #tpu.memory_space<vmem>>) target(%dma_start3A_242 : memref<10240x64xf32, #tpu.memory_space<vmem_shared>>) offsets(%dma_start3A_239 : memref<80xi32, #tpu.memory_space<vmem>>) semaphore(%run_scoped3A_236 : memref<!tpu.dma_semaphore, #tpu.memory_space<semaphore_mem>>) {add = true}
        %dma_wait3A_243 = arith.constant 0 : i32
        %dma_wait3A_244 = tpu.memref_slice %arg9[%add3A_205, %dma_wait3A_243] : memref<125x80xi32, #tpu.memory_space<vmem>> -> memref<1x80xi32, #tpu.memory_space<vmem>>
        %dma_wait3A_245 = tpu.memref_squeeze %dma_wait3A_244 : memref<1x80xi32, #tpu.memory_space<vmem>> -> memref<80xi32, #tpu.memory_space<vmem>>
        %dma_wait3A_246 = arith.constant 0 : i32
        %dma_wait3A_247 = arith.constant 0 : i32
        %dma_wait3A_248 = tpu.memref_slice %arg7[%dma_wait3A_246, %dma_wait3A_247] : memref<10240x64xf32, #tpu.memory_space<vmem_shared>> -> memref<10240x64xf32, #tpu.memory_space<vmem_shared>>
        tpu.wait_indirect_dma semaphore(%run_scoped3A_236 : memref<!tpu.dma_semaphore, #tpu.memory_space<semaphore_mem>>) src(%arg16 : memref<80x64xf32, #tpu.memory_space<vmem>>) dst(%dma_wait3A_248 : memref<10240x64xf32, #tpu.memory_space<vmem_shared>>)
        tpu.yield
      }) : () -> ()
      %add3A_212 = arith.constant 8 : i32
      %add3A_213 = arith.addi %add3A_205, %add3A_212 : i32
      %lt3A_214 = arith.constant 125 : i32
      %lt3A_215 = arith.cmpi slt, %add3A_213, %lt3A_214 : i32
      %convert_element_type3A_216 = arith.extui %lt3A_215 : i1 to i32
      %cond3A_217 = arith.constant 0 : i32
      %cond3A_218 = arith.cmpi ne, %convert_element_type3A_216, %cond3A_217 : i32
      scf.if %cond3A_218 {
        %add3A_236 = arith.constant 8 : i32
        %add3A_237 = arith.addi %add3A_205, %add3A_236 : i32
        %dma_start3A_238 = arith.constant 0 : i32
        %dma_start3A_239 = tpu.memref_slice %arg8[%add3A_237, %dma_start3A_238] : memref<125x80xi32, #tpu.memory_space<vmem>> -> memref<1x80xi32, #tpu.memory_space<vmem>>
        %dma_start3A_240 = tpu.memref_squeeze %dma_start3A_239 : memref<1x80xi32, #tpu.memory_space<vmem>> -> memref<80xi32, #tpu.memory_space<vmem>>
        %dma_start3A_241 = arith.constant 0 : i32
        %dma_start3A_242 = arith.constant 0 : i32
        %dma_start3A_243 = tpu.memref_slice %arg2[%dma_start3A_241, %dma_start3A_242] : memref<10240x64xf32, #tpu.memory_space<hbm>> -> memref<10240x64xf32, #tpu.memory_space<hbm>>
        tpu.enqueue_indirect_dma source(%dma_start3A_243 : memref<10240x64xf32, #tpu.memory_space<hbm>>) target(%arg16 : memref<80x64xf32, #tpu.memory_space<vmem>>) offsets(%dma_start3A_240 : memref<80xi32, #tpu.memory_space<vmem>>) semaphore(%arg24 : memref<!tpu.dma_semaphore, #tpu.memory_space<semaphore_mem>>)
      } else {
      }
      %mul3A_219 = arith.constant 8 : i32
      %mul3A_220 = arith.muli %mul3A_219, %scan3A_102 : i32
      %add3A_221 = arith.constant 7 : i32
      %add3A_222 = arith.addi %mul3A_220, %add3A_221 : i32
      %dma_wait3A_223 = arith.constant 0 : i32
      %dma_wait3A_224 = tpu.memref_slice %arg8[%add3A_222, %dma_wait3A_223] : memref<125x80xi32, #tpu.memory_space<vmem>> -> memref<1x80xi32, #tpu.memory_space<vmem>>
      %dma_wait3A_225 = tpu.memref_squeeze %dma_wait3A_224 : memref<1x80xi32, #tpu.memory_space<vmem>> -> memref<80xi32, #tpu.memory_space<vmem>>
      %dma_wait3A_226 = arith.constant 0 : i32
      %dma_wait3A_227 = arith.constant 0 : i32
      %dma_wait3A_228 = tpu.memref_slice %arg2[%dma_wait3A_226, %dma_wait3A_227] : memref<10240x64xf32, #tpu.memory_space<hbm>> -> memref<10240x64xf32, #tpu.memory_space<hbm>>
      tpu.wait_indirect_dma semaphore(%arg25 : memref<!tpu.dma_semaphore, #tpu.memory_space<semaphore_mem>>) src(%dma_wait3A_228 : memref<10240x64xf32, #tpu.memory_space<hbm>>) dst(%arg17 : memref<80x64xf32, #tpu.memory_space<vmem>>)
      "tpu.region"() ({
        %run_scoped3A_236 = tpu.sem_alloc : memref<!tpu.dma_semaphore, #tpu.memory_space<semaphore_mem>>
        %dma_start3A_237 = arith.constant 0 : i32
        %dma_start3A_238 = tpu.memref_slice %arg9[%add3A_222, %dma_start3A_237] : memref<125x80xi32, #tpu.memory_space<vmem>> -> memref<1x80xi32, #tpu.memory_space<vmem>>
        %dma_start3A_239 = tpu.memref_squeeze %dma_start3A_238 : memref<1x80xi32, #tpu.memory_space<vmem>> -> memref<80xi32, #tpu.memory_space<vmem>>
        %dma_start3A_240 = arith.constant 0 : i32
        %dma_start3A_241 = arith.constant 0 : i32
        %dma_start3A_242 = tpu.memref_slice %arg7[%dma_start3A_240, %dma_start3A_241] : memref<10240x64xf32, #tpu.memory_space<vmem_shared>> -> memref<10240x64xf32, #tpu.memory_space<vmem_shared>>
        tpu.enqueue_indirect_dma source(%arg17 : memref<80x64xf32, #tpu.memory_space<vmem>>) target(%dma_start3A_242 : memref<10240x64xf32, #tpu.memory_space<vmem_shared>>) offsets(%dma_start3A_239 : memref<80xi32, #tpu.memory_space<vmem>>) semaphore(%run_scoped3A_236 : memref<!tpu.dma_semaphore, #tpu.memory_space<semaphore_mem>>) {add = true}
        %dma_wait3A_243 = arith.constant 0 : i32
        %dma_wait3A_244 = tpu.memref_slice %arg9[%add3A_222, %dma_wait3A_243] : memref<125x80xi32, #tpu.memory_space<vmem>> -> memref<1x80xi32, #tpu.memory_space<vmem>>
        %dma_wait3A_245 = tpu.memref_squeeze %dma_wait3A_244 : memref<1x80xi32, #tpu.memory_space<vmem>> -> memref<80xi32, #tpu.memory_space<vmem>>
        %dma_wait3A_246 = arith.constant 0 : i32
        %dma_wait3A_247 = arith.constant 0 : i32
        %dma_wait3A_248 = tpu.memref_slice %arg7[%dma_wait3A_246, %dma_wait3A_247] : memref<10240x64xf32, #tpu.memory_space<vmem_shared>> -> memref<10240x64xf32, #tpu.memory_space<vmem_shared>>
        tpu.wait_indirect_dma semaphore(%run_scoped3A_236 : memref<!tpu.dma_semaphore, #tpu.memory_space<semaphore_mem>>) src(%arg17 : memref<80x64xf32, #tpu.memory_space<vmem>>) dst(%dma_wait3A_248 : memref<10240x64xf32, #tpu.memory_space<vmem_shared>>)
        tpu.yield
      }) : () -> ()
      %add3A_229 = arith.constant 8 : i32
      %add3A_230 = arith.addi %add3A_222, %add3A_229 : i32
      %lt3A_231 = arith.constant 125 : i32
      %lt3A_232 = arith.cmpi slt, %add3A_230, %lt3A_231 : i32
      %convert_element_type3A_233 = arith.extui %lt3A_232 : i1 to i32
      %cond3A_234 = arith.constant 0 : i32
      %cond3A_235 = arith.cmpi ne, %convert_element_type3A_233, %cond3A_234 : i32
      scf.if %cond3A_235 {
        %add3A_236 = arith.constant 8 : i32
        %add3A_237 = arith.addi %add3A_222, %add3A_236 : i32
        %dma_start3A_238 = arith.constant 0 : i32
        %dma_start3A_239 = tpu.memref_slice %arg8[%add3A_237, %dma_start3A_238] : memref<125x80xi32, #tpu.memory_space<vmem>> -> memref<1x80xi32, #tpu.memory_space<vmem>>
        %dma_start3A_240 = tpu.memref_squeeze %dma_start3A_239 : memref<1x80xi32, #tpu.memory_space<vmem>> -> memref<80xi32, #tpu.memory_space<vmem>>
        %dma_start3A_241 = arith.constant 0 : i32
        %dma_start3A_242 = arith.constant 0 : i32
        %dma_start3A_243 = tpu.memref_slice %arg2[%dma_start3A_241, %dma_start3A_242] : memref<10240x64xf32, #tpu.memory_space<hbm>> -> memref<10240x64xf32, #tpu.memory_space<hbm>>
        tpu.enqueue_indirect_dma source(%dma_start3A_243 : memref<10240x64xf32, #tpu.memory_space<hbm>>) target(%arg17 : memref<80x64xf32, #tpu.memory_space<vmem>>) offsets(%dma_start3A_240 : memref<80xi32, #tpu.memory_space<vmem>>) semaphore(%arg25 : memref<!tpu.dma_semaphore, #tpu.memory_space<semaphore_mem>>)
      } else {
      }
    }
    %scan3A_62 = arith.constant 15 : i32
    %dma_wait3A = arith.constant 120 : i32
    %dma_wait3A_63 = arith.constant 0 : i32
    %dma_wait3A_64 = tpu.memref_slice %arg8[%dma_wait3A, %dma_wait3A_63] : memref<125x80xi32, #tpu.memory_space<vmem>> -> memref<1x80xi32, #tpu.memory_space<vmem>>
    %dma_wait3A_65 = tpu.memref_squeeze %dma_wait3A_64 : memref<1x80xi32, #tpu.memory_space<vmem>> -> memref<80xi32, #tpu.memory_space<vmem>>
    %dma_wait3A_66 = arith.constant 0 : i32
    %dma_wait3A_67 = arith.constant 0 : i32
    %dma_wait3A_68 = tpu.memref_slice %arg2[%dma_wait3A_66, %dma_wait3A_67] : memref<10240x64xf32, #tpu.memory_space<hbm>> -> memref<10240x64xf32, #tpu.memory_space<hbm>>
    tpu.wait_indirect_dma semaphore(%arg18 : memref<!tpu.dma_semaphore, #tpu.memory_space<semaphore_mem>>) src(%dma_wait3A_68 : memref<10240x64xf32, #tpu.memory_space<hbm>>) dst(%arg10 : memref<80x64xf32, #tpu.memory_space<vmem>>)
    %run_scoped3A = arith.constant 120 : i32
    "tpu.region"() ({
      %run_scoped3A_102 = tpu.sem_alloc : memref<!tpu.dma_semaphore, #tpu.memory_space<semaphore_mem>>
      %dma_start3A_103 = arith.constant 0 : i32
      %dma_start3A_104 = tpu.memref_slice %arg9[%run_scoped3A, %dma_start3A_103] : memref<125x80xi32, #tpu.memory_space<vmem>> -> memref<1x80xi32, #tpu.memory_space<vmem>>
      %dma_start3A_105 = tpu.memref_squeeze %dma_start3A_104 : memref<1x80xi32, #tpu.memory_space<vmem>> -> memref<80xi32, #tpu.memory_space<vmem>>
      %dma_start3A_106 = arith.constant 0 : i32
      %dma_start3A_107 = arith.constant 0 : i32
      %dma_start3A_108 = tpu.memref_slice %arg7[%dma_start3A_106, %dma_start3A_107] : memref<10240x64xf32, #tpu.memory_space<vmem_shared>> -> memref<10240x64xf32, #tpu.memory_space<vmem_shared>>
      tpu.enqueue_indirect_dma source(%arg10 : memref<80x64xf32, #tpu.memory_space<vmem>>) target(%dma_start3A_108 : memref<10240x64xf32, #tpu.memory_space<vmem_shared>>) offsets(%dma_start3A_105 : memref<80xi32, #tpu.memory_space<vmem>>) semaphore(%run_scoped3A_102 : memref<!tpu.dma_semaphore, #tpu.memory_space<semaphore_mem>>) {add = true}
      %dma_wait3A_109 = arith.constant 0 : i32
      %dma_wait3A_110 = tpu.memref_slice %arg9[%run_scoped3A, %dma_wait3A_109] : memref<125x80xi32, #tpu.memory_space<vmem>> -> memref<1x80xi32, #tpu.memory_space<vmem>>
      %dma_wait3A_111 = tpu.memref_squeeze %dma_wait3A_110 : memref<1x80xi32, #tpu.memory_space<vmem>> -> memref<80xi32, #tpu.memory_space<vmem>>
      %dma_wait3A_112 = arith.constant 0 : i32
      %dma_wait3A_113 = arith.constant 0 : i32
      %dma_wait3A_114 = tpu.memref_slice %arg7[%dma_wait3A_112, %dma_wait3A_113] : memref<10240x64xf32, #tpu.memory_space<vmem_shared>> -> memref<10240x64xf32, #tpu.memory_space<vmem_shared>>
      tpu.wait_indirect_dma semaphore(%run_scoped3A_102 : memref<!tpu.dma_semaphore, #tpu.memory_space<semaphore_mem>>) src(%arg10 : memref<80x64xf32, #tpu.memory_space<vmem>>) dst(%dma_wait3A_114 : memref<10240x64xf32, #tpu.memory_space<vmem_shared>>)
      tpu.yield
    }) : () -> ()
    %dma_wait3A_69 = arith.constant 121 : i32
    %dma_wait3A_70 = arith.constant 0 : i32
    %dma_wait3A_71 = tpu.memref_slice %arg8[%dma_wait3A_69, %dma_wait3A_70] : memref<125x80xi32, #tpu.memory_space<vmem>> -> memref<1x80xi32, #tpu.memory_space<vmem>>
    %dma_wait3A_72 = tpu.memref_squeeze %dma_wait3A_71 : memref<1x80xi32, #tpu.memory_space<vmem>> -> memref<80xi32, #tpu.memory_space<vmem>>
    %dma_wait3A_73 = arith.constant 0 : i32
    %dma_wait3A_74 = arith.constant 0 : i32
    %dma_wait3A_75 = tpu.memref_slice %arg2[%dma_wait3A_73, %dma_wait3A_74] : memref<10240x64xf32, #tpu.memory_space<hbm>> -> memref<10240x64xf32, #tpu.memory_space<hbm>>
    tpu.wait_indirect_dma semaphore(%arg19 : memref<!tpu.dma_semaphore, #tpu.memory_space<semaphore_mem>>) src(%dma_wait3A_75 : memref<10240x64xf32, #tpu.memory_space<hbm>>) dst(%arg11 : memref<80x64xf32, #tpu.memory_space<vmem>>)
    %run_scoped3A_76 = arith.constant 121 : i32
    "tpu.region"() ({
      %run_scoped3A_102 = tpu.sem_alloc : memref<!tpu.dma_semaphore, #tpu.memory_space<semaphore_mem>>
      %dma_start3A_103 = arith.constant 0 : i32
      %dma_start3A_104 = tpu.memref_slice %arg9[%run_scoped3A_76, %dma_start3A_103] : memref<125x80xi32, #tpu.memory_space<vmem>> -> memref<1x80xi32, #tpu.memory_space<vmem>>
      %dma_start3A_105 = tpu.memref_squeeze %dma_start3A_104 : memref<1x80xi32, #tpu.memory_space<vmem>> -> memref<80xi32, #tpu.memory_space<vmem>>
      %dma_start3A_106 = arith.constant 0 : i32
      %dma_start3A_107 = arith.constant 0 : i32
      %dma_start3A_108 = tpu.memref_slice %arg7[%dma_start3A_106, %dma_start3A_107] : memref<10240x64xf32, #tpu.memory_space<vmem_shared>> -> memref<10240x64xf32, #tpu.memory_space<vmem_shared>>
      tpu.enqueue_indirect_dma source(%arg11 : memref<80x64xf32, #tpu.memory_space<vmem>>) target(%dma_start3A_108 : memref<10240x64xf32, #tpu.memory_space<vmem_shared>>) offsets(%dma_start3A_105 : memref<80xi32, #tpu.memory_space<vmem>>) semaphore(%run_scoped3A_102 : memref<!tpu.dma_semaphore, #tpu.memory_space<semaphore_mem>>) {add = true}
      %dma_wait3A_109 = arith.constant 0 : i32
      %dma_wait3A_110 = tpu.memref_slice %arg9[%run_scoped3A_76, %dma_wait3A_109] : memref<125x80xi32, #tpu.memory_space<vmem>> -> memref<1x80xi32, #tpu.memory_space<vmem>>
      %dma_wait3A_111 = tpu.memref_squeeze %dma_wait3A_110 : memref<1x80xi32, #tpu.memory_space<vmem>> -> memref<80xi32, #tpu.memory_space<vmem>>
      %dma_wait3A_112 = arith.constant 0 : i32
      %dma_wait3A_113 = arith.constant 0 : i32
      %dma_wait3A_114 = tpu.memref_slice %arg7[%dma_wait3A_112, %dma_wait3A_113] : memref<10240x64xf32, #tpu.memory_space<vmem_shared>> -> memref<10240x64xf32, #tpu.memory_space<vmem_shared>>
      tpu.wait_indirect_dma semaphore(%run_scoped3A_102 : memref<!tpu.dma_semaphore, #tpu.memory_space<semaphore_mem>>) src(%arg11 : memref<80x64xf32, #tpu.memory_space<vmem>>) dst(%dma_wait3A_114 : memref<10240x64xf32, #tpu.memory_space<vmem_shared>>)
      tpu.yield
    }) : () -> ()
    %dma_wait3A_77 = arith.constant 122 : i32
    %dma_wait3A_78 = arith.constant 0 : i32
    %dma_wait3A_79 = tpu.memref_slice %arg8[%dma_wait3A_77, %dma_wait3A_78] : memref<125x80xi32, #tpu.memory_space<vmem>> -> memref<1x80xi32, #tpu.memory_space<vmem>>
    %dma_wait3A_80 = tpu.memref_squeeze %dma_wait3A_79 : memref<1x80xi32, #tpu.memory_space<vmem>> -> memref<80xi32, #tpu.memory_space<vmem>>
    %dma_wait3A_81 = arith.constant 0 : i32
    %dma_wait3A_82 = arith.constant 0 : i32
    %dma_wait3A_83 = tpu.memref_slice %arg2[%dma_wait3A_81, %dma_wait3A_82] : memref<10240x64xf32, #tpu.memory_space<hbm>> -> memref<10240x64xf32, #tpu.memory_space<hbm>>
    tpu.wait_indirect_dma semaphore(%arg20 : memref<!tpu.dma_semaphore, #tpu.memory_space<semaphore_mem>>) src(%dma_wait3A_83 : memref<10240x64xf32, #tpu.memory_space<hbm>>) dst(%arg12 : memref<80x64xf32, #tpu.memory_space<vmem>>)
    %run_scoped3A_84 = arith.constant 122 : i32
    "tpu.region"() ({
      %run_scoped3A_102 = tpu.sem_alloc : memref<!tpu.dma_semaphore, #tpu.memory_space<semaphore_mem>>
      %dma_start3A_103 = arith.constant 0 : i32
      %dma_start3A_104 = tpu.memref_slice %arg9[%run_scoped3A_84, %dma_start3A_103] : memref<125x80xi32, #tpu.memory_space<vmem>> -> memref<1x80xi32, #tpu.memory_space<vmem>>
      %dma_start3A_105 = tpu.memref_squeeze %dma_start3A_104 : memref<1x80xi32, #tpu.memory_space<vmem>> -> memref<80xi32, #tpu.memory_space<vmem>>
      %dma_start3A_106 = arith.constant 0 : i32
      %dma_start3A_107 = arith.constant 0 : i32
      %dma_start3A_108 = tpu.memref_slice %arg7[%dma_start3A_106, %dma_start3A_107] : memref<10240x64xf32, #tpu.memory_space<vmem_shared>> -> memref<10240x64xf32, #tpu.memory_space<vmem_shared>>
      tpu.enqueue_indirect_dma source(%arg12 : memref<80x64xf32, #tpu.memory_space<vmem>>) target(%dma_start3A_108 : memref<10240x64xf32, #tpu.memory_space<vmem_shared>>) offsets(%dma_start3A_105 : memref<80xi32, #tpu.memory_space<vmem>>) semaphore(%run_scoped3A_102 : memref<!tpu.dma_semaphore, #tpu.memory_space<semaphore_mem>>) {add = true}
      %dma_wait3A_109 = arith.constant 0 : i32
      %dma_wait3A_110 = tpu.memref_slice %arg9[%run_scoped3A_84, %dma_wait3A_109] : memref<125x80xi32, #tpu.memory_space<vmem>> -> memref<1x80xi32, #tpu.memory_space<vmem>>
      %dma_wait3A_111 = tpu.memref_squeeze %dma_wait3A_110 : memref<1x80xi32, #tpu.memory_space<vmem>> -> memref<80xi32, #tpu.memory_space<vmem>>
      %dma_wait3A_112 = arith.constant 0 : i32
      %dma_wait3A_113 = arith.constant 0 : i32
      %dma_wait3A_114 = tpu.memref_slice %arg7[%dma_wait3A_112, %dma_wait3A_113] : memref<10240x64xf32, #tpu.memory_space<vmem_shared>> -> memref<10240x64xf32, #tpu.memory_space<vmem_shared>>
      tpu.wait_indirect_dma semaphore(%run_scoped3A_102 : memref<!tpu.dma_semaphore, #tpu.memory_space<semaphore_mem>>) src(%arg12 : memref<80x64xf32, #tpu.memory_space<vmem>>) dst(%dma_wait3A_114 : memref<10240x64xf32, #tpu.memory_space<vmem_shared>>)
      tpu.yield
    }) : () -> ()
    %dma_wait3A_85 = arith.constant 123 : i32
    %dma_wait3A_86 = arith.constant 0 : i32
    %dma_wait3A_87 = tpu.memref_slice %arg8[%dma_wait3A_85, %dma_wait3A_86] : memref<125x80xi32, #tpu.memory_space<vmem>> -> memref<1x80xi32, #tpu.memory_space<vmem>>
    %dma_wait3A_88 = tpu.memref_squeeze %dma_wait3A_87 : memref<1x80xi32, #tpu.memory_space<vmem>> -> memref<80xi32, #tpu.memory_space<vmem>>
    %dma_wait3A_89 = arith.constant 0 : i32
    %dma_wait3A_90 = arith.constant 0 : i32
    %dma_wait3A_91 = tpu.memref_slice %arg2[%dma_wait3A_89, %dma_wait3A_90] : memref<10240x64xf32, #tpu.memory_space<hbm>> -> memref<10240x64xf32, #tpu.memory_space<hbm>>
    tpu.wait_indirect_dma semaphore(%arg21 : memref<!tpu.dma_semaphore, #tpu.memory_space<semaphore_mem>>) src(%dma_wait3A_91 : memref<10240x64xf32, #tpu.memory_space<hbm>>) dst(%arg13 : memref<80x64xf32, #tpu.memory_space<vmem>>)
    %run_scoped3A_92 = arith.constant 123 : i32
    "tpu.region"() ({
      %run_scoped3A_102 = tpu.sem_alloc : memref<!tpu.dma_semaphore, #tpu.memory_space<semaphore_mem>>
      %dma_start3A_103 = arith.constant 0 : i32
      %dma_start3A_104 = tpu.memref_slice %arg9[%run_scoped3A_92, %dma_start3A_103] : memref<125x80xi32, #tpu.memory_space<vmem>> -> memref<1x80xi32, #tpu.memory_space<vmem>>
      %dma_start3A_105 = tpu.memref_squeeze %dma_start3A_104 : memref<1x80xi32, #tpu.memory_space<vmem>> -> memref<80xi32, #tpu.memory_space<vmem>>
      %dma_start3A_106 = arith.constant 0 : i32
      %dma_start3A_107 = arith.constant 0 : i32
      %dma_start3A_108 = tpu.memref_slice %arg7[%dma_start3A_106, %dma_start3A_107] : memref<10240x64xf32, #tpu.memory_space<vmem_shared>> -> memref<10240x64xf32, #tpu.memory_space<vmem_shared>>
      tpu.enqueue_indirect_dma source(%arg13 : memref<80x64xf32, #tpu.memory_space<vmem>>) target(%dma_start3A_108 : memref<10240x64xf32, #tpu.memory_space<vmem_shared>>) offsets(%dma_start3A_105 : memref<80xi32, #tpu.memory_space<vmem>>) semaphore(%run_scoped3A_102 : memref<!tpu.dma_semaphore, #tpu.memory_space<semaphore_mem>>) {add = true}
      %dma_wait3A_109 = arith.constant 0 : i32
      %dma_wait3A_110 = tpu.memref_slice %arg9[%run_scoped3A_92, %dma_wait3A_109] : memref<125x80xi32, #tpu.memory_space<vmem>> -> memref<1x80xi32, #tpu.memory_space<vmem>>
      %dma_wait3A_111 = tpu.memref_squeeze %dma_wait3A_110 : memref<1x80xi32, #tpu.memory_space<vmem>> -> memref<80xi32, #tpu.memory_space<vmem>>
      %dma_wait3A_112 = arith.constant 0 : i32
      %dma_wait3A_113 = arith.constant 0 : i32
      %dma_wait3A_114 = tpu.memref_slice %arg7[%dma_wait3A_112, %dma_wait3A_113] : memref<10240x64xf32, #tpu.memory_space<vmem_shared>> -> memref<10240x64xf32, #tpu.memory_space<vmem_shared>>
      tpu.wait_indirect_dma semaphore(%run_scoped3A_102 : memref<!tpu.dma_semaphore, #tpu.memory_space<semaphore_mem>>) src(%arg13 : memref<80x64xf32, #tpu.memory_space<vmem>>) dst(%dma_wait3A_114 : memref<10240x64xf32, #tpu.memory_space<vmem_shared>>)
      tpu.yield
    }) : () -> ()
    %dma_wait3A_93 = arith.constant 124 : i32
    %dma_wait3A_94 = arith.constant 0 : i32
    %dma_wait3A_95 = tpu.memref_slice %arg8[%dma_wait3A_93, %dma_wait3A_94] : memref<125x80xi32, #tpu.memory_space<vmem>> -> memref<1x80xi32, #tpu.memory_space<vmem>>
    %dma_wait3A_96 = tpu.memref_squeeze %dma_wait3A_95 : memref<1x80xi32, #tpu.memory_space<vmem>> -> memref<80xi32, #tpu.memory_space<vmem>>
    %dma_wait3A_97 = arith.constant 0 : i32
    %dma_wait3A_98 = arith.constant 0 : i32
    %dma_wait3A_99 = tpu.memref_slice %arg2[%dma_wait3A_97, %dma_wait3A_98] : memref<10240x64xf32, #tpu.memory_space<hbm>> -> memref<10240x64xf32, #tpu.memory_space<hbm>>
    tpu.wait_indirect_dma semaphore(%arg22 : memref<!tpu.dma_semaphore, #tpu.memory_space<semaphore_mem>>) src(%dma_wait3A_99 : memref<10240x64xf32, #tpu.memory_space<hbm>>) dst(%arg14 : memref<80x64xf32, #tpu.memory_space<vmem>>)
    %run_scoped3A_100 = arith.constant 124 : i32
    "tpu.region"() ({
      %run_scoped3A_102 = tpu.sem_alloc : memref<!tpu.dma_semaphore, #tpu.memory_space<semaphore_mem>>
      %dma_start3A_103 = arith.constant 0 : i32
      %dma_start3A_104 = tpu.memref_slice %arg9[%run_scoped3A_100, %dma_start3A_103] : memref<125x80xi32, #tpu.memory_space<vmem>> -> memref<1x80xi32, #tpu.memory_space<vmem>>
      %dma_start3A_105 = tpu.memref_squeeze %dma_start3A_104 : memref<1x80xi32, #tpu.memory_space<vmem>> -> memref<80xi32, #tpu.memory_space<vmem>>
      %dma_start3A_106 = arith.constant 0 : i32
      %dma_start3A_107 = arith.constant 0 : i32
      %dma_start3A_108 = tpu.memref_slice %arg7[%dma_start3A_106, %dma_start3A_107] : memref<10240x64xf32, #tpu.memory_space<vmem_shared>> -> memref<10240x64xf32, #tpu.memory_space<vmem_shared>>
      tpu.enqueue_indirect_dma source(%arg14 : memref<80x64xf32, #tpu.memory_space<vmem>>) target(%dma_start3A_108 : memref<10240x64xf32, #tpu.memory_space<vmem_shared>>) offsets(%dma_start3A_105 : memref<80xi32, #tpu.memory_space<vmem>>) semaphore(%run_scoped3A_102 : memref<!tpu.dma_semaphore, #tpu.memory_space<semaphore_mem>>) {add = true}
      %dma_wait3A_109 = arith.constant 0 : i32
      %dma_wait3A_110 = tpu.memref_slice %arg9[%run_scoped3A_100, %dma_wait3A_109] : memref<125x80xi32, #tpu.memory_space<vmem>> -> memref<1x80xi32, #tpu.memory_space<vmem>>
      %dma_wait3A_111 = tpu.memref_squeeze %dma_wait3A_110 : memref<1x80xi32, #tpu.memory_space<vmem>> -> memref<80xi32, #tpu.memory_space<vmem>>
      %dma_wait3A_112 = arith.constant 0 : i32
      %dma_wait3A_113 = arith.constant 0 : i32
      %dma_wait3A_114 = tpu.memref_slice %arg7[%dma_wait3A_112, %dma_wait3A_113] : memref<10240x64xf32, #tpu.memory_space<vmem_shared>> -> memref<10240x64xf32, #tpu.memory_space<vmem_shared>>
      tpu.wait_indirect_dma semaphore(%run_scoped3A_102 : memref<!tpu.dma_semaphore, #tpu.memory_space<semaphore_mem>>) src(%arg14 : memref<80x64xf32, #tpu.memory_space<vmem>>) dst(%dma_wait3A_114 : memref<10240x64xf32, #tpu.memory_space<vmem_shared>>)
      tpu.yield
    }) : () -> ()
    %barrier3A_101 = arith.constant 0 : index
    tpu.barrier barrier_id(%barrier3A_101)
    "tpu.region"() ({
      %run_scoped3A_102 = tpu.sem_alloc : memref<!tpu.dma_semaphore, #tpu.memory_space<semaphore_mem>>
      %dma_start3A_103 = arith.constant 0 : i32
      %dma_start3A_104 = tpu.memref_slice %arg6[%arg0, %mul3A_2, %dma_start3A_103] : memref<2x10240x64xf32, #tpu.memory_space<hbm>> -> memref<1x640x64xf32, #tpu.memory_space<hbm>>
      %dma_start3A_105 = tpu.memref_squeeze %dma_start3A_104 : memref<1x640x64xf32, #tpu.memory_space<hbm>> -> memref<640x64xf32, #tpu.memory_space<hbm>>
      %dma_start3A_106 = arith.constant 0 : i32
      %dma_start3A_107 = tpu.memref_slice %arg7[%mul3A_2, %dma_start3A_106] : memref<10240x64xf32, #tpu.memory_space<vmem_shared>> -> memref<640x64xf32, #tpu.memory_space<vmem_shared>>
      tpu.enqueue_dma source(%dma_start3A_107 : memref<640x64xf32, #tpu.memory_space<vmem_shared>>) target(%dma_start3A_105 : memref<640x64xf32, #tpu.memory_space<hbm>>) target_semaphore(%run_scoped3A_102 : memref<!tpu.dma_semaphore, #tpu.memory_space<semaphore_mem>>)
      %dma_wait3A_108 = arith.constant 0 : i32
      %dma_wait3A_109 = tpu.memref_slice %arg6[%arg0, %mul3A_2, %dma_wait3A_108] : memref<2x10240x64xf32, #tpu.memory_space<hbm>> -> memref<1x640x64xf32, #tpu.memory_space<hbm>>
      %dma_wait3A_110 = tpu.memref_squeeze %dma_wait3A_109 : memref<1x640x64xf32, #tpu.memory_space<hbm>> -> memref<640x64xf32, #tpu.memory_space<hbm>>
      %dma_wait3A_111 = arith.constant 0 : i32
      %dma_wait3A_112 = tpu.memref_slice %arg7[%mul3A_2, %dma_wait3A_111] : memref<10240x64xf32, #tpu.memory_space<vmem_shared>> -> memref<640x64xf32, #tpu.memory_space<vmem_shared>>
      tpu.wait_dma2 semaphore(%run_scoped3A_102 : memref<!tpu.dma_semaphore, #tpu.memory_space<semaphore_mem>>) src(%dma_wait3A_112 : memref<640x64xf32, #tpu.memory_space<vmem_shared>>) dst(%dma_wait3A_110 : memref<640x64xf32, #tpu.memory_space<hbm>>)
      tpu.yield
    }) : () -> ()
    return
  }
}

#map = affine_map<(d0, d1) -> (0, 0)>
#map1 = affine_map<(d0, d1) -> (0, 0, 0)>
module attributes {stable_mosaic.version = 14 : i64} {
  func.func @_agg_body(%arg0: i32, %arg1: i32, %arg2: memref<10240x64xf32, #tpu.memory_space<hbm>>, %arg3: memref<32x125x80xi32, #tpu.memory_space<hbm>>, %arg4: memref<32x125x80xi32, #tpu.memory_space<hbm>>, %arg5: memref<10240x64xf32, #tpu.memory_space<hbm>>, %arg6: memref<2x10240x64xf32, #tpu.memory_space<hbm>>, %arg7: memref<10240x64xf32, #tpu.memory_space<vmem_shared>>, %arg8: memref<125x80xi32, #tpu.memory_space<vmem>>, %arg9: memref<125x80xi32, #tpu.memory_space<vmem>>, %arg10: memref<80x64xf32, #tpu.memory_space<vmem>>, %arg11: memref<80x64xf32, #tpu.memory_space<vmem>>, %arg12: memref<80x64xf32, #tpu.memory_space<vmem>>, %arg13: memref<80x64xf32, #tpu.memory_space<vmem>>, %arg14: memref<80x64xf32, #tpu.memory_space<vmem>>, %arg15: memref<80x64xf32, #tpu.memory_space<vmem>>, %arg16: memref<80x64xf32, #tpu.memory_space<vmem>>, %arg17: memref<80x64xf32, #tpu.memory_space<vmem>>, %arg18: memref<!tpu.dma_semaphore, #tpu.memory_space<semaphore_mem>>, %arg19: memref<!tpu.dma_semaphore, #tpu.memory_space<semaphore_mem>>, %arg20: memref<!tpu.dma_semaphore, #tpu.memory_space<semaphore_mem>>, %arg21: memref<!tpu.dma_semaphore, #tpu.memory_space<semaphore_mem>>, %arg22: memref<!tpu.dma_semaphore, #tpu.memory_space<semaphore_mem>>, %arg23: memref<!tpu.dma_semaphore, #tpu.memory_space<semaphore_mem>>, %arg24: memref<!tpu.dma_semaphore, #tpu.memory_space<semaphore_mem>>, %arg25: memref<!tpu.dma_semaphore, #tpu.memory_space<semaphore_mem>>) attributes {dimension_semantics = [#tpu.dimension_semantics<core_parallel>, #tpu.dimension_semantics<subcore_parallel>], iteration_bounds = array<i64: 2, 16>, scalar_prefetch = 0 : i64, scratch_operands = 19 : i64, tpu.core_type = #tpu.core_type<sc_vector_subcore>, window_params = [{transform_indices = #map}, {transform_indices = #map1}, {transform_indices = #map1}, {transform_indices = #map}, {transform_indices = #map1}]} {
    %mul3A = arith.constant 2 : i32
    %mul3A_0 = arith.muli %arg1, %mul3A : i32
    %add3A = arith.addi %mul3A_0, %arg0 : i32
    %mul3A_1 = arith.constant 640 : i32
    %mul3A_2 = arith.muli %arg1, %mul3A_1 : i32
    "tpu.region"() ({
      %run_scoped3A_102 = tpu.sem_alloc : memref<!tpu.dma_semaphore, #tpu.memory_space<semaphore_mem>>
      %dma_start3A_103 = arith.constant 0 : i32
      %dma_start3A_104 = tpu.memref_slice %arg7[%mul3A_2, %dma_start3A_103] : memref<10240x64xf32, #tpu.memory_space<vmem_shared>> -> memref<640x64xf32, #tpu.memory_space<vmem_shared>>
      %dma_start3A_105 = arith.constant 0 : i32
      %dma_start3A_106 = tpu.memref_slice %arg5[%mul3A_2, %dma_start3A_105] : memref<10240x64xf32, #tpu.memory_space<hbm>> -> memref<640x64xf32, #tpu.memory_space<hbm>>
      tpu.enqueue_dma source(%dma_start3A_106 : memref<640x64xf32, #tpu.memory_space<hbm>>) target(%dma_start3A_104 : memref<640x64xf32, #tpu.memory_space<vmem_shared>>) target_semaphore(%run_scoped3A_102 : memref<!tpu.dma_semaphore, #tpu.memory_space<semaphore_mem>>)
      %dma_wait3A_107 = arith.constant 0 : i32
      %dma_wait3A_108 = tpu.memref_slice %arg7[%mul3A_2, %dma_wait3A_107] : memref<10240x64xf32, #tpu.memory_space<vmem_shared>> -> memref<640x64xf32, #tpu.memory_space<vmem_shared>>
      %dma_wait3A_109 = arith.constant 0 : i32
      %dma_wait3A_110 = tpu.memref_slice %arg5[%mul3A_2, %dma_wait3A_109] : memref<10240x64xf32, #tpu.memory_space<hbm>> -> memref<640x64xf32, #tpu.memory_space<hbm>>
      tpu.wait_dma2 semaphore(%run_scoped3A_102 : memref<!tpu.dma_semaphore, #tpu.memory_space<semaphore_mem>>) src(%dma_wait3A_110 : memref<640x64xf32, #tpu.memory_space<hbm>>) dst(%dma_wait3A_108 : memref<640x64xf32, #tpu.memory_space<vmem_shared>>)
      tpu.yield
    }) : () -> ()
    "tpu.region"() ({
      %run_scoped3A_102 = tpu.sem_alloc : memref<!tpu.dma_semaphore, #tpu.memory_space<semaphore_mem>>
      %dma_start3A_103 = arith.constant 0 : i32
      %dma_start3A_104 = arith.constant 0 : i32
      %dma_start3A_105 = tpu.memref_slice %arg3[%add3A, %dma_start3A_103, %dma_start3A_104] : memref<32x125x80xi32, #tpu.memory_space<hbm>> -> memref<1x125x80xi32, #tpu.memory_space<hbm>>
      %dma_start3A_106 = tpu.memref_squeeze %dma_start3A_105 : memref<1x125x80xi32, #tpu.memory_space<hbm>> -> memref<125x80xi32, #tpu.memory_space<hbm>>
      %dma_start3A_107 = arith.constant 0 : i32
      %dma_start3A_108 = arith.constant 0 : i32
      %dma_start3A_109 = tpu.memref_slice %arg3[%add3A, %dma_start3A_107, %dma_start3A_108] : memref<32x125x80xi32, #tpu.memory_space<hbm>> -> memref<1x125x80xi32, #tpu.memory_space<hbm>>
      %dma_start3A_110 = tpu.memref_squeeze %dma_start3A_109 : memref<1x125x80xi32, #tpu.memory_space<hbm>> -> memref<125x80xi32, #tpu.memory_space<hbm>>
      tpu.enqueue_dma source(%dma_start3A_110 : memref<125x80xi32, #tpu.memory_space<hbm>>) target(%arg8 : memref<125x80xi32, #tpu.memory_space<vmem>>) target_semaphore(%run_scoped3A_102 : memref<!tpu.dma_semaphore, #tpu.memory_space<semaphore_mem>>)
      %dma_wait3A_111 = arith.constant 0 : i32
      %dma_wait3A_112 = arith.constant 0 : i32
      %dma_wait3A_113 = tpu.memref_slice %arg3[%add3A, %dma_wait3A_111, %dma_wait3A_112] : memref<32x125x80xi32, #tpu.memory_space<hbm>> -> memref<1x125x80xi32, #tpu.memory_space<hbm>>
      %dma_wait3A_114 = tpu.memref_squeeze %dma_wait3A_113 : memref<1x125x80xi32, #tpu.memory_space<hbm>> -> memref<125x80xi32, #tpu.memory_space<hbm>>
      %dma_wait3A_115 = arith.constant 0 : i32
      %dma_wait3A_116 = arith.constant 0 : i32
      %dma_wait3A_117 = tpu.memref_slice %arg3[%add3A, %dma_wait3A_115, %dma_wait3A_116] : memref<32x125x80xi32, #tpu.memory_space<hbm>> -> memref<1x125x80xi32, #tpu.memory_space<hbm>>
      %dma_wait3A_118 = tpu.memref_squeeze %dma_wait3A_117 : memref<1x125x80xi32, #tpu.memory_space<hbm>> -> memref<125x80xi32, #tpu.memory_space<hbm>>
      tpu.wait_dma2 semaphore(%run_scoped3A_102 : memref<!tpu.dma_semaphore, #tpu.memory_space<semaphore_mem>>) src(%dma_wait3A_118 : memref<125x80xi32, #tpu.memory_space<hbm>>) dst(%arg8 : memref<125x80xi32, #tpu.memory_space<vmem>>)
      tpu.yield
    }) : () -> ()
    "tpu.region"() ({
      %run_scoped3A_102 = tpu.sem_alloc : memref<!tpu.dma_semaphore, #tpu.memory_space<semaphore_mem>>
      %dma_start3A_103 = arith.constant 0 : i32
      %dma_start3A_104 = arith.constant 0 : i32
      %dma_start3A_105 = tpu.memref_slice %arg4[%add3A, %dma_start3A_103, %dma_start3A_104] : memref<32x125x80xi32, #tpu.memory_space<hbm>> -> memref<1x125x80xi32, #tpu.memory_space<hbm>>
      %dma_start3A_106 = tpu.memref_squeeze %dma_start3A_105 : memref<1x125x80xi32, #tpu.memory_space<hbm>> -> memref<125x80xi32, #tpu.memory_space<hbm>>
      %dma_start3A_107 = arith.constant 0 : i32
      %dma_start3A_108 = arith.constant 0 : i32
      %dma_start3A_109 = tpu.memref_slice %arg4[%add3A, %dma_start3A_107, %dma_start3A_108] : memref<32x125x80xi32, #tpu.memory_space<hbm>> -> memref<1x125x80xi32, #tpu.memory_space<hbm>>
      %dma_start3A_110 = tpu.memref_squeeze %dma_start3A_109 : memref<1x125x80xi32, #tpu.memory_space<hbm>> -> memref<125x80xi32, #tpu.memory_space<hbm>>
      tpu.enqueue_dma source(%dma_start3A_110 : memref<125x80xi32, #tpu.memory_space<hbm>>) target(%arg9 : memref<125x80xi32, #tpu.memory_space<vmem>>) target_semaphore(%run_scoped3A_102 : memref<!tpu.dma_semaphore, #tpu.memory_space<semaphore_mem>>)
      %dma_wait3A_111 = arith.constant 0 : i32
      %dma_wait3A_112 = arith.constant 0 : i32
      %dma_wait3A_113 = tpu.memref_slice %arg4[%add3A, %dma_wait3A_111, %dma_wait3A_112] : memref<32x125x80xi32, #tpu.memory_space<hbm>> -> memref<1x125x80xi32, #tpu.memory_space<hbm>>
      %dma_wait3A_114 = tpu.memref_squeeze %dma_wait3A_113 : memref<1x125x80xi32, #tpu.memory_space<hbm>> -> memref<125x80xi32, #tpu.memory_space<hbm>>
      %dma_wait3A_115 = arith.constant 0 : i32
      %dma_wait3A_116 = arith.constant 0 : i32
      %dma_wait3A_117 = tpu.memref_slice %arg4[%add3A, %dma_wait3A_115, %dma_wait3A_116] : memref<32x125x80xi32, #tpu.memory_space<hbm>> -> memref<1x125x80xi32, #tpu.memory_space<hbm>>
      %dma_wait3A_118 = tpu.memref_squeeze %dma_wait3A_117 : memref<1x125x80xi32, #tpu.memory_space<hbm>> -> memref<125x80xi32, #tpu.memory_space<hbm>>
      tpu.wait_dma2 semaphore(%run_scoped3A_102 : memref<!tpu.dma_semaphore, #tpu.memory_space<semaphore_mem>>) src(%dma_wait3A_118 : memref<125x80xi32, #tpu.memory_space<hbm>>) dst(%arg9 : memref<125x80xi32, #tpu.memory_space<vmem>>)
      tpu.yield
    }) : () -> ()
    %barrier3A = arith.constant 0 : index
    tpu.barrier barrier_id(%barrier3A)
    %dma_start3A = arith.constant 0 : i32
    %dma_start3A_3 = arith.constant 0 : i32
    %dma_start3A_4 = tpu.memref_slice %arg8[%dma_start3A, %dma_start3A_3] : memref<125x80xi32, #tpu.memory_space<vmem>> -> memref<1x80xi32, #tpu.memory_space<vmem>>
    %dma_start3A_5 = tpu.memref_squeeze %dma_start3A_4 : memref<1x80xi32, #tpu.memory_space<vmem>> -> memref<80xi32, #tpu.memory_space<vmem>>
    %dma_start3A_6 = arith.constant 0 : i32
    %dma_start3A_7 = arith.constant 0 : i32
    %dma_start3A_8 = tpu.memref_slice %arg2[%dma_start3A_6, %dma_start3A_7] : memref<10240x64xf32, #tpu.memory_space<hbm>> -> memref<10240x64xf32, #tpu.memory_space<hbm>>
    tpu.enqueue_indirect_dma source(%dma_start3A_8 : memref<10240x64xf32, #tpu.memory_space<hbm>>) target(%arg10 : memref<80x64xf32, #tpu.memory_space<vmem>>) offsets(%dma_start3A_5 : memref<80xi32, #tpu.memory_space<vmem>>) semaphore(%arg18 : memref<!tpu.dma_semaphore, #tpu.memory_space<semaphore_mem>>)
    %dma_start3A_9 = arith.constant 1 : i32
    %dma_start3A_10 = arith.constant 0 : i32
    %dma_start3A_11 = tpu.memref_slice %arg8[%dma_start3A_9, %dma_start3A_10] : memref<125x80xi32, #tpu.memory_space<vmem>> -> memref<1x80xi32, #tpu.memory_space<vmem>>
    %dma_start3A_12 = tpu.memref_squeeze %dma_start3A_11 : memref<1x80xi32, #tpu.memory_space<vmem>> -> memref<80xi32, #tpu.memory_space<vmem>>
    %dma_start3A_13 = arith.constant 0 : i32
    %dma_start3A_14 = arith.constant 0 : i32
    %dma_start3A_15 = tpu.memref_slice %arg2[%dma_start3A_13, %dma_start3A_14] : memref<10240x64xf32, #tpu.memory_space<hbm>> -> memref<10240x64xf32, #tpu.memory_space<hbm>>
    tpu.enqueue_indirect_dma source(%dma_start3A_15 : memref<10240x64xf32, #tpu.memory_space<hbm>>) target(%arg11 : memref<80x64xf32, #tpu.memory_space<vmem>>) offsets(%dma_start3A_12 : memref<80xi32, #tpu.memory_space<vmem>>) semaphore(%arg19 : memref<!tpu.dma_semaphore, #tpu.memory_space<semaphore_mem>>)
    %dma_start3A_16 = arith.constant 2 : i32
    %dma_start3A_17 = arith.constant 0 : i32
    %dma_start3A_18 = tpu.memref_slice %arg8[%dma_start3A_16, %dma_start3A_17] : memref<125x80xi32, #tpu.memory_space<vmem>> -> memref<1x80xi32, #tpu.memory_space<vmem>>
    %dma_start3A_19 = tpu.memref_squeeze %dma_start3A_18 : memref<1x80xi32, #tpu.memory_space<vmem>> -> memref<80xi32, #tpu.memory_space<vmem>>
    %dma_start3A_20 = arith.constant 0 : i32
    %dma_start3A_21 = arith.constant 0 : i32
    %dma_start3A_22 = tpu.memref_slice %arg2[%dma_start3A_20, %dma_start3A_21] : memref<10240x64xf32, #tpu.memory_space<hbm>> -> memref<10240x64xf32, #tpu.memory_space<hbm>>
    tpu.enqueue_indirect_dma source(%dma_start3A_22 : memref<10240x64xf32, #tpu.memory_space<hbm>>) target(%arg12 : memref<80x64xf32, #tpu.memory_space<vmem>>) offsets(%dma_start3A_19 : memref<80xi32, #tpu.memory_space<vmem>>) semaphore(%arg20 : memref<!tpu.dma_semaphore, #tpu.memory_space<semaphore_mem>>)
    %dma_start3A_23 = arith.constant 3 : i32
    %dma_start3A_24 = arith.constant 0 : i32
    %dma_start3A_25 = tpu.memref_slice %arg8[%dma_start3A_23, %dma_start3A_24] : memref<125x80xi32, #tpu.memory_space<vmem>> -> memref<1x80xi32, #tpu.memory_space<vmem>>
    %dma_start3A_26 = tpu.memref_squeeze %dma_start3A_25 : memref<1x80xi32, #tpu.memory_space<vmem>> -> memref<80xi32, #tpu.memory_space<vmem>>
    %dma_start3A_27 = arith.constant 0 : i32
    %dma_start3A_28 = arith.constant 0 : i32
    %dma_start3A_29 = tpu.memref_slice %arg2[%dma_start3A_27, %dma_start3A_28] : memref<10240x64xf32, #tpu.memory_space<hbm>> -> memref<10240x64xf32, #tpu.memory_space<hbm>>
    tpu.enqueue_indirect_dma source(%dma_start3A_29 : memref<10240x64xf32, #tpu.memory_space<hbm>>) target(%arg13 : memref<80x64xf32, #tpu.memory_space<vmem>>) offsets(%dma_start3A_26 : memref<80xi32, #tpu.memory_space<vmem>>) semaphore(%arg21 : memref<!tpu.dma_semaphore, #tpu.memory_space<semaphore_mem>>)
    %dma_start3A_30 = arith.constant 4 : i32
    %dma_start3A_31 = arith.constant 0 : i32
    %dma_start3A_32 = tpu.memref_slice %arg8[%dma_start3A_30, %dma_start3A_31] : memref<125x80xi32, #tpu.memory_space<vmem>> -> memref<1x80xi32, #tpu.memory_space<vmem>>
    %dma_start3A_33 = tpu.memref_squeeze %dma_start3A_32 : memref<1x80xi32, #tpu.memory_space<vmem>> -> memref<80xi32, #tpu.memory_space<vmem>>
    %dma_start3A_34 = arith.constant 0 : i32
    %dma_start3A_35 = arith.constant 0 : i32
    %dma_start3A_36 = tpu.memref_slice %arg2[%dma_start3A_34, %dma_start3A_35] : memref<10240x64xf32, #tpu.memory_space<hbm>> -> memref<10240x64xf32, #tpu.memory_space<hbm>>
    tpu.enqueue_indirect_dma source(%dma_start3A_36 : memref<10240x64xf32, #tpu.memory_space<hbm>>) target(%arg14 : memref<80x64xf32, #tpu.memory_space<vmem>>) offsets(%dma_start3A_33 : memref<80xi32, #tpu.memory_space<vmem>>) semaphore(%arg22 : memref<!tpu.dma_semaphore, #tpu.memory_space<semaphore_mem>>)
    %dma_start3A_37 = arith.constant 5 : i32
    %dma_start3A_38 = arith.constant 0 : i32
    %dma_start3A_39 = tpu.memref_slice %arg8[%dma_start3A_37, %dma_start3A_38] : memref<125x80xi32, #tpu.memory_space<vmem>> -> memref<1x80xi32, #tpu.memory_space<vmem>>
    %dma_start3A_40 = tpu.memref_squeeze %dma_start3A_39 : memref<1x80xi32, #tpu.memory_space<vmem>> -> memref<80xi32, #tpu.memory_space<vmem>>
    %dma_start3A_41 = arith.constant 0 : i32
    %dma_start3A_42 = arith.constant 0 : i32
    %dma_start3A_43 = tpu.memref_slice %arg2[%dma_start3A_41, %dma_start3A_42] : memref<10240x64xf32, #tpu.memory_space<hbm>> -> memref<10240x64xf32, #tpu.memory_space<hbm>>
    tpu.enqueue_indirect_dma source(%dma_start3A_43 : memref<10240x64xf32, #tpu.memory_space<hbm>>) target(%arg15 : memref<80x64xf32, #tpu.memory_space<vmem>>) offsets(%dma_start3A_40 : memref<80xi32, #tpu.memory_space<vmem>>) semaphore(%arg23 : memref<!tpu.dma_semaphore, #tpu.memory_space<semaphore_mem>>)
    %dma_start3A_44 = arith.constant 6 : i32
    %dma_start3A_45 = arith.constant 0 : i32
    %dma_start3A_46 = tpu.memref_slice %arg8[%dma_start3A_44, %dma_start3A_45] : memref<125x80xi32, #tpu.memory_space<vmem>> -> memref<1x80xi32, #tpu.memory_space<vmem>>
    %dma_start3A_47 = tpu.memref_squeeze %dma_start3A_46 : memref<1x80xi32, #tpu.memory_space<vmem>> -> memref<80xi32, #tpu.memory_space<vmem>>
    %dma_start3A_48 = arith.constant 0 : i32
    %dma_start3A_49 = arith.constant 0 : i32
    %dma_start3A_50 = tpu.memref_slice %arg2[%dma_start3A_48, %dma_start3A_49] : memref<10240x64xf32, #tpu.memory_space<hbm>> -> memref<10240x64xf32, #tpu.memory_space<hbm>>
    tpu.enqueue_indirect_dma source(%dma_start3A_50 : memref<10240x64xf32, #tpu.memory_space<hbm>>) target(%arg16 : memref<80x64xf32, #tpu.memory_space<vmem>>) offsets(%dma_start3A_47 : memref<80xi32, #tpu.memory_space<vmem>>) semaphore(%arg24 : memref<!tpu.dma_semaphore, #tpu.memory_space<semaphore_mem>>)
    %dma_start3A_51 = arith.constant 7 : i32
    %dma_start3A_52 = arith.constant 0 : i32
    %dma_start3A_53 = tpu.memref_slice %arg8[%dma_start3A_51, %dma_start3A_52] : memref<125x80xi32, #tpu.memory_space<vmem>> -> memref<1x80xi32, #tpu.memory_space<vmem>>
    %dma_start3A_54 = tpu.memref_squeeze %dma_start3A_53 : memref<1x80xi32, #tpu.memory_space<vmem>> -> memref<80xi32, #tpu.memory_space<vmem>>
    %dma_start3A_55 = arith.constant 0 : i32
    %dma_start3A_56 = arith.constant 0 : i32
    %dma_start3A_57 = tpu.memref_slice %arg2[%dma_start3A_55, %dma_start3A_56] : memref<10240x64xf32, #tpu.memory_space<hbm>> -> memref<10240x64xf32, #tpu.memory_space<hbm>>
    tpu.enqueue_indirect_dma source(%dma_start3A_57 : memref<10240x64xf32, #tpu.memory_space<hbm>>) target(%arg17 : memref<80x64xf32, #tpu.memory_space<vmem>>) offsets(%dma_start3A_54 : memref<80xi32, #tpu.memory_space<vmem>>) semaphore(%arg25 : memref<!tpu.dma_semaphore, #tpu.memory_space<semaphore_mem>>)
    %scan3A = arith.constant 0 : i32
    %scan3A_58 = arith.constant 0 : i32
    %scan3A_59 = arith.constant 15 : i32
    %scan3A_60 = arith.addi %scan3A_58, %scan3A_59 : i32
    %scan3A_61 = arith.constant 1 : i32
    scf.for %scan3A_102 = %scan3A_58 to %scan3A_60 step %scan3A_61  : i32 {
      %mul3A_103 = arith.constant 8 : i32
      %mul3A_104 = arith.muli %mul3A_103, %scan3A_102 : i32
      %add3A_105 = arith.constant 0 : i32
      %add3A_106 = arith.addi %mul3A_104, %add3A_105 : i32
      %dma_wait3A_107 = arith.constant 0 : i32
      %dma_wait3A_108 = tpu.memref_slice %arg8[%add3A_106, %dma_wait3A_107] : memref<125x80xi32, #tpu.memory_space<vmem>> -> memref<1x80xi32, #tpu.memory_space<vmem>>
      %dma_wait3A_109 = tpu.memref_squeeze %dma_wait3A_108 : memref<1x80xi32, #tpu.memory_space<vmem>> -> memref<80xi32, #tpu.memory_space<vmem>>
      %dma_wait3A_110 = arith.constant 0 : i32
      %dma_wait3A_111 = arith.constant 0 : i32
      %dma_wait3A_112 = tpu.memref_slice %arg2[%dma_wait3A_110, %dma_wait3A_111] : memref<10240x64xf32, #tpu.memory_space<hbm>> -> memref<10240x64xf32, #tpu.memory_space<hbm>>
      tpu.wait_indirect_dma semaphore(%arg18 : memref<!tpu.dma_semaphore, #tpu.memory_space<semaphore_mem>>) src(%dma_wait3A_112 : memref<10240x64xf32, #tpu.memory_space<hbm>>) dst(%arg10 : memref<80x64xf32, #tpu.memory_space<vmem>>)
      "tpu.region"() ({
        %run_scoped3A_236 = tpu.sem_alloc : memref<!tpu.dma_semaphore, #tpu.memory_space<semaphore_mem>>
        %dma_start3A_237 = arith.constant 0 : i32
        %dma_start3A_238 = tpu.memref_slice %arg9[%add3A_106, %dma_start3A_237] : memref<125x80xi32, #tpu.memory_space<vmem>> -> memref<1x80xi32, #tpu.memory_space<vmem>>
        %dma_start3A_239 = tpu.memref_squeeze %dma_start3A_238 : memref<1x80xi32, #tpu.memory_space<vmem>> -> memref<80xi32, #tpu.memory_space<vmem>>
        %dma_start3A_240 = arith.constant 0 : i32
        %dma_start3A_241 = arith.constant 0 : i32
        %dma_start3A_242 = tpu.memref_slice %arg7[%dma_start3A_240, %dma_start3A_241] : memref<10240x64xf32, #tpu.memory_space<vmem_shared>> -> memref<10240x64xf32, #tpu.memory_space<vmem_shared>>
        tpu.enqueue_indirect_dma source(%arg10 : memref<80x64xf32, #tpu.memory_space<vmem>>) target(%dma_start3A_242 : memref<10240x64xf32, #tpu.memory_space<vmem_shared>>) offsets(%dma_start3A_239 : memref<80xi32, #tpu.memory_space<vmem>>) semaphore(%run_scoped3A_236 : memref<!tpu.dma_semaphore, #tpu.memory_space<semaphore_mem>>) {add = true}
        %dma_wait3A_243 = arith.constant 0 : i32
        %dma_wait3A_244 = tpu.memref_slice %arg9[%add3A_106, %dma_wait3A_243] : memref<125x80xi32, #tpu.memory_space<vmem>> -> memref<1x80xi32, #tpu.memory_space<vmem>>
        %dma_wait3A_245 = tpu.memref_squeeze %dma_wait3A_244 : memref<1x80xi32, #tpu.memory_space<vmem>> -> memref<80xi32, #tpu.memory_space<vmem>>
        %dma_wait3A_246 = arith.constant 0 : i32
        %dma_wait3A_247 = arith.constant 0 : i32
        %dma_wait3A_248 = tpu.memref_slice %arg7[%dma_wait3A_246, %dma_wait3A_247] : memref<10240x64xf32, #tpu.memory_space<vmem_shared>> -> memref<10240x64xf32, #tpu.memory_space<vmem_shared>>
        tpu.wait_indirect_dma semaphore(%run_scoped3A_236 : memref<!tpu.dma_semaphore, #tpu.memory_space<semaphore_mem>>) src(%arg10 : memref<80x64xf32, #tpu.memory_space<vmem>>) dst(%dma_wait3A_248 : memref<10240x64xf32, #tpu.memory_space<vmem_shared>>)
        tpu.yield
      }) : () -> ()
      %add3A_113 = arith.constant 8 : i32
      %add3A_114 = arith.addi %add3A_106, %add3A_113 : i32
      %lt3A = arith.constant 125 : i32
      %lt3A_115 = arith.cmpi slt, %add3A_114, %lt3A : i32
      %convert_element_type3A = arith.extui %lt3A_115 : i1 to i32
      %cond3A = arith.constant 0 : i32
      %cond3A_116 = arith.cmpi ne, %convert_element_type3A, %cond3A : i32
      scf.if %cond3A_116 {
        %add3A_236 = arith.constant 8 : i32
        %add3A_237 = arith.addi %add3A_106, %add3A_236 : i32
        %dma_start3A_238 = arith.constant 0 : i32
        %dma_start3A_239 = tpu.memref_slice %arg8[%add3A_237, %dma_start3A_238] : memref<125x80xi32, #tpu.memory_space<vmem>> -> memref<1x80xi32, #tpu.memory_space<vmem>>
        %dma_start3A_240 = tpu.memref_squeeze %dma_start3A_239 : memref<1x80xi32, #tpu.memory_space<vmem>> -> memref<80xi32, #tpu.memory_space<vmem>>
        %dma_start3A_241 = arith.constant 0 : i32
        %dma_start3A_242 = arith.constant 0 : i32
        %dma_start3A_243 = tpu.memref_slice %arg2[%dma_start3A_241, %dma_start3A_242] : memref<10240x64xf32, #tpu.memory_space<hbm>> -> memref<10240x64xf32, #tpu.memory_space<hbm>>
        tpu.enqueue_indirect_dma source(%dma_start3A_243 : memref<10240x64xf32, #tpu.memory_space<hbm>>) target(%arg10 : memref<80x64xf32, #tpu.memory_space<vmem>>) offsets(%dma_start3A_240 : memref<80xi32, #tpu.memory_space<vmem>>) semaphore(%arg18 : memref<!tpu.dma_semaphore, #tpu.memory_space<semaphore_mem>>)
      } else {
      }
      %mul3A_117 = arith.constant 8 : i32
      %mul3A_118 = arith.muli %mul3A_117, %scan3A_102 : i32
      %add3A_119 = arith.constant 1 : i32
      %add3A_120 = arith.addi %mul3A_118, %add3A_119 : i32
      %dma_wait3A_121 = arith.constant 0 : i32
      %dma_wait3A_122 = tpu.memref_slice %arg8[%add3A_120, %dma_wait3A_121] : memref<125x80xi32, #tpu.memory_space<vmem>> -> memref<1x80xi32, #tpu.memory_space<vmem>>
      %dma_wait3A_123 = tpu.memref_squeeze %dma_wait3A_122 : memref<1x80xi32, #tpu.memory_space<vmem>> -> memref<80xi32, #tpu.memory_space<vmem>>
      %dma_wait3A_124 = arith.constant 0 : i32
      %dma_wait3A_125 = arith.constant 0 : i32
      %dma_wait3A_126 = tpu.memref_slice %arg2[%dma_wait3A_124, %dma_wait3A_125] : memref<10240x64xf32, #tpu.memory_space<hbm>> -> memref<10240x64xf32, #tpu.memory_space<hbm>>
      tpu.wait_indirect_dma semaphore(%arg19 : memref<!tpu.dma_semaphore, #tpu.memory_space<semaphore_mem>>) src(%dma_wait3A_126 : memref<10240x64xf32, #tpu.memory_space<hbm>>) dst(%arg11 : memref<80x64xf32, #tpu.memory_space<vmem>>)
      "tpu.region"() ({
        %run_scoped3A_236 = tpu.sem_alloc : memref<!tpu.dma_semaphore, #tpu.memory_space<semaphore_mem>>
        %dma_start3A_237 = arith.constant 0 : i32
        %dma_start3A_238 = tpu.memref_slice %arg9[%add3A_120, %dma_start3A_237] : memref<125x80xi32, #tpu.memory_space<vmem>> -> memref<1x80xi32, #tpu.memory_space<vmem>>
        %dma_start3A_239 = tpu.memref_squeeze %dma_start3A_238 : memref<1x80xi32, #tpu.memory_space<vmem>> -> memref<80xi32, #tpu.memory_space<vmem>>
        %dma_start3A_240 = arith.constant 0 : i32
        %dma_start3A_241 = arith.constant 0 : i32
        %dma_start3A_242 = tpu.memref_slice %arg7[%dma_start3A_240, %dma_start3A_241] : memref<10240x64xf32, #tpu.memory_space<vmem_shared>> -> memref<10240x64xf32, #tpu.memory_space<vmem_shared>>
        tpu.enqueue_indirect_dma source(%arg11 : memref<80x64xf32, #tpu.memory_space<vmem>>) target(%dma_start3A_242 : memref<10240x64xf32, #tpu.memory_space<vmem_shared>>) offsets(%dma_start3A_239 : memref<80xi32, #tpu.memory_space<vmem>>) semaphore(%run_scoped3A_236 : memref<!tpu.dma_semaphore, #tpu.memory_space<semaphore_mem>>) {add = true}
        %dma_wait3A_243 = arith.constant 0 : i32
        %dma_wait3A_244 = tpu.memref_slice %arg9[%add3A_120, %dma_wait3A_243] : memref<125x80xi32, #tpu.memory_space<vmem>> -> memref<1x80xi32, #tpu.memory_space<vmem>>
        %dma_wait3A_245 = tpu.memref_squeeze %dma_wait3A_244 : memref<1x80xi32, #tpu.memory_space<vmem>> -> memref<80xi32, #tpu.memory_space<vmem>>
        %dma_wait3A_246 = arith.constant 0 : i32
        %dma_wait3A_247 = arith.constant 0 : i32
        %dma_wait3A_248 = tpu.memref_slice %arg7[%dma_wait3A_246, %dma_wait3A_247] : memref<10240x64xf32, #tpu.memory_space<vmem_shared>> -> memref<10240x64xf32, #tpu.memory_space<vmem_shared>>
        tpu.wait_indirect_dma semaphore(%run_scoped3A_236 : memref<!tpu.dma_semaphore, #tpu.memory_space<semaphore_mem>>) src(%arg11 : memref<80x64xf32, #tpu.memory_space<vmem>>) dst(%dma_wait3A_248 : memref<10240x64xf32, #tpu.memory_space<vmem_shared>>)
        tpu.yield
      }) : () -> ()
      %add3A_127 = arith.constant 8 : i32
      %add3A_128 = arith.addi %add3A_120, %add3A_127 : i32
      %lt3A_129 = arith.constant 125 : i32
      %lt3A_130 = arith.cmpi slt, %add3A_128, %lt3A_129 : i32
      %convert_element_type3A_131 = arith.extui %lt3A_130 : i1 to i32
      %cond3A_132 = arith.constant 0 : i32
      %cond3A_133 = arith.cmpi ne, %convert_element_type3A_131, %cond3A_132 : i32
      scf.if %cond3A_133 {
        %add3A_236 = arith.constant 8 : i32
        %add3A_237 = arith.addi %add3A_120, %add3A_236 : i32
        %dma_start3A_238 = arith.constant 0 : i32
        %dma_start3A_239 = tpu.memref_slice %arg8[%add3A_237, %dma_start3A_238] : memref<125x80xi32, #tpu.memory_space<vmem>> -> memref<1x80xi32, #tpu.memory_space<vmem>>
        %dma_start3A_240 = tpu.memref_squeeze %dma_start3A_239 : memref<1x80xi32, #tpu.memory_space<vmem>> -> memref<80xi32, #tpu.memory_space<vmem>>
        %dma_start3A_241 = arith.constant 0 : i32
        %dma_start3A_242 = arith.constant 0 : i32
        %dma_start3A_243 = tpu.memref_slice %arg2[%dma_start3A_241, %dma_start3A_242] : memref<10240x64xf32, #tpu.memory_space<hbm>> -> memref<10240x64xf32, #tpu.memory_space<hbm>>
        tpu.enqueue_indirect_dma source(%dma_start3A_243 : memref<10240x64xf32, #tpu.memory_space<hbm>>) target(%arg11 : memref<80x64xf32, #tpu.memory_space<vmem>>) offsets(%dma_start3A_240 : memref<80xi32, #tpu.memory_space<vmem>>) semaphore(%arg19 : memref<!tpu.dma_semaphore, #tpu.memory_space<semaphore_mem>>)
      } else {
      }
      %mul3A_134 = arith.constant 8 : i32
      %mul3A_135 = arith.muli %mul3A_134, %scan3A_102 : i32
      %add3A_136 = arith.constant 2 : i32
      %add3A_137 = arith.addi %mul3A_135, %add3A_136 : i32
      %dma_wait3A_138 = arith.constant 0 : i32
      %dma_wait3A_139 = tpu.memref_slice %arg8[%add3A_137, %dma_wait3A_138] : memref<125x80xi32, #tpu.memory_space<vmem>> -> memref<1x80xi32, #tpu.memory_space<vmem>>
      %dma_wait3A_140 = tpu.memref_squeeze %dma_wait3A_139 : memref<1x80xi32, #tpu.memory_space<vmem>> -> memref<80xi32, #tpu.memory_space<vmem>>
      %dma_wait3A_141 = arith.constant 0 : i32
      %dma_wait3A_142 = arith.constant 0 : i32
      %dma_wait3A_143 = tpu.memref_slice %arg2[%dma_wait3A_141, %dma_wait3A_142] : memref<10240x64xf32, #tpu.memory_space<hbm>> -> memref<10240x64xf32, #tpu.memory_space<hbm>>
      tpu.wait_indirect_dma semaphore(%arg20 : memref<!tpu.dma_semaphore, #tpu.memory_space<semaphore_mem>>) src(%dma_wait3A_143 : memref<10240x64xf32, #tpu.memory_space<hbm>>) dst(%arg12 : memref<80x64xf32, #tpu.memory_space<vmem>>)
      "tpu.region"() ({
        %run_scoped3A_236 = tpu.sem_alloc : memref<!tpu.dma_semaphore, #tpu.memory_space<semaphore_mem>>
        %dma_start3A_237 = arith.constant 0 : i32
        %dma_start3A_238 = tpu.memref_slice %arg9[%add3A_137, %dma_start3A_237] : memref<125x80xi32, #tpu.memory_space<vmem>> -> memref<1x80xi32, #tpu.memory_space<vmem>>
        %dma_start3A_239 = tpu.memref_squeeze %dma_start3A_238 : memref<1x80xi32, #tpu.memory_space<vmem>> -> memref<80xi32, #tpu.memory_space<vmem>>
        %dma_start3A_240 = arith.constant 0 : i32
        %dma_start3A_241 = arith.constant 0 : i32
        %dma_start3A_242 = tpu.memref_slice %arg7[%dma_start3A_240, %dma_start3A_241] : memref<10240x64xf32, #tpu.memory_space<vmem_shared>> -> memref<10240x64xf32, #tpu.memory_space<vmem_shared>>
        tpu.enqueue_indirect_dma source(%arg12 : memref<80x64xf32, #tpu.memory_space<vmem>>) target(%dma_start3A_242 : memref<10240x64xf32, #tpu.memory_space<vmem_shared>>) offsets(%dma_start3A_239 : memref<80xi32, #tpu.memory_space<vmem>>) semaphore(%run_scoped3A_236 : memref<!tpu.dma_semaphore, #tpu.memory_space<semaphore_mem>>) {add = true}
        %dma_wait3A_243 = arith.constant 0 : i32
        %dma_wait3A_244 = tpu.memref_slice %arg9[%add3A_137, %dma_wait3A_243] : memref<125x80xi32, #tpu.memory_space<vmem>> -> memref<1x80xi32, #tpu.memory_space<vmem>>
        %dma_wait3A_245 = tpu.memref_squeeze %dma_wait3A_244 : memref<1x80xi32, #tpu.memory_space<vmem>> -> memref<80xi32, #tpu.memory_space<vmem>>
        %dma_wait3A_246 = arith.constant 0 : i32
        %dma_wait3A_247 = arith.constant 0 : i32
        %dma_wait3A_248 = tpu.memref_slice %arg7[%dma_wait3A_246, %dma_wait3A_247] : memref<10240x64xf32, #tpu.memory_space<vmem_shared>> -> memref<10240x64xf32, #tpu.memory_space<vmem_shared>>
        tpu.wait_indirect_dma semaphore(%run_scoped3A_236 : memref<!tpu.dma_semaphore, #tpu.memory_space<semaphore_mem>>) src(%arg12 : memref<80x64xf32, #tpu.memory_space<vmem>>) dst(%dma_wait3A_248 : memref<10240x64xf32, #tpu.memory_space<vmem_shared>>)
        tpu.yield
      }) : () -> ()
      %add3A_144 = arith.constant 8 : i32
      %add3A_145 = arith.addi %add3A_137, %add3A_144 : i32
      %lt3A_146 = arith.constant 125 : i32
      %lt3A_147 = arith.cmpi slt, %add3A_145, %lt3A_146 : i32
      %convert_element_type3A_148 = arith.extui %lt3A_147 : i1 to i32
      %cond3A_149 = arith.constant 0 : i32
      %cond3A_150 = arith.cmpi ne, %convert_element_type3A_148, %cond3A_149 : i32
      scf.if %cond3A_150 {
        %add3A_236 = arith.constant 8 : i32
        %add3A_237 = arith.addi %add3A_137, %add3A_236 : i32
        %dma_start3A_238 = arith.constant 0 : i32
        %dma_start3A_239 = tpu.memref_slice %arg8[%add3A_237, %dma_start3A_238] : memref<125x80xi32, #tpu.memory_space<vmem>> -> memref<1x80xi32, #tpu.memory_space<vmem>>
        %dma_start3A_240 = tpu.memref_squeeze %dma_start3A_239 : memref<1x80xi32, #tpu.memory_space<vmem>> -> memref<80xi32, #tpu.memory_space<vmem>>
        %dma_start3A_241 = arith.constant 0 : i32
        %dma_start3A_242 = arith.constant 0 : i32
        %dma_start3A_243 = tpu.memref_slice %arg2[%dma_start3A_241, %dma_start3A_242] : memref<10240x64xf32, #tpu.memory_space<hbm>> -> memref<10240x64xf32, #tpu.memory_space<hbm>>
        tpu.enqueue_indirect_dma source(%dma_start3A_243 : memref<10240x64xf32, #tpu.memory_space<hbm>>) target(%arg12 : memref<80x64xf32, #tpu.memory_space<vmem>>) offsets(%dma_start3A_240 : memref<80xi32, #tpu.memory_space<vmem>>) semaphore(%arg20 : memref<!tpu.dma_semaphore, #tpu.memory_space<semaphore_mem>>)
      } else {
      }
      %mul3A_151 = arith.constant 8 : i32
      %mul3A_152 = arith.muli %mul3A_151, %scan3A_102 : i32
      %add3A_153 = arith.constant 3 : i32
      %add3A_154 = arith.addi %mul3A_152, %add3A_153 : i32
      %dma_wait3A_155 = arith.constant 0 : i32
      %dma_wait3A_156 = tpu.memref_slice %arg8[%add3A_154, %dma_wait3A_155] : memref<125x80xi32, #tpu.memory_space<vmem>> -> memref<1x80xi32, #tpu.memory_space<vmem>>
      %dma_wait3A_157 = tpu.memref_squeeze %dma_wait3A_156 : memref<1x80xi32, #tpu.memory_space<vmem>> -> memref<80xi32, #tpu.memory_space<vmem>>
      %dma_wait3A_158 = arith.constant 0 : i32
      %dma_wait3A_159 = arith.constant 0 : i32
      %dma_wait3A_160 = tpu.memref_slice %arg2[%dma_wait3A_158, %dma_wait3A_159] : memref<10240x64xf32, #tpu.memory_space<hbm>> -> memref<10240x64xf32, #tpu.memory_space<hbm>>
      tpu.wait_indirect_dma semaphore(%arg21 : memref<!tpu.dma_semaphore, #tpu.memory_space<semaphore_mem>>) src(%dma_wait3A_160 : memref<10240x64xf32, #tpu.memory_space<hbm>>) dst(%arg13 : memref<80x64xf32, #tpu.memory_space<vmem>>)
      "tpu.region"() ({
        %run_scoped3A_236 = tpu.sem_alloc : memref<!tpu.dma_semaphore, #tpu.memory_space<semaphore_mem>>
        %dma_start3A_237 = arith.constant 0 : i32
        %dma_start3A_238 = tpu.memref_slice %arg9[%add3A_154, %dma_start3A_237] : memref<125x80xi32, #tpu.memory_space<vmem>> -> memref<1x80xi32, #tpu.memory_space<vmem>>
        %dma_start3A_239 = tpu.memref_squeeze %dma_start3A_238 : memref<1x80xi32, #tpu.memory_space<vmem>> -> memref<80xi32, #tpu.memory_space<vmem>>
        %dma_start3A_240 = arith.constant 0 : i32
        %dma_start3A_241 = arith.constant 0 : i32
        %dma_start3A_242 = tpu.memref_slice %arg7[%dma_start3A_240, %dma_start3A_241] : memref<10240x64xf32, #tpu.memory_space<vmem_shared>> -> memref<10240x64xf32, #tpu.memory_space<vmem_shared>>
        tpu.enqueue_indirect_dma source(%arg13 : memref<80x64xf32, #tpu.memory_space<vmem>>) target(%dma_start3A_242 : memref<10240x64xf32, #tpu.memory_space<vmem_shared>>) offsets(%dma_start3A_239 : memref<80xi32, #tpu.memory_space<vmem>>) semaphore(%run_scoped3A_236 : memref<!tpu.dma_semaphore, #tpu.memory_space<semaphore_mem>>) {add = true}
        %dma_wait3A_243 = arith.constant 0 : i32
        %dma_wait3A_244 = tpu.memref_slice %arg9[%add3A_154, %dma_wait3A_243] : memref<125x80xi32, #tpu.memory_space<vmem>> -> memref<1x80xi32, #tpu.memory_space<vmem>>
        %dma_wait3A_245 = tpu.memref_squeeze %dma_wait3A_244 : memref<1x80xi32, #tpu.memory_space<vmem>> -> memref<80xi32, #tpu.memory_space<vmem>>
        %dma_wait3A_246 = arith.constant 0 : i32
        %dma_wait3A_247 = arith.constant 0 : i32
        %dma_wait3A_248 = tpu.memref_slice %arg7[%dma_wait3A_246, %dma_wait3A_247] : memref<10240x64xf32, #tpu.memory_space<vmem_shared>> -> memref<10240x64xf32, #tpu.memory_space<vmem_shared>>
        tpu.wait_indirect_dma semaphore(%run_scoped3A_236 : memref<!tpu.dma_semaphore, #tpu.memory_space<semaphore_mem>>) src(%arg13 : memref<80x64xf32, #tpu.memory_space<vmem>>) dst(%dma_wait3A_248 : memref<10240x64xf32, #tpu.memory_space<vmem_shared>>)
        tpu.yield
      }) : () -> ()
      %add3A_161 = arith.constant 8 : i32
      %add3A_162 = arith.addi %add3A_154, %add3A_161 : i32
      %lt3A_163 = arith.constant 125 : i32
      %lt3A_164 = arith.cmpi slt, %add3A_162, %lt3A_163 : i32
      %convert_element_type3A_165 = arith.extui %lt3A_164 : i1 to i32
      %cond3A_166 = arith.constant 0 : i32
      %cond3A_167 = arith.cmpi ne, %convert_element_type3A_165, %cond3A_166 : i32
      scf.if %cond3A_167 {
        %add3A_236 = arith.constant 8 : i32
        %add3A_237 = arith.addi %add3A_154, %add3A_236 : i32
        %dma_start3A_238 = arith.constant 0 : i32
        %dma_start3A_239 = tpu.memref_slice %arg8[%add3A_237, %dma_start3A_238] : memref<125x80xi32, #tpu.memory_space<vmem>> -> memref<1x80xi32, #tpu.memory_space<vmem>>
        %dma_start3A_240 = tpu.memref_squeeze %dma_start3A_239 : memref<1x80xi32, #tpu.memory_space<vmem>> -> memref<80xi32, #tpu.memory_space<vmem>>
        %dma_start3A_241 = arith.constant 0 : i32
        %dma_start3A_242 = arith.constant 0 : i32
        %dma_start3A_243 = tpu.memref_slice %arg2[%dma_start3A_241, %dma_start3A_242] : memref<10240x64xf32, #tpu.memory_space<hbm>> -> memref<10240x64xf32, #tpu.memory_space<hbm>>
        tpu.enqueue_indirect_dma source(%dma_start3A_243 : memref<10240x64xf32, #tpu.memory_space<hbm>>) target(%arg13 : memref<80x64xf32, #tpu.memory_space<vmem>>) offsets(%dma_start3A_240 : memref<80xi32, #tpu.memory_space<vmem>>) semaphore(%arg21 : memref<!tpu.dma_semaphore, #tpu.memory_space<semaphore_mem>>)
      } else {
      }
      %mul3A_168 = arith.constant 8 : i32
      %mul3A_169 = arith.muli %mul3A_168, %scan3A_102 : i32
      %add3A_170 = arith.constant 4 : i32
      %add3A_171 = arith.addi %mul3A_169, %add3A_170 : i32
      %dma_wait3A_172 = arith.constant 0 : i32
      %dma_wait3A_173 = tpu.memref_slice %arg8[%add3A_171, %dma_wait3A_172] : memref<125x80xi32, #tpu.memory_space<vmem>> -> memref<1x80xi32, #tpu.memory_space<vmem>>
      %dma_wait3A_174 = tpu.memref_squeeze %dma_wait3A_173 : memref<1x80xi32, #tpu.memory_space<vmem>> -> memref<80xi32, #tpu.memory_space<vmem>>
      %dma_wait3A_175 = arith.constant 0 : i32
      %dma_wait3A_176 = arith.constant 0 : i32
      %dma_wait3A_177 = tpu.memref_slice %arg2[%dma_wait3A_175, %dma_wait3A_176] : memref<10240x64xf32, #tpu.memory_space<hbm>> -> memref<10240x64xf32, #tpu.memory_space<hbm>>
      tpu.wait_indirect_dma semaphore(%arg22 : memref<!tpu.dma_semaphore, #tpu.memory_space<semaphore_mem>>) src(%dma_wait3A_177 : memref<10240x64xf32, #tpu.memory_space<hbm>>) dst(%arg14 : memref<80x64xf32, #tpu.memory_space<vmem>>)
      "tpu.region"() ({
        %run_scoped3A_236 = tpu.sem_alloc : memref<!tpu.dma_semaphore, #tpu.memory_space<semaphore_mem>>
        %dma_start3A_237 = arith.constant 0 : i32
        %dma_start3A_238 = tpu.memref_slice %arg9[%add3A_171, %dma_start3A_237] : memref<125x80xi32, #tpu.memory_space<vmem>> -> memref<1x80xi32, #tpu.memory_space<vmem>>
        %dma_start3A_239 = tpu.memref_squeeze %dma_start3A_238 : memref<1x80xi32, #tpu.memory_space<vmem>> -> memref<80xi32, #tpu.memory_space<vmem>>
        %dma_start3A_240 = arith.constant 0 : i32
        %dma_start3A_241 = arith.constant 0 : i32
        %dma_start3A_242 = tpu.memref_slice %arg7[%dma_start3A_240, %dma_start3A_241] : memref<10240x64xf32, #tpu.memory_space<vmem_shared>> -> memref<10240x64xf32, #tpu.memory_space<vmem_shared>>
        tpu.enqueue_indirect_dma source(%arg14 : memref<80x64xf32, #tpu.memory_space<vmem>>) target(%dma_start3A_242 : memref<10240x64xf32, #tpu.memory_space<vmem_shared>>) offsets(%dma_start3A_239 : memref<80xi32, #tpu.memory_space<vmem>>) semaphore(%run_scoped3A_236 : memref<!tpu.dma_semaphore, #tpu.memory_space<semaphore_mem>>) {add = true}
        %dma_wait3A_243 = arith.constant 0 : i32
        %dma_wait3A_244 = tpu.memref_slice %arg9[%add3A_171, %dma_wait3A_243] : memref<125x80xi32, #tpu.memory_space<vmem>> -> memref<1x80xi32, #tpu.memory_space<vmem>>
        %dma_wait3A_245 = tpu.memref_squeeze %dma_wait3A_244 : memref<1x80xi32, #tpu.memory_space<vmem>> -> memref<80xi32, #tpu.memory_space<vmem>>
        %dma_wait3A_246 = arith.constant 0 : i32
        %dma_wait3A_247 = arith.constant 0 : i32
        %dma_wait3A_248 = tpu.memref_slice %arg7[%dma_wait3A_246, %dma_wait3A_247] : memref<10240x64xf32, #tpu.memory_space<vmem_shared>> -> memref<10240x64xf32, #tpu.memory_space<vmem_shared>>
        tpu.wait_indirect_dma semaphore(%run_scoped3A_236 : memref<!tpu.dma_semaphore, #tpu.memory_space<semaphore_mem>>) src(%arg14 : memref<80x64xf32, #tpu.memory_space<vmem>>) dst(%dma_wait3A_248 : memref<10240x64xf32, #tpu.memory_space<vmem_shared>>)
        tpu.yield
      }) : () -> ()
      %add3A_178 = arith.constant 8 : i32
      %add3A_179 = arith.addi %add3A_171, %add3A_178 : i32
      %lt3A_180 = arith.constant 125 : i32
      %lt3A_181 = arith.cmpi slt, %add3A_179, %lt3A_180 : i32
      %convert_element_type3A_182 = arith.extui %lt3A_181 : i1 to i32
      %cond3A_183 = arith.constant 0 : i32
      %cond3A_184 = arith.cmpi ne, %convert_element_type3A_182, %cond3A_183 : i32
      scf.if %cond3A_184 {
        %add3A_236 = arith.constant 8 : i32
        %add3A_237 = arith.addi %add3A_171, %add3A_236 : i32
        %dma_start3A_238 = arith.constant 0 : i32
        %dma_start3A_239 = tpu.memref_slice %arg8[%add3A_237, %dma_start3A_238] : memref<125x80xi32, #tpu.memory_space<vmem>> -> memref<1x80xi32, #tpu.memory_space<vmem>>
        %dma_start3A_240 = tpu.memref_squeeze %dma_start3A_239 : memref<1x80xi32, #tpu.memory_space<vmem>> -> memref<80xi32, #tpu.memory_space<vmem>>
        %dma_start3A_241 = arith.constant 0 : i32
        %dma_start3A_242 = arith.constant 0 : i32
        %dma_start3A_243 = tpu.memref_slice %arg2[%dma_start3A_241, %dma_start3A_242] : memref<10240x64xf32, #tpu.memory_space<hbm>> -> memref<10240x64xf32, #tpu.memory_space<hbm>>
        tpu.enqueue_indirect_dma source(%dma_start3A_243 : memref<10240x64xf32, #tpu.memory_space<hbm>>) target(%arg14 : memref<80x64xf32, #tpu.memory_space<vmem>>) offsets(%dma_start3A_240 : memref<80xi32, #tpu.memory_space<vmem>>) semaphore(%arg22 : memref<!tpu.dma_semaphore, #tpu.memory_space<semaphore_mem>>)
      } else {
      }
      %mul3A_185 = arith.constant 8 : i32
      %mul3A_186 = arith.muli %mul3A_185, %scan3A_102 : i32
      %add3A_187 = arith.constant 5 : i32
      %add3A_188 = arith.addi %mul3A_186, %add3A_187 : i32
      %dma_wait3A_189 = arith.constant 0 : i32
      %dma_wait3A_190 = tpu.memref_slice %arg8[%add3A_188, %dma_wait3A_189] : memref<125x80xi32, #tpu.memory_space<vmem>> -> memref<1x80xi32, #tpu.memory_space<vmem>>
      %dma_wait3A_191 = tpu.memref_squeeze %dma_wait3A_190 : memref<1x80xi32, #tpu.memory_space<vmem>> -> memref<80xi32, #tpu.memory_space<vmem>>
      %dma_wait3A_192 = arith.constant 0 : i32
      %dma_wait3A_193 = arith.constant 0 : i32
      %dma_wait3A_194 = tpu.memref_slice %arg2[%dma_wait3A_192, %dma_wait3A_193] : memref<10240x64xf32, #tpu.memory_space<hbm>> -> memref<10240x64xf32, #tpu.memory_space<hbm>>
      tpu.wait_indirect_dma semaphore(%arg23 : memref<!tpu.dma_semaphore, #tpu.memory_space<semaphore_mem>>) src(%dma_wait3A_194 : memref<10240x64xf32, #tpu.memory_space<hbm>>) dst(%arg15 : memref<80x64xf32, #tpu.memory_space<vmem>>)
      "tpu.region"() ({
        %run_scoped3A_236 = tpu.sem_alloc : memref<!tpu.dma_semaphore, #tpu.memory_space<semaphore_mem>>
        %dma_start3A_237 = arith.constant 0 : i32
        %dma_start3A_238 = tpu.memref_slice %arg9[%add3A_188, %dma_start3A_237] : memref<125x80xi32, #tpu.memory_space<vmem>> -> memref<1x80xi32, #tpu.memory_space<vmem>>
        %dma_start3A_239 = tpu.memref_squeeze %dma_start3A_238 : memref<1x80xi32, #tpu.memory_space<vmem>> -> memref<80xi32, #tpu.memory_space<vmem>>
        %dma_start3A_240 = arith.constant 0 : i32
        %dma_start3A_241 = arith.constant 0 : i32
        %dma_start3A_242 = tpu.memref_slice %arg7[%dma_start3A_240, %dma_start3A_241] : memref<10240x64xf32, #tpu.memory_space<vmem_shared>> -> memref<10240x64xf32, #tpu.memory_space<vmem_shared>>
        tpu.enqueue_indirect_dma source(%arg15 : memref<80x64xf32, #tpu.memory_space<vmem>>) target(%dma_start3A_242 : memref<10240x64xf32, #tpu.memory_space<vmem_shared>>) offsets(%dma_start3A_239 : memref<80xi32, #tpu.memory_space<vmem>>) semaphore(%run_scoped3A_236 : memref<!tpu.dma_semaphore, #tpu.memory_space<semaphore_mem>>) {add = true}
        %dma_wait3A_243 = arith.constant 0 : i32
        %dma_wait3A_244 = tpu.memref_slice %arg9[%add3A_188, %dma_wait3A_243] : memref<125x80xi32, #tpu.memory_space<vmem>> -> memref<1x80xi32, #tpu.memory_space<vmem>>
        %dma_wait3A_245 = tpu.memref_squeeze %dma_wait3A_244 : memref<1x80xi32, #tpu.memory_space<vmem>> -> memref<80xi32, #tpu.memory_space<vmem>>
        %dma_wait3A_246 = arith.constant 0 : i32
        %dma_wait3A_247 = arith.constant 0 : i32
        %dma_wait3A_248 = tpu.memref_slice %arg7[%dma_wait3A_246, %dma_wait3A_247] : memref<10240x64xf32, #tpu.memory_space<vmem_shared>> -> memref<10240x64xf32, #tpu.memory_space<vmem_shared>>
        tpu.wait_indirect_dma semaphore(%run_scoped3A_236 : memref<!tpu.dma_semaphore, #tpu.memory_space<semaphore_mem>>) src(%arg15 : memref<80x64xf32, #tpu.memory_space<vmem>>) dst(%dma_wait3A_248 : memref<10240x64xf32, #tpu.memory_space<vmem_shared>>)
        tpu.yield
      }) : () -> ()
      %add3A_195 = arith.constant 8 : i32
      %add3A_196 = arith.addi %add3A_188, %add3A_195 : i32
      %lt3A_197 = arith.constant 125 : i32
      %lt3A_198 = arith.cmpi slt, %add3A_196, %lt3A_197 : i32
      %convert_element_type3A_199 = arith.extui %lt3A_198 : i1 to i32
      %cond3A_200 = arith.constant 0 : i32
      %cond3A_201 = arith.cmpi ne, %convert_element_type3A_199, %cond3A_200 : i32
      scf.if %cond3A_201 {
        %add3A_236 = arith.constant 8 : i32
        %add3A_237 = arith.addi %add3A_188, %add3A_236 : i32
        %dma_start3A_238 = arith.constant 0 : i32
        %dma_start3A_239 = tpu.memref_slice %arg8[%add3A_237, %dma_start3A_238] : memref<125x80xi32, #tpu.memory_space<vmem>> -> memref<1x80xi32, #tpu.memory_space<vmem>>
        %dma_start3A_240 = tpu.memref_squeeze %dma_start3A_239 : memref<1x80xi32, #tpu.memory_space<vmem>> -> memref<80xi32, #tpu.memory_space<vmem>>
        %dma_start3A_241 = arith.constant 0 : i32
        %dma_start3A_242 = arith.constant 0 : i32
        %dma_start3A_243 = tpu.memref_slice %arg2[%dma_start3A_241, %dma_start3A_242] : memref<10240x64xf32, #tpu.memory_space<hbm>> -> memref<10240x64xf32, #tpu.memory_space<hbm>>
        tpu.enqueue_indirect_dma source(%dma_start3A_243 : memref<10240x64xf32, #tpu.memory_space<hbm>>) target(%arg15 : memref<80x64xf32, #tpu.memory_space<vmem>>) offsets(%dma_start3A_240 : memref<80xi32, #tpu.memory_space<vmem>>) semaphore(%arg23 : memref<!tpu.dma_semaphore, #tpu.memory_space<semaphore_mem>>)
      } else {
      }
      %mul3A_202 = arith.constant 8 : i32
      %mul3A_203 = arith.muli %mul3A_202, %scan3A_102 : i32
      %add3A_204 = arith.constant 6 : i32
      %add3A_205 = arith.addi %mul3A_203, %add3A_204 : i32
      %dma_wait3A_206 = arith.constant 0 : i32
      %dma_wait3A_207 = tpu.memref_slice %arg8[%add3A_205, %dma_wait3A_206] : memref<125x80xi32, #tpu.memory_space<vmem>> -> memref<1x80xi32, #tpu.memory_space<vmem>>
      %dma_wait3A_208 = tpu.memref_squeeze %dma_wait3A_207 : memref<1x80xi32, #tpu.memory_space<vmem>> -> memref<80xi32, #tpu.memory_space<vmem>>
      %dma_wait3A_209 = arith.constant 0 : i32
      %dma_wait3A_210 = arith.constant 0 : i32
      %dma_wait3A_211 = tpu.memref_slice %arg2[%dma_wait3A_209, %dma_wait3A_210] : memref<10240x64xf32, #tpu.memory_space<hbm>> -> memref<10240x64xf32, #tpu.memory_space<hbm>>
      tpu.wait_indirect_dma semaphore(%arg24 : memref<!tpu.dma_semaphore, #tpu.memory_space<semaphore_mem>>) src(%dma_wait3A_211 : memref<10240x64xf32, #tpu.memory_space<hbm>>) dst(%arg16 : memref<80x64xf32, #tpu.memory_space<vmem>>)
      "tpu.region"() ({
        %run_scoped3A_236 = tpu.sem_alloc : memref<!tpu.dma_semaphore, #tpu.memory_space<semaphore_mem>>
        %dma_start3A_237 = arith.constant 0 : i32
        %dma_start3A_238 = tpu.memref_slice %arg9[%add3A_205, %dma_start3A_237] : memref<125x80xi32, #tpu.memory_space<vmem>> -> memref<1x80xi32, #tpu.memory_space<vmem>>
        %dma_start3A_239 = tpu.memref_squeeze %dma_start3A_238 : memref<1x80xi32, #tpu.memory_space<vmem>> -> memref<80xi32, #tpu.memory_space<vmem>>
        %dma_start3A_240 = arith.constant 0 : i32
        %dma_start3A_241 = arith.constant 0 : i32
        %dma_start3A_242 = tpu.memref_slice %arg7[%dma_start3A_240, %dma_start3A_241] : memref<10240x64xf32, #tpu.memory_space<vmem_shared>> -> memref<10240x64xf32, #tpu.memory_space<vmem_shared>>
        tpu.enqueue_indirect_dma source(%arg16 : memref<80x64xf32, #tpu.memory_space<vmem>>) target(%dma_start3A_242 : memref<10240x64xf32, #tpu.memory_space<vmem_shared>>) offsets(%dma_start3A_239 : memref<80xi32, #tpu.memory_space<vmem>>) semaphore(%run_scoped3A_236 : memref<!tpu.dma_semaphore, #tpu.memory_space<semaphore_mem>>) {add = true}
        %dma_wait3A_243 = arith.constant 0 : i32
        %dma_wait3A_244 = tpu.memref_slice %arg9[%add3A_205, %dma_wait3A_243] : memref<125x80xi32, #tpu.memory_space<vmem>> -> memref<1x80xi32, #tpu.memory_space<vmem>>
        %dma_wait3A_245 = tpu.memref_squeeze %dma_wait3A_244 : memref<1x80xi32, #tpu.memory_space<vmem>> -> memref<80xi32, #tpu.memory_space<vmem>>
        %dma_wait3A_246 = arith.constant 0 : i32
        %dma_wait3A_247 = arith.constant 0 : i32
        %dma_wait3A_248 = tpu.memref_slice %arg7[%dma_wait3A_246, %dma_wait3A_247] : memref<10240x64xf32, #tpu.memory_space<vmem_shared>> -> memref<10240x64xf32, #tpu.memory_space<vmem_shared>>
        tpu.wait_indirect_dma semaphore(%run_scoped3A_236 : memref<!tpu.dma_semaphore, #tpu.memory_space<semaphore_mem>>) src(%arg16 : memref<80x64xf32, #tpu.memory_space<vmem>>) dst(%dma_wait3A_248 : memref<10240x64xf32, #tpu.memory_space<vmem_shared>>)
        tpu.yield
      }) : () -> ()
      %add3A_212 = arith.constant 8 : i32
      %add3A_213 = arith.addi %add3A_205, %add3A_212 : i32
      %lt3A_214 = arith.constant 125 : i32
      %lt3A_215 = arith.cmpi slt, %add3A_213, %lt3A_214 : i32
      %convert_element_type3A_216 = arith.extui %lt3A_215 : i1 to i32
      %cond3A_217 = arith.constant 0 : i32
      %cond3A_218 = arith.cmpi ne, %convert_element_type3A_216, %cond3A_217 : i32
      scf.if %cond3A_218 {
        %add3A_236 = arith.constant 8 : i32
        %add3A_237 = arith.addi %add3A_205, %add3A_236 : i32
        %dma_start3A_238 = arith.constant 0 : i32
        %dma_start3A_239 = tpu.memref_slice %arg8[%add3A_237, %dma_start3A_238] : memref<125x80xi32, #tpu.memory_space<vmem>> -> memref<1x80xi32, #tpu.memory_space<vmem>>
        %dma_start3A_240 = tpu.memref_squeeze %dma_start3A_239 : memref<1x80xi32, #tpu.memory_space<vmem>> -> memref<80xi32, #tpu.memory_space<vmem>>
        %dma_start3A_241 = arith.constant 0 : i32
        %dma_start3A_242 = arith.constant 0 : i32
        %dma_start3A_243 = tpu.memref_slice %arg2[%dma_start3A_241, %dma_start3A_242] : memref<10240x64xf32, #tpu.memory_space<hbm>> -> memref<10240x64xf32, #tpu.memory_space<hbm>>
        tpu.enqueue_indirect_dma source(%dma_start3A_243 : memref<10240x64xf32, #tpu.memory_space<hbm>>) target(%arg16 : memref<80x64xf32, #tpu.memory_space<vmem>>) offsets(%dma_start3A_240 : memref<80xi32, #tpu.memory_space<vmem>>) semaphore(%arg24 : memref<!tpu.dma_semaphore, #tpu.memory_space<semaphore_mem>>)
      } else {
      }
      %mul3A_219 = arith.constant 8 : i32
      %mul3A_220 = arith.muli %mul3A_219, %scan3A_102 : i32
      %add3A_221 = arith.constant 7 : i32
      %add3A_222 = arith.addi %mul3A_220, %add3A_221 : i32
      %dma_wait3A_223 = arith.constant 0 : i32
      %dma_wait3A_224 = tpu.memref_slice %arg8[%add3A_222, %dma_wait3A_223] : memref<125x80xi32, #tpu.memory_space<vmem>> -> memref<1x80xi32, #tpu.memory_space<vmem>>
      %dma_wait3A_225 = tpu.memref_squeeze %dma_wait3A_224 : memref<1x80xi32, #tpu.memory_space<vmem>> -> memref<80xi32, #tpu.memory_space<vmem>>
      %dma_wait3A_226 = arith.constant 0 : i32
      %dma_wait3A_227 = arith.constant 0 : i32
      %dma_wait3A_228 = tpu.memref_slice %arg2[%dma_wait3A_226, %dma_wait3A_227] : memref<10240x64xf32, #tpu.memory_space<hbm>> -> memref<10240x64xf32, #tpu.memory_space<hbm>>
      tpu.wait_indirect_dma semaphore(%arg25 : memref<!tpu.dma_semaphore, #tpu.memory_space<semaphore_mem>>) src(%dma_wait3A_228 : memref<10240x64xf32, #tpu.memory_space<hbm>>) dst(%arg17 : memref<80x64xf32, #tpu.memory_space<vmem>>)
      "tpu.region"() ({
        %run_scoped3A_236 = tpu.sem_alloc : memref<!tpu.dma_semaphore, #tpu.memory_space<semaphore_mem>>
        %dma_start3A_237 = arith.constant 0 : i32
        %dma_start3A_238 = tpu.memref_slice %arg9[%add3A_222, %dma_start3A_237] : memref<125x80xi32, #tpu.memory_space<vmem>> -> memref<1x80xi32, #tpu.memory_space<vmem>>
        %dma_start3A_239 = tpu.memref_squeeze %dma_start3A_238 : memref<1x80xi32, #tpu.memory_space<vmem>> -> memref<80xi32, #tpu.memory_space<vmem>>
        %dma_start3A_240 = arith.constant 0 : i32
        %dma_start3A_241 = arith.constant 0 : i32
        %dma_start3A_242 = tpu.memref_slice %arg7[%dma_start3A_240, %dma_start3A_241] : memref<10240x64xf32, #tpu.memory_space<vmem_shared>> -> memref<10240x64xf32, #tpu.memory_space<vmem_shared>>
        tpu.enqueue_indirect_dma source(%arg17 : memref<80x64xf32, #tpu.memory_space<vmem>>) target(%dma_start3A_242 : memref<10240x64xf32, #tpu.memory_space<vmem_shared>>) offsets(%dma_start3A_239 : memref<80xi32, #tpu.memory_space<vmem>>) semaphore(%run_scoped3A_236 : memref<!tpu.dma_semaphore, #tpu.memory_space<semaphore_mem>>) {add = true}
        %dma_wait3A_243 = arith.constant 0 : i32
        %dma_wait3A_244 = tpu.memref_slice %arg9[%add3A_222, %dma_wait3A_243] : memref<125x80xi32, #tpu.memory_space<vmem>> -> memref<1x80xi32, #tpu.memory_space<vmem>>
        %dma_wait3A_245 = tpu.memref_squeeze %dma_wait3A_244 : memref<1x80xi32, #tpu.memory_space<vmem>> -> memref<80xi32, #tpu.memory_space<vmem>>
        %dma_wait3A_246 = arith.constant 0 : i32
        %dma_wait3A_247 = arith.constant 0 : i32
        %dma_wait3A_248 = tpu.memref_slice %arg7[%dma_wait3A_246, %dma_wait3A_247] : memref<10240x64xf32, #tpu.memory_space<vmem_shared>> -> memref<10240x64xf32, #tpu.memory_space<vmem_shared>>
        tpu.wait_indirect_dma semaphore(%run_scoped3A_236 : memref<!tpu.dma_semaphore, #tpu.memory_space<semaphore_mem>>) src(%arg17 : memref<80x64xf32, #tpu.memory_space<vmem>>) dst(%dma_wait3A_248 : memref<10240x64xf32, #tpu.memory_space<vmem_shared>>)
        tpu.yield
      }) : () -> ()
      %add3A_229 = arith.constant 8 : i32
      %add3A_230 = arith.addi %add3A_222, %add3A_229 : i32
      %lt3A_231 = arith.constant 125 : i32
      %lt3A_232 = arith.cmpi slt, %add3A_230, %lt3A_231 : i32
      %convert_element_type3A_233 = arith.extui %lt3A_232 : i1 to i32
      %cond3A_234 = arith.constant 0 : i32
      %cond3A_235 = arith.cmpi ne, %convert_element_type3A_233, %cond3A_234 : i32
      scf.if %cond3A_235 {
        %add3A_236 = arith.constant 8 : i32
        %add3A_237 = arith.addi %add3A_222, %add3A_236 : i32
        %dma_start3A_238 = arith.constant 0 : i32
        %dma_start3A_239 = tpu.memref_slice %arg8[%add3A_237, %dma_start3A_238] : memref<125x80xi32, #tpu.memory_space<vmem>> -> memref<1x80xi32, #tpu.memory_space<vmem>>
        %dma_start3A_240 = tpu.memref_squeeze %dma_start3A_239 : memref<1x80xi32, #tpu.memory_space<vmem>> -> memref<80xi32, #tpu.memory_space<vmem>>
        %dma_start3A_241 = arith.constant 0 : i32
        %dma_start3A_242 = arith.constant 0 : i32
        %dma_start3A_243 = tpu.memref_slice %arg2[%dma_start3A_241, %dma_start3A_242] : memref<10240x64xf32, #tpu.memory_space<hbm>> -> memref<10240x64xf32, #tpu.memory_space<hbm>>
        tpu.enqueue_indirect_dma source(%dma_start3A_243 : memref<10240x64xf32, #tpu.memory_space<hbm>>) target(%arg17 : memref<80x64xf32, #tpu.memory_space<vmem>>) offsets(%dma_start3A_240 : memref<80xi32, #tpu.memory_space<vmem>>) semaphore(%arg25 : memref<!tpu.dma_semaphore, #tpu.memory_space<semaphore_mem>>)
      } else {
      }
    }
    %scan3A_62 = arith.constant 15 : i32
    %dma_wait3A = arith.constant 120 : i32
    %dma_wait3A_63 = arith.constant 0 : i32
    %dma_wait3A_64 = tpu.memref_slice %arg8[%dma_wait3A, %dma_wait3A_63] : memref<125x80xi32, #tpu.memory_space<vmem>> -> memref<1x80xi32, #tpu.memory_space<vmem>>
    %dma_wait3A_65 = tpu.memref_squeeze %dma_wait3A_64 : memref<1x80xi32, #tpu.memory_space<vmem>> -> memref<80xi32, #tpu.memory_space<vmem>>
    %dma_wait3A_66 = arith.constant 0 : i32
    %dma_wait3A_67 = arith.constant 0 : i32
    %dma_wait3A_68 = tpu.memref_slice %arg2[%dma_wait3A_66, %dma_wait3A_67] : memref<10240x64xf32, #tpu.memory_space<hbm>> -> memref<10240x64xf32, #tpu.memory_space<hbm>>
    tpu.wait_indirect_dma semaphore(%arg18 : memref<!tpu.dma_semaphore, #tpu.memory_space<semaphore_mem>>) src(%dma_wait3A_68 : memref<10240x64xf32, #tpu.memory_space<hbm>>) dst(%arg10 : memref<80x64xf32, #tpu.memory_space<vmem>>)
    %run_scoped3A = arith.constant 120 : i32
    "tpu.region"() ({
      %run_scoped3A_102 = tpu.sem_alloc : memref<!tpu.dma_semaphore, #tpu.memory_space<semaphore_mem>>
      %dma_start3A_103 = arith.constant 0 : i32
      %dma_start3A_104 = tpu.memref_slice %arg9[%run_scoped3A, %dma_start3A_103] : memref<125x80xi32, #tpu.memory_space<vmem>> -> memref<1x80xi32, #tpu.memory_space<vmem>>
      %dma_start3A_105 = tpu.memref_squeeze %dma_start3A_104 : memref<1x80xi32, #tpu.memory_space<vmem>> -> memref<80xi32, #tpu.memory_space<vmem>>
      %dma_start3A_106 = arith.constant 0 : i32
      %dma_start3A_107 = arith.constant 0 : i32
      %dma_start3A_108 = tpu.memref_slice %arg7[%dma_start3A_106, %dma_start3A_107] : memref<10240x64xf32, #tpu.memory_space<vmem_shared>> -> memref<10240x64xf32, #tpu.memory_space<vmem_shared>>
      tpu.enqueue_indirect_dma source(%arg10 : memref<80x64xf32, #tpu.memory_space<vmem>>) target(%dma_start3A_108 : memref<10240x64xf32, #tpu.memory_space<vmem_shared>>) offsets(%dma_start3A_105 : memref<80xi32, #tpu.memory_space<vmem>>) semaphore(%run_scoped3A_102 : memref<!tpu.dma_semaphore, #tpu.memory_space<semaphore_mem>>) {add = true}
      %dma_wait3A_109 = arith.constant 0 : i32
      %dma_wait3A_110 = tpu.memref_slice %arg9[%run_scoped3A, %dma_wait3A_109] : memref<125x80xi32, #tpu.memory_space<vmem>> -> memref<1x80xi32, #tpu.memory_space<vmem>>
      %dma_wait3A_111 = tpu.memref_squeeze %dma_wait3A_110 : memref<1x80xi32, #tpu.memory_space<vmem>> -> memref<80xi32, #tpu.memory_space<vmem>>
      %dma_wait3A_112 = arith.constant 0 : i32
      %dma_wait3A_113 = arith.constant 0 : i32
      %dma_wait3A_114 = tpu.memref_slice %arg7[%dma_wait3A_112, %dma_wait3A_113] : memref<10240x64xf32, #tpu.memory_space<vmem_shared>> -> memref<10240x64xf32, #tpu.memory_space<vmem_shared>>
      tpu.wait_indirect_dma semaphore(%run_scoped3A_102 : memref<!tpu.dma_semaphore, #tpu.memory_space<semaphore_mem>>) src(%arg10 : memref<80x64xf32, #tpu.memory_space<vmem>>) dst(%dma_wait3A_114 : memref<10240x64xf32, #tpu.memory_space<vmem_shared>>)
      tpu.yield
    }) : () -> ()
    %dma_wait3A_69 = arith.constant 121 : i32
    %dma_wait3A_70 = arith.constant 0 : i32
    %dma_wait3A_71 = tpu.memref_slice %arg8[%dma_wait3A_69, %dma_wait3A_70] : memref<125x80xi32, #tpu.memory_space<vmem>> -> memref<1x80xi32, #tpu.memory_space<vmem>>
    %dma_wait3A_72 = tpu.memref_squeeze %dma_wait3A_71 : memref<1x80xi32, #tpu.memory_space<vmem>> -> memref<80xi32, #tpu.memory_space<vmem>>
    %dma_wait3A_73 = arith.constant 0 : i32
    %dma_wait3A_74 = arith.constant 0 : i32
    %dma_wait3A_75 = tpu.memref_slice %arg2[%dma_wait3A_73, %dma_wait3A_74] : memref<10240x64xf32, #tpu.memory_space<hbm>> -> memref<10240x64xf32, #tpu.memory_space<hbm>>
    tpu.wait_indirect_dma semaphore(%arg19 : memref<!tpu.dma_semaphore, #tpu.memory_space<semaphore_mem>>) src(%dma_wait3A_75 : memref<10240x64xf32, #tpu.memory_space<hbm>>) dst(%arg11 : memref<80x64xf32, #tpu.memory_space<vmem>>)
    %run_scoped3A_76 = arith.constant 121 : i32
    "tpu.region"() ({
      %run_scoped3A_102 = tpu.sem_alloc : memref<!tpu.dma_semaphore, #tpu.memory_space<semaphore_mem>>
      %dma_start3A_103 = arith.constant 0 : i32
      %dma_start3A_104 = tpu.memref_slice %arg9[%run_scoped3A_76, %dma_start3A_103] : memref<125x80xi32, #tpu.memory_space<vmem>> -> memref<1x80xi32, #tpu.memory_space<vmem>>
      %dma_start3A_105 = tpu.memref_squeeze %dma_start3A_104 : memref<1x80xi32, #tpu.memory_space<vmem>> -> memref<80xi32, #tpu.memory_space<vmem>>
      %dma_start3A_106 = arith.constant 0 : i32
      %dma_start3A_107 = arith.constant 0 : i32
      %dma_start3A_108 = tpu.memref_slice %arg7[%dma_start3A_106, %dma_start3A_107] : memref<10240x64xf32, #tpu.memory_space<vmem_shared>> -> memref<10240x64xf32, #tpu.memory_space<vmem_shared>>
      tpu.enqueue_indirect_dma source(%arg11 : memref<80x64xf32, #tpu.memory_space<vmem>>) target(%dma_start3A_108 : memref<10240x64xf32, #tpu.memory_space<vmem_shared>>) offsets(%dma_start3A_105 : memref<80xi32, #tpu.memory_space<vmem>>) semaphore(%run_scoped3A_102 : memref<!tpu.dma_semaphore, #tpu.memory_space<semaphore_mem>>) {add = true}
      %dma_wait3A_109 = arith.constant 0 : i32
      %dma_wait3A_110 = tpu.memref_slice %arg9[%run_scoped3A_76, %dma_wait3A_109] : memref<125x80xi32, #tpu.memory_space<vmem>> -> memref<1x80xi32, #tpu.memory_space<vmem>>
      %dma_wait3A_111 = tpu.memref_squeeze %dma_wait3A_110 : memref<1x80xi32, #tpu.memory_space<vmem>> -> memref<80xi32, #tpu.memory_space<vmem>>
      %dma_wait3A_112 = arith.constant 0 : i32
      %dma_wait3A_113 = arith.constant 0 : i32
      %dma_wait3A_114 = tpu.memref_slice %arg7[%dma_wait3A_112, %dma_wait3A_113] : memref<10240x64xf32, #tpu.memory_space<vmem_shared>> -> memref<10240x64xf32, #tpu.memory_space<vmem_shared>>
      tpu.wait_indirect_dma semaphore(%run_scoped3A_102 : memref<!tpu.dma_semaphore, #tpu.memory_space<semaphore_mem>>) src(%arg11 : memref<80x64xf32, #tpu.memory_space<vmem>>) dst(%dma_wait3A_114 : memref<10240x64xf32, #tpu.memory_space<vmem_shared>>)
      tpu.yield
    }) : () -> ()
    %dma_wait3A_77 = arith.constant 122 : i32
    %dma_wait3A_78 = arith.constant 0 : i32
    %dma_wait3A_79 = tpu.memref_slice %arg8[%dma_wait3A_77, %dma_wait3A_78] : memref<125x80xi32, #tpu.memory_space<vmem>> -> memref<1x80xi32, #tpu.memory_space<vmem>>
    %dma_wait3A_80 = tpu.memref_squeeze %dma_wait3A_79 : memref<1x80xi32, #tpu.memory_space<vmem>> -> memref<80xi32, #tpu.memory_space<vmem>>
    %dma_wait3A_81 = arith.constant 0 : i32
    %dma_wait3A_82 = arith.constant 0 : i32
    %dma_wait3A_83 = tpu.memref_slice %arg2[%dma_wait3A_81, %dma_wait3A_82] : memref<10240x64xf32, #tpu.memory_space<hbm>> -> memref<10240x64xf32, #tpu.memory_space<hbm>>
    tpu.wait_indirect_dma semaphore(%arg20 : memref<!tpu.dma_semaphore, #tpu.memory_space<semaphore_mem>>) src(%dma_wait3A_83 : memref<10240x64xf32, #tpu.memory_space<hbm>>) dst(%arg12 : memref<80x64xf32, #tpu.memory_space<vmem>>)
    %run_scoped3A_84 = arith.constant 122 : i32
    "tpu.region"() ({
      %run_scoped3A_102 = tpu.sem_alloc : memref<!tpu.dma_semaphore, #tpu.memory_space<semaphore_mem>>
      %dma_start3A_103 = arith.constant 0 : i32
      %dma_start3A_104 = tpu.memref_slice %arg9[%run_scoped3A_84, %dma_start3A_103] : memref<125x80xi32, #tpu.memory_space<vmem>> -> memref<1x80xi32, #tpu.memory_space<vmem>>
      %dma_start3A_105 = tpu.memref_squeeze %dma_start3A_104 : memref<1x80xi32, #tpu.memory_space<vmem>> -> memref<80xi32, #tpu.memory_space<vmem>>
      %dma_start3A_106 = arith.constant 0 : i32
      %dma_start3A_107 = arith.constant 0 : i32
      %dma_start3A_108 = tpu.memref_slice %arg7[%dma_start3A_106, %dma_start3A_107] : memref<10240x64xf32, #tpu.memory_space<vmem_shared>> -> memref<10240x64xf32, #tpu.memory_space<vmem_shared>>
      tpu.enqueue_indirect_dma source(%arg12 : memref<80x64xf32, #tpu.memory_space<vmem>>) target(%dma_start3A_108 : memref<10240x64xf32, #tpu.memory_space<vmem_shared>>) offsets(%dma_start3A_105 : memref<80xi32, #tpu.memory_space<vmem>>) semaphore(%run_scoped3A_102 : memref<!tpu.dma_semaphore, #tpu.memory_space<semaphore_mem>>) {add = true}
      %dma_wait3A_109 = arith.constant 0 : i32
      %dma_wait3A_110 = tpu.memref_slice %arg9[%run_scoped3A_84, %dma_wait3A_109] : memref<125x80xi32, #tpu.memory_space<vmem>> -> memref<1x80xi32, #tpu.memory_space<vmem>>
      %dma_wait3A_111 = tpu.memref_squeeze %dma_wait3A_110 : memref<1x80xi32, #tpu.memory_space<vmem>> -> memref<80xi32, #tpu.memory_space<vmem>>
      %dma_wait3A_112 = arith.constant 0 : i32
      %dma_wait3A_113 = arith.constant 0 : i32
      %dma_wait3A_114 = tpu.memref_slice %arg7[%dma_wait3A_112, %dma_wait3A_113] : memref<10240x64xf32, #tpu.memory_space<vmem_shared>> -> memref<10240x64xf32, #tpu.memory_space<vmem_shared>>
      tpu.wait_indirect_dma semaphore(%run_scoped3A_102 : memref<!tpu.dma_semaphore, #tpu.memory_space<semaphore_mem>>) src(%arg12 : memref<80x64xf32, #tpu.memory_space<vmem>>) dst(%dma_wait3A_114 : memref<10240x64xf32, #tpu.memory_space<vmem_shared>>)
      tpu.yield
    }) : () -> ()
    %dma_wait3A_85 = arith.constant 123 : i32
    %dma_wait3A_86 = arith.constant 0 : i32
    %dma_wait3A_87 = tpu.memref_slice %arg8[%dma_wait3A_85, %dma_wait3A_86] : memref<125x80xi32, #tpu.memory_space<vmem>> -> memref<1x80xi32, #tpu.memory_space<vmem>>
    %dma_wait3A_88 = tpu.memref_squeeze %dma_wait3A_87 : memref<1x80xi32, #tpu.memory_space<vmem>> -> memref<80xi32, #tpu.memory_space<vmem>>
    %dma_wait3A_89 = arith.constant 0 : i32
    %dma_wait3A_90 = arith.constant 0 : i32
    %dma_wait3A_91 = tpu.memref_slice %arg2[%dma_wait3A_89, %dma_wait3A_90] : memref<10240x64xf32, #tpu.memory_space<hbm>> -> memref<10240x64xf32, #tpu.memory_space<hbm>>
    tpu.wait_indirect_dma semaphore(%arg21 : memref<!tpu.dma_semaphore, #tpu.memory_space<semaphore_mem>>) src(%dma_wait3A_91 : memref<10240x64xf32, #tpu.memory_space<hbm>>) dst(%arg13 : memref<80x64xf32, #tpu.memory_space<vmem>>)
    %run_scoped3A_92 = arith.constant 123 : i32
    "tpu.region"() ({
      %run_scoped3A_102 = tpu.sem_alloc : memref<!tpu.dma_semaphore, #tpu.memory_space<semaphore_mem>>
      %dma_start3A_103 = arith.constant 0 : i32
      %dma_start3A_104 = tpu.memref_slice %arg9[%run_scoped3A_92, %dma_start3A_103] : memref<125x80xi32, #tpu.memory_space<vmem>> -> memref<1x80xi32, #tpu.memory_space<vmem>>
      %dma_start3A_105 = tpu.memref_squeeze %dma_start3A_104 : memref<1x80xi32, #tpu.memory_space<vmem>> -> memref<80xi32, #tpu.memory_space<vmem>>
      %dma_start3A_106 = arith.constant 0 : i32
      %dma_start3A_107 = arith.constant 0 : i32
      %dma_start3A_108 = tpu.memref_slice %arg7[%dma_start3A_106, %dma_start3A_107] : memref<10240x64xf32, #tpu.memory_space<vmem_shared>> -> memref<10240x64xf32, #tpu.memory_space<vmem_shared>>
      tpu.enqueue_indirect_dma source(%arg13 : memref<80x64xf32, #tpu.memory_space<vmem>>) target(%dma_start3A_108 : memref<10240x64xf32, #tpu.memory_space<vmem_shared>>) offsets(%dma_start3A_105 : memref<80xi32, #tpu.memory_space<vmem>>) semaphore(%run_scoped3A_102 : memref<!tpu.dma_semaphore, #tpu.memory_space<semaphore_mem>>) {add = true}
      %dma_wait3A_109 = arith.constant 0 : i32
      %dma_wait3A_110 = tpu.memref_slice %arg9[%run_scoped3A_92, %dma_wait3A_109] : memref<125x80xi32, #tpu.memory_space<vmem>> -> memref<1x80xi32, #tpu.memory_space<vmem>>
      %dma_wait3A_111 = tpu.memref_squeeze %dma_wait3A_110 : memref<1x80xi32, #tpu.memory_space<vmem>> -> memref<80xi32, #tpu.memory_space<vmem>>
      %dma_wait3A_112 = arith.constant 0 : i32
      %dma_wait3A_113 = arith.constant 0 : i32
      %dma_wait3A_114 = tpu.memref_slice %arg7[%dma_wait3A_112, %dma_wait3A_113] : memref<10240x64xf32, #tpu.memory_space<vmem_shared>> -> memref<10240x64xf32, #tpu.memory_space<vmem_shared>>
      tpu.wait_indirect_dma semaphore(%run_scoped3A_102 : memref<!tpu.dma_semaphore, #tpu.memory_space<semaphore_mem>>) src(%arg13 : memref<80x64xf32, #tpu.memory_space<vmem>>) dst(%dma_wait3A_114 : memref<10240x64xf32, #tpu.memory_space<vmem_shared>>)
      tpu.yield
    }) : () -> ()
    %dma_wait3A_93 = arith.constant 124 : i32
    %dma_wait3A_94 = arith.constant 0 : i32
    %dma_wait3A_95 = tpu.memref_slice %arg8[%dma_wait3A_93, %dma_wait3A_94] : memref<125x80xi32, #tpu.memory_space<vmem>> -> memref<1x80xi32, #tpu.memory_space<vmem>>
    %dma_wait3A_96 = tpu.memref_squeeze %dma_wait3A_95 : memref<1x80xi32, #tpu.memory_space<vmem>> -> memref<80xi32, #tpu.memory_space<vmem>>
    %dma_wait3A_97 = arith.constant 0 : i32
    %dma_wait3A_98 = arith.constant 0 : i32
    %dma_wait3A_99 = tpu.memref_slice %arg2[%dma_wait3A_97, %dma_wait3A_98] : memref<10240x64xf32, #tpu.memory_space<hbm>> -> memref<10240x64xf32, #tpu.memory_space<hbm>>
    tpu.wait_indirect_dma semaphore(%arg22 : memref<!tpu.dma_semaphore, #tpu.memory_space<semaphore_mem>>) src(%dma_wait3A_99 : memref<10240x64xf32, #tpu.memory_space<hbm>>) dst(%arg14 : memref<80x64xf32, #tpu.memory_space<vmem>>)
    %run_scoped3A_100 = arith.constant 124 : i32
    "tpu.region"() ({
      %run_scoped3A_102 = tpu.sem_alloc : memref<!tpu.dma_semaphore, #tpu.memory_space<semaphore_mem>>
      %dma_start3A_103 = arith.constant 0 : i32
      %dma_start3A_104 = tpu.memref_slice %arg9[%run_scoped3A_100, %dma_start3A_103] : memref<125x80xi32, #tpu.memory_space<vmem>> -> memref<1x80xi32, #tpu.memory_space<vmem>>
      %dma_start3A_105 = tpu.memref_squeeze %dma_start3A_104 : memref<1x80xi32, #tpu.memory_space<vmem>> -> memref<80xi32, #tpu.memory_space<vmem>>
      %dma_start3A_106 = arith.constant 0 : i32
      %dma_start3A_107 = arith.constant 0 : i32
      %dma_start3A_108 = tpu.memref_slice %arg7[%dma_start3A_106, %dma_start3A_107] : memref<10240x64xf32, #tpu.memory_space<vmem_shared>> -> memref<10240x64xf32, #tpu.memory_space<vmem_shared>>
      tpu.enqueue_indirect_dma source(%arg14 : memref<80x64xf32, #tpu.memory_space<vmem>>) target(%dma_start3A_108 : memref<10240x64xf32, #tpu.memory_space<vmem_shared>>) offsets(%dma_start3A_105 : memref<80xi32, #tpu.memory_space<vmem>>) semaphore(%run_scoped3A_102 : memref<!tpu.dma_semaphore, #tpu.memory_space<semaphore_mem>>) {add = true}
      %dma_wait3A_109 = arith.constant 0 : i32
      %dma_wait3A_110 = tpu.memref_slice %arg9[%run_scoped3A_100, %dma_wait3A_109] : memref<125x80xi32, #tpu.memory_space<vmem>> -> memref<1x80xi32, #tpu.memory_space<vmem>>
      %dma_wait3A_111 = tpu.memref_squeeze %dma_wait3A_110 : memref<1x80xi32, #tpu.memory_space<vmem>> -> memref<80xi32, #tpu.memory_space<vmem>>
      %dma_wait3A_112 = arith.constant 0 : i32
      %dma_wait3A_113 = arith.constant 0 : i32
      %dma_wait3A_114 = tpu.memref_slice %arg7[%dma_wait3A_112, %dma_wait3A_113] : memref<10240x64xf32, #tpu.memory_space<vmem_shared>> -> memref<10240x64xf32, #tpu.memory_space<vmem_shared>>
      tpu.wait_indirect_dma semaphore(%run_scoped3A_102 : memref<!tpu.dma_semaphore, #tpu.memory_space<semaphore_mem>>) src(%arg14 : memref<80x64xf32, #tpu.memory_space<vmem>>) dst(%dma_wait3A_114 : memref<10240x64xf32, #tpu.memory_space<vmem_shared>>)
      tpu.yield
    }) : () -> ()
    %barrier3A_101 = arith.constant 0 : index
    tpu.barrier barrier_id(%barrier3A_101)
    "tpu.region"() ({
      %run_scoped3A_102 = tpu.sem_alloc : memref<!tpu.dma_semaphore, #tpu.memory_space<semaphore_mem>>
      %dma_start3A_103 = arith.constant 0 : i32
      %dma_start3A_104 = tpu.memref_slice %arg6[%arg0, %mul3A_2, %dma_start3A_103] : memref<2x10240x64xf32, #tpu.memory_space<hbm>> -> memref<1x640x64xf32, #tpu.memory_space<hbm>>
      %dma_start3A_105 = tpu.memref_squeeze %dma_start3A_104 : memref<1x640x64xf32, #tpu.memory_space<hbm>> -> memref<640x64xf32, #tpu.memory_space<hbm>>
      %dma_start3A_106 = arith.constant 0 : i32
      %dma_start3A_107 = tpu.memref_slice %arg7[%mul3A_2, %dma_start3A_106] : memref<10240x64xf32, #tpu.memory_space<vmem_shared>> -> memref<640x64xf32, #tpu.memory_space<vmem_shared>>
      tpu.enqueue_dma source(%dma_start3A_107 : memref<640x64xf32, #tpu.memory_space<vmem_shared>>) target(%dma_start3A_105 : memref<640x64xf32, #tpu.memory_space<hbm>>) target_semaphore(%run_scoped3A_102 : memref<!tpu.dma_semaphore, #tpu.memory_space<semaphore_mem>>)
      %dma_wait3A_108 = arith.constant 0 : i32
      %dma_wait3A_109 = tpu.memref_slice %arg6[%arg0, %mul3A_2, %dma_wait3A_108] : memref<2x10240x64xf32, #tpu.memory_space<hbm>> -> memref<1x640x64xf32, #tpu.memory_space<hbm>>
      %dma_wait3A_110 = tpu.memref_squeeze %dma_wait3A_109 : memref<1x640x64xf32, #tpu.memory_space<hbm>> -> memref<640x64xf32, #tpu.memory_space<hbm>>
      %dma_wait3A_111 = arith.constant 0 : i32
      %dma_wait3A_112 = tpu.memref_slice %arg7[%mul3A_2, %dma_wait3A_111] : memref<10240x64xf32, #tpu.memory_space<vmem_shared>> -> memref<640x64xf32, #tpu.memory_space<vmem_shared>>
      tpu.wait_dma2 semaphore(%run_scoped3A_102 : memref<!tpu.dma_semaphore, #tpu.memory_space<semaphore_mem>>) src(%dma_wait3A_112 : memref<640x64xf32, #tpu.memory_space<vmem_shared>>) dst(%dma_wait3A_110 : memref<640x64xf32, #tpu.memory_space<hbm>>)
      tpu.yield
    }) : () -> ()
    return
  }
}

#map = affine_map<(d0, d1) -> (0, 0)>
#map1 = affine_map<(d0, d1) -> (0, 0, 0)>
module attributes {stable_mosaic.version = 14 : i64} {
  func.func @_agg_body(%arg0: i32, %arg1: i32, %arg2: memref<10240x64xf32, #tpu.memory_space<hbm>>, %arg3: memref<32x125x80xi32, #tpu.memory_space<hbm>>, %arg4: memref<32x125x80xi32, #tpu.memory_space<hbm>>, %arg5: memref<10240x64xf32, #tpu.memory_space<hbm>>, %arg6: memref<2x10240x64xf32, #tpu.memory_space<hbm>>, %arg7: memref<10240x64xf32, #tpu.memory_space<vmem_shared>>, %arg8: memref<125x80xi32, #tpu.memory_space<vmem>>, %arg9: memref<125x80xi32, #tpu.memory_space<vmem>>, %arg10: memref<80x64xf32, #tpu.memory_space<vmem>>, %arg11: memref<80x64xf32, #tpu.memory_space<vmem>>, %arg12: memref<80x64xf32, #tpu.memory_space<vmem>>, %arg13: memref<80x64xf32, #tpu.memory_space<vmem>>, %arg14: memref<80x64xf32, #tpu.memory_space<vmem>>, %arg15: memref<80x64xf32, #tpu.memory_space<vmem>>, %arg16: memref<80x64xf32, #tpu.memory_space<vmem>>, %arg17: memref<80x64xf32, #tpu.memory_space<vmem>>, %arg18: memref<!tpu.dma_semaphore, #tpu.memory_space<semaphore_mem>>, %arg19: memref<!tpu.dma_semaphore, #tpu.memory_space<semaphore_mem>>, %arg20: memref<!tpu.dma_semaphore, #tpu.memory_space<semaphore_mem>>, %arg21: memref<!tpu.dma_semaphore, #tpu.memory_space<semaphore_mem>>, %arg22: memref<!tpu.dma_semaphore, #tpu.memory_space<semaphore_mem>>, %arg23: memref<!tpu.dma_semaphore, #tpu.memory_space<semaphore_mem>>, %arg24: memref<!tpu.dma_semaphore, #tpu.memory_space<semaphore_mem>>, %arg25: memref<!tpu.dma_semaphore, #tpu.memory_space<semaphore_mem>>) attributes {dimension_semantics = [#tpu.dimension_semantics<core_parallel>, #tpu.dimension_semantics<subcore_parallel>], iteration_bounds = array<i64: 2, 16>, scalar_prefetch = 0 : i64, scratch_operands = 19 : i64, tpu.core_type = #tpu.core_type<sc_vector_subcore>, window_params = [{transform_indices = #map}, {transform_indices = #map1}, {transform_indices = #map1}, {transform_indices = #map}, {transform_indices = #map1}]} {
    %mul3A = arith.constant 2 : i32
    %mul3A_0 = arith.muli %arg1, %mul3A : i32
    %add3A = arith.addi %mul3A_0, %arg0 : i32
    %mul3A_1 = arith.constant 640 : i32
    %mul3A_2 = arith.muli %arg1, %mul3A_1 : i32
    "tpu.region"() ({
      %run_scoped3A_102 = tpu.sem_alloc : memref<!tpu.dma_semaphore, #tpu.memory_space<semaphore_mem>>
      %dma_start3A_103 = arith.constant 0 : i32
      %dma_start3A_104 = tpu.memref_slice %arg7[%mul3A_2, %dma_start3A_103] : memref<10240x64xf32, #tpu.memory_space<vmem_shared>> -> memref<640x64xf32, #tpu.memory_space<vmem_shared>>
      %dma_start3A_105 = arith.constant 0 : i32
      %dma_start3A_106 = tpu.memref_slice %arg5[%mul3A_2, %dma_start3A_105] : memref<10240x64xf32, #tpu.memory_space<hbm>> -> memref<640x64xf32, #tpu.memory_space<hbm>>
      tpu.enqueue_dma source(%dma_start3A_106 : memref<640x64xf32, #tpu.memory_space<hbm>>) target(%dma_start3A_104 : memref<640x64xf32, #tpu.memory_space<vmem_shared>>) target_semaphore(%run_scoped3A_102 : memref<!tpu.dma_semaphore, #tpu.memory_space<semaphore_mem>>)
      %dma_wait3A_107 = arith.constant 0 : i32
      %dma_wait3A_108 = tpu.memref_slice %arg7[%mul3A_2, %dma_wait3A_107] : memref<10240x64xf32, #tpu.memory_space<vmem_shared>> -> memref<640x64xf32, #tpu.memory_space<vmem_shared>>
      %dma_wait3A_109 = arith.constant 0 : i32
      %dma_wait3A_110 = tpu.memref_slice %arg5[%mul3A_2, %dma_wait3A_109] : memref<10240x64xf32, #tpu.memory_space<hbm>> -> memref<640x64xf32, #tpu.memory_space<hbm>>
      tpu.wait_dma2 semaphore(%run_scoped3A_102 : memref<!tpu.dma_semaphore, #tpu.memory_space<semaphore_mem>>) src(%dma_wait3A_110 : memref<640x64xf32, #tpu.memory_space<hbm>>) dst(%dma_wait3A_108 : memref<640x64xf32, #tpu.memory_space<vmem_shared>>)
      tpu.yield
    }) : () -> ()
    "tpu.region"() ({
      %run_scoped3A_102 = tpu.sem_alloc : memref<!tpu.dma_semaphore, #tpu.memory_space<semaphore_mem>>
      %dma_start3A_103 = arith.constant 0 : i32
      %dma_start3A_104 = arith.constant 0 : i32
      %dma_start3A_105 = tpu.memref_slice %arg3[%add3A, %dma_start3A_103, %dma_start3A_104] : memref<32x125x80xi32, #tpu.memory_space<hbm>> -> memref<1x125x80xi32, #tpu.memory_space<hbm>>
      %dma_start3A_106 = tpu.memref_squeeze %dma_start3A_105 : memref<1x125x80xi32, #tpu.memory_space<hbm>> -> memref<125x80xi32, #tpu.memory_space<hbm>>
      %dma_start3A_107 = arith.constant 0 : i32
      %dma_start3A_108 = arith.constant 0 : i32
      %dma_start3A_109 = tpu.memref_slice %arg3[%add3A, %dma_start3A_107, %dma_start3A_108] : memref<32x125x80xi32, #tpu.memory_space<hbm>> -> memref<1x125x80xi32, #tpu.memory_space<hbm>>
      %dma_start3A_110 = tpu.memref_squeeze %dma_start3A_109 : memref<1x125x80xi32, #tpu.memory_space<hbm>> -> memref<125x80xi32, #tpu.memory_space<hbm>>
      tpu.enqueue_dma source(%dma_start3A_110 : memref<125x80xi32, #tpu.memory_space<hbm>>) target(%arg8 : memref<125x80xi32, #tpu.memory_space<vmem>>) target_semaphore(%run_scoped3A_102 : memref<!tpu.dma_semaphore, #tpu.memory_space<semaphore_mem>>)
      %dma_wait3A_111 = arith.constant 0 : i32
      %dma_wait3A_112 = arith.constant 0 : i32
      %dma_wait3A_113 = tpu.memref_slice %arg3[%add3A, %dma_wait3A_111, %dma_wait3A_112] : memref<32x125x80xi32, #tpu.memory_space<hbm>> -> memref<1x125x80xi32, #tpu.memory_space<hbm>>
      %dma_wait3A_114 = tpu.memref_squeeze %dma_wait3A_113 : memref<1x125x80xi32, #tpu.memory_space<hbm>> -> memref<125x80xi32, #tpu.memory_space<hbm>>
      %dma_wait3A_115 = arith.constant 0 : i32
      %dma_wait3A_116 = arith.constant 0 : i32
      %dma_wait3A_117 = tpu.memref_slice %arg3[%add3A, %dma_wait3A_115, %dma_wait3A_116] : memref<32x125x80xi32, #tpu.memory_space<hbm>> -> memref<1x125x80xi32, #tpu.memory_space<hbm>>
      %dma_wait3A_118 = tpu.memref_squeeze %dma_wait3A_117 : memref<1x125x80xi32, #tpu.memory_space<hbm>> -> memref<125x80xi32, #tpu.memory_space<hbm>>
      tpu.wait_dma2 semaphore(%run_scoped3A_102 : memref<!tpu.dma_semaphore, #tpu.memory_space<semaphore_mem>>) src(%dma_wait3A_118 : memref<125x80xi32, #tpu.memory_space<hbm>>) dst(%arg8 : memref<125x80xi32, #tpu.memory_space<vmem>>)
      tpu.yield
    }) : () -> ()
    "tpu.region"() ({
      %run_scoped3A_102 = tpu.sem_alloc : memref<!tpu.dma_semaphore, #tpu.memory_space<semaphore_mem>>
      %dma_start3A_103 = arith.constant 0 : i32
      %dma_start3A_104 = arith.constant 0 : i32
      %dma_start3A_105 = tpu.memref_slice %arg4[%add3A, %dma_start3A_103, %dma_start3A_104] : memref<32x125x80xi32, #tpu.memory_space<hbm>> -> memref<1x125x80xi32, #tpu.memory_space<hbm>>
      %dma_start3A_106 = tpu.memref_squeeze %dma_start3A_105 : memref<1x125x80xi32, #tpu.memory_space<hbm>> -> memref<125x80xi32, #tpu.memory_space<hbm>>
      %dma_start3A_107 = arith.constant 0 : i32
      %dma_start3A_108 = arith.constant 0 : i32
      %dma_start3A_109 = tpu.memref_slice %arg4[%add3A, %dma_start3A_107, %dma_start3A_108] : memref<32x125x80xi32, #tpu.memory_space<hbm>> -> memref<1x125x80xi32, #tpu.memory_space<hbm>>
      %dma_start3A_110 = tpu.memref_squeeze %dma_start3A_109 : memref<1x125x80xi32, #tpu.memory_space<hbm>> -> memref<125x80xi32, #tpu.memory_space<hbm>>
      tpu.enqueue_dma source(%dma_start3A_110 : memref<125x80xi32, #tpu.memory_space<hbm>>) target(%arg9 : memref<125x80xi32, #tpu.memory_space<vmem>>) target_semaphore(%run_scoped3A_102 : memref<!tpu.dma_semaphore, #tpu.memory_space<semaphore_mem>>)
      %dma_wait3A_111 = arith.constant 0 : i32
      %dma_wait3A_112 = arith.constant 0 : i32
      %dma_wait3A_113 = tpu.memref_slice %arg4[%add3A, %dma_wait3A_111, %dma_wait3A_112] : memref<32x125x80xi32, #tpu.memory_space<hbm>> -> memref<1x125x80xi32, #tpu.memory_space<hbm>>
      %dma_wait3A_114 = tpu.memref_squeeze %dma_wait3A_113 : memref<1x125x80xi32, #tpu.memory_space<hbm>> -> memref<125x80xi32, #tpu.memory_space<hbm>>
      %dma_wait3A_115 = arith.constant 0 : i32
      %dma_wait3A_116 = arith.constant 0 : i32
      %dma_wait3A_117 = tpu.memref_slice %arg4[%add3A, %dma_wait3A_115, %dma_wait3A_116] : memref<32x125x80xi32, #tpu.memory_space<hbm>> -> memref<1x125x80xi32, #tpu.memory_space<hbm>>
      %dma_wait3A_118 = tpu.memref_squeeze %dma_wait3A_117 : memref<1x125x80xi32, #tpu.memory_space<hbm>> -> memref<125x80xi32, #tpu.memory_space<hbm>>
      tpu.wait_dma2 semaphore(%run_scoped3A_102 : memref<!tpu.dma_semaphore, #tpu.memory_space<semaphore_mem>>) src(%dma_wait3A_118 : memref<125x80xi32, #tpu.memory_space<hbm>>) dst(%arg9 : memref<125x80xi32, #tpu.memory_space<vmem>>)
      tpu.yield
    }) : () -> ()
    %barrier3A = arith.constant 0 : index
    tpu.barrier barrier_id(%barrier3A)
    %dma_start3A = arith.constant 0 : i32
    %dma_start3A_3 = arith.constant 0 : i32
    %dma_start3A_4 = tpu.memref_slice %arg8[%dma_start3A, %dma_start3A_3] : memref<125x80xi32, #tpu.memory_space<vmem>> -> memref<1x80xi32, #tpu.memory_space<vmem>>
    %dma_start3A_5 = tpu.memref_squeeze %dma_start3A_4 : memref<1x80xi32, #tpu.memory_space<vmem>> -> memref<80xi32, #tpu.memory_space<vmem>>
    %dma_start3A_6 = arith.constant 0 : i32
    %dma_start3A_7 = arith.constant 0 : i32
    %dma_start3A_8 = tpu.memref_slice %arg2[%dma_start3A_6, %dma_start3A_7] : memref<10240x64xf32, #tpu.memory_space<hbm>> -> memref<10240x64xf32, #tpu.memory_space<hbm>>
    tpu.enqueue_indirect_dma source(%dma_start3A_8 : memref<10240x64xf32, #tpu.memory_space<hbm>>) target(%arg10 : memref<80x64xf32, #tpu.memory_space<vmem>>) offsets(%dma_start3A_5 : memref<80xi32, #tpu.memory_space<vmem>>) semaphore(%arg18 : memref<!tpu.dma_semaphore, #tpu.memory_space<semaphore_mem>>)
    %dma_start3A_9 = arith.constant 1 : i32
    %dma_start3A_10 = arith.constant 0 : i32
    %dma_start3A_11 = tpu.memref_slice %arg8[%dma_start3A_9, %dma_start3A_10] : memref<125x80xi32, #tpu.memory_space<vmem>> -> memref<1x80xi32, #tpu.memory_space<vmem>>
    %dma_start3A_12 = tpu.memref_squeeze %dma_start3A_11 : memref<1x80xi32, #tpu.memory_space<vmem>> -> memref<80xi32, #tpu.memory_space<vmem>>
    %dma_start3A_13 = arith.constant 0 : i32
    %dma_start3A_14 = arith.constant 0 : i32
    %dma_start3A_15 = tpu.memref_slice %arg2[%dma_start3A_13, %dma_start3A_14] : memref<10240x64xf32, #tpu.memory_space<hbm>> -> memref<10240x64xf32, #tpu.memory_space<hbm>>
    tpu.enqueue_indirect_dma source(%dma_start3A_15 : memref<10240x64xf32, #tpu.memory_space<hbm>>) target(%arg11 : memref<80x64xf32, #tpu.memory_space<vmem>>) offsets(%dma_start3A_12 : memref<80xi32, #tpu.memory_space<vmem>>) semaphore(%arg19 : memref<!tpu.dma_semaphore, #tpu.memory_space<semaphore_mem>>)
    %dma_start3A_16 = arith.constant 2 : i32
    %dma_start3A_17 = arith.constant 0 : i32
    %dma_start3A_18 = tpu.memref_slice %arg8[%dma_start3A_16, %dma_start3A_17] : memref<125x80xi32, #tpu.memory_space<vmem>> -> memref<1x80xi32, #tpu.memory_space<vmem>>
    %dma_start3A_19 = tpu.memref_squeeze %dma_start3A_18 : memref<1x80xi32, #tpu.memory_space<vmem>> -> memref<80xi32, #tpu.memory_space<vmem>>
    %dma_start3A_20 = arith.constant 0 : i32
    %dma_start3A_21 = arith.constant 0 : i32
    %dma_start3A_22 = tpu.memref_slice %arg2[%dma_start3A_20, %dma_start3A_21] : memref<10240x64xf32, #tpu.memory_space<hbm>> -> memref<10240x64xf32, #tpu.memory_space<hbm>>
    tpu.enqueue_indirect_dma source(%dma_start3A_22 : memref<10240x64xf32, #tpu.memory_space<hbm>>) target(%arg12 : memref<80x64xf32, #tpu.memory_space<vmem>>) offsets(%dma_start3A_19 : memref<80xi32, #tpu.memory_space<vmem>>) semaphore(%arg20 : memref<!tpu.dma_semaphore, #tpu.memory_space<semaphore_mem>>)
    %dma_start3A_23 = arith.constant 3 : i32
    %dma_start3A_24 = arith.constant 0 : i32
    %dma_start3A_25 = tpu.memref_slice %arg8[%dma_start3A_23, %dma_start3A_24] : memref<125x80xi32, #tpu.memory_space<vmem>> -> memref<1x80xi32, #tpu.memory_space<vmem>>
    %dma_start3A_26 = tpu.memref_squeeze %dma_start3A_25 : memref<1x80xi32, #tpu.memory_space<vmem>> -> memref<80xi32, #tpu.memory_space<vmem>>
    %dma_start3A_27 = arith.constant 0 : i32
    %dma_start3A_28 = arith.constant 0 : i32
    %dma_start3A_29 = tpu.memref_slice %arg2[%dma_start3A_27, %dma_start3A_28] : memref<10240x64xf32, #tpu.memory_space<hbm>> -> memref<10240x64xf32, #tpu.memory_space<hbm>>
    tpu.enqueue_indirect_dma source(%dma_start3A_29 : memref<10240x64xf32, #tpu.memory_space<hbm>>) target(%arg13 : memref<80x64xf32, #tpu.memory_space<vmem>>) offsets(%dma_start3A_26 : memref<80xi32, #tpu.memory_space<vmem>>) semaphore(%arg21 : memref<!tpu.dma_semaphore, #tpu.memory_space<semaphore_mem>>)
    %dma_start3A_30 = arith.constant 4 : i32
    %dma_start3A_31 = arith.constant 0 : i32
    %dma_start3A_32 = tpu.memref_slice %arg8[%dma_start3A_30, %dma_start3A_31] : memref<125x80xi32, #tpu.memory_space<vmem>> -> memref<1x80xi32, #tpu.memory_space<vmem>>
    %dma_start3A_33 = tpu.memref_squeeze %dma_start3A_32 : memref<1x80xi32, #tpu.memory_space<vmem>> -> memref<80xi32, #tpu.memory_space<vmem>>
    %dma_start3A_34 = arith.constant 0 : i32
    %dma_start3A_35 = arith.constant 0 : i32
    %dma_start3A_36 = tpu.memref_slice %arg2[%dma_start3A_34, %dma_start3A_35] : memref<10240x64xf32, #tpu.memory_space<hbm>> -> memref<10240x64xf32, #tpu.memory_space<hbm>>
    tpu.enqueue_indirect_dma source(%dma_start3A_36 : memref<10240x64xf32, #tpu.memory_space<hbm>>) target(%arg14 : memref<80x64xf32, #tpu.memory_space<vmem>>) offsets(%dma_start3A_33 : memref<80xi32, #tpu.memory_space<vmem>>) semaphore(%arg22 : memref<!tpu.dma_semaphore, #tpu.memory_space<semaphore_mem>>)
    %dma_start3A_37 = arith.constant 5 : i32
    %dma_start3A_38 = arith.constant 0 : i32
    %dma_start3A_39 = tpu.memref_slice %arg8[%dma_start3A_37, %dma_start3A_38] : memref<125x80xi32, #tpu.memory_space<vmem>> -> memref<1x80xi32, #tpu.memory_space<vmem>>
    %dma_start3A_40 = tpu.memref_squeeze %dma_start3A_39 : memref<1x80xi32, #tpu.memory_space<vmem>> -> memref<80xi32, #tpu.memory_space<vmem>>
    %dma_start3A_41 = arith.constant 0 : i32
    %dma_start3A_42 = arith.constant 0 : i32
    %dma_start3A_43 = tpu.memref_slice %arg2[%dma_start3A_41, %dma_start3A_42] : memref<10240x64xf32, #tpu.memory_space<hbm>> -> memref<10240x64xf32, #tpu.memory_space<hbm>>
    tpu.enqueue_indirect_dma source(%dma_start3A_43 : memref<10240x64xf32, #tpu.memory_space<hbm>>) target(%arg15 : memref<80x64xf32, #tpu.memory_space<vmem>>) offsets(%dma_start3A_40 : memref<80xi32, #tpu.memory_space<vmem>>) semaphore(%arg23 : memref<!tpu.dma_semaphore, #tpu.memory_space<semaphore_mem>>)
    %dma_start3A_44 = arith.constant 6 : i32
    %dma_start3A_45 = arith.constant 0 : i32
    %dma_start3A_46 = tpu.memref_slice %arg8[%dma_start3A_44, %dma_start3A_45] : memref<125x80xi32, #tpu.memory_space<vmem>> -> memref<1x80xi32, #tpu.memory_space<vmem>>
    %dma_start3A_47 = tpu.memref_squeeze %dma_start3A_46 : memref<1x80xi32, #tpu.memory_space<vmem>> -> memref<80xi32, #tpu.memory_space<vmem>>
    %dma_start3A_48 = arith.constant 0 : i32
    %dma_start3A_49 = arith.constant 0 : i32
    %dma_start3A_50 = tpu.memref_slice %arg2[%dma_start3A_48, %dma_start3A_49] : memref<10240x64xf32, #tpu.memory_space<hbm>> -> memref<10240x64xf32, #tpu.memory_space<hbm>>
    tpu.enqueue_indirect_dma source(%dma_start3A_50 : memref<10240x64xf32, #tpu.memory_space<hbm>>) target(%arg16 : memref<80x64xf32, #tpu.memory_space<vmem>>) offsets(%dma_start3A_47 : memref<80xi32, #tpu.memory_space<vmem>>) semaphore(%arg24 : memref<!tpu.dma_semaphore, #tpu.memory_space<semaphore_mem>>)
    %dma_start3A_51 = arith.constant 7 : i32
    %dma_start3A_52 = arith.constant 0 : i32
    %dma_start3A_53 = tpu.memref_slice %arg8[%dma_start3A_51, %dma_start3A_52] : memref<125x80xi32, #tpu.memory_space<vmem>> -> memref<1x80xi32, #tpu.memory_space<vmem>>
    %dma_start3A_54 = tpu.memref_squeeze %dma_start3A_53 : memref<1x80xi32, #tpu.memory_space<vmem>> -> memref<80xi32, #tpu.memory_space<vmem>>
    %dma_start3A_55 = arith.constant 0 : i32
    %dma_start3A_56 = arith.constant 0 : i32
    %dma_start3A_57 = tpu.memref_slice %arg2[%dma_start3A_55, %dma_start3A_56] : memref<10240x64xf32, #tpu.memory_space<hbm>> -> memref<10240x64xf32, #tpu.memory_space<hbm>>
    tpu.enqueue_indirect_dma source(%dma_start3A_57 : memref<10240x64xf32, #tpu.memory_space<hbm>>) target(%arg17 : memref<80x64xf32, #tpu.memory_space<vmem>>) offsets(%dma_start3A_54 : memref<80xi32, #tpu.memory_space<vmem>>) semaphore(%arg25 : memref<!tpu.dma_semaphore, #tpu.memory_space<semaphore_mem>>)
    %scan3A = arith.constant 0 : i32
    %scan3A_58 = arith.constant 0 : i32
    %scan3A_59 = arith.constant 15 : i32
    %scan3A_60 = arith.addi %scan3A_58, %scan3A_59 : i32
    %scan3A_61 = arith.constant 1 : i32
    scf.for %scan3A_102 = %scan3A_58 to %scan3A_60 step %scan3A_61  : i32 {
      %mul3A_103 = arith.constant 8 : i32
      %mul3A_104 = arith.muli %mul3A_103, %scan3A_102 : i32
      %add3A_105 = arith.constant 0 : i32
      %add3A_106 = arith.addi %mul3A_104, %add3A_105 : i32
      %dma_wait3A_107 = arith.constant 0 : i32
      %dma_wait3A_108 = tpu.memref_slice %arg8[%add3A_106, %dma_wait3A_107] : memref<125x80xi32, #tpu.memory_space<vmem>> -> memref<1x80xi32, #tpu.memory_space<vmem>>
      %dma_wait3A_109 = tpu.memref_squeeze %dma_wait3A_108 : memref<1x80xi32, #tpu.memory_space<vmem>> -> memref<80xi32, #tpu.memory_space<vmem>>
      %dma_wait3A_110 = arith.constant 0 : i32
      %dma_wait3A_111 = arith.constant 0 : i32
      %dma_wait3A_112 = tpu.memref_slice %arg2[%dma_wait3A_110, %dma_wait3A_111] : memref<10240x64xf32, #tpu.memory_space<hbm>> -> memref<10240x64xf32, #tpu.memory_space<hbm>>
      tpu.wait_indirect_dma semaphore(%arg18 : memref<!tpu.dma_semaphore, #tpu.memory_space<semaphore_mem>>) src(%dma_wait3A_112 : memref<10240x64xf32, #tpu.memory_space<hbm>>) dst(%arg10 : memref<80x64xf32, #tpu.memory_space<vmem>>)
      "tpu.region"() ({
        %run_scoped3A_236 = tpu.sem_alloc : memref<!tpu.dma_semaphore, #tpu.memory_space<semaphore_mem>>
        %dma_start3A_237 = arith.constant 0 : i32
        %dma_start3A_238 = tpu.memref_slice %arg9[%add3A_106, %dma_start3A_237] : memref<125x80xi32, #tpu.memory_space<vmem>> -> memref<1x80xi32, #tpu.memory_space<vmem>>
        %dma_start3A_239 = tpu.memref_squeeze %dma_start3A_238 : memref<1x80xi32, #tpu.memory_space<vmem>> -> memref<80xi32, #tpu.memory_space<vmem>>
        %dma_start3A_240 = arith.constant 0 : i32
        %dma_start3A_241 = arith.constant 0 : i32
        %dma_start3A_242 = tpu.memref_slice %arg7[%dma_start3A_240, %dma_start3A_241] : memref<10240x64xf32, #tpu.memory_space<vmem_shared>> -> memref<10240x64xf32, #tpu.memory_space<vmem_shared>>
        tpu.enqueue_indirect_dma source(%arg10 : memref<80x64xf32, #tpu.memory_space<vmem>>) target(%dma_start3A_242 : memref<10240x64xf32, #tpu.memory_space<vmem_shared>>) offsets(%dma_start3A_239 : memref<80xi32, #tpu.memory_space<vmem>>) semaphore(%run_scoped3A_236 : memref<!tpu.dma_semaphore, #tpu.memory_space<semaphore_mem>>) {add = true}
        %dma_wait3A_243 = arith.constant 0 : i32
        %dma_wait3A_244 = tpu.memref_slice %arg9[%add3A_106, %dma_wait3A_243] : memref<125x80xi32, #tpu.memory_space<vmem>> -> memref<1x80xi32, #tpu.memory_space<vmem>>
        %dma_wait3A_245 = tpu.memref_squeeze %dma_wait3A_244 : memref<1x80xi32, #tpu.memory_space<vmem>> -> memref<80xi32, #tpu.memory_space<vmem>>
        %dma_wait3A_246 = arith.constant 0 : i32
        %dma_wait3A_247 = arith.constant 0 : i32
        %dma_wait3A_248 = tpu.memref_slice %arg7[%dma_wait3A_246, %dma_wait3A_247] : memref<10240x64xf32, #tpu.memory_space<vmem_shared>> -> memref<10240x64xf32, #tpu.memory_space<vmem_shared>>
        tpu.wait_indirect_dma semaphore(%run_scoped3A_236 : memref<!tpu.dma_semaphore, #tpu.memory_space<semaphore_mem>>) src(%arg10 : memref<80x64xf32, #tpu.memory_space<vmem>>) dst(%dma_wait3A_248 : memref<10240x64xf32, #tpu.memory_space<vmem_shared>>)
        tpu.yield
      }) : () -> ()
      %add3A_113 = arith.constant 8 : i32
      %add3A_114 = arith.addi %add3A_106, %add3A_113 : i32
      %lt3A = arith.constant 125 : i32
      %lt3A_115 = arith.cmpi slt, %add3A_114, %lt3A : i32
      %convert_element_type3A = arith.extui %lt3A_115 : i1 to i32
      %cond3A = arith.constant 0 : i32
      %cond3A_116 = arith.cmpi ne, %convert_element_type3A, %cond3A : i32
      scf.if %cond3A_116 {
        %add3A_236 = arith.constant 8 : i32
        %add3A_237 = arith.addi %add3A_106, %add3A_236 : i32
        %dma_start3A_238 = arith.constant 0 : i32
        %dma_start3A_239 = tpu.memref_slice %arg8[%add3A_237, %dma_start3A_238] : memref<125x80xi32, #tpu.memory_space<vmem>> -> memref<1x80xi32, #tpu.memory_space<vmem>>
        %dma_start3A_240 = tpu.memref_squeeze %dma_start3A_239 : memref<1x80xi32, #tpu.memory_space<vmem>> -> memref<80xi32, #tpu.memory_space<vmem>>
        %dma_start3A_241 = arith.constant 0 : i32
        %dma_start3A_242 = arith.constant 0 : i32
        %dma_start3A_243 = tpu.memref_slice %arg2[%dma_start3A_241, %dma_start3A_242] : memref<10240x64xf32, #tpu.memory_space<hbm>> -> memref<10240x64xf32, #tpu.memory_space<hbm>>
        tpu.enqueue_indirect_dma source(%dma_start3A_243 : memref<10240x64xf32, #tpu.memory_space<hbm>>) target(%arg10 : memref<80x64xf32, #tpu.memory_space<vmem>>) offsets(%dma_start3A_240 : memref<80xi32, #tpu.memory_space<vmem>>) semaphore(%arg18 : memref<!tpu.dma_semaphore, #tpu.memory_space<semaphore_mem>>)
      } else {
      }
      %mul3A_117 = arith.constant 8 : i32
      %mul3A_118 = arith.muli %mul3A_117, %scan3A_102 : i32
      %add3A_119 = arith.constant 1 : i32
      %add3A_120 = arith.addi %mul3A_118, %add3A_119 : i32
      %dma_wait3A_121 = arith.constant 0 : i32
      %dma_wait3A_122 = tpu.memref_slice %arg8[%add3A_120, %dma_wait3A_121] : memref<125x80xi32, #tpu.memory_space<vmem>> -> memref<1x80xi32, #tpu.memory_space<vmem>>
      %dma_wait3A_123 = tpu.memref_squeeze %dma_wait3A_122 : memref<1x80xi32, #tpu.memory_space<vmem>> -> memref<80xi32, #tpu.memory_space<vmem>>
      %dma_wait3A_124 = arith.constant 0 : i32
      %dma_wait3A_125 = arith.constant 0 : i32
      %dma_wait3A_126 = tpu.memref_slice %arg2[%dma_wait3A_124, %dma_wait3A_125] : memref<10240x64xf32, #tpu.memory_space<hbm>> -> memref<10240x64xf32, #tpu.memory_space<hbm>>
      tpu.wait_indirect_dma semaphore(%arg19 : memref<!tpu.dma_semaphore, #tpu.memory_space<semaphore_mem>>) src(%dma_wait3A_126 : memref<10240x64xf32, #tpu.memory_space<hbm>>) dst(%arg11 : memref<80x64xf32, #tpu.memory_space<vmem>>)
      "tpu.region"() ({
        %run_scoped3A_236 = tpu.sem_alloc : memref<!tpu.dma_semaphore, #tpu.memory_space<semaphore_mem>>
        %dma_start3A_237 = arith.constant 0 : i32
        %dma_start3A_238 = tpu.memref_slice %arg9[%add3A_120, %dma_start3A_237] : memref<125x80xi32, #tpu.memory_space<vmem>> -> memref<1x80xi32, #tpu.memory_space<vmem>>
        %dma_start3A_239 = tpu.memref_squeeze %dma_start3A_238 : memref<1x80xi32, #tpu.memory_space<vmem>> -> memref<80xi32, #tpu.memory_space<vmem>>
        %dma_start3A_240 = arith.constant 0 : i32
        %dma_start3A_241 = arith.constant 0 : i32
        %dma_start3A_242 = tpu.memref_slice %arg7[%dma_start3A_240, %dma_start3A_241] : memref<10240x64xf32, #tpu.memory_space<vmem_shared>> -> memref<10240x64xf32, #tpu.memory_space<vmem_shared>>
        tpu.enqueue_indirect_dma source(%arg11 : memref<80x64xf32, #tpu.memory_space<vmem>>) target(%dma_start3A_242 : memref<10240x64xf32, #tpu.memory_space<vmem_shared>>) offsets(%dma_start3A_239 : memref<80xi32, #tpu.memory_space<vmem>>) semaphore(%run_scoped3A_236 : memref<!tpu.dma_semaphore, #tpu.memory_space<semaphore_mem>>) {add = true}
        %dma_wait3A_243 = arith.constant 0 : i32
        %dma_wait3A_244 = tpu.memref_slice %arg9[%add3A_120, %dma_wait3A_243] : memref<125x80xi32, #tpu.memory_space<vmem>> -> memref<1x80xi32, #tpu.memory_space<vmem>>
        %dma_wait3A_245 = tpu.memref_squeeze %dma_wait3A_244 : memref<1x80xi32, #tpu.memory_space<vmem>> -> memref<80xi32, #tpu.memory_space<vmem>>
        %dma_wait3A_246 = arith.constant 0 : i32
        %dma_wait3A_247 = arith.constant 0 : i32
        %dma_wait3A_248 = tpu.memref_slice %arg7[%dma_wait3A_246, %dma_wait3A_247] : memref<10240x64xf32, #tpu.memory_space<vmem_shared>> -> memref<10240x64xf32, #tpu.memory_space<vmem_shared>>
        tpu.wait_indirect_dma semaphore(%run_scoped3A_236 : memref<!tpu.dma_semaphore, #tpu.memory_space<semaphore_mem>>) src(%arg11 : memref<80x64xf32, #tpu.memory_space<vmem>>) dst(%dma_wait3A_248 : memref<10240x64xf32, #tpu.memory_space<vmem_shared>>)
        tpu.yield
      }) : () -> ()
      %add3A_127 = arith.constant 8 : i32
      %add3A_128 = arith.addi %add3A_120, %add3A_127 : i32
      %lt3A_129 = arith.constant 125 : i32
      %lt3A_130 = arith.cmpi slt, %add3A_128, %lt3A_129 : i32
      %convert_element_type3A_131 = arith.extui %lt3A_130 : i1 to i32
      %cond3A_132 = arith.constant 0 : i32
      %cond3A_133 = arith.cmpi ne, %convert_element_type3A_131, %cond3A_132 : i32
      scf.if %cond3A_133 {
        %add3A_236 = arith.constant 8 : i32
        %add3A_237 = arith.addi %add3A_120, %add3A_236 : i32
        %dma_start3A_238 = arith.constant 0 : i32
        %dma_start3A_239 = tpu.memref_slice %arg8[%add3A_237, %dma_start3A_238] : memref<125x80xi32, #tpu.memory_space<vmem>> -> memref<1x80xi32, #tpu.memory_space<vmem>>
        %dma_start3A_240 = tpu.memref_squeeze %dma_start3A_239 : memref<1x80xi32, #tpu.memory_space<vmem>> -> memref<80xi32, #tpu.memory_space<vmem>>
        %dma_start3A_241 = arith.constant 0 : i32
        %dma_start3A_242 = arith.constant 0 : i32
        %dma_start3A_243 = tpu.memref_slice %arg2[%dma_start3A_241, %dma_start3A_242] : memref<10240x64xf32, #tpu.memory_space<hbm>> -> memref<10240x64xf32, #tpu.memory_space<hbm>>
        tpu.enqueue_indirect_dma source(%dma_start3A_243 : memref<10240x64xf32, #tpu.memory_space<hbm>>) target(%arg11 : memref<80x64xf32, #tpu.memory_space<vmem>>) offsets(%dma_start3A_240 : memref<80xi32, #tpu.memory_space<vmem>>) semaphore(%arg19 : memref<!tpu.dma_semaphore, #tpu.memory_space<semaphore_mem>>)
      } else {
      }
      %mul3A_134 = arith.constant 8 : i32
      %mul3A_135 = arith.muli %mul3A_134, %scan3A_102 : i32
      %add3A_136 = arith.constant 2 : i32
      %add3A_137 = arith.addi %mul3A_135, %add3A_136 : i32
      %dma_wait3A_138 = arith.constant 0 : i32
      %dma_wait3A_139 = tpu.memref_slice %arg8[%add3A_137, %dma_wait3A_138] : memref<125x80xi32, #tpu.memory_space<vmem>> -> memref<1x80xi32, #tpu.memory_space<vmem>>
      %dma_wait3A_140 = tpu.memref_squeeze %dma_wait3A_139 : memref<1x80xi32, #tpu.memory_space<vmem>> -> memref<80xi32, #tpu.memory_space<vmem>>
      %dma_wait3A_141 = arith.constant 0 : i32
      %dma_wait3A_142 = arith.constant 0 : i32
      %dma_wait3A_143 = tpu.memref_slice %arg2[%dma_wait3A_141, %dma_wait3A_142] : memref<10240x64xf32, #tpu.memory_space<hbm>> -> memref<10240x64xf32, #tpu.memory_space<hbm>>
      tpu.wait_indirect_dma semaphore(%arg20 : memref<!tpu.dma_semaphore, #tpu.memory_space<semaphore_mem>>) src(%dma_wait3A_143 : memref<10240x64xf32, #tpu.memory_space<hbm>>) dst(%arg12 : memref<80x64xf32, #tpu.memory_space<vmem>>)
      "tpu.region"() ({
        %run_scoped3A_236 = tpu.sem_alloc : memref<!tpu.dma_semaphore, #tpu.memory_space<semaphore_mem>>
        %dma_start3A_237 = arith.constant 0 : i32
        %dma_start3A_238 = tpu.memref_slice %arg9[%add3A_137, %dma_start3A_237] : memref<125x80xi32, #tpu.memory_space<vmem>> -> memref<1x80xi32, #tpu.memory_space<vmem>>
        %dma_start3A_239 = tpu.memref_squeeze %dma_start3A_238 : memref<1x80xi32, #tpu.memory_space<vmem>> -> memref<80xi32, #tpu.memory_space<vmem>>
        %dma_start3A_240 = arith.constant 0 : i32
        %dma_start3A_241 = arith.constant 0 : i32
        %dma_start3A_242 = tpu.memref_slice %arg7[%dma_start3A_240, %dma_start3A_241] : memref<10240x64xf32, #tpu.memory_space<vmem_shared>> -> memref<10240x64xf32, #tpu.memory_space<vmem_shared>>
        tpu.enqueue_indirect_dma source(%arg12 : memref<80x64xf32, #tpu.memory_space<vmem>>) target(%dma_start3A_242 : memref<10240x64xf32, #tpu.memory_space<vmem_shared>>) offsets(%dma_start3A_239 : memref<80xi32, #tpu.memory_space<vmem>>) semaphore(%run_scoped3A_236 : memref<!tpu.dma_semaphore, #tpu.memory_space<semaphore_mem>>) {add = true}
        %dma_wait3A_243 = arith.constant 0 : i32
        %dma_wait3A_244 = tpu.memref_slice %arg9[%add3A_137, %dma_wait3A_243] : memref<125x80xi32, #tpu.memory_space<vmem>> -> memref<1x80xi32, #tpu.memory_space<vmem>>
        %dma_wait3A_245 = tpu.memref_squeeze %dma_wait3A_244 : memref<1x80xi32, #tpu.memory_space<vmem>> -> memref<80xi32, #tpu.memory_space<vmem>>
        %dma_wait3A_246 = arith.constant 0 : i32
        %dma_wait3A_247 = arith.constant 0 : i32
        %dma_wait3A_248 = tpu.memref_slice %arg7[%dma_wait3A_246, %dma_wait3A_247] : memref<10240x64xf32, #tpu.memory_space<vmem_shared>> -> memref<10240x64xf32, #tpu.memory_space<vmem_shared>>
        tpu.wait_indirect_dma semaphore(%run_scoped3A_236 : memref<!tpu.dma_semaphore, #tpu.memory_space<semaphore_mem>>) src(%arg12 : memref<80x64xf32, #tpu.memory_space<vmem>>) dst(%dma_wait3A_248 : memref<10240x64xf32, #tpu.memory_space<vmem_shared>>)
        tpu.yield
      }) : () -> ()
      %add3A_144 = arith.constant 8 : i32
      %add3A_145 = arith.addi %add3A_137, %add3A_144 : i32
      %lt3A_146 = arith.constant 125 : i32
      %lt3A_147 = arith.cmpi slt, %add3A_145, %lt3A_146 : i32
      %convert_element_type3A_148 = arith.extui %lt3A_147 : i1 to i32
      %cond3A_149 = arith.constant 0 : i32
      %cond3A_150 = arith.cmpi ne, %convert_element_type3A_148, %cond3A_149 : i32
      scf.if %cond3A_150 {
        %add3A_236 = arith.constant 8 : i32
        %add3A_237 = arith.addi %add3A_137, %add3A_236 : i32
        %dma_start3A_238 = arith.constant 0 : i32
        %dma_start3A_239 = tpu.memref_slice %arg8[%add3A_237, %dma_start3A_238] : memref<125x80xi32, #tpu.memory_space<vmem>> -> memref<1x80xi32, #tpu.memory_space<vmem>>
        %dma_start3A_240 = tpu.memref_squeeze %dma_start3A_239 : memref<1x80xi32, #tpu.memory_space<vmem>> -> memref<80xi32, #tpu.memory_space<vmem>>
        %dma_start3A_241 = arith.constant 0 : i32
        %dma_start3A_242 = arith.constant 0 : i32
        %dma_start3A_243 = tpu.memref_slice %arg2[%dma_start3A_241, %dma_start3A_242] : memref<10240x64xf32, #tpu.memory_space<hbm>> -> memref<10240x64xf32, #tpu.memory_space<hbm>>
        tpu.enqueue_indirect_dma source(%dma_start3A_243 : memref<10240x64xf32, #tpu.memory_space<hbm>>) target(%arg12 : memref<80x64xf32, #tpu.memory_space<vmem>>) offsets(%dma_start3A_240 : memref<80xi32, #tpu.memory_space<vmem>>) semaphore(%arg20 : memref<!tpu.dma_semaphore, #tpu.memory_space<semaphore_mem>>)
      } else {
      }
      %mul3A_151 = arith.constant 8 : i32
      %mul3A_152 = arith.muli %mul3A_151, %scan3A_102 : i32
      %add3A_153 = arith.constant 3 : i32
      %add3A_154 = arith.addi %mul3A_152, %add3A_153 : i32
      %dma_wait3A_155 = arith.constant 0 : i32
      %dma_wait3A_156 = tpu.memref_slice %arg8[%add3A_154, %dma_wait3A_155] : memref<125x80xi32, #tpu.memory_space<vmem>> -> memref<1x80xi32, #tpu.memory_space<vmem>>
      %dma_wait3A_157 = tpu.memref_squeeze %dma_wait3A_156 : memref<1x80xi32, #tpu.memory_space<vmem>> -> memref<80xi32, #tpu.memory_space<vmem>>
      %dma_wait3A_158 = arith.constant 0 : i32
      %dma_wait3A_159 = arith.constant 0 : i32
      %dma_wait3A_160 = tpu.memref_slice %arg2[%dma_wait3A_158, %dma_wait3A_159] : memref<10240x64xf32, #tpu.memory_space<hbm>> -> memref<10240x64xf32, #tpu.memory_space<hbm>>
      tpu.wait_indirect_dma semaphore(%arg21 : memref<!tpu.dma_semaphore, #tpu.memory_space<semaphore_mem>>) src(%dma_wait3A_160 : memref<10240x64xf32, #tpu.memory_space<hbm>>) dst(%arg13 : memref<80x64xf32, #tpu.memory_space<vmem>>)
      "tpu.region"() ({
        %run_scoped3A_236 = tpu.sem_alloc : memref<!tpu.dma_semaphore, #tpu.memory_space<semaphore_mem>>
        %dma_start3A_237 = arith.constant 0 : i32
        %dma_start3A_238 = tpu.memref_slice %arg9[%add3A_154, %dma_start3A_237] : memref<125x80xi32, #tpu.memory_space<vmem>> -> memref<1x80xi32, #tpu.memory_space<vmem>>
        %dma_start3A_239 = tpu.memref_squeeze %dma_start3A_238 : memref<1x80xi32, #tpu.memory_space<vmem>> -> memref<80xi32, #tpu.memory_space<vmem>>
        %dma_start3A_240 = arith.constant 0 : i32
        %dma_start3A_241 = arith.constant 0 : i32
        %dma_start3A_242 = tpu.memref_slice %arg7[%dma_start3A_240, %dma_start3A_241] : memref<10240x64xf32, #tpu.memory_space<vmem_shared>> -> memref<10240x64xf32, #tpu.memory_space<vmem_shared>>
        tpu.enqueue_indirect_dma source(%arg13 : memref<80x64xf32, #tpu.memory_space<vmem>>) target(%dma_start3A_242 : memref<10240x64xf32, #tpu.memory_space<vmem_shared>>) offsets(%dma_start3A_239 : memref<80xi32, #tpu.memory_space<vmem>>) semaphore(%run_scoped3A_236 : memref<!tpu.dma_semaphore, #tpu.memory_space<semaphore_mem>>) {add = true}
        %dma_wait3A_243 = arith.constant 0 : i32
        %dma_wait3A_244 = tpu.memref_slice %arg9[%add3A_154, %dma_wait3A_243] : memref<125x80xi32, #tpu.memory_space<vmem>> -> memref<1x80xi32, #tpu.memory_space<vmem>>
        %dma_wait3A_245 = tpu.memref_squeeze %dma_wait3A_244 : memref<1x80xi32, #tpu.memory_space<vmem>> -> memref<80xi32, #tpu.memory_space<vmem>>
        %dma_wait3A_246 = arith.constant 0 : i32
        %dma_wait3A_247 = arith.constant 0 : i32
        %dma_wait3A_248 = tpu.memref_slice %arg7[%dma_wait3A_246, %dma_wait3A_247] : memref<10240x64xf32, #tpu.memory_space<vmem_shared>> -> memref<10240x64xf32, #tpu.memory_space<vmem_shared>>
        tpu.wait_indirect_dma semaphore(%run_scoped3A_236 : memref<!tpu.dma_semaphore, #tpu.memory_space<semaphore_mem>>) src(%arg13 : memref<80x64xf32, #tpu.memory_space<vmem>>) dst(%dma_wait3A_248 : memref<10240x64xf32, #tpu.memory_space<vmem_shared>>)
        tpu.yield
      }) : () -> ()
      %add3A_161 = arith.constant 8 : i32
      %add3A_162 = arith.addi %add3A_154, %add3A_161 : i32
      %lt3A_163 = arith.constant 125 : i32
      %lt3A_164 = arith.cmpi slt, %add3A_162, %lt3A_163 : i32
      %convert_element_type3A_165 = arith.extui %lt3A_164 : i1 to i32
      %cond3A_166 = arith.constant 0 : i32
      %cond3A_167 = arith.cmpi ne, %convert_element_type3A_165, %cond3A_166 : i32
      scf.if %cond3A_167 {
        %add3A_236 = arith.constant 8 : i32
        %add3A_237 = arith.addi %add3A_154, %add3A_236 : i32
        %dma_start3A_238 = arith.constant 0 : i32
        %dma_start3A_239 = tpu.memref_slice %arg8[%add3A_237, %dma_start3A_238] : memref<125x80xi32, #tpu.memory_space<vmem>> -> memref<1x80xi32, #tpu.memory_space<vmem>>
        %dma_start3A_240 = tpu.memref_squeeze %dma_start3A_239 : memref<1x80xi32, #tpu.memory_space<vmem>> -> memref<80xi32, #tpu.memory_space<vmem>>
        %dma_start3A_241 = arith.constant 0 : i32
        %dma_start3A_242 = arith.constant 0 : i32
        %dma_start3A_243 = tpu.memref_slice %arg2[%dma_start3A_241, %dma_start3A_242] : memref<10240x64xf32, #tpu.memory_space<hbm>> -> memref<10240x64xf32, #tpu.memory_space<hbm>>
        tpu.enqueue_indirect_dma source(%dma_start3A_243 : memref<10240x64xf32, #tpu.memory_space<hbm>>) target(%arg13 : memref<80x64xf32, #tpu.memory_space<vmem>>) offsets(%dma_start3A_240 : memref<80xi32, #tpu.memory_space<vmem>>) semaphore(%arg21 : memref<!tpu.dma_semaphore, #tpu.memory_space<semaphore_mem>>)
      } else {
      }
      %mul3A_168 = arith.constant 8 : i32
      %mul3A_169 = arith.muli %mul3A_168, %scan3A_102 : i32
      %add3A_170 = arith.constant 4 : i32
      %add3A_171 = arith.addi %mul3A_169, %add3A_170 : i32
      %dma_wait3A_172 = arith.constant 0 : i32
      %dma_wait3A_173 = tpu.memref_slice %arg8[%add3A_171, %dma_wait3A_172] : memref<125x80xi32, #tpu.memory_space<vmem>> -> memref<1x80xi32, #tpu.memory_space<vmem>>
      %dma_wait3A_174 = tpu.memref_squeeze %dma_wait3A_173 : memref<1x80xi32, #tpu.memory_space<vmem>> -> memref<80xi32, #tpu.memory_space<vmem>>
      %dma_wait3A_175 = arith.constant 0 : i32
      %dma_wait3A_176 = arith.constant 0 : i32
      %dma_wait3A_177 = tpu.memref_slice %arg2[%dma_wait3A_175, %dma_wait3A_176] : memref<10240x64xf32, #tpu.memory_space<hbm>> -> memref<10240x64xf32, #tpu.memory_space<hbm>>
      tpu.wait_indirect_dma semaphore(%arg22 : memref<!tpu.dma_semaphore, #tpu.memory_space<semaphore_mem>>) src(%dma_wait3A_177 : memref<10240x64xf32, #tpu.memory_space<hbm>>) dst(%arg14 : memref<80x64xf32, #tpu.memory_space<vmem>>)
      "tpu.region"() ({
        %run_scoped3A_236 = tpu.sem_alloc : memref<!tpu.dma_semaphore, #tpu.memory_space<semaphore_mem>>
        %dma_start3A_237 = arith.constant 0 : i32
        %dma_start3A_238 = tpu.memref_slice %arg9[%add3A_171, %dma_start3A_237] : memref<125x80xi32, #tpu.memory_space<vmem>> -> memref<1x80xi32, #tpu.memory_space<vmem>>
        %dma_start3A_239 = tpu.memref_squeeze %dma_start3A_238 : memref<1x80xi32, #tpu.memory_space<vmem>> -> memref<80xi32, #tpu.memory_space<vmem>>
        %dma_start3A_240 = arith.constant 0 : i32
        %dma_start3A_241 = arith.constant 0 : i32
        %dma_start3A_242 = tpu.memref_slice %arg7[%dma_start3A_240, %dma_start3A_241] : memref<10240x64xf32, #tpu.memory_space<vmem_shared>> -> memref<10240x64xf32, #tpu.memory_space<vmem_shared>>
        tpu.enqueue_indirect_dma source(%arg14 : memref<80x64xf32, #tpu.memory_space<vmem>>) target(%dma_start3A_242 : memref<10240x64xf32, #tpu.memory_space<vmem_shared>>) offsets(%dma_start3A_239 : memref<80xi32, #tpu.memory_space<vmem>>) semaphore(%run_scoped3A_236 : memref<!tpu.dma_semaphore, #tpu.memory_space<semaphore_mem>>) {add = true}
        %dma_wait3A_243 = arith.constant 0 : i32
        %dma_wait3A_244 = tpu.memref_slice %arg9[%add3A_171, %dma_wait3A_243] : memref<125x80xi32, #tpu.memory_space<vmem>> -> memref<1x80xi32, #tpu.memory_space<vmem>>
        %dma_wait3A_245 = tpu.memref_squeeze %dma_wait3A_244 : memref<1x80xi32, #tpu.memory_space<vmem>> -> memref<80xi32, #tpu.memory_space<vmem>>
        %dma_wait3A_246 = arith.constant 0 : i32
        %dma_wait3A_247 = arith.constant 0 : i32
        %dma_wait3A_248 = tpu.memref_slice %arg7[%dma_wait3A_246, %dma_wait3A_247] : memref<10240x64xf32, #tpu.memory_space<vmem_shared>> -> memref<10240x64xf32, #tpu.memory_space<vmem_shared>>
        tpu.wait_indirect_dma semaphore(%run_scoped3A_236 : memref<!tpu.dma_semaphore, #tpu.memory_space<semaphore_mem>>) src(%arg14 : memref<80x64xf32, #tpu.memory_space<vmem>>) dst(%dma_wait3A_248 : memref<10240x64xf32, #tpu.memory_space<vmem_shared>>)
        tpu.yield
      }) : () -> ()
      %add3A_178 = arith.constant 8 : i32
      %add3A_179 = arith.addi %add3A_171, %add3A_178 : i32
      %lt3A_180 = arith.constant 125 : i32
      %lt3A_181 = arith.cmpi slt, %add3A_179, %lt3A_180 : i32
      %convert_element_type3A_182 = arith.extui %lt3A_181 : i1 to i32
      %cond3A_183 = arith.constant 0 : i32
      %cond3A_184 = arith.cmpi ne, %convert_element_type3A_182, %cond3A_183 : i32
      scf.if %cond3A_184 {
        %add3A_236 = arith.constant 8 : i32
        %add3A_237 = arith.addi %add3A_171, %add3A_236 : i32
        %dma_start3A_238 = arith.constant 0 : i32
        %dma_start3A_239 = tpu.memref_slice %arg8[%add3A_237, %dma_start3A_238] : memref<125x80xi32, #tpu.memory_space<vmem>> -> memref<1x80xi32, #tpu.memory_space<vmem>>
        %dma_start3A_240 = tpu.memref_squeeze %dma_start3A_239 : memref<1x80xi32, #tpu.memory_space<vmem>> -> memref<80xi32, #tpu.memory_space<vmem>>
        %dma_start3A_241 = arith.constant 0 : i32
        %dma_start3A_242 = arith.constant 0 : i32
        %dma_start3A_243 = tpu.memref_slice %arg2[%dma_start3A_241, %dma_start3A_242] : memref<10240x64xf32, #tpu.memory_space<hbm>> -> memref<10240x64xf32, #tpu.memory_space<hbm>>
        tpu.enqueue_indirect_dma source(%dma_start3A_243 : memref<10240x64xf32, #tpu.memory_space<hbm>>) target(%arg14 : memref<80x64xf32, #tpu.memory_space<vmem>>) offsets(%dma_start3A_240 : memref<80xi32, #tpu.memory_space<vmem>>) semaphore(%arg22 : memref<!tpu.dma_semaphore, #tpu.memory_space<semaphore_mem>>)
      } else {
      }
      %mul3A_185 = arith.constant 8 : i32
      %mul3A_186 = arith.muli %mul3A_185, %scan3A_102 : i32
      %add3A_187 = arith.constant 5 : i32
      %add3A_188 = arith.addi %mul3A_186, %add3A_187 : i32
      %dma_wait3A_189 = arith.constant 0 : i32
      %dma_wait3A_190 = tpu.memref_slice %arg8[%add3A_188, %dma_wait3A_189] : memref<125x80xi32, #tpu.memory_space<vmem>> -> memref<1x80xi32, #tpu.memory_space<vmem>>
      %dma_wait3A_191 = tpu.memref_squeeze %dma_wait3A_190 : memref<1x80xi32, #tpu.memory_space<vmem>> -> memref<80xi32, #tpu.memory_space<vmem>>
      %dma_wait3A_192 = arith.constant 0 : i32
      %dma_wait3A_193 = arith.constant 0 : i32
      %dma_wait3A_194 = tpu.memref_slice %arg2[%dma_wait3A_192, %dma_wait3A_193] : memref<10240x64xf32, #tpu.memory_space<hbm>> -> memref<10240x64xf32, #tpu.memory_space<hbm>>
      tpu.wait_indirect_dma semaphore(%arg23 : memref<!tpu.dma_semaphore, #tpu.memory_space<semaphore_mem>>) src(%dma_wait3A_194 : memref<10240x64xf32, #tpu.memory_space<hbm>>) dst(%arg15 : memref<80x64xf32, #tpu.memory_space<vmem>>)
      "tpu.region"() ({
        %run_scoped3A_236 = tpu.sem_alloc : memref<!tpu.dma_semaphore, #tpu.memory_space<semaphore_mem>>
        %dma_start3A_237 = arith.constant 0 : i32
        %dma_start3A_238 = tpu.memref_slice %arg9[%add3A_188, %dma_start3A_237] : memref<125x80xi32, #tpu.memory_space<vmem>> -> memref<1x80xi32, #tpu.memory_space<vmem>>
        %dma_start3A_239 = tpu.memref_squeeze %dma_start3A_238 : memref<1x80xi32, #tpu.memory_space<vmem>> -> memref<80xi32, #tpu.memory_space<vmem>>
        %dma_start3A_240 = arith.constant 0 : i32
        %dma_start3A_241 = arith.constant 0 : i32
        %dma_start3A_242 = tpu.memref_slice %arg7[%dma_start3A_240, %dma_start3A_241] : memref<10240x64xf32, #tpu.memory_space<vmem_shared>> -> memref<10240x64xf32, #tpu.memory_space<vmem_shared>>
        tpu.enqueue_indirect_dma source(%arg15 : memref<80x64xf32, #tpu.memory_space<vmem>>) target(%dma_start3A_242 : memref<10240x64xf32, #tpu.memory_space<vmem_shared>>) offsets(%dma_start3A_239 : memref<80xi32, #tpu.memory_space<vmem>>) semaphore(%run_scoped3A_236 : memref<!tpu.dma_semaphore, #tpu.memory_space<semaphore_mem>>) {add = true}
        %dma_wait3A_243 = arith.constant 0 : i32
        %dma_wait3A_244 = tpu.memref_slice %arg9[%add3A_188, %dma_wait3A_243] : memref<125x80xi32, #tpu.memory_space<vmem>> -> memref<1x80xi32, #tpu.memory_space<vmem>>
        %dma_wait3A_245 = tpu.memref_squeeze %dma_wait3A_244 : memref<1x80xi32, #tpu.memory_space<vmem>> -> memref<80xi32, #tpu.memory_space<vmem>>
        %dma_wait3A_246 = arith.constant 0 : i32
        %dma_wait3A_247 = arith.constant 0 : i32
        %dma_wait3A_248 = tpu.memref_slice %arg7[%dma_wait3A_246, %dma_wait3A_247] : memref<10240x64xf32, #tpu.memory_space<vmem_shared>> -> memref<10240x64xf32, #tpu.memory_space<vmem_shared>>
        tpu.wait_indirect_dma semaphore(%run_scoped3A_236 : memref<!tpu.dma_semaphore, #tpu.memory_space<semaphore_mem>>) src(%arg15 : memref<80x64xf32, #tpu.memory_space<vmem>>) dst(%dma_wait3A_248 : memref<10240x64xf32, #tpu.memory_space<vmem_shared>>)
        tpu.yield
      }) : () -> ()
      %add3A_195 = arith.constant 8 : i32
      %add3A_196 = arith.addi %add3A_188, %add3A_195 : i32
      %lt3A_197 = arith.constant 125 : i32
      %lt3A_198 = arith.cmpi slt, %add3A_196, %lt3A_197 : i32
      %convert_element_type3A_199 = arith.extui %lt3A_198 : i1 to i32
      %cond3A_200 = arith.constant 0 : i32
      %cond3A_201 = arith.cmpi ne, %convert_element_type3A_199, %cond3A_200 : i32
      scf.if %cond3A_201 {
        %add3A_236 = arith.constant 8 : i32
        %add3A_237 = arith.addi %add3A_188, %add3A_236 : i32
        %dma_start3A_238 = arith.constant 0 : i32
        %dma_start3A_239 = tpu.memref_slice %arg8[%add3A_237, %dma_start3A_238] : memref<125x80xi32, #tpu.memory_space<vmem>> -> memref<1x80xi32, #tpu.memory_space<vmem>>
        %dma_start3A_240 = tpu.memref_squeeze %dma_start3A_239 : memref<1x80xi32, #tpu.memory_space<vmem>> -> memref<80xi32, #tpu.memory_space<vmem>>
        %dma_start3A_241 = arith.constant 0 : i32
        %dma_start3A_242 = arith.constant 0 : i32
        %dma_start3A_243 = tpu.memref_slice %arg2[%dma_start3A_241, %dma_start3A_242] : memref<10240x64xf32, #tpu.memory_space<hbm>> -> memref<10240x64xf32, #tpu.memory_space<hbm>>
        tpu.enqueue_indirect_dma source(%dma_start3A_243 : memref<10240x64xf32, #tpu.memory_space<hbm>>) target(%arg15 : memref<80x64xf32, #tpu.memory_space<vmem>>) offsets(%dma_start3A_240 : memref<80xi32, #tpu.memory_space<vmem>>) semaphore(%arg23 : memref<!tpu.dma_semaphore, #tpu.memory_space<semaphore_mem>>)
      } else {
      }
      %mul3A_202 = arith.constant 8 : i32
      %mul3A_203 = arith.muli %mul3A_202, %scan3A_102 : i32
      %add3A_204 = arith.constant 6 : i32
      %add3A_205 = arith.addi %mul3A_203, %add3A_204 : i32
      %dma_wait3A_206 = arith.constant 0 : i32
      %dma_wait3A_207 = tpu.memref_slice %arg8[%add3A_205, %dma_wait3A_206] : memref<125x80xi32, #tpu.memory_space<vmem>> -> memref<1x80xi32, #tpu.memory_space<vmem>>
      %dma_wait3A_208 = tpu.memref_squeeze %dma_wait3A_207 : memref<1x80xi32, #tpu.memory_space<vmem>> -> memref<80xi32, #tpu.memory_space<vmem>>
      %dma_wait3A_209 = arith.constant 0 : i32
      %dma_wait3A_210 = arith.constant 0 : i32
      %dma_wait3A_211 = tpu.memref_slice %arg2[%dma_wait3A_209, %dma_wait3A_210] : memref<10240x64xf32, #tpu.memory_space<hbm>> -> memref<10240x64xf32, #tpu.memory_space<hbm>>
      tpu.wait_indirect_dma semaphore(%arg24 : memref<!tpu.dma_semaphore, #tpu.memory_space<semaphore_mem>>) src(%dma_wait3A_211 : memref<10240x64xf32, #tpu.memory_space<hbm>>) dst(%arg16 : memref<80x64xf32, #tpu.memory_space<vmem>>)
      "tpu.region"() ({
        %run_scoped3A_236 = tpu.sem_alloc : memref<!tpu.dma_semaphore, #tpu.memory_space<semaphore_mem>>
        %dma_start3A_237 = arith.constant 0 : i32
        %dma_start3A_238 = tpu.memref_slice %arg9[%add3A_205, %dma_start3A_237] : memref<125x80xi32, #tpu.memory_space<vmem>> -> memref<1x80xi32, #tpu.memory_space<vmem>>
        %dma_start3A_239 = tpu.memref_squeeze %dma_start3A_238 : memref<1x80xi32, #tpu.memory_space<vmem>> -> memref<80xi32, #tpu.memory_space<vmem>>
        %dma_start3A_240 = arith.constant 0 : i32
        %dma_start3A_241 = arith.constant 0 : i32
        %dma_start3A_242 = tpu.memref_slice %arg7[%dma_start3A_240, %dma_start3A_241] : memref<10240x64xf32, #tpu.memory_space<vmem_shared>> -> memref<10240x64xf32, #tpu.memory_space<vmem_shared>>
        tpu.enqueue_indirect_dma source(%arg16 : memref<80x64xf32, #tpu.memory_space<vmem>>) target(%dma_start3A_242 : memref<10240x64xf32, #tpu.memory_space<vmem_shared>>) offsets(%dma_start3A_239 : memref<80xi32, #tpu.memory_space<vmem>>) semaphore(%run_scoped3A_236 : memref<!tpu.dma_semaphore, #tpu.memory_space<semaphore_mem>>) {add = true}
        %dma_wait3A_243 = arith.constant 0 : i32
        %dma_wait3A_244 = tpu.memref_slice %arg9[%add3A_205, %dma_wait3A_243] : memref<125x80xi32, #tpu.memory_space<vmem>> -> memref<1x80xi32, #tpu.memory_space<vmem>>
        %dma_wait3A_245 = tpu.memref_squeeze %dma_wait3A_244 : memref<1x80xi32, #tpu.memory_space<vmem>> -> memref<80xi32, #tpu.memory_space<vmem>>
        %dma_wait3A_246 = arith.constant 0 : i32
        %dma_wait3A_247 = arith.constant 0 : i32
        %dma_wait3A_248 = tpu.memref_slice %arg7[%dma_wait3A_246, %dma_wait3A_247] : memref<10240x64xf32, #tpu.memory_space<vmem_shared>> -> memref<10240x64xf32, #tpu.memory_space<vmem_shared>>
        tpu.wait_indirect_dma semaphore(%run_scoped3A_236 : memref<!tpu.dma_semaphore, #tpu.memory_space<semaphore_mem>>) src(%arg16 : memref<80x64xf32, #tpu.memory_space<vmem>>) dst(%dma_wait3A_248 : memref<10240x64xf32, #tpu.memory_space<vmem_shared>>)
        tpu.yield
      }) : () -> ()
      %add3A_212 = arith.constant 8 : i32
      %add3A_213 = arith.addi %add3A_205, %add3A_212 : i32
      %lt3A_214 = arith.constant 125 : i32
      %lt3A_215 = arith.cmpi slt, %add3A_213, %lt3A_214 : i32
      %convert_element_type3A_216 = arith.extui %lt3A_215 : i1 to i32
      %cond3A_217 = arith.constant 0 : i32
      %cond3A_218 = arith.cmpi ne, %convert_element_type3A_216, %cond3A_217 : i32
      scf.if %cond3A_218 {
        %add3A_236 = arith.constant 8 : i32
        %add3A_237 = arith.addi %add3A_205, %add3A_236 : i32
        %dma_start3A_238 = arith.constant 0 : i32
        %dma_start3A_239 = tpu.memref_slice %arg8[%add3A_237, %dma_start3A_238] : memref<125x80xi32, #tpu.memory_space<vmem>> -> memref<1x80xi32, #tpu.memory_space<vmem>>
        %dma_start3A_240 = tpu.memref_squeeze %dma_start3A_239 : memref<1x80xi32, #tpu.memory_space<vmem>> -> memref<80xi32, #tpu.memory_space<vmem>>
        %dma_start3A_241 = arith.constant 0 : i32
        %dma_start3A_242 = arith.constant 0 : i32
        %dma_start3A_243 = tpu.memref_slice %arg2[%dma_start3A_241, %dma_start3A_242] : memref<10240x64xf32, #tpu.memory_space<hbm>> -> memref<10240x64xf32, #tpu.memory_space<hbm>>
        tpu.enqueue_indirect_dma source(%dma_start3A_243 : memref<10240x64xf32, #tpu.memory_space<hbm>>) target(%arg16 : memref<80x64xf32, #tpu.memory_space<vmem>>) offsets(%dma_start3A_240 : memref<80xi32, #tpu.memory_space<vmem>>) semaphore(%arg24 : memref<!tpu.dma_semaphore, #tpu.memory_space<semaphore_mem>>)
      } else {
      }
      %mul3A_219 = arith.constant 8 : i32
      %mul3A_220 = arith.muli %mul3A_219, %scan3A_102 : i32
      %add3A_221 = arith.constant 7 : i32
      %add3A_222 = arith.addi %mul3A_220, %add3A_221 : i32
      %dma_wait3A_223 = arith.constant 0 : i32
      %dma_wait3A_224 = tpu.memref_slice %arg8[%add3A_222, %dma_wait3A_223] : memref<125x80xi32, #tpu.memory_space<vmem>> -> memref<1x80xi32, #tpu.memory_space<vmem>>
      %dma_wait3A_225 = tpu.memref_squeeze %dma_wait3A_224 : memref<1x80xi32, #tpu.memory_space<vmem>> -> memref<80xi32, #tpu.memory_space<vmem>>
      %dma_wait3A_226 = arith.constant 0 : i32
      %dma_wait3A_227 = arith.constant 0 : i32
      %dma_wait3A_228 = tpu.memref_slice %arg2[%dma_wait3A_226, %dma_wait3A_227] : memref<10240x64xf32, #tpu.memory_space<hbm>> -> memref<10240x64xf32, #tpu.memory_space<hbm>>
      tpu.wait_indirect_dma semaphore(%arg25 : memref<!tpu.dma_semaphore, #tpu.memory_space<semaphore_mem>>) src(%dma_wait3A_228 : memref<10240x64xf32, #tpu.memory_space<hbm>>) dst(%arg17 : memref<80x64xf32, #tpu.memory_space<vmem>>)
      "tpu.region"() ({
        %run_scoped3A_236 = tpu.sem_alloc : memref<!tpu.dma_semaphore, #tpu.memory_space<semaphore_mem>>
        %dma_start3A_237 = arith.constant 0 : i32
        %dma_start3A_238 = tpu.memref_slice %arg9[%add3A_222, %dma_start3A_237] : memref<125x80xi32, #tpu.memory_space<vmem>> -> memref<1x80xi32, #tpu.memory_space<vmem>>
        %dma_start3A_239 = tpu.memref_squeeze %dma_start3A_238 : memref<1x80xi32, #tpu.memory_space<vmem>> -> memref<80xi32, #tpu.memory_space<vmem>>
        %dma_start3A_240 = arith.constant 0 : i32
        %dma_start3A_241 = arith.constant 0 : i32
        %dma_start3A_242 = tpu.memref_slice %arg7[%dma_start3A_240, %dma_start3A_241] : memref<10240x64xf32, #tpu.memory_space<vmem_shared>> -> memref<10240x64xf32, #tpu.memory_space<vmem_shared>>
        tpu.enqueue_indirect_dma source(%arg17 : memref<80x64xf32, #tpu.memory_space<vmem>>) target(%dma_start3A_242 : memref<10240x64xf32, #tpu.memory_space<vmem_shared>>) offsets(%dma_start3A_239 : memref<80xi32, #tpu.memory_space<vmem>>) semaphore(%run_scoped3A_236 : memref<!tpu.dma_semaphore, #tpu.memory_space<semaphore_mem>>) {add = true}
        %dma_wait3A_243 = arith.constant 0 : i32
        %dma_wait3A_244 = tpu.memref_slice %arg9[%add3A_222, %dma_wait3A_243] : memref<125x80xi32, #tpu.memory_space<vmem>> -> memref<1x80xi32, #tpu.memory_space<vmem>>
        %dma_wait3A_245 = tpu.memref_squeeze %dma_wait3A_244 : memref<1x80xi32, #tpu.memory_space<vmem>> -> memref<80xi32, #tpu.memory_space<vmem>>
        %dma_wait3A_246 = arith.constant 0 : i32
        %dma_wait3A_247 = arith.constant 0 : i32
        %dma_wait3A_248 = tpu.memref_slice %arg7[%dma_wait3A_246, %dma_wait3A_247] : memref<10240x64xf32, #tpu.memory_space<vmem_shared>> -> memref<10240x64xf32, #tpu.memory_space<vmem_shared>>
        tpu.wait_indirect_dma semaphore(%run_scoped3A_236 : memref<!tpu.dma_semaphore, #tpu.memory_space<semaphore_mem>>) src(%arg17 : memref<80x64xf32, #tpu.memory_space<vmem>>) dst(%dma_wait3A_248 : memref<10240x64xf32, #tpu.memory_space<vmem_shared>>)
        tpu.yield
      }) : () -> ()
      %add3A_229 = arith.constant 8 : i32
      %add3A_230 = arith.addi %add3A_222, %add3A_229 : i32
      %lt3A_231 = arith.constant 125 : i32
      %lt3A_232 = arith.cmpi slt, %add3A_230, %lt3A_231 : i32
      %convert_element_type3A_233 = arith.extui %lt3A_232 : i1 to i32
      %cond3A_234 = arith.constant 0 : i32
      %cond3A_235 = arith.cmpi ne, %convert_element_type3A_233, %cond3A_234 : i32
      scf.if %cond3A_235 {
        %add3A_236 = arith.constant 8 : i32
        %add3A_237 = arith.addi %add3A_222, %add3A_236 : i32
        %dma_start3A_238 = arith.constant 0 : i32
        %dma_start3A_239 = tpu.memref_slice %arg8[%add3A_237, %dma_start3A_238] : memref<125x80xi32, #tpu.memory_space<vmem>> -> memref<1x80xi32, #tpu.memory_space<vmem>>
        %dma_start3A_240 = tpu.memref_squeeze %dma_start3A_239 : memref<1x80xi32, #tpu.memory_space<vmem>> -> memref<80xi32, #tpu.memory_space<vmem>>
        %dma_start3A_241 = arith.constant 0 : i32
        %dma_start3A_242 = arith.constant 0 : i32
        %dma_start3A_243 = tpu.memref_slice %arg2[%dma_start3A_241, %dma_start3A_242] : memref<10240x64xf32, #tpu.memory_space<hbm>> -> memref<10240x64xf32, #tpu.memory_space<hbm>>
        tpu.enqueue_indirect_dma source(%dma_start3A_243 : memref<10240x64xf32, #tpu.memory_space<hbm>>) target(%arg17 : memref<80x64xf32, #tpu.memory_space<vmem>>) offsets(%dma_start3A_240 : memref<80xi32, #tpu.memory_space<vmem>>) semaphore(%arg25 : memref<!tpu.dma_semaphore, #tpu.memory_space<semaphore_mem>>)
      } else {
      }
    }
    %scan3A_62 = arith.constant 15 : i32
    %dma_wait3A = arith.constant 120 : i32
    %dma_wait3A_63 = arith.constant 0 : i32
    %dma_wait3A_64 = tpu.memref_slice %arg8[%dma_wait3A, %dma_wait3A_63] : memref<125x80xi32, #tpu.memory_space<vmem>> -> memref<1x80xi32, #tpu.memory_space<vmem>>
    %dma_wait3A_65 = tpu.memref_squeeze %dma_wait3A_64 : memref<1x80xi32, #tpu.memory_space<vmem>> -> memref<80xi32, #tpu.memory_space<vmem>>
    %dma_wait3A_66 = arith.constant 0 : i32
    %dma_wait3A_67 = arith.constant 0 : i32
    %dma_wait3A_68 = tpu.memref_slice %arg2[%dma_wait3A_66, %dma_wait3A_67] : memref<10240x64xf32, #tpu.memory_space<hbm>> -> memref<10240x64xf32, #tpu.memory_space<hbm>>
    tpu.wait_indirect_dma semaphore(%arg18 : memref<!tpu.dma_semaphore, #tpu.memory_space<semaphore_mem>>) src(%dma_wait3A_68 : memref<10240x64xf32, #tpu.memory_space<hbm>>) dst(%arg10 : memref<80x64xf32, #tpu.memory_space<vmem>>)
    %run_scoped3A = arith.constant 120 : i32
    "tpu.region"() ({
      %run_scoped3A_102 = tpu.sem_alloc : memref<!tpu.dma_semaphore, #tpu.memory_space<semaphore_mem>>
      %dma_start3A_103 = arith.constant 0 : i32
      %dma_start3A_104 = tpu.memref_slice %arg9[%run_scoped3A, %dma_start3A_103] : memref<125x80xi32, #tpu.memory_space<vmem>> -> memref<1x80xi32, #tpu.memory_space<vmem>>
      %dma_start3A_105 = tpu.memref_squeeze %dma_start3A_104 : memref<1x80xi32, #tpu.memory_space<vmem>> -> memref<80xi32, #tpu.memory_space<vmem>>
      %dma_start3A_106 = arith.constant 0 : i32
      %dma_start3A_107 = arith.constant 0 : i32
      %dma_start3A_108 = tpu.memref_slice %arg7[%dma_start3A_106, %dma_start3A_107] : memref<10240x64xf32, #tpu.memory_space<vmem_shared>> -> memref<10240x64xf32, #tpu.memory_space<vmem_shared>>
      tpu.enqueue_indirect_dma source(%arg10 : memref<80x64xf32, #tpu.memory_space<vmem>>) target(%dma_start3A_108 : memref<10240x64xf32, #tpu.memory_space<vmem_shared>>) offsets(%dma_start3A_105 : memref<80xi32, #tpu.memory_space<vmem>>) semaphore(%run_scoped3A_102 : memref<!tpu.dma_semaphore, #tpu.memory_space<semaphore_mem>>) {add = true}
      %dma_wait3A_109 = arith.constant 0 : i32
      %dma_wait3A_110 = tpu.memref_slice %arg9[%run_scoped3A, %dma_wait3A_109] : memref<125x80xi32, #tpu.memory_space<vmem>> -> memref<1x80xi32, #tpu.memory_space<vmem>>
      %dma_wait3A_111 = tpu.memref_squeeze %dma_wait3A_110 : memref<1x80xi32, #tpu.memory_space<vmem>> -> memref<80xi32, #tpu.memory_space<vmem>>
      %dma_wait3A_112 = arith.constant 0 : i32
      %dma_wait3A_113 = arith.constant 0 : i32
      %dma_wait3A_114 = tpu.memref_slice %arg7[%dma_wait3A_112, %dma_wait3A_113] : memref<10240x64xf32, #tpu.memory_space<vmem_shared>> -> memref<10240x64xf32, #tpu.memory_space<vmem_shared>>
      tpu.wait_indirect_dma semaphore(%run_scoped3A_102 : memref<!tpu.dma_semaphore, #tpu.memory_space<semaphore_mem>>) src(%arg10 : memref<80x64xf32, #tpu.memory_space<vmem>>) dst(%dma_wait3A_114 : memref<10240x64xf32, #tpu.memory_space<vmem_shared>>)
      tpu.yield
    }) : () -> ()
    %dma_wait3A_69 = arith.constant 121 : i32
    %dma_wait3A_70 = arith.constant 0 : i32
    %dma_wait3A_71 = tpu.memref_slice %arg8[%dma_wait3A_69, %dma_wait3A_70] : memref<125x80xi32, #tpu.memory_space<vmem>> -> memref<1x80xi32, #tpu.memory_space<vmem>>
    %dma_wait3A_72 = tpu.memref_squeeze %dma_wait3A_71 : memref<1x80xi32, #tpu.memory_space<vmem>> -> memref<80xi32, #tpu.memory_space<vmem>>
    %dma_wait3A_73 = arith.constant 0 : i32
    %dma_wait3A_74 = arith.constant 0 : i32
    %dma_wait3A_75 = tpu.memref_slice %arg2[%dma_wait3A_73, %dma_wait3A_74] : memref<10240x64xf32, #tpu.memory_space<hbm>> -> memref<10240x64xf32, #tpu.memory_space<hbm>>
    tpu.wait_indirect_dma semaphore(%arg19 : memref<!tpu.dma_semaphore, #tpu.memory_space<semaphore_mem>>) src(%dma_wait3A_75 : memref<10240x64xf32, #tpu.memory_space<hbm>>) dst(%arg11 : memref<80x64xf32, #tpu.memory_space<vmem>>)
    %run_scoped3A_76 = arith.constant 121 : i32
    "tpu.region"() ({
      %run_scoped3A_102 = tpu.sem_alloc : memref<!tpu.dma_semaphore, #tpu.memory_space<semaphore_mem>>
      %dma_start3A_103 = arith.constant 0 : i32
      %dma_start3A_104 = tpu.memref_slice %arg9[%run_scoped3A_76, %dma_start3A_103] : memref<125x80xi32, #tpu.memory_space<vmem>> -> memref<1x80xi32, #tpu.memory_space<vmem>>
      %dma_start3A_105 = tpu.memref_squeeze %dma_start3A_104 : memref<1x80xi32, #tpu.memory_space<vmem>> -> memref<80xi32, #tpu.memory_space<vmem>>
      %dma_start3A_106 = arith.constant 0 : i32
      %dma_start3A_107 = arith.constant 0 : i32
      %dma_start3A_108 = tpu.memref_slice %arg7[%dma_start3A_106, %dma_start3A_107] : memref<10240x64xf32, #tpu.memory_space<vmem_shared>> -> memref<10240x64xf32, #tpu.memory_space<vmem_shared>>
      tpu.enqueue_indirect_dma source(%arg11 : memref<80x64xf32, #tpu.memory_space<vmem>>) target(%dma_start3A_108 : memref<10240x64xf32, #tpu.memory_space<vmem_shared>>) offsets(%dma_start3A_105 : memref<80xi32, #tpu.memory_space<vmem>>) semaphore(%run_scoped3A_102 : memref<!tpu.dma_semaphore, #tpu.memory_space<semaphore_mem>>) {add = true}
      %dma_wait3A_109 = arith.constant 0 : i32
      %dma_wait3A_110 = tpu.memref_slice %arg9[%run_scoped3A_76, %dma_wait3A_109] : memref<125x80xi32, #tpu.memory_space<vmem>> -> memref<1x80xi32, #tpu.memory_space<vmem>>
      %dma_wait3A_111 = tpu.memref_squeeze %dma_wait3A_110 : memref<1x80xi32, #tpu.memory_space<vmem>> -> memref<80xi32, #tpu.memory_space<vmem>>
      %dma_wait3A_112 = arith.constant 0 : i32
      %dma_wait3A_113 = arith.constant 0 : i32
      %dma_wait3A_114 = tpu.memref_slice %arg7[%dma_wait3A_112, %dma_wait3A_113] : memref<10240x64xf32, #tpu.memory_space<vmem_shared>> -> memref<10240x64xf32, #tpu.memory_space<vmem_shared>>
      tpu.wait_indirect_dma semaphore(%run_scoped3A_102 : memref<!tpu.dma_semaphore, #tpu.memory_space<semaphore_mem>>) src(%arg11 : memref<80x64xf32, #tpu.memory_space<vmem>>) dst(%dma_wait3A_114 : memref<10240x64xf32, #tpu.memory_space<vmem_shared>>)
      tpu.yield
    }) : () -> ()
    %dma_wait3A_77 = arith.constant 122 : i32
    %dma_wait3A_78 = arith.constant 0 : i32
    %dma_wait3A_79 = tpu.memref_slice %arg8[%dma_wait3A_77, %dma_wait3A_78] : memref<125x80xi32, #tpu.memory_space<vmem>> -> memref<1x80xi32, #tpu.memory_space<vmem>>
    %dma_wait3A_80 = tpu.memref_squeeze %dma_wait3A_79 : memref<1x80xi32, #tpu.memory_space<vmem>> -> memref<80xi32, #tpu.memory_space<vmem>>
    %dma_wait3A_81 = arith.constant 0 : i32
    %dma_wait3A_82 = arith.constant 0 : i32
    %dma_wait3A_83 = tpu.memref_slice %arg2[%dma_wait3A_81, %dma_wait3A_82] : memref<10240x64xf32, #tpu.memory_space<hbm>> -> memref<10240x64xf32, #tpu.memory_space<hbm>>
    tpu.wait_indirect_dma semaphore(%arg20 : memref<!tpu.dma_semaphore, #tpu.memory_space<semaphore_mem>>) src(%dma_wait3A_83 : memref<10240x64xf32, #tpu.memory_space<hbm>>) dst(%arg12 : memref<80x64xf32, #tpu.memory_space<vmem>>)
    %run_scoped3A_84 = arith.constant 122 : i32
    "tpu.region"() ({
      %run_scoped3A_102 = tpu.sem_alloc : memref<!tpu.dma_semaphore, #tpu.memory_space<semaphore_mem>>
      %dma_start3A_103 = arith.constant 0 : i32
      %dma_start3A_104 = tpu.memref_slice %arg9[%run_scoped3A_84, %dma_start3A_103] : memref<125x80xi32, #tpu.memory_space<vmem>> -> memref<1x80xi32, #tpu.memory_space<vmem>>
      %dma_start3A_105 = tpu.memref_squeeze %dma_start3A_104 : memref<1x80xi32, #tpu.memory_space<vmem>> -> memref<80xi32, #tpu.memory_space<vmem>>
      %dma_start3A_106 = arith.constant 0 : i32
      %dma_start3A_107 = arith.constant 0 : i32
      %dma_start3A_108 = tpu.memref_slice %arg7[%dma_start3A_106, %dma_start3A_107] : memref<10240x64xf32, #tpu.memory_space<vmem_shared>> -> memref<10240x64xf32, #tpu.memory_space<vmem_shared>>
      tpu.enqueue_indirect_dma source(%arg12 : memref<80x64xf32, #tpu.memory_space<vmem>>) target(%dma_start3A_108 : memref<10240x64xf32, #tpu.memory_space<vmem_shared>>) offsets(%dma_start3A_105 : memref<80xi32, #tpu.memory_space<vmem>>) semaphore(%run_scoped3A_102 : memref<!tpu.dma_semaphore, #tpu.memory_space<semaphore_mem>>) {add = true}
      %dma_wait3A_109 = arith.constant 0 : i32
      %dma_wait3A_110 = tpu.memref_slice %arg9[%run_scoped3A_84, %dma_wait3A_109] : memref<125x80xi32, #tpu.memory_space<vmem>> -> memref<1x80xi32, #tpu.memory_space<vmem>>
      %dma_wait3A_111 = tpu.memref_squeeze %dma_wait3A_110 : memref<1x80xi32, #tpu.memory_space<vmem>> -> memref<80xi32, #tpu.memory_space<vmem>>
      %dma_wait3A_112 = arith.constant 0 : i32
      %dma_wait3A_113 = arith.constant 0 : i32
      %dma_wait3A_114 = tpu.memref_slice %arg7[%dma_wait3A_112, %dma_wait3A_113] : memref<10240x64xf32, #tpu.memory_space<vmem_shared>> -> memref<10240x64xf32, #tpu.memory_space<vmem_shared>>
      tpu.wait_indirect_dma semaphore(%run_scoped3A_102 : memref<!tpu.dma_semaphore, #tpu.memory_space<semaphore_mem>>) src(%arg12 : memref<80x64xf32, #tpu.memory_space<vmem>>) dst(%dma_wait3A_114 : memref<10240x64xf32, #tpu.memory_space<vmem_shared>>)
      tpu.yield
    }) : () -> ()
    %dma_wait3A_85 = arith.constant 123 : i32
    %dma_wait3A_86 = arith.constant 0 : i32
    %dma_wait3A_87 = tpu.memref_slice %arg8[%dma_wait3A_85, %dma_wait3A_86] : memref<125x80xi32, #tpu.memory_space<vmem>> -> memref<1x80xi32, #tpu.memory_space<vmem>>
    %dma_wait3A_88 = tpu.memref_squeeze %dma_wait3A_87 : memref<1x80xi32, #tpu.memory_space<vmem>> -> memref<80xi32, #tpu.memory_space<vmem>>
    %dma_wait3A_89 = arith.constant 0 : i32
    %dma_wait3A_90 = arith.constant 0 : i32
    %dma_wait3A_91 = tpu.memref_slice %arg2[%dma_wait3A_89, %dma_wait3A_90] : memref<10240x64xf32, #tpu.memory_space<hbm>> -> memref<10240x64xf32, #tpu.memory_space<hbm>>
    tpu.wait_indirect_dma semaphore(%arg21 : memref<!tpu.dma_semaphore, #tpu.memory_space<semaphore_mem>>) src(%dma_wait3A_91 : memref<10240x64xf32, #tpu.memory_space<hbm>>) dst(%arg13 : memref<80x64xf32, #tpu.memory_space<vmem>>)
    %run_scoped3A_92 = arith.constant 123 : i32
    "tpu.region"() ({
      %run_scoped3A_102 = tpu.sem_alloc : memref<!tpu.dma_semaphore, #tpu.memory_space<semaphore_mem>>
      %dma_start3A_103 = arith.constant 0 : i32
      %dma_start3A_104 = tpu.memref_slice %arg9[%run_scoped3A_92, %dma_start3A_103] : memref<125x80xi32, #tpu.memory_space<vmem>> -> memref<1x80xi32, #tpu.memory_space<vmem>>
      %dma_start3A_105 = tpu.memref_squeeze %dma_start3A_104 : memref<1x80xi32, #tpu.memory_space<vmem>> -> memref<80xi32, #tpu.memory_space<vmem>>
      %dma_start3A_106 = arith.constant 0 : i32
      %dma_start3A_107 = arith.constant 0 : i32
      %dma_start3A_108 = tpu.memref_slice %arg7[%dma_start3A_106, %dma_start3A_107] : memref<10240x64xf32, #tpu.memory_space<vmem_shared>> -> memref<10240x64xf32, #tpu.memory_space<vmem_shared>>
      tpu.enqueue_indirect_dma source(%arg13 : memref<80x64xf32, #tpu.memory_space<vmem>>) target(%dma_start3A_108 : memref<10240x64xf32, #tpu.memory_space<vmem_shared>>) offsets(%dma_start3A_105 : memref<80xi32, #tpu.memory_space<vmem>>) semaphore(%run_scoped3A_102 : memref<!tpu.dma_semaphore, #tpu.memory_space<semaphore_mem>>) {add = true}
      %dma_wait3A_109 = arith.constant 0 : i32
      %dma_wait3A_110 = tpu.memref_slice %arg9[%run_scoped3A_92, %dma_wait3A_109] : memref<125x80xi32, #tpu.memory_space<vmem>> -> memref<1x80xi32, #tpu.memory_space<vmem>>
      %dma_wait3A_111 = tpu.memref_squeeze %dma_wait3A_110 : memref<1x80xi32, #tpu.memory_space<vmem>> -> memref<80xi32, #tpu.memory_space<vmem>>
      %dma_wait3A_112 = arith.constant 0 : i32
      %dma_wait3A_113 = arith.constant 0 : i32
      %dma_wait3A_114 = tpu.memref_slice %arg7[%dma_wait3A_112, %dma_wait3A_113] : memref<10240x64xf32, #tpu.memory_space<vmem_shared>> -> memref<10240x64xf32, #tpu.memory_space<vmem_shared>>
      tpu.wait_indirect_dma semaphore(%run_scoped3A_102 : memref<!tpu.dma_semaphore, #tpu.memory_space<semaphore_mem>>) src(%arg13 : memref<80x64xf32, #tpu.memory_space<vmem>>) dst(%dma_wait3A_114 : memref<10240x64xf32, #tpu.memory_space<vmem_shared>>)
      tpu.yield
    }) : () -> ()
    %dma_wait3A_93 = arith.constant 124 : i32
    %dma_wait3A_94 = arith.constant 0 : i32
    %dma_wait3A_95 = tpu.memref_slice %arg8[%dma_wait3A_93, %dma_wait3A_94] : memref<125x80xi32, #tpu.memory_space<vmem>> -> memref<1x80xi32, #tpu.memory_space<vmem>>
    %dma_wait3A_96 = tpu.memref_squeeze %dma_wait3A_95 : memref<1x80xi32, #tpu.memory_space<vmem>> -> memref<80xi32, #tpu.memory_space<vmem>>
    %dma_wait3A_97 = arith.constant 0 : i32
    %dma_wait3A_98 = arith.constant 0 : i32
    %dma_wait3A_99 = tpu.memref_slice %arg2[%dma_wait3A_97, %dma_wait3A_98] : memref<10240x64xf32, #tpu.memory_space<hbm>> -> memref<10240x64xf32, #tpu.memory_space<hbm>>
    tpu.wait_indirect_dma semaphore(%arg22 : memref<!tpu.dma_semaphore, #tpu.memory_space<semaphore_mem>>) src(%dma_wait3A_99 : memref<10240x64xf32, #tpu.memory_space<hbm>>) dst(%arg14 : memref<80x64xf32, #tpu.memory_space<vmem>>)
    %run_scoped3A_100 = arith.constant 124 : i32
    "tpu.region"() ({
      %run_scoped3A_102 = tpu.sem_alloc : memref<!tpu.dma_semaphore, #tpu.memory_space<semaphore_mem>>
      %dma_start3A_103 = arith.constant 0 : i32
      %dma_start3A_104 = tpu.memref_slice %arg9[%run_scoped3A_100, %dma_start3A_103] : memref<125x80xi32, #tpu.memory_space<vmem>> -> memref<1x80xi32, #tpu.memory_space<vmem>>
      %dma_start3A_105 = tpu.memref_squeeze %dma_start3A_104 : memref<1x80xi32, #tpu.memory_space<vmem>> -> memref<80xi32, #tpu.memory_space<vmem>>
      %dma_start3A_106 = arith.constant 0 : i32
      %dma_start3A_107 = arith.constant 0 : i32
      %dma_start3A_108 = tpu.memref_slice %arg7[%dma_start3A_106, %dma_start3A_107] : memref<10240x64xf32, #tpu.memory_space<vmem_shared>> -> memref<10240x64xf32, #tpu.memory_space<vmem_shared>>
      tpu.enqueue_indirect_dma source(%arg14 : memref<80x64xf32, #tpu.memory_space<vmem>>) target(%dma_start3A_108 : memref<10240x64xf32, #tpu.memory_space<vmem_shared>>) offsets(%dma_start3A_105 : memref<80xi32, #tpu.memory_space<vmem>>) semaphore(%run_scoped3A_102 : memref<!tpu.dma_semaphore, #tpu.memory_space<semaphore_mem>>) {add = true}
      %dma_wait3A_109 = arith.constant 0 : i32
      %dma_wait3A_110 = tpu.memref_slice %arg9[%run_scoped3A_100, %dma_wait3A_109] : memref<125x80xi32, #tpu.memory_space<vmem>> -> memref<1x80xi32, #tpu.memory_space<vmem>>
      %dma_wait3A_111 = tpu.memref_squeeze %dma_wait3A_110 : memref<1x80xi32, #tpu.memory_space<vmem>> -> memref<80xi32, #tpu.memory_space<vmem>>
      %dma_wait3A_112 = arith.constant 0 : i32
      %dma_wait3A_113 = arith.constant 0 : i32
      %dma_wait3A_114 = tpu.memref_slice %arg7[%dma_wait3A_112, %dma_wait3A_113] : memref<10240x64xf32, #tpu.memory_space<vmem_shared>> -> memref<10240x64xf32, #tpu.memory_space<vmem_shared>>
      tpu.wait_indirect_dma semaphore(%run_scoped3A_102 : memref<!tpu.dma_semaphore, #tpu.memory_space<semaphore_mem>>) src(%arg14 : memref<80x64xf32, #tpu.memory_space<vmem>>) dst(%dma_wait3A_114 : memref<10240x64xf32, #tpu.memory_space<vmem_shared>>)
      tpu.yield
    }) : () -> ()
    %barrier3A_101 = arith.constant 0 : index
    tpu.barrier barrier_id(%barrier3A_101)
    "tpu.region"() ({
      %run_scoped3A_102 = tpu.sem_alloc : memref<!tpu.dma_semaphore, #tpu.memory_space<semaphore_mem>>
      %dma_start3A_103 = arith.constant 0 : i32
      %dma_start3A_104 = tpu.memref_slice %arg6[%arg0, %mul3A_2, %dma_start3A_103] : memref<2x10240x64xf32, #tpu.memory_space<hbm>> -> memref<1x640x64xf32, #tpu.memory_space<hbm>>
      %dma_start3A_105 = tpu.memref_squeeze %dma_start3A_104 : memref<1x640x64xf32, #tpu.memory_space<hbm>> -> memref<640x64xf32, #tpu.memory_space<hbm>>
      %dma_start3A_106 = arith.constant 0 : i32
      %dma_start3A_107 = tpu.memref_slice %arg7[%mul3A_2, %dma_start3A_106] : memref<10240x64xf32, #tpu.memory_space<vmem_shared>> -> memref<640x64xf32, #tpu.memory_space<vmem_shared>>
      tpu.enqueue_dma source(%dma_start3A_107 : memref<640x64xf32, #tpu.memory_space<vmem_shared>>) target(%dma_start3A_105 : memref<640x64xf32, #tpu.memory_space<hbm>>) target_semaphore(%run_scoped3A_102 : memref<!tpu.dma_semaphore, #tpu.memory_space<semaphore_mem>>)
      %dma_wait3A_108 = arith.constant 0 : i32
      %dma_wait3A_109 = tpu.memref_slice %arg6[%arg0, %mul3A_2, %dma_wait3A_108] : memref<2x10240x64xf32, #tpu.memory_space<hbm>> -> memref<1x640x64xf32, #tpu.memory_space<hbm>>
      %dma_wait3A_110 = tpu.memref_squeeze %dma_wait3A_109 : memref<1x640x64xf32, #tpu.memory_space<hbm>> -> memref<640x64xf32, #tpu.memory_space<hbm>>
      %dma_wait3A_111 = arith.constant 0 : i32
      %dma_wait3A_112 = tpu.memref_slice %arg7[%mul3A_2, %dma_wait3A_111] : memref<10240x64xf32, #tpu.memory_space<vmem_shared>> -> memref<640x64xf32, #tpu.memory_space<vmem_shared>>
      tpu.wait_dma2 semaphore(%run_scoped3A_102 : memref<!tpu.dma_semaphore, #tpu.memory_space<semaphore_mem>>) src(%dma_wait3A_112 : memref<640x64xf32, #tpu.memory_space<vmem_shared>>) dst(%dma_wait3A_110 : memref<640x64xf32, #tpu.memory_space<hbm>>)
      tpu.yield
    }) : () -> ()
    return
  }
}

module attributes {stable_mosaic.version = 14 : i64} {
  func.func @_enc_body(%arg0: memref<10240x128xf32, #tpu.memory_space<vmem>>, %arg1: memref<128x64xf32, #tpu.memory_space<vmem>>, %arg2: memref<64xf32, #tpu.memory_space<vmem>>, %arg3: memref<64xf32, #tpu.memory_space<vmem>>, %arg4: memref<64xf32, #tpu.memory_space<vmem>>, %arg5: memref<2x10240x8xf32, #tpu.memory_space<vmem>>, %arg6: memref<10240x64xf32, #tpu.memory_space<vmem>>, %arg7: memref<10240x64xf32, #tpu.memory_space<vmem>>, %arg8: memref<10240x1xf32, #tpu.memory_space<vmem>>, %arg9: memref<10240x1xf32, #tpu.memory_space<vmem>>) attributes {dimension_semantics = [], scalar_prefetch = 0 : i64, scratch_operands = 0 : i64, tpu.core_type = #tpu.core_type<tc>} {
    %get3A = arith.constant 0 : index
    %get3A_0 = arith.constant 0 : index
    %get3A_1 = vector.load %arg0[%get3A, %get3A_0] : memref<10240x128xf32, #tpu.memory_space<vmem>>, vector<10240x128xf32>
    %get3A_2 = arith.constant 0 : index
    %get3A_3 = arith.constant 0 : index
    %get3A_4 = vector.load %arg1[%get3A_2, %get3A_3] : memref<128x64xf32, #tpu.memory_space<vmem>>, vector<128x64xf32>
    %dot_general3A = arith.constant dense<0.000000e+00> : vector<10240x64xf32>
    %dot_general3A_5 = tpu.matmul %get3A_1, %get3A_4, %dot_general3A {dimension_numbers = #tpu.dot_dimension_numbers<[1], [0], [0], [1], [0, 0, 1, 1], [], []>, transpose_lhs_hint = false} : vector<10240x128xf32>, vector<128x64xf32>, vector<10240x64xf32> -> vector<10240x64xf32>
    %get3A_6 = arith.constant 0 : index
    %get3A_7 = vector.load %arg2[%get3A_6] : memref<64xf32, #tpu.memory_space<vmem>>, vector<64xf32>
    %broadcast_in_dim3A = vector.shape_cast %get3A_7 : vector<64xf32> to vector<1x64xf32>
    %add3A = vector.broadcast %broadcast_in_dim3A : vector<1x64xf32> to vector<10240x64xf32>
    %add3A_8 = arith.addf %dot_general3A_5, %add3A : vector<10240x64xf32>
    %logistic3A = arith.negf %add3A_8 : vector<10240x64xf32>
    %logistic3A_9 = math.exp %logistic3A : vector<10240x64xf32>
    %logistic3A_10 = arith.constant 1.000000e+00 : f32
    %logistic3A_11 = vector.broadcast %logistic3A_10 : f32 to vector<10240x64xf32>
    %logistic3A_12 = arith.addf %logistic3A_11, %logistic3A_9 : vector<10240x64xf32>
    %logistic3A_13 = arith.divf %logistic3A_11, %logistic3A_12 : vector<10240x64xf32>
    %mul3A = arith.mulf %add3A_8, %logistic3A_13 : vector<10240x64xf32>
    %reduce_sum3A = arith.constant dense<0.000000e+00> : vector<10240xf32>
    %reduce_sum3A_14 = vector.multi_reduction <add>, %mul3A, %reduce_sum3A [1] : vector<10240x64xf32> to vector<10240xf32>
    %broadcast_in_dim3A_15 = vector.shape_cast %reduce_sum3A_14 : vector<10240xf32> to vector<10240x1xf32>
    %div3A = arith.constant 6.400000e+01 : f32
    %div3A_16 = vector.broadcast %div3A : f32 to vector<10240x1xf32>
    %div3A_17 = arith.divf %broadcast_in_dim3A_15, %div3A_16 : vector<10240x1xf32>
    %sub3A = vector.broadcast %div3A_17 : vector<10240x1xf32> to vector<10240x64xf32>
    %sub3A_18 = arith.subf %mul3A, %sub3A : vector<10240x64xf32>
    %sub3A_19 = vector.broadcast %div3A_17 : vector<10240x1xf32> to vector<10240x64xf32>
    %sub3A_20 = arith.subf %mul3A, %sub3A_19 : vector<10240x64xf32>
    %mul3A_21 = arith.mulf %sub3A_18, %sub3A_20 : vector<10240x64xf32>
    %reduce_sum3A_22 = arith.constant dense<0.000000e+00> : vector<10240xf32>
    %reduce_sum3A_23 = vector.multi_reduction <add>, %mul3A_21, %reduce_sum3A_22 [1] : vector<10240x64xf32> to vector<10240xf32>
    %broadcast_in_dim3A_24 = vector.shape_cast %reduce_sum3A_23 : vector<10240xf32> to vector<10240x1xf32>
    %div3A_25 = arith.constant 6.400000e+01 : f32
    %div3A_26 = vector.broadcast %div3A_25 : f32 to vector<10240x1xf32>
    %div3A_27 = arith.divf %broadcast_in_dim3A_24, %div3A_26 : vector<10240x1xf32>
    %sub3A_28 = vector.broadcast %div3A_17 : vector<10240x1xf32> to vector<10240x64xf32>
    %sub3A_29 = arith.subf %mul3A, %sub3A_28 : vector<10240x64xf32>
    %add3A_30 = arith.constant 9.99999974E-6 : f32
    %add3A_31 = vector.broadcast %add3A_30 : f32 to vector<10240x1xf32>
    %add3A_32 = arith.addf %div3A_27, %add3A_31 : vector<10240x1xf32>
    %rsqrt3A = math.rsqrt %add3A_32 : vector<10240x1xf32>
    %mul3A_33 = vector.broadcast %rsqrt3A : vector<10240x1xf32> to vector<10240x64xf32>
    %mul3A_34 = arith.mulf %sub3A_29, %mul3A_33 : vector<10240x64xf32>
    %get3A_35 = arith.constant 0 : index
    %get3A_36 = vector.load %arg3[%get3A_35] : memref<64xf32, #tpu.memory_space<vmem>>, vector<64xf32>
    %broadcast_in_dim3A_37 = vector.shape_cast %get3A_36 : vector<64xf32> to vector<1x64xf32>
    %mul3A_38 = vector.broadcast %broadcast_in_dim3A_37 : vector<1x64xf32> to vector<10240x64xf32>
    %mul3A_39 = arith.mulf %mul3A_34, %mul3A_38 : vector<10240x64xf32>
    %get3A_40 = arith.constant 0 : index
    %get3A_41 = vector.load %arg4[%get3A_40] : memref<64xf32, #tpu.memory_space<vmem>>, vector<64xf32>
    %broadcast_in_dim3A_42 = vector.shape_cast %get3A_41 : vector<64xf32> to vector<1x64xf32>
    %add3A_43 = vector.broadcast %broadcast_in_dim3A_42 : vector<1x64xf32> to vector<10240x64xf32>
    %add3A_44 = arith.addf %mul3A_39, %add3A_43 : vector<10240x64xf32>
    %get3A_45 = arith.constant 0 : index
    %get3A_46 = arith.constant 0 : index
    %get3A_47 = arith.constant 0 : index
    %get3A_48 = vector.load %arg5[%get3A_45, %get3A_46, %get3A_47] : memref<2x10240x8xf32, #tpu.memory_space<vmem>>, vector<1x10240x8xf32>
    %get3A_49 = vector.shape_cast %get3A_48 : vector<1x10240x8xf32> to vector<10240x8xf32>
    %reduce_sum3A_50 = arith.constant dense<0.000000e+00> : vector<10240xf32>
    %reduce_sum3A_51 = vector.multi_reduction <add>, %get3A_49, %reduce_sum3A_50 [1] : vector<10240x8xf32> to vector<10240xf32>
    %broadcast_in_dim3A_52 = vector.shape_cast %reduce_sum3A_51 : vector<10240xf32> to vector<10240x1xf32>
    %mul3A_53 = arith.constant 1.250000e-01 : f32
    %mul3A_54 = vector.broadcast %mul3A_53 : f32 to vector<10240x1xf32>
    %mul3A_55 = arith.mulf %broadcast_in_dim3A_52, %mul3A_54 : vector<10240x1xf32>
    %get3A_56 = arith.constant 1 : index
    %get3A_57 = arith.constant 0 : index
    %get3A_58 = arith.constant 0 : index
    %get3A_59 = vector.load %arg5[%get3A_56, %get3A_57, %get3A_58] : memref<2x10240x8xf32, #tpu.memory_space<vmem>>, vector<1x10240x8xf32>
    %get3A_60 = vector.shape_cast %get3A_59 : vector<1x10240x8xf32> to vector<10240x8xf32>
    %reduce_sum3A_61 = arith.constant dense<0.000000e+00> : vector<10240xf32>
    %reduce_sum3A_62 = vector.multi_reduction <add>, %get3A_60, %reduce_sum3A_61 [1] : vector<10240x8xf32> to vector<10240xf32>
    %broadcast_in_dim3A_63 = vector.shape_cast %reduce_sum3A_62 : vector<10240xf32> to vector<10240x1xf32>
    %mul3A_64 = arith.constant 1.250000e-01 : f32
    %mul3A_65 = vector.broadcast %mul3A_64 : f32 to vector<10240x1xf32>
    %mul3A_66 = arith.mulf %broadcast_in_dim3A_63, %mul3A_65 : vector<10240x1xf32>
    %max3A = arith.constant 1.000000e+00 : f32
    %max3A_67 = vector.broadcast %max3A : f32 to vector<10240x1xf32>
    %max3A_68 = arith.maximumf %mul3A_55, %max3A_67 : vector<10240x1xf32>
    %rsqrt3A_69 = math.rsqrt %max3A_68 : vector<10240x1xf32>
    %max3A_70 = arith.constant 1.000000e+00 : f32
    %max3A_71 = vector.broadcast %max3A_70 : f32 to vector<10240x1xf32>
    %max3A_72 = arith.maximumf %mul3A_66, %max3A_71 : vector<10240x1xf32>
    %rsqrt3A_73 = math.rsqrt %max3A_72 : vector<10240x1xf32>
    %swap3A = arith.constant 0 : index
    %swap3A_74 = arith.constant 0 : index
    %swap3A_75 = vector.load %arg6[%swap3A, %swap3A_74] : memref<10240x64xf32, #tpu.memory_space<vmem>>, vector<10240x64xf32>
    tpu.vector_store %arg6[%swap3A, %swap3A_74], %add3A_44 {strides = array<i32>} : memref<10240x64xf32, #tpu.memory_space<vmem>>, vector<10240x64xf32>,
    %mul3A_76 = vector.broadcast %rsqrt3A_69 : vector<10240x1xf32> to vector<10240x64xf32>
    %mul3A_77 = arith.mulf %add3A_44, %mul3A_76 : vector<10240x64xf32>
    %swap3A_78 = arith.constant 0 : index
    %swap3A_79 = arith.constant 0 : index
    %swap3A_80 = vector.load %arg7[%swap3A_78, %swap3A_79] : memref<10240x64xf32, #tpu.memory_space<vmem>>, vector<10240x64xf32>
    tpu.vector_store %arg7[%swap3A_78, %swap3A_79], %mul3A_77 {strides = array<i32>} : memref<10240x64xf32, #tpu.memory_space<vmem>>, vector<10240x64xf32>,
    %swap3A_81 = arith.constant 0 : index
    %swap3A_82 = arith.constant 0 : index
    %swap3A_83 = vector.load %arg8[%swap3A_81, %swap3A_82] : memref<10240x1xf32, #tpu.memory_space<vmem>>, vector<10240x1xf32>
    tpu.vector_store %arg8[%swap3A_81, %swap3A_82], %rsqrt3A_69 {strides = array<i32>} : memref<10240x1xf32, #tpu.memory_space<vmem>>, vector<10240x1xf32>,
    %swap3A_84 = arith.constant 0 : index
    %swap3A_85 = arith.constant 0 : index
    %swap3A_86 = vector.load %arg9[%swap3A_84, %swap3A_85] : memref<10240x1xf32, #tpu.memory_space<vmem>>, vector<10240x1xf32>
    tpu.vector_store %arg9[%swap3A_84, %swap3A_85], %rsqrt3A_73 {strides = array<i32>} : memref<10240x1xf32, #tpu.memory_space<vmem>>, vector<10240x1xf32>,
    return
  }
}

module attributes {stable_mosaic.version = 14 : i64} {
  func.func @_layer_body(%arg0: memref<2x10240x64xf32, #tpu.memory_space<vmem>>, %arg1: memref<10240x1xf32, #tpu.memory_space<vmem>>, %arg2: memref<10240x1xf32, #tpu.memory_space<vmem>>, %arg3: memref<10240x64xf32, #tpu.memory_space<vmem>>, %arg4: memref<64x64xf32, #tpu.memory_space<vmem>>, %arg5: memref<64xf32, #tpu.memory_space<vmem>>, %arg6: memref<10240x64xf32, #tpu.memory_space<vmem>>, %arg7: memref<10240x64xf32, #tpu.memory_space<vmem>>) attributes {dimension_semantics = [], scalar_prefetch = 0 : i64, scratch_operands = 0 : i64, tpu.core_type = #tpu.core_type<tc>} {
    %get3A = arith.constant 0 : index
    %get3A_0 = arith.constant 0 : index
    %get3A_1 = arith.constant 0 : index
    %get3A_2 = vector.load %arg0[%get3A, %get3A_0, %get3A_1] : memref<2x10240x64xf32, #tpu.memory_space<vmem>>, vector<1x10240x64xf32>
    %get3A_3 = vector.shape_cast %get3A_2 : vector<1x10240x64xf32> to vector<10240x64xf32>
    %get3A_4 = arith.constant 1 : index
    %get3A_5 = arith.constant 0 : index
    %get3A_6 = arith.constant 0 : index
    %get3A_7 = vector.load %arg0[%get3A_4, %get3A_5, %get3A_6] : memref<2x10240x64xf32, #tpu.memory_space<vmem>>, vector<1x10240x64xf32>
    %get3A_8 = vector.shape_cast %get3A_7 : vector<1x10240x64xf32> to vector<10240x64xf32>
    %add3A = arith.addf %get3A_3, %get3A_8 : vector<10240x64xf32>
    %get3A_9 = arith.constant 0 : index
    %get3A_10 = arith.constant 0 : index
    %get3A_11 = vector.load %arg1[%get3A_9, %get3A_10] : memref<10240x1xf32, #tpu.memory_space<vmem>>, vector<10240x1xf32>
    %mul3A = vector.broadcast %get3A_11 : vector<10240x1xf32> to vector<10240x64xf32>
    %mul3A_12 = arith.mulf %add3A, %mul3A : vector<10240x64xf32>
    %get3A_13 = arith.constant 0 : index
    %get3A_14 = arith.constant 0 : index
    %get3A_15 = vector.load %arg4[%get3A_13, %get3A_14] : memref<64x64xf32, #tpu.memory_space<vmem>>, vector<64x64xf32>
    %dot_general3A = arith.constant dense<0.000000e+00> : vector<10240x64xf32>
    %dot_general3A_16 = tpu.matmul %mul3A_12, %get3A_15, %dot_general3A {dimension_numbers = #tpu.dot_dimension_numbers<[1], [0], [0], [1], [0, 0, 1, 1], [], []>, transpose_lhs_hint = false} : vector<10240x64xf32>, vector<64x64xf32>, vector<10240x64xf32> -> vector<10240x64xf32>
    %get3A_17 = arith.constant 0 : index
    %get3A_18 = arith.constant 0 : index
    %get3A_19 = vector.load %arg3[%get3A_17, %get3A_18] : memref<10240x64xf32, #tpu.memory_space<vmem>>, vector<10240x64xf32>
    %get3A_20 = arith.constant 0 : index
    %get3A_21 = vector.load %arg5[%get3A_20] : memref<64xf32, #tpu.memory_space<vmem>>, vector<64xf32>
    %broadcast_in_dim3A = vector.shape_cast %get3A_21 : vector<64xf32> to vector<1x64xf32>
    %add3A_22 = vector.broadcast %broadcast_in_dim3A : vector<1x64xf32> to vector<10240x64xf32>
    %add3A_23 = arith.addf %dot_general3A_16, %add3A_22 : vector<10240x64xf32>
    %logistic3A = arith.negf %add3A_23 : vector<10240x64xf32>
    %logistic3A_24 = math.exp %logistic3A : vector<10240x64xf32>
    %logistic3A_25 = arith.constant 1.000000e+00 : f32
    %logistic3A_26 = vector.broadcast %logistic3A_25 : f32 to vector<10240x64xf32>
    %logistic3A_27 = arith.addf %logistic3A_26, %logistic3A_24 : vector<10240x64xf32>
    %logistic3A_28 = arith.divf %logistic3A_26, %logistic3A_27 : vector<10240x64xf32>
    %mul3A_29 = arith.mulf %add3A_23, %logistic3A_28 : vector<10240x64xf32>
    %add3A_30 = arith.addf %get3A_19, %mul3A_29 : vector<10240x64xf32>
    %swap3A = arith.constant 0 : index
    %swap3A_31 = arith.constant 0 : index
    %swap3A_32 = vector.load %arg6[%swap3A, %swap3A_31] : memref<10240x64xf32, #tpu.memory_space<vmem>>, vector<10240x64xf32>
    tpu.vector_store %arg6[%swap3A, %swap3A_31], %add3A_30 {strides = array<i32>} : memref<10240x64xf32, #tpu.memory_space<vmem>>, vector<10240x64xf32>,
    %get3A_33 = arith.constant 0 : index
    %get3A_34 = arith.constant 0 : index
    %get3A_35 = vector.load %arg2[%get3A_33, %get3A_34] : memref<10240x1xf32, #tpu.memory_space<vmem>>, vector<10240x1xf32>
    %mul3A_36 = vector.broadcast %get3A_35 : vector<10240x1xf32> to vector<10240x64xf32>
    %mul3A_37 = arith.mulf %add3A_30, %mul3A_36 : vector<10240x64xf32>
    %swap3A_38 = arith.constant 0 : index
    %swap3A_39 = arith.constant 0 : index
    %swap3A_40 = vector.load %arg7[%swap3A_38, %swap3A_39] : memref<10240x64xf32, #tpu.memory_space<vmem>>, vector<10240x64xf32>
    tpu.vector_store %arg7[%swap3A_38, %swap3A_39], %mul3A_37 {strides = array<i32>} : memref<10240x64xf32, #tpu.memory_space<vmem>>, vector<10240x64xf32>,
    return
  }
}

module attributes {stable_mosaic.version = 14 : i64} {
  func.func @_final_body(%arg0: memref<2x10240x64xf32, #tpu.memory_space<vmem>>, %arg1: memref<10240x1xf32, #tpu.memory_space<vmem>>, %arg2: memref<10240x64xf32, #tpu.memory_space<vmem>>, %arg3: memref<64x64xf32, #tpu.memory_space<vmem>>, %arg4: memref<64xf32, #tpu.memory_space<vmem>>, %arg5: memref<64x64xf32, #tpu.memory_space<vmem>>, %arg6: memref<64xf32, #tpu.memory_space<vmem>>, %arg7: memref<64x3xf32, #tpu.memory_space<vmem>>, %arg8: memref<3xf32, #tpu.memory_space<vmem>>, %arg9: memref<10240x3xf32, #tpu.memory_space<vmem>>) attributes {dimension_semantics = [], scalar_prefetch = 0 : i64, scratch_operands = 0 : i64, tpu.core_type = #tpu.core_type<tc>} {
    %get3A = arith.constant 0 : index
    %get3A_0 = arith.constant 0 : index
    %get3A_1 = arith.constant 0 : index
    %get3A_2 = vector.load %arg0[%get3A, %get3A_0, %get3A_1] : memref<2x10240x64xf32, #tpu.memory_space<vmem>>, vector<1x10240x64xf32>
    %get3A_3 = vector.shape_cast %get3A_2 : vector<1x10240x64xf32> to vector<10240x64xf32>
    %get3A_4 = arith.constant 1 : index
    %get3A_5 = arith.constant 0 : index
    %get3A_6 = arith.constant 0 : index
    %get3A_7 = vector.load %arg0[%get3A_4, %get3A_5, %get3A_6] : memref<2x10240x64xf32, #tpu.memory_space<vmem>>, vector<1x10240x64xf32>
    %get3A_8 = vector.shape_cast %get3A_7 : vector<1x10240x64xf32> to vector<10240x64xf32>
    %add3A = arith.addf %get3A_3, %get3A_8 : vector<10240x64xf32>
    %get3A_9 = arith.constant 0 : index
    %get3A_10 = arith.constant 0 : index
    %get3A_11 = vector.load %arg1[%get3A_9, %get3A_10] : memref<10240x1xf32, #tpu.memory_space<vmem>>, vector<10240x1xf32>
    %mul3A = vector.broadcast %get3A_11 : vector<10240x1xf32> to vector<10240x64xf32>
    %mul3A_12 = arith.mulf %add3A, %mul3A : vector<10240x64xf32>
    %get3A_13 = arith.constant 0 : index
    %get3A_14 = arith.constant 0 : index
    %get3A_15 = vector.load %arg3[%get3A_13, %get3A_14] : memref<64x64xf32, #tpu.memory_space<vmem>>, vector<64x64xf32>
    %dot_general3A = arith.constant dense<0.000000e+00> : vector<10240x64xf32>
    %dot_general3A_16 = tpu.matmul %mul3A_12, %get3A_15, %dot_general3A {dimension_numbers = #tpu.dot_dimension_numbers<[1], [0], [0], [1], [0, 0, 1, 1], [], []>, transpose_lhs_hint = false} : vector<10240x64xf32>, vector<64x64xf32>, vector<10240x64xf32> -> vector<10240x64xf32>
    %get3A_17 = arith.constant 0 : index
    %get3A_18 = arith.constant 0 : index
    %get3A_19 = vector.load %arg2[%get3A_17, %get3A_18] : memref<10240x64xf32, #tpu.memory_space<vmem>>, vector<10240x64xf32>
    %get3A_20 = arith.constant 0 : index
    %get3A_21 = vector.load %arg4[%get3A_20] : memref<64xf32, #tpu.memory_space<vmem>>, vector<64xf32>
    %broadcast_in_dim3A = vector.shape_cast %get3A_21 : vector<64xf32> to vector<1x64xf32>
    %add3A_22 = vector.broadcast %broadcast_in_dim3A : vector<1x64xf32> to vector<10240x64xf32>
    %add3A_23 = arith.addf %dot_general3A_16, %add3A_22 : vector<10240x64xf32>
    %logistic3A = arith.negf %add3A_23 : vector<10240x64xf32>
    %logistic3A_24 = math.exp %logistic3A : vector<10240x64xf32>
    %logistic3A_25 = arith.constant 1.000000e+00 : f32
    %logistic3A_26 = vector.broadcast %logistic3A_25 : f32 to vector<10240x64xf32>
    %logistic3A_27 = arith.addf %logistic3A_26, %logistic3A_24 : vector<10240x64xf32>
    %logistic3A_28 = arith.divf %logistic3A_26, %logistic3A_27 : vector<10240x64xf32>
    %mul3A_29 = arith.mulf %add3A_23, %logistic3A_28 : vector<10240x64xf32>
    %add3A_30 = arith.addf %get3A_19, %mul3A_29 : vector<10240x64xf32>
    %get3A_31 = arith.constant 0 : index
    %get3A_32 = arith.constant 0 : index
    %get3A_33 = vector.load %arg5[%get3A_31, %get3A_32] : memref<64x64xf32, #tpu.memory_space<vmem>>, vector<64x64xf32>
    %dot_general3A_34 = arith.constant dense<0.000000e+00> : vector<10240x64xf32>
    %dot_general3A_35 = tpu.matmul %add3A_30, %get3A_33, %dot_general3A_34 {dimension_numbers = #tpu.dot_dimension_numbers<[1], [0], [0], [1], [0, 0, 1, 1], [], []>, transpose_lhs_hint = false} : vector<10240x64xf32>, vector<64x64xf32>, vector<10240x64xf32> -> vector<10240x64xf32>
    %get3A_36 = arith.constant 0 : index
    %get3A_37 = vector.load %arg6[%get3A_36] : memref<64xf32, #tpu.memory_space<vmem>>, vector<64xf32>
    %broadcast_in_dim3A_38 = vector.shape_cast %get3A_37 : vector<64xf32> to vector<1x64xf32>
    %add3A_39 = vector.broadcast %broadcast_in_dim3A_38 : vector<1x64xf32> to vector<10240x64xf32>
    %add3A_40 = arith.addf %dot_general3A_35, %add3A_39 : vector<10240x64xf32>
    %logistic3A_41 = arith.negf %add3A_40 : vector<10240x64xf32>
    %logistic3A_42 = math.exp %logistic3A_41 : vector<10240x64xf32>
    %logistic3A_43 = arith.constant 1.000000e+00 : f32
    %logistic3A_44 = vector.broadcast %logistic3A_43 : f32 to vector<10240x64xf32>
    %logistic3A_45 = arith.addf %logistic3A_44, %logistic3A_42 : vector<10240x64xf32>
    %logistic3A_46 = arith.divf %logistic3A_44, %logistic3A_45 : vector<10240x64xf32>
    %mul3A_47 = arith.mulf %add3A_40, %logistic3A_46 : vector<10240x64xf32>
    %get3A_48 = arith.constant 0 : index
    %get3A_49 = arith.constant 0 : index
    %get3A_50 = vector.load %arg7[%get3A_48, %get3A_49] : memref<64x3xf32, #tpu.memory_space<vmem>>, vector<64x3xf32>
    %dot_general3A_51 = arith.constant dense<0.000000e+00> : vector<10240x3xf32>
    %dot_general3A_52 = tpu.matmul %mul3A_47, %get3A_50, %dot_general3A_51 {dimension_numbers = #tpu.dot_dimension_numbers<[1], [0], [0], [1], [0, 0, 1, 1], [], []>, transpose_lhs_hint = false} : vector<10240x64xf32>, vector<64x3xf32>, vector<10240x3xf32> -> vector<10240x3xf32>
    %get3A_53 = arith.constant 0 : index
    %get3A_54 = vector.load %arg8[%get3A_53] : memref<3xf32, #tpu.memory_space<vmem>>, vector<3xf32>
    %broadcast_in_dim3A_55 = vector.shape_cast %get3A_54 : vector<3xf32> to vector<1x3xf32>
    %add3A_56 = vector.broadcast %broadcast_in_dim3A_55 : vector<1x3xf32> to vector<10240x3xf32>
    %add3A_57 = arith.addf %dot_general3A_52, %add3A_56 : vector<10240x3xf32>
    %swap3A = arith.constant 0 : index
    %swap3A_58 = arith.constant 0 : index
    %swap3A_59 = vector.load %arg9[%swap3A, %swap3A_58] : memref<10240x3xf32, #tpu.memory_space<vmem>>, vector<10240x3xf32>
    tpu.vector_store %arg9[%swap3A, %swap3A_58], %add3A_57 {strides = array<i32>} : memref<10240x3xf32, #tpu.memory_space<vmem>>, vector<10240x3xf32>,
    return
  }
}

</mosaic_0001>

<sc_bundles>
// kernel: kernel.12.cloned.1.call-start
scs
__scs_entry_jumppad:
0x0: {  	(pc) =	sbr.rel $0x88, $3  }
0x1: {  	(tag) =	ssettag $0x0;
	lr =	simm.s32 $0x1  }
0x2: {  	[smem:$0x3F95] =	sst lr;
	_ =	strace $0xD0000000  }
0x3: {  	_ = 	snop  }
0x4: {  	_ = 	snop  }
0x5: {  	_ = 	snop  }
0x6: {  	_ = 	snop  }
0x7: {  	_ = 	snop  }
__scs_overlays_trampoline_lowered:
0x8: {  	[smem:$0x3FA4] =	sst s0  }
0x9: {  	[smem:$0x3FA5] =	sst s1  }
0xa: {  	[smem:$0x3FA6] =	sst s2  }
0xb: {  	[smem:$0x3FA7] =	sst s3  }
0xc: {  	[smem:$0x3FA8] =	sst s4  }
0xd: {  	[smem:$0x3FA9] =	sst s5  }
0xe: {  	[smem:$0x3FAA] =	sst s6  }
0xf: {  	[smem:$0x3FAB] =	sst s7  }
0x10: {  	[smem:$0x3FAC] =	sst s8  }
0x11: {  	[smem:$0x3FAD] =	sst s9;
	s0 =	simm.s32 @!p0 $0x0  }
0x12: {  	s1 =	sld [smem:$0x3F93];
	s0 =	simm.s32 @p0 $0x1  }
0x13: {  	[smem:$0x3FAE] =	sst s0;
	s0 =	simm.s32 @!p1 $0x0  }
0x14: {  	s2 =	sld [smem:$0x3F92];
	s0 =	simm.s32 @p1 $0x1  }
0x15: {  	[smem:$0x3FAF] =	sst s0;
	s0 =	simm.s32 @!p2 $0x0  }
0x16: {  	s3 =	sld [smem:$0x3FDB];
	s0 =	simm.s32 @p2 $0x1  }
0x17: {  	s4 =	simm.s32 $0x1BF5;
	[smem:$0x3FB1] =	sst s0  }
0x18: {  	s0 =	sld [smem:$0x3F94];
	_ =	swait.ge [sflag:s4], $0x0  }
0x19: {  	s7 =	sld [smem:$0x3F95]  }
0x1a: {  	s8 =	sadd.s32 $0xFFFFE003, lr  }
0x1b: {  	s9 =	sadd.s32 $0xFFFFFEF7, lr;
	s5 =	simm.s32 $0xFFFFFFFF;
	p2 =	slt.u32 s8, $0xFFFFF086  }
0x1c: {  	p1 =	slt.u32 s9, $0xF7A;
	s5 =	simm.s32 @!p2 $0x0  }
0x1d: {  	s5 =	simm.s32 @p1 $0x1;
	p0 =	seq.s32 s7, s2  }
0x1e: {  	s7 =	smul.u32 @!p0 $0xF7A, s2;
	p2 =	seq.s32 @!p0 s5, $0x0  }
0x1f: {  	s9 =	smul.u32 $0xF7A, s1;
	s8 =	simm.s32 @!p0 $0x1BF5;
	p2 =	por !p2, p0  }
0x20: {  	[sflag:s8] =	ssyncset.s32 @!p0 $0xFFFFF086;
	s6 =	sadd.s32 @!p0 s3, s7;
	s7 =	simm.s32 @!p0 $0x108  }
0x21: {  	s3 =	sadd.s32 s3, s9;
	s6 =	sadd.s32 @!p0 $0x88, s6;
	s7 =	simm.s32 @p2 $0x1082  }
0x22: {  	[simem:s7], [sflag:s8] =	dma.local @!p0 [hbm:s6], $0xF7A  }
0x23: {  	s9 =	sor.u32 $0xD0000000, s2;
	s6 =	simm.s32 $0x108;
	_ =	swait.ge @!p0 [sflag:s8], $0x0  }
0x24: {  	s3 =	sadd.s32 $0x88, s3;
	s6 =	simm.s32 @!p1 $0x1082;
	[sflag:s4] =	ssyncset.s32 $0xFFFFF086  }
0x25: {  	[simem:s6], [sflag:s4] =	dma.local [hbm:s3], $0xF7A  }
0x26: {  	[smem:$0x3F95] =	sst s1;
	(tag) =	ssettag s2;
	_ =	strace s9  }
0x27: {  	s1 =	sld [smem:$0x3FA5]  }
0x28: {  	s2 =	sld [smem:$0x3FA6]  }
0x29: {  	s4 =	sld [smem:$0x3FA8]  }
0x2a: {  	p0 =	seq.s32 s5, $0x0;
	s5 =	sld [smem:$0x3FA9]  }
0x2b: {  	s6 =	sld [smem:$0x3FAA]  }
0x2c: {  	s7 =	sld [smem:$0x3FAB]  }
0x2d: {  	s3 =	simm.s32 $0x108;
	s8 =	sld [smem:$0x3FAC]  }
0x2e: {  	s3 =	simm.s32 @!p0 $0x1082;
	s9 =	sld [smem:$0x3FAD]  }
0x2f: {  	lr =	sadd.s32 s0, s3;
	s0 =	sld [smem:$0x3FA4]  }
0x30: {  	s3 =	sld [smem:$0x3FA7]  }
0x31: {  	[smem:$0x3FB0] =	sst s10  }
0x32: {  	s10 =	sld [smem:$0x3FAE];
	_ =	sdelay $0x3  }
0x33: {  	p0 =	seq.s32 s10, $0x1;
	s10 =	sld [smem:$0x3FB0];
	_ =	sdelay $0x3  }
0x34: {  	[smem:$0x3FB0] =	sst s10  }
0x35: {  	s10 =	sld [smem:$0x3FAF];
	_ =	sdelay $0x3  }
0x36: {  	p1 =	seq.s32 s10, $0x1;
	s10 =	sld [smem:$0x3FB0];
	_ =	sdelay $0x3  }
0x37: {  	[smem:$0x3FB0] =	sst s10  }
0x38: {  	s10 =	sld [smem:$0x3FB1]  }
0x39: {  	_ = 	snop;
	(pc) =	sbr.ind lr, $3  }
0x3a: {  	_ = 	snop  }
0x3b: {  	_ = 	snop  }
0x3c: {  	p2 =	seq.s32 s10, $0x1;
	s10 =	sld [smem:$0x3FB0]  }
0x3d: {  	_ =	shalt  }
0x3e: {  	_ =	shalt  }
0x3f: {  	_ =	shalt  }
0x40: {  	_ =	shalt  }
0x41: {  	_ =	shalt  }
0x42: {  	_ =	shalt  }
0x43: {  	_ =	shalt  }
0x44: {  	_ =	shalt  }
0x45: {  	_ =	shalt  }
0x46: {  	_ =	shalt  }
0x47: {  	_ =	shalt  }
0x48: {  	_ =	shalt  }
0x49: {  	_ =	shalt  }
0x4a: {  	_ =	shalt  }
0x4b: {  	_ =	shalt  }
0x4c: {  	_ =	shalt  }
0x4d: {  	_ =	shalt  }
0x4e: {  	_ =	shalt  }
0x4f: {  	_ =	shalt  }
0x50: {  	_ =	shalt  }
0x51: {  	_ =	shalt  }
0x52: {  	_ =	shalt  }
0x53: {  	_ =	shalt  }
0x54: {  	_ =	shalt  }
0x55: {  	_ =	shalt  }
0x56: {  	_ =	shalt  }
0x57: {  	_ =	shalt  }
0x58: {  	_ =	shalt  }
0x59: {  	_ =	shalt  }
0x5a: {  	_ =	shalt  }
0x5b: {  	_ =	shalt  }
0x5c: {  	_ =	shalt  }
0x5d: {  	_ =	shalt  }
0x5e: {  	_ =	shalt  }
0x5f: {  	_ =	shalt  }
0x60: {  	_ =	shalt  }
0x61: {  	_ =	shalt  }
0x62: {  	_ =	shalt  }
0x63: {  	_ =	shalt  }
0x64: {  	_ =	shalt  }
0x65: {  	_ =	shalt  }
0x66: {  	_ =	shalt  }
0x67: {  	_ =	shalt  }
0x68: {  	_ =	shalt  }
0x69: {  	_ =	shalt  }
0x6a: {  	_ =	shalt  }
0x6b: {  	_ =	shalt  }
0x6c: {  	_ =	shalt  }
0x6d: {  	_ =	shalt  }
0x6e: {  	_ =	shalt  }
0x6f: {  	_ =	shalt  }
0x70: {  	_ =	shalt  }
0x71: {  	_ =	shalt  }
0x72: {  	_ =	shalt  }
0x73: {  	_ =	shalt  }
0x74: {  	_ =	shalt  }
0x75: {  	_ =	shalt  }
0x76: {  	_ =	shalt  }
0x77: {  	_ =	shalt  }
0x78: {  	_ =	shalt  }
0x79: {  	_ =	shalt  }
0x7a: {  	_ =	shalt  }
0x7b: {  	_ =	shalt  }
0x7c: {  	_ =	shalt  }
0x7d: {  	_ =	shalt  }
0x7e: {  	_ =	shalt  }
0x7f: {  	_ =	shalt  }
0x80: {  	_ =	shalt  }
0x81: {  	_ =	shalt  }
0x82: {  	_ =	shalt  }
0x83: {  	_ =	shalt  }
0x84: {  	_ =	shalt  }
0x85: {  	_ =	shalt  }
0x86: {  	_ =	shalt  }
0x87: {  	_ =	shalt  }
.Lfunc_end0:
.L_simem_size_0:
called_computation_lowered:
.L_overlay_start_0:
0x88: {  	s2 =	sld [smem:$0x3FD9]  }
0x89: {  	s3 =	sld [smem:$0x3FFE];
	_ =	sdelay $0x1  }
0x8a: {  	s1 =	srdreg.scid  }
0x8b: {  	s0 =	sand.u32 $0x1, s1  }
0x8c: {  	s17 =	sshll.u32 s0, $0xA;
	s2 =	sadd.s32 s3, s2  }
0x8d: {  	s2 =	sadd.s32 s2, s17  }
0x8e: {  	[smem:$0x3FBC] =	sst s2  }
0x8f: {  	_ = 	snop  }
0x90: {  	s2 =	sld [smem:$0x3FD0];
	(tm) =	ssettm $0x1  }
0x91: {  	s18 =	sld [smem:$0x3FFB];
	_ =	sdelay $0x3  }
0x92: {  	_ =	strace s18  }
0x93: {  	s3 =	sld [smem:$0x3FFC];
	_ =	sdelay $0x3  }
0x94: {  	_ =	strace s3  }
0x95: {  	s3 =	sld [smem:$0x3FFD];
	_ =	sdelay $0x3  }
0x96: {  	_ =	strace s3  }
0x97: {  	_ =	strace $0x8FFFFFFF  }
0x98: {  	s19 =	sld [smem:$0x3FDB];
	_ =	sdelay $0x1  }
0x99: {  	s4 =	simm.s32 $_scs_section_size  }
0x9a: {  	s5 =	simm.s32 $_size__tile_overlayer_lowered;
	s6 =	simm.s32 $_tile_overlayer_lowered  }
0x9b: {  	s22 =	simm.s32 $0x1BFF;
	s21 =	sshll.u32 s6, $0x1;
	s3 =	sadd.s32 s4, s19  }
0x9c: {  	s7 =	simm.s32 $0x0;
	s20 =	sshll.u32 s5, $0x1;
	s5 =	sadd.s32 s21, s3  }
0x9d: {  	[timem:s7], [sflag:s22] =	dma.local [hbm:s5], s20  }
0x9e: {  	_ =	swait.ge [sflag:s22], s20  }
0x9f: {  	s4 =	ssub.s32 $0x0, s20;
	[sflag:s22] =	ssyncset.done $0x0  }
0xa0: {  	[sflag:s22] =	ssyncadd.s32 s4;
	_ =	sdelay $0x1  }
0xa1: {  	s23 =	simm.s32 $0x1B8B  }
0xa2: {  	_ =	swait.ge [sflag:s23], $0x1  }
0xa3: {  	[sflag:s23] =	ssyncset.done $0x0  }
0xa4: {  	s25 =	simm.s32 $0x1B8E;
	s24 =	sld [smem:$0x3FFE];
	[sflag:s23] =	ssyncadd.s32 $0xFFFFFFFF  }
0xa5: {  	s26 =	simm.s32 $execute0_lowered;
	[smem:$0x3FD2] =	sst s25  }
0xa6: {  	s5 =	sshll.u32 s26, $0x1;
	_ =	strace $0x80000046;
	[dreg:$0x1] =	wrdreg $0xFFFFFFFF  }
0xa7: {  	s28 =	simm.s32 $_size_execute0_lowered;
	s3 =	sadd.s32 s3, s5;
	[dreg:$0x0] =	wrdreg $0x0  }
0xa8: {  	s5 =	sshll.u32 s28, $0x1;
	[dreg:$0x2] =	wrdreg s3  }
0xa9: {  	[dreg:$0x3] =	wrdreg s5  }
0xaa: {  	[dreg:$0x4] =	wrdreg $0xC0  }
0xab: {  	_ =	task [dreg:s7], $0x5FFFF  }
0xac: {  	[dreg:$0x1] =	wrdreg $0xFFFFFFFF  }
0xad: {  	[dreg:$0x0] =	wrdreg $0x60  }
0xae: {  	[dreg:$0x2] =	wrdreg s24  }
0xaf: {  	[dreg:$0x3] =	wrdreg s2  }
0xb0: {  	[dreg:$0x4] =	wrdreg $0x0  }
0xb1: {  	[dreg:$0x5] =	wrdreg $0x9  }
0xb2: {  	_ =	task.clear_ibuf [dreg:s7], $0x6FFFF;
	_ =	strace $0x90000046  }
0xb3: {  	s29 =	simm.s32 $0x9;
	_ =	strace $0x80000048  }
0xb4: {  	_ =	swait.ge [sflag:s29], $0x1  }
0xb5: {  	[sflag:s29] =	ssyncadd.s32 $0xFFFFFFFF  }
0xb6: {  	_ =	strace $0x90000048  }
0xb7: {  	_ =	sfence  }
0xb8: {  	s30 =	sld [smem:$0x0];
	_ =	sdelay $0x2  }
0xb9: {  	s31 =	sshll.u32 s1, $0xD;
	s1 =	sshrl.u32 s1, $0x2  }
0xba: {  	s3 =	sand.u32 $0x4000, s31;
	s1 =	sadd.s32 s1, s30  }
0xbb: {  	s0 =	sor.u32 s3, s0;
	s1 =	sshll.u32 s1, $0x11  }
0xbc: {  	s0 =	sor.u32 s1, s0  }
0xbd: {  	s0 =	sadd.s32 $0x8F2B, s0  }
0xbe: {  	[sflag:s0] =	ssyncadd.remote.s32 $0x1  }
0xbf: {  	_ =	sfence.sel $0xFFFF  }
0xc0: {  	[dreg:$0x0] =	wrdreg $0xFFFFFFFF;
	(pc) =	sbr.abs _section_cstart, $3  }
0xc1: {  	[dreg:$0x1] =	wrdreg $0xFFFFFFFF  }
0xc2: {  	_ =	task.clear_ibuf [dreg:s7], $0x2FFFF;
	_ =	strace $0x9FFFFFFF  }
0xc3: {  	(tm) =	ssettm $0x7FFFFFFF  }
tec
execute0_lowered:
.L_overlay_start_1:
0x0: {  	(tag) =	ssettag $0x1  }
0x1: {  	s7 =	rddreg [dreg:$0x0]  }
0x2: {  	s2 =	rddreg [dreg:$0x1]  }
0x3: {  	s0 =	stileid.u32;
	s1 =	srdreg.scid  }
0x4: {  	s3 =	rddreg [dreg:$0x2];
	s4 =	simm.s32 $0x0;
	s14 =	simm.s32 $0x3A00  }
0x5: {  	s15 =	simm.s32 $0x50;
	s16 =	simm.s32 $0x1;
	s5 =	smul.u32 $0x1400, s0  }
0x6: {  	s6 =	sand.u32 $0x1, s1;
	s1 =	rddreg [dreg:$0x3];
	s13 =	smul.u32 $0x4E20, s0  }
0x7: {  	s17 =	simm.s32 $0x0;
	[smem:$0x7FF] =	sst s4;
	s29 =	smul.u32 $0x9C4, s0  }
0x8: {  	s12 =	sshll.u32 s0, $0x6;
	s8 =	smul.u32 $0x14000, s6;
	_ =	strace $0x80000047  }
0x9: {  	s10 =	ssub.s32 $0x2, s6;
	p0 =	seq.s32 s6, $0x1;
	s6 =	sor.u32 $0x1C02, s12  }
0xa: {  	s9 =	sshrl.u32 s5, $0x3;
	s11 =	sshrl.u32 s10, $0x1;
	s28 =	sadd.s32 s5, s3  }
0xb: {  	s14 =	simm.s32 @!p0 $0xD800;
	s30 =	sshrl.u32 s13, $0x3;
	s13 =	simm.s32 $0x6220  }
0xc: {  	s8 =	sadd.s32 s5, s8;
	s9 =	sadd.s32 s9, s7;
	s10 =	ssub.s32 s10, s11  }
0xd: {  	s31 =	sadd.s32 s14, s7;
	s11 =	sshrl.u32 s28, $0x3;
	s8 =	sshrl.u32 s8, $0x3  }
0xe: {  	s14 =	simm.s32 $0x3B10;
	s5 =	sadd.s32 $0x17600, s9;
	s8 =	sadd.s32 s8, s7  }
0xf: {  	s12 =	sadd.s32 s31, s30;
	s9 =	sadd.s32 s31, s29;
	s7 =	sadd.s32 $0x19E00, s8  }
0x10: {  	s8 =	smax.u32 s10, $0x1;
	s10 =	sadd.s32 $0x4E2, s12;
	s12 =	simm.s32 $0x2  }
.LBB2_1:
0x11: {  	[spmem:s11], [sflag:s6] =	dma.local [hbm:s5], $0x280  }
0x12: {  	_ =	swait.ge [sflag:s12], $0x280  }
0x13: {  	[sflag:s12] =	ssyncset.done $0x0  }
0x14: {  	[sflag:s12] =	ssyncadd.s32 $0xFFFFFD80  }
0x15: {  	[tilespmem:s13], [sflag:$0x2] =	stream.linear.gather [hbm4b:s2+s4], $0x280, $0x38;
	[tilespmem:$0x64A0] =	vst v63  }
0x16: {  	_ =	swait.ge [sflag:s12], $0x280  }
0x17: {  	[sflag:s12] =	ssyncset.done $0x0  }
0x18: {  	s18 =	simm.s32 $0x1400;
	[sflag:s12] =	ssyncadd.s32 $0xFFFFFD80  }
0x19: {  	[tilespmem:s18], [sflag:$0x2] =	stream.linear.gather [hbm4b:s9+s4], $0x2710, $0x38;
	[tilespmem:$0x64A0] =	vst v63  }
0x1a: {  	_ =	swait.ge [sflag:s12], $0x2710  }
0x1b: {  	[sflag:s12] =	ssyncset.done $0x0  }
0x1c: {  	[sflag:s12] =	ssyncadd.s32 $0xFFFFD8F0  }
0x1d: {  	[tilespmem:s14], [sflag:$0x2] =	stream.linear.gather [hbm4b:s10+s4], $0x2710, $0x38;
	[tilespmem:$0x64A0] =	vst v63  }
0x1e: {  	_ =	swait.ge [sflag:s12], $0x2710  }
0x1f: {  	[sflag:s12] =	ssyncset.done $0x0  }
0x20: {  	p0 =	por $0x1, $0x1;
	[sflag:s12] =	ssyncadd.s32 $0xFFFFD8F0  }
0x21: {  	s20 =	simm.s32 @!p0 $0x1;
	[bflag:$0x0] =	sbarrier.arrive $0xFFFF  }
0x22: {  	[spmem:s3] =	stream.indirect.scatter.add.f32 [tilespmem:s13], [sflag:$0x1], $0x8, s18, s15, $0xb8;
	[tilespmem:$0x64A0] =	vst v63  }
0x23: {  	_ =	swait.ge @!p0 [sflag:s20], $0x280  }
0x24: {  	s19 =	simm.s32 $0x1;
	[sflag:s20] =	ssyncset.done @!p0 $0x0  }
.LBB2_2:
0x25: {  	[sflag:s20] =	ssyncadd.s32 @!p0 $0xFFFFFD80  }
0x26: {  	s18 =	sadd.s32 $0x50, s18;
	s20 =	smov.u32 s19;
	s19 =	sadd.s32 $0x1, s19  }
0x27: {  	p1 =	sne.s32 s19, $0x7D  }
0x28: {  	[spmem:s3] =	stream.indirect.scatter.add.f32 [tilespmem:s13], [sflag:$0x1], $0x8, s18, s15, $0xb8;
	[tilespmem:$0x64A0] =	vst v63  }
.Ltmp0:
0x29: {  	_ = 	snop;
	(pc) =	sbr.rel @p1 .LBB2_2-.Ltmp0, $4  }
0x2a: {  	p0 =	slt.u32 s20, $0x8  }
0x2b: {  	s20 =	simm.s32 @!p0 $0x1  }
0x2c: {  	_ =	swait.ge @!p0 [sflag:s20], $0x280  }
0x2d: {  	[sflag:s20] =	ssyncset.done @!p0 $0x0  }
0x2e: {  	[sflag:s20] =	ssyncadd.s32 @!p0 $0xFFFFFD80  }
0x2f: {  	_ =	swait.ge [sflag:s16], $0x280  }
0x30: {  	[sflag:s16] =	ssyncset.done $0x0  }
0x31: {  	[sflag:s16] =	ssyncadd.s32 $0xFFFFFD80  }
0x32: {  	_ =	swait.ge [sflag:s16], $0x280  }
0x33: {  	[sflag:s16] =	ssyncset.done $0x0  }
0x34: {  	[sflag:s16] =	ssyncadd.s32 $0xFFFFFD80  }
0x35: {  	_ =	swait.ge [sflag:s16], $0x280  }
0x36: {  	[sflag:s16] =	ssyncset.done $0x0  }
0x37: {  	[sflag:s16] =	ssyncadd.s32 $0xFFFFFD80  }
0x38: {  	_ =	swait.ge [sflag:s16], $0x280  }
0x39: {  	[sflag:s16] =	ssyncset.done $0x0  }
0x3a: {  	[sflag:s16] =	ssyncadd.s32 $0xFFFFFD80  }
0x3b: {  	_ =	swait.ge [sflag:s16], $0x280  }
0x3c: {  	[sflag:s16] =	ssyncset.done $0x0  }
0x3d: {  	[sflag:s16] =	ssyncadd.s32 $0xFFFFFD80  }
0x3e: {  	_ =	swait.ge [sflag:s16], $0x280  }
0x3f: {  	[sflag:s16] =	ssyncset.done $0x0  }
0x40: {  	[sflag:s16] =	ssyncadd.s32 $0xFFFFFD80  }
0x41: {  	_ =	swait.ge [sflag:s16], $0x280  }
0x42: {  	[sflag:s16] =	ssyncset.done $0x0  }
0x43: {  	[sflag:s16] =	ssyncadd.s32 $0xFFFFFD80  }
0x44: {  	_ =	swait.ge [sflag:s16], $0x280  }
0x45: {  	p0 =	por $0x1, $0x1;
	[sflag:s16] =	ssyncset.done $0x0  }
0x46: {  	s18 =	simm.s32 $0x3B10;
	s20 =	simm.s32 @!p0 $0x1;
	[sflag:s16] =	ssyncadd.s32 $0xFFFFFD80  }
0x47: {  	[spmem:s3] =	stream.indirect.scatter.add.f32 [tilespmem:s13], [sflag:$0x1], $0x8, s18, s15, $0xb8;
	[tilespmem:$0x64A0] =	vst v63  }
0x48: {  	_ =	swait.ge @!p0 [sflag:s20], $0x280  }
0x49: {  	s19 =	simm.s32 $0x1;
	[sflag:s20] =	ssyncset.done @!p0 $0x0  }
.LBB2_4:
0x4a: {  	[sflag:s20] =	ssyncadd.s32 @!p0 $0xFFFFFD80  }
0x4b: {  	s18 =	sadd.s32 $0x50, s18;
	s20 =	smov.u32 s19;
	s19 =	sadd.s32 $0x1, s19  }
0x4c: {  	p1 =	sne.s32 s19, $0x7D  }
0x4d: {  	[spmem:s3] =	stream.indirect.scatter.add.f32 [tilespmem:s13], [sflag:$0x1], $0x8, s18, s15, $0xb8;
	[tilespmem:$0x64A0] =	vst v63  }
.Ltmp1:
0x4e: {  	_ = 	snop;
	(pc) =	sbr.rel @p1 .LBB2_4-.Ltmp1, $4  }
0x4f: {  	p0 =	slt.u32 s20, $0x8  }
0x50: {  	s20 =	simm.s32 @!p0 $0x1  }
0x51: {  	_ =	swait.ge @!p0 [sflag:s20], $0x280  }
0x52: {  	[sflag:s20] =	ssyncset.done @!p0 $0x0  }
0x53: {  	[sflag:s20] =	ssyncadd.s32 @!p0 $0xFFFFFD80  }
0x54: {  	_ =	swait.ge [sflag:s16], $0x280  }
0x55: {  	[sflag:s16] =	ssyncset.done $0x0  }
0x56: {  	[sflag:s16] =	ssyncadd.s32 $0xFFFFFD80  }
0x57: {  	_ =	swait.ge [sflag:s16], $0x280  }
0x58: {  	[sflag:s16] =	ssyncset.done $0x0  }
0x59: {  	[sflag:s16] =	ssyncadd.s32 $0xFFFFFD80  }
0x5a: {  	_ =	swait.ge [sflag:s16], $0x280  }
0x5b: {  	[sflag:s16] =	ssyncset.done $0x0  }
0x5c: {  	[sflag:s16] =	ssyncadd.s32 $0xFFFFFD80  }
0x5d: {  	_ =	swait.ge [sflag:s16], $0x280  }
0x5e: {  	[sflag:s16] =	ssyncset.done $0x0  }
0x5f: {  	[sflag:s16] =	ssyncadd.s32 $0xFFFFFD80  }
0x60: {  	_ =	swait.ge [sflag:s16], $0x280  }
0x61: {  	[sflag:s16] =	ssyncset.done $0x0  }
0x62: {  	[sflag:s16] =	ssyncadd.s32 $0xFFFFFD80  }
0x63: {  	_ =	swait.ge [sflag:s16], $0x280  }
0x64: {  	[sflag:s16] =	ssyncset.done $0x0  }
0x65: {  	[sflag:s16] =	ssyncadd.s32 $0xFFFFFD80  }
0x66: {  	_ =	swait.ge [sflag:s16], $0x280  }
0x67: {  	[sflag:s16] =	ssyncset.done $0x0  }
0x68: {  	[sflag:s16] =	ssyncadd.s32 $0xFFFFFD80  }
0x69: {  	_ =	swait.ge [sflag:s16], $0x280  }
0x6a: {  	s17 =	sadd.s32 $0x1, s17;
	[sflag:s16] =	ssyncset.done $0x0  }
0x6b: {  	p0 =	sne.s32 s17, s8;
	[sflag:s16] =	ssyncadd.s32 $0xFFFFFD80  }
.Ltmp2:
0x6c: {  	[bflag:$0x0] =	sbarrier.arrive $0xFFFF;
	(pc) =	sbr.rel @p0 .LBB2_1-.Ltmp2, $4  }
0x6d: {  	[hbm:s7], [sflag:s6] =	dma.local [spmem:s11], $0x280  }
0x6e: {  	_ =	swait.ge [sflag:s12], $0x280  }
0x6f: {  	[sflag:s12] =	ssyncset.done $0x0  }
0x70: {  	[sflag:s12] =	ssyncadd.s32 $0xFFFFFD80  }
0x71: {  	_ =	sfence.sel $0x180000  }
0x72: {  	[bflag:$0x0] =	sbarrier.arrive $0xFFFF  }
0x73: {  	p0 =	sne.s32 s0, $0x0;
	_ =	strace $0x90000047  }
0x74: {  	s0 =	sadd.s32 @!p0 $0x100000, s1;
	[bflag:$0x2] =	sbarrier.arrive $0xFFFF  }
0x75: {  	[sflag:s0] =	ssyncadd.tile.s32 @!p0 $0x1;
	_ =	shalt  }
.Lfunc_end2:
_tile_overlayer_lowered:
.L_overlay_start_2:
0x76: {  	(tag) =	ssettag $0x2  }
0x77: {  	s0 =	rddreg [dreg:$0x0];
	s2 =	stileid.u32  }
0x78: {  	s1 =	rddreg [dreg:$0x1];
	p0 =	sne.s32 s2, $0x0  }
0x79: {  	s3 =	rddreg [dreg:$0x2];
	[bflag:$0x3] =	sbarrier.arrive $0xFFFF;
	s2 =	simm.s32 @!p0 $0x1C02  }
0x7a: {  	[timem:s3], [sflag:s2] =	dma.local @!p0 [hbm:s0], s1  }
0x7b: {  	s0 =	simm.s32 @!p0 $0x2  }
0x7c: {  	_ =	swait.ge @!p0 [sflag:s0], s1  }
0x7d: {  	s1 =	ssub.s32 @!p0 $0x0, s1;
	[sflag:s0] =	ssyncset.done @!p0 $0x0  }
0x7e: {  	[sflag:s0] =	ssyncadd.s32 @!p0 s1  }
0x7f: {  	[bflag:$0x3] =	sbarrier.arrive $0xFFFF  }
0x80: {  	_ =	shalt  }

// kernel: kernel.15.cloned.1.call-start
scs
__scs_entry_jumppad:
0x0: {  	(pc) =	sbr.rel $0x88, $3  }
0x1: {  	(tag) =	ssettag $0x0;
	lr =	simm.s32 $0x1  }
0x2: {  	[smem:$0x3F95] =	sst lr;
	_ =	strace $0xD0000000  }
0x3: {  	_ = 	snop  }
0x4: {  	_ = 	snop  }
0x5: {  	_ = 	snop  }
0x6: {  	_ = 	snop  }
0x7: {  	_ = 	snop  }
__scs_overlays_trampoline_lowered:
0x8: {  	[smem:$0x3FA4] =	sst s0  }
0x9: {  	[smem:$0x3FA5] =	sst s1  }
0xa: {  	[smem:$0x3FA6] =	sst s2  }
0xb: {  	[smem:$0x3FA7] =	sst s3  }
0xc: {  	[smem:$0x3FA8] =	sst s4  }
0xd: {  	[smem:$0x3FA9] =	sst s5  }
0xe: {  	[smem:$0x3FAA] =	sst s6  }
0xf: {  	[smem:$0x3FAB] =	sst s7  }
0x10: {  	[smem:$0x3FAC] =	sst s8  }
0x11: {  	[smem:$0x3FAD] =	sst s9;
	s0 =	simm.s32 @!p0 $0x0  }
0x12: {  	s1 =	sld [smem:$0x3F93];
	s0 =	simm.s32 @p0 $0x1  }
0x13: {  	[smem:$0x3FAE] =	sst s0;
	s0 =	simm.s32 @!p1 $0x0  }
0x14: {  	s2 =	sld [smem:$0x3F92];
	s0 =	simm.s32 @p1 $0x1  }
0x15: {  	[smem:$0x3FAF] =	sst s0;
	s0 =	simm.s32 @!p2 $0x0  }
0x16: {  	s3 =	sld [smem:$0x3FDB];
	s0 =	simm.s32 @p2 $0x1  }
0x17: {  	s4 =	simm.s32 $0x1BF5;
	[smem:$0x3FB1] =	sst s0  }
0x18: {  	s0 =	sld [smem:$0x3F94];
	_ =	swait.ge [sflag:s4], $0x0  }
0x19: {  	s7 =	sld [smem:$0x3F95]  }
0x1a: {  	s8 =	sadd.s32 $0xFFFFE003, lr  }
0x1b: {  	s9 =	sadd.s32 $0xFFFFFEF7, lr;
	s5 =	simm.s32 $0xFFFFFFFF;
	p2 =	slt.u32 s8, $0xFFFFF086  }
0x1c: {  	p1 =	slt.u32 s9, $0xF7A;
	s5 =	simm.s32 @!p2 $0x0  }
0x1d: {  	s5 =	simm.s32 @p1 $0x1;
	p0 =	seq.s32 s7, s2  }
0x1e: {  	s7 =	smul.u32 @!p0 $0xF7A, s2;
	p2 =	seq.s32 @!p0 s5, $0x0  }
0x1f: {  	s9 =	smul.u32 $0xF7A, s1;
	s8 =	simm.s32 @!p0 $0x1BF5;
	p2 =	por !p2, p0  }
0x20: {  	[sflag:s8] =	ssyncset.s32 @!p0 $0xFFFFF086;
	s6 =	sadd.s32 @!p0 s3, s7;
	s7 =	simm.s32 @!p0 $0x108  }
0x21: {  	s3 =	sadd.s32 s3, s9;
	s6 =	sadd.s32 @!p0 $0x88, s6;
	s7 =	simm.s32 @p2 $0x1082  }
0x22: {  	[simem:s7], [sflag:s8] =	dma.local @!p0 [hbm:s6], $0xF7A  }
0x23: {  	s9 =	sor.u32 $0xD0000000, s2;
	s6 =	simm.s32 $0x108;
	_ =	swait.ge @!p0 [sflag:s8], $0x0  }
0x24: {  	s3 =	sadd.s32 $0x88, s3;
	s6 =	simm.s32 @!p1 $0x1082;
	[sflag:s4] =	ssyncset.s32 $0xFFFFF086  }
0x25: {  	[simem:s6], [sflag:s4] =	dma.local [hbm:s3], $0xF7A  }
0x26: {  	[smem:$0x3F95] =	sst s1;
	(tag) =	ssettag s2;
	_ =	strace s9  }
0x27: {  	s1 =	sld [smem:$0x3FA5]  }
0x28: {  	s2 =	sld [smem:$0x3FA6]  }
0x29: {  	s4 =	sld [smem:$0x3FA8]  }
0x2a: {  	p0 =	seq.s32 s5, $0x0;
	s5 =	sld [smem:$0x3FA9]  }
0x2b: {  	s6 =	sld [smem:$0x3FAA]  }
0x2c: {  	s7 =	sld [smem:$0x3FAB]  }
0x2d: {  	s3 =	simm.s32 $0x108;
	s8 =	sld [smem:$0x3FAC]  }
0x2e: {  	s3 =	simm.s32 @!p0 $0x1082;
	s9 =	sld [smem:$0x3FAD]  }
0x2f: {  	lr =	sadd.s32 s0, s3;
	s0 =	sld [smem:$0x3FA4]  }
0x30: {  	s3 =	sld [smem:$0x3FA7]  }
0x31: {  	[smem:$0x3FB0] =	sst s10  }
0x32: {  	s10 =	sld [smem:$0x3FAE];
	_ =	sdelay $0x3  }
0x33: {  	p0 =	seq.s32 s10, $0x1;
	s10 =	sld [smem:$0x3FB0];
	_ =	sdelay $0x3  }
0x34: {  	[smem:$0x3FB0] =	sst s10  }
0x35: {  	s10 =	sld [smem:$0x3FAF];
	_ =	sdelay $0x3  }
0x36: {  	p1 =	seq.s32 s10, $0x1;
	s10 =	sld [smem:$0x3FB0];
	_ =	sdelay $0x3  }
0x37: {  	[smem:$0x3FB0] =	sst s10  }
0x38: {  	s10 =	sld [smem:$0x3FB1]  }
0x39: {  	_ = 	snop;
	(pc) =	sbr.ind lr, $3  }
0x3a: {  	_ = 	snop  }
0x3b: {  	_ = 	snop  }
0x3c: {  	p2 =	seq.s32 s10, $0x1;
	s10 =	sld [smem:$0x3FB0]  }
0x3d: {  	_ =	shalt  }
0x3e: {  	_ =	shalt  }
0x3f: {  	_ =	shalt  }
0x40: {  	_ =	shalt  }
0x41: {  	_ =	shalt  }
0x42: {  	_ =	shalt  }
0x43: {  	_ =	shalt  }
0x44: {  	_ =	shalt  }
0x45: {  	_ =	shalt  }
0x46: {  	_ =	shalt  }
0x47: {  	_ =	shalt  }
0x48: {  	_ =	shalt  }
0x49: {  	_ =	shalt  }
0x4a: {  	_ =	shalt  }
0x4b: {  	_ =	shalt  }
0x4c: {  	_ =	shalt  }
0x4d: {  	_ =	shalt  }
0x4e: {  	_ =	shalt  }
0x4f: {  	_ =	shalt  }
0x50: {  	_ =	shalt  }
0x51: {  	_ =	shalt  }
0x52: {  	_ =	shalt  }
0x53: {  	_ =	shalt  }
0x54: {  	_ =	shalt  }
0x55: {  	_ =	shalt  }
0x56: {  	_ =	shalt  }
0x57: {  	_ =	shalt  }
0x58: {  	_ =	shalt  }
0x59: {  	_ =	shalt  }
0x5a: {  	_ =	shalt  }
0x5b: {  	_ =	shalt  }
0x5c: {  	_ =	shalt  }
0x5d: {  	_ =	shalt  }
0x5e: {  	_ =	shalt  }
0x5f: {  	_ =	shalt  }
0x60: {  	_ =	shalt  }
0x61: {  	_ =	shalt  }
0x62: {  	_ =	shalt  }
0x63: {  	_ =	shalt  }
0x64: {  	_ =	shalt  }
0x65: {  	_ =	shalt  }
0x66: {  	_ =	shalt  }
0x67: {  	_ =	shalt  }
0x68: {  	_ =	shalt  }
0x69: {  	_ =	shalt  }
0x6a: {  	_ =	shalt  }
0x6b: {  	_ =	shalt  }
0x6c: {  	_ =	shalt  }
0x6d: {  	_ =	shalt  }
0x6e: {  	_ =	shalt  }
0x6f: {  	_ =	shalt  }
0x70: {  	_ =	shalt  }
0x71: {  	_ =	shalt  }
0x72: {  	_ =	shalt  }
0x73: {  	_ =	shalt  }
0x74: {  	_ =	shalt  }
0x75: {  	_ =	shalt  }
0x76: {  	_ =	shalt  }
0x77: {  	_ =	shalt  }
0x78: {  	_ =	shalt  }
0x79: {  	_ =	shalt  }
0x7a: {  	_ =	shalt  }
0x7b: {  	_ =	shalt  }
0x7c: {  	_ =	shalt  }
0x7d: {  	_ =	shalt  }
0x7e: {  	_ =	shalt  }
0x7f: {  	_ =	shalt  }
0x80: {  	_ =	shalt  }
0x81: {  	_ =	shalt  }
0x82: {  	_ =	shalt  }
0x83: {  	_ =	shalt  }
0x84: {  	_ =	shalt  }
0x85: {  	_ =	shalt  }
0x86: {  	_ =	shalt  }
0x87: {  	_ =	shalt  }
.Lfunc_end0:
.L_simem_size_0:
called_computation.1_lowered:
.L_overlay_start_0:
0x88: {  	s2 =	sld [smem:$0x3FD9]  }
0x89: {  	s3 =	sld [smem:$0x3FFE];
	_ =	sdelay $0x1  }
0x8a: {  	s1 =	srdreg.scid  }
0x8b: {  	s0 =	sand.u32 $0x1, s1  }
0x8c: {  	s16 =	sshll.u32 s0, $0xA;
	s2 =	sadd.s32 s3, s2  }
0x8d: {  	s2 =	sadd.s32 s2, s16  }
0x8e: {  	[smem:$0x3FBC] =	sst s2  }
0x8f: {  	_ = 	snop  }
0x90: {  	(tm) =	ssettm $0x1  }
0x91: {  	s17 =	sld [smem:$0x3FFB];
	_ =	sdelay $0x3  }
0x92: {  	_ =	strace s17  }
0x93: {  	s2 =	sld [smem:$0x3FFC];
	_ =	sdelay $0x3  }
0x94: {  	_ =	strace s2  }
0x95: {  	s2 =	sld [smem:$0x3FFD];
	_ =	sdelay $0x3  }
0x96: {  	_ =	strace s2  }
0x97: {  	_ =	strace $0x8FFFFFFF  }
0x98: {  	s18 =	sld [smem:$0x3FDB];
	_ =	sdelay $0x1  }
0x99: {  	s19 =	simm.s32 $_scs_section_size  }
0x9a: {  	s4 =	simm.s32 $_size__tile_overlayer_lowered;
	s5 =	simm.s32 $_tile_overlayer_lowered  }
0x9b: {  	s22 =	simm.s32 $0x1BFF;
	s21 =	sshll.u32 s5, $0x1;
	s2 =	sadd.s32 s19, s18  }
0x9c: {  	s6 =	simm.s32 $0x0;
	s20 =	sshll.u32 s4, $0x1;
	s4 =	sadd.s32 s21, s2  }
0x9d: {  	[timem:s6], [sflag:s22] =	dma.local [hbm:s4], s20  }
0x9e: {  	_ =	swait.ge [sflag:s22], s20  }
0x9f: {  	s3 =	ssub.s32 $0x0, s20;
	[sflag:s22] =	ssyncset.done $0x0  }
0xa0: {  	[sflag:s22] =	ssyncadd.s32 s3;
	_ =	sdelay $0x1  }
0xa1: {  	s23 =	simm.s32 $0x1B8B  }
0xa2: {  	_ =	swait.ge [sflag:s23], $0x1  }
0xa3: {  	[sflag:s23] =	ssyncset.done $0x0  }
0xa4: {  	s25 =	simm.s32 $0x1B8E;
	s24 =	sld [smem:$0x3FFE];
	[sflag:s23] =	ssyncadd.s32 $0xFFFFFFFF  }
0xa5: {  	s26 =	simm.s32 $execute0_lowered;
	[smem:$0x3FD2] =	sst s25  }
0xa6: {  	s4 =	sshll.u32 s26, $0x1;
	_ =	strace $0x80000049;
	[dreg:$0x1] =	wrdreg $0xFFFFFFFF  }
0xa7: {  	s28 =	simm.s32 $_size_execute0_lowered;
	s2 =	sadd.s32 s2, s4;
	[dreg:$0x0] =	wrdreg $0x0  }
0xa8: {  	s4 =	sshll.u32 s28, $0x1;
	[dreg:$0x2] =	wrdreg s2  }
0xa9: {  	[dreg:$0x3] =	wrdreg s4  }
0xaa: {  	[dreg:$0x4] =	wrdreg $0xC0  }
0xab: {  	_ =	task [dreg:s6], $0x5FFFF  }
0xac: {  	[dreg:$0x1] =	wrdreg $0xFFFFFFFF  }
0xad: {  	[dreg:$0x0] =	wrdreg $0x60  }
0xae: {  	[dreg:$0x2] =	wrdreg s24  }
0xaf: {  	[dreg:$0x3] =	wrdreg $0x0  }
0xb0: {  	[dreg:$0x4] =	wrdreg $0x9  }
0xb1: {  	_ =	task.clear_ibuf [dreg:s6], $0x5FFFF;
	_ =	strace $0x90000049  }
0xb2: {  	s29 =	simm.s32 $0x9;
	_ =	strace $0x8000004B  }
0xb3: {  	_ =	swait.ge [sflag:s29], $0x1  }
0xb4: {  	[sflag:s29] =	ssyncadd.s32 $0xFFFFFFFF  }
0xb5: {  	_ =	strace $0x9000004B  }
0xb6: {  	_ =	sfence  }
0xb7: {  	s30 =	sld [smem:$0x0];
	_ =	sdelay $0x2  }
0xb8: {  	s31 =	sshll.u32 s1, $0xD;
	s1 =	sshrl.u32 s1, $0x2  }
0xb9: {  	s3 =	sand.u32 $0x4000, s31;
	s1 =	sadd.s32 s1, s30  }
0xba: {  	s0 =	sor.u32 s3, s0;
	s1 =	sshll.u32 s1, $0x11  }
0xbb: {  	s0 =	sor.u32 s1, s0  }
0xbc: {  	s0 =	sadd.s32 $0x8F2B, s0  }
0xbd: {  	[sflag:s0] =	ssyncadd.remote.s32 $0x1  }
0xbe: {  	_ =	sfence.sel $0xFFFF  }
0xbf: {  	[dreg:$0x0] =	wrdreg $0xFFFFFFFF;
	(pc) =	sbr.abs _section_cstart, $3  }
0xc0: {  	[dreg:$0x1] =	wrdreg $0xFFFFFFFF  }
0xc1: {  	_ =	task.clear_ibuf [dreg:s6], $0x2FFFF;
	_ =	strace $0x9FFFFFFF  }
0xc2: {  	(tm) =	ssettm $0x7FFFFFFF  }
0xc3: {  	_ =	shalt  }
tec
execute0_lowered:
.L_overlay_start_1:
0x0: {  	(tag) =	ssettag $0x1  }
0x1: {  	s0 =	srdreg.scid;
	s5 =	rddreg [dreg:$0x0]  }
0x2: {  	s3 =	stileid.u32;
	s2 =	rddreg [dreg:$0x1];
	s4 =	simm.s32 $0x0  }
0x3: {  	s12 =	simm.s32 $0x9;
	s13 =	simm.s32 $0xA000;
	s15 =	simm.s32 $0x50  }
0x4: {  	s16 =	simm.s32 $0xEE20;
	s18 =	simm.s32 $0x10220;
	s20 =	simm.s32 $0x11620  }
0x5: {  	s22 =	simm.s32 $0x12A20;
	s24 =	simm.s32 $0x13E20;
	s31 =	simm.s32 $0x17A20  }
0x6: {  	s14 =	simm.s32 $0x3;
	s17 =	simm.s32 $0x4;
	s19 =	simm.s32 $0x5  }
0x7: {  	s21 =	simm.s32 $0x6;
	s23 =	simm.s32 $0x8;
	s28 =	simm.s32 $0x0  }
0x8: {  	s0 =	sand.u32 $0x1, s0;
	s1 =	sshll.u32 s3, $0x1;
	s6 =	smul.u32 $0xA000, s3  }
0x9: {  	[smem:$0x7FF] =	sst s4;
	s4 =	sadd.s32 $0x3F600, s5;
	s26 =	sshll.u32 s3, $0x6  }
0xa: {  	s1 =	sor.u32 s0, s1;
	s7 =	smul.u32 $0xA0000, s0;
	_ =	strace $0x8000004A  }
0xb: {  	s0 =	ssub.s32 $0x2, s0;
	s1 =	smul.u32 $0x4E2, s1;
	s8 =	sshrl.u32 s6, $0x3  }
0xc: {  	s25 =	sshrl.u32 s0, $0x1;
	s11 =	sadd.s32 s6, s2;
	s7 =	sadd.s32 s6, s7  }
0xd: {  	s8 =	sadd.s32 s8, s5;
	s0 =	ssub.s32 s0, s25;
	s6 =	sor.u32 $0x1C09, s26  }
.Ltmp0:
0xe: {  	s11 =	sshrl.u32 s11, $0x3;
	s26 =	simm.s32 $0x15220;
	(pc) =	sbr.rel .LBB2_1-.Ltmp0, $4  }
0xf: {  	s1 =	sadd.s32 s1, s5;
	s7 =	sshrl.u32 s7, $0x3;
	s29 =	sadd.s32 $0x53600, s8  }
0x10: {  	s10 =	smax.u32 s0, $0x1;
	s0 =	simm.s32 $0x2;
	s9 =	sadd.s32 s7, s5  }
0x11: {  	[dreg:$0x3] =	wrdreg s29;
	s30 =	sadd.s32 $0xD800, s1;
	s8 =	sadd.s32 $0x3A00, s1  }
0x12: {  	s1 =	simm.s32 $0x1;
	[dreg:$0x4] =	wrdreg s30;
	s9 =	sadd.s32 $0x67600, s9  }
.LBB2_4:
0x13: {  	_ =	swait.ge [sflag:s1], $0x1400  }
0x14: {  	[sflag:s1] =	ssyncset.done $0x0  }
0x15: {  	s3 =	simm.s32 $0xEC90;
	[sflag:s1] =	ssyncadd.s32 $0xFFFFEC00  }
0x16: {  	[spmem:s2] =	stream.indirect.scatter.add.f32 [tilespmem:s16], [sflag:$0x9], $0x40, s3, s15, $0xb8;
	[tilespmem:$0x18E20] =	vst v63  }
0x17: {  	_ =	swait.ge [sflag:s12], $0x1400  }
0x18: {  	[sflag:s12] =	ssyncset.done $0x0  }
0x19: {  	[sflag:s12] =	ssyncadd.s32 $0xFFFFEC00  }
0x1a: {  	_ =	swait.ge [sflag:s0], $0x1400  }
0x1b: {  	[sflag:s0] =	ssyncset.done $0x0  }
0x1c: {  	s7 =	simm.s32 $0xECE0;
	[sflag:s0] =	ssyncadd.s32 $0xFFFFEC00  }
0x1d: {  	[spmem:s2] =	stream.indirect.scatter.add.f32 [tilespmem:s18], [sflag:$0x9], $0x40, s7, s15, $0xb8;
	[tilespmem:$0x18E20] =	vst v63  }
0x1e: {  	_ =	swait.ge [sflag:s12], $0x1400  }
0x1f: {  	[sflag:s12] =	ssyncset.done $0x0  }
0x20: {  	[sflag:s12] =	ssyncadd.s32 $0xFFFFEC00  }
0x21: {  	_ =	swait.ge [sflag:s14], $0x1400  }
0x22: {  	[sflag:s14] =	ssyncset.done $0x0  }
0x23: {  	s25 =	simm.s32 $0xED30;
	[sflag:s14] =	ssyncadd.s32 $0xFFFFEC00  }
0x24: {  	[spmem:s2] =	stream.indirect.scatter.add.f32 [tilespmem:s20], [sflag:$0x9], $0x40, s25, s15, $0xb8;
	[tilespmem:$0x18E20] =	vst v63  }
0x25: {  	_ =	swait.ge [sflag:s12], $0x1400  }
0x26: {  	[sflag:s12] =	ssyncset.done $0x0  }
0x27: {  	[sflag:s12] =	ssyncadd.s32 $0xFFFFEC00  }
0x28: {  	_ =	swait.ge [sflag:s17], $0x1400  }
0x29: {  	[sflag:s17] =	ssyncset.done $0x0  }
0x2a: {  	s29 =	simm.s32 $0xED80;
	[sflag:s17] =	ssyncadd.s32 $0xFFFFEC00  }
0x2b: {  	[spmem:s2] =	stream.indirect.scatter.add.f32 [tilespmem:s22], [sflag:$0x9], $0x40, s29, s15, $0xb8;
	[tilespmem:$0x18E20] =	vst v63  }
0x2c: {  	_ =	swait.ge [sflag:s12], $0x1400  }
0x2d: {  	[sflag:s12] =	ssyncset.done $0x0  }
0x2e: {  	[sflag:s12] =	ssyncadd.s32 $0xFFFFEC00  }
0x2f: {  	_ =	swait.ge [sflag:s19], $0x1400  }
0x30: {  	[sflag:s19] =	ssyncset.done $0x0  }
0x31: {  	s30 =	simm.s32 $0xEDD0;
	[sflag:s19] =	ssyncadd.s32 $0xFFFFEC00  }
0x32: {  	[spmem:s2] =	stream.indirect.scatter.add.f32 [tilespmem:s24], [sflag:$0x9], $0x40, s30, s15, $0xb8;
	[tilespmem:$0x18E20] =	vst v63  }
0x33: {  	_ =	swait.ge [sflag:s12], $0x1400  }
0x34: {  	s28 =	sadd.s32 $0x1, s28;
	[sflag:s12] =	ssyncset.done $0x0  }
0x35: {  	p0 =	sne.s32 s28, s10;
	[sflag:s12] =	ssyncadd.s32 $0xFFFFEC00  }
.Ltmp1:
0x36: {  	[bflag:$0x0] =	sbarrier.arrive $0xFFFF;
	(pc) =	sbr.rel @!p0 .LBB2_5-.Ltmp1, $4  }
0x37: {  	[hbm:s9], [sflag:s6] =	dma.local [spmem:s11], $0x1400  }
0x38: {  	_ =	swait.ge [sflag:s12], $0x1400  }
0x39: {  	[sflag:s12] =	ssyncset.done $0x0  }
0x3a: {  	[sflag:s12] =	ssyncadd.s32 $0xFFFFEC00  }
.LBB2_1:
0x3b: {  	s3 =	rddreg [dreg:$0x3]  }
0x3c: {  	[spmem:s11], [sflag:s6] =	dma.local [hbm:s3], $0x1400  }
0x3d: {  	_ =	swait.ge [sflag:s12], $0x1400  }
0x3e: {  	[sflag:s12] =	ssyncset.done $0x0  }
0x3f: {  	s25 =	simm.s32 $0x0;
	s5 =	rddreg [dreg:$0x4];
	[sflag:s12] =	ssyncadd.s32 $0xFFFFEC00  }
0x40: {  	[tilespmem:s13], [sflag:$0x9] =	stream.linear.gather [hbm4b:s5+s25], $0x2710, $0x38;
	[tilespmem:$0x18E20] =	vst v63  }
0x41: {  	_ =	swait.ge [sflag:s12], $0x2710  }
0x42: {  	[sflag:s12] =	ssyncset.done $0x0  }
0x43: {  	s30 =	simm.s32 $0xC710;
	[sflag:s12] =	ssyncadd.s32 $0xFFFFD8F0  }
0x44: {  	[tilespmem:s30], [sflag:$0x9] =	stream.linear.gather [hbm4b:s8+s25], $0x2710, $0x38;
	[tilespmem:$0x18E20] =	vst v63  }
0x45: {  	_ =	swait.ge [sflag:s12], $0x2710  }
0x46: {  	[sflag:s12] =	ssyncset.done $0x0  }
0x47: {  	[sflag:s12] =	ssyncadd.s32 $0xFFFFD8F0  }
0x48: {  	[bflag:$0x0] =	sbarrier.arrive $0xFFFF  }
0x49: {  	[tilespmem:s16], [sflag:$0x1] =	stream.indirect.gather [hbm4b:s4+s15], $0x40, s13, s15, $0xb8;
	[tilespmem:$0x18E20] =	vst v63  }
0x4a: {  	s5 =	simm.s32 $0xA050  }
0x4b: {  	[tilespmem:s18], [sflag:$0x2] =	stream.indirect.gather [hbm4b:s4+s15], $0x40, s5, s15, $0xb8;
	[tilespmem:$0x18E20] =	vst v63  }
0x4c: {  	s7 =	simm.s32 $0xA0A0  }
0x4d: {  	[tilespmem:s20], [sflag:$0x3] =	stream.indirect.gather [hbm4b:s4+s15], $0x40, s7, s15, $0xb8;
	[tilespmem:$0x18E20] =	vst v63  }
0x4e: {  	s25 =	simm.s32 $0xA0F0  }
0x4f: {  	[tilespmem:s22], [sflag:$0x4] =	stream.indirect.gather [hbm4b:s4+s15], $0x40, s25, s15, $0xb8;
	[tilespmem:$0x18E20] =	vst v63  }
0x50: {  	s30 =	simm.s32 $0xA140  }
0x51: {  	[tilespmem:s24], [sflag:$0x5] =	stream.indirect.gather [hbm4b:s4+s15], $0x40, s30, s15, $0xb8;
	[tilespmem:$0x18E20] =	vst v63  }
0x52: {  	s5 =	simm.s32 $0xA190  }
0x53: {  	[tilespmem:s26], [sflag:$0x6] =	stream.indirect.gather [hbm4b:s4+s15], $0x40, s5, s15, $0xb8;
	[tilespmem:$0x18E20] =	vst v63  }
0x54: {  	s7 =	simm.s32 $0xA1E0;
	s25 =	simm.s32 $0x16620  }
0x55: {  	[tilespmem:s25], [sflag:$0x7] =	stream.indirect.gather [hbm4b:s4+s15], $0x40, s7, s15, $0xb8;
	[tilespmem:$0x18E20] =	vst v63  }
0x56: {  	s29 =	simm.s32 $0x0;
	s30 =	simm.s32 $0xA230  }
0x57: {  	[tilespmem:s31], [sflag:$0x8] =	stream.indirect.gather [hbm4b:s4+s15], $0x40, s30, s15, $0xb8;
	[tilespmem:$0x18E20] =	vst v63  }
.LBB2_2:
0x58: {  	_ =	swait.ge [sflag:s1], $0x1400  }
0x59: {  	s30 =	sshra.s32 s29, $0x2;
	[sflag:s1] =	ssyncset.done $0x0  }
0x5a: {  	s25 =	sadd.s32 $0xC710, s30;
	[sflag:s1] =	ssyncadd.s32 $0xFFFFEC00  }
0x5b: {  	[spmem:s2] =	stream.indirect.scatter.add.f32 [tilespmem:s16], [sflag:$0x9], $0x40, s25, s15, $0xb8;
	[tilespmem:$0x18E20] =	vst v63  }
0x5c: {  	_ =	swait.ge [sflag:s12], $0x1400  }
0x5d: {  	[sflag:s12] =	ssyncset.done $0x0  }
0x5e: {  	s7 =	sadd.s32 $0xA280, s30;
	[sflag:s12] =	ssyncadd.s32 $0xFFFFEC00  }
0x5f: {  	[tilespmem:s16], [sflag:$0x1] =	stream.indirect.gather [hbm4b:s4+s15], $0x40, s7, s15, $0xb8;
	[tilespmem:$0x18E20] =	vst v63  }
0x60: {  	_ =	swait.ge [sflag:s0], $0x1400  }
0x61: {  	[sflag:s0] =	ssyncset.done $0x0  }
0x62: {  	s3 =	sadd.s32 $0xC760, s30;
	[sflag:s0] =	ssyncadd.s32 $0xFFFFEC00  }
0x63: {  	[spmem:s2] =	stream.indirect.scatter.add.f32 [tilespmem:s18], [sflag:$0x9], $0x40, s3, s15, $0xb8;
	[tilespmem:$0x18E20] =	vst v63  }
0x64: {  	_ =	swait.ge [sflag:s12], $0x1400  }
0x65: {  	[sflag:s12] =	ssyncset.done $0x0  }
0x66: {  	s5 =	sadd.s32 $0xA2D0, s30;
	[sflag:s12] =	ssyncadd.s32 $0xFFFFEC00  }
0x67: {  	[tilespmem:s18], [sflag:$0x2] =	stream.indirect.gather [hbm4b:s4+s15], $0x40, s5, s15, $0xb8;
	[tilespmem:$0x18E20] =	vst v63  }
0x68: {  	_ =	swait.ge [sflag:s14], $0x1400  }
0x69: {  	[sflag:s14] =	ssyncset.done $0x0  }
0x6a: {  	s7 =	sadd.s32 $0xC7B0, s30;
	[sflag:s14] =	ssyncadd.s32 $0xFFFFEC00  }
0x6b: {  	[spmem:s2] =	stream.indirect.scatter.add.f32 [tilespmem:s20], [sflag:$0x9], $0x40, s7, s15, $0xb8;
	[tilespmem:$0x18E20] =	vst v63  }
0x6c: {  	_ =	swait.ge [sflag:s12], $0x1400  }
0x6d: {  	[sflag:s12] =	ssyncset.done $0x0  }
0x6e: {  	s3 =	sadd.s32 $0xA320, s30;
	[sflag:s12] =	ssyncadd.s32 $0xFFFFEC00  }
0x6f: {  	[tilespmem:s20], [sflag:$0x3] =	stream.indirect.gather [hbm4b:s4+s15], $0x40, s3, s15, $0xb8;
	[tilespmem:$0x18E20] =	vst v63  }
0x70: {  	_ =	swait.ge [sflag:s17], $0x1400  }
0x71: {  	[sflag:s17] =	ssyncset.done $0x0  }
0x72: {  	s5 =	sadd.s32 $0xC800, s30;
	[sflag:s17] =	ssyncadd.s32 $0xFFFFEC00  }
0x73: {  	[spmem:s2] =	stream.indirect.scatter.add.f32 [tilespmem:s22], [sflag:$0x9], $0x40, s5, s15, $0xb8;
	[tilespmem:$0x18E20] =	vst v63  }
0x74: {  	_ =	swait.ge [sflag:s12], $0x1400  }
0x75: {  	[sflag:s12] =	ssyncset.done $0x0  }
0x76: {  	s7 =	sadd.s32 $0xA370, s30;
	[sflag:s12] =	ssyncadd.s32 $0xFFFFEC00  }
0x77: {  	[tilespmem:s22], [sflag:$0x4] =	stream.indirect.gather [hbm4b:s4+s15], $0x40, s7, s15, $0xb8;
	[tilespmem:$0x18E20] =	vst v63  }
0x78: {  	_ =	swait.ge [sflag:s19], $0x1400  }
0x79: {  	[sflag:s19] =	ssyncset.done $0x0  }
0x7a: {  	s3 =	sadd.s32 $0xC850, s30;
	[sflag:s19] =	ssyncadd.s32 $0xFFFFEC00  }
0x7b: {  	[spmem:s2] =	stream.indirect.scatter.add.f32 [tilespmem:s24], [sflag:$0x9], $0x40, s3, s15, $0xb8;
	[tilespmem:$0x18E20] =	vst v63  }
0x7c: {  	_ =	swait.ge [sflag:s12], $0x1400  }
0x7d: {  	[sflag:s12] =	ssyncset.done $0x0  }
0x7e: {  	s5 =	sadd.s32 $0xA3C0, s30;
	[sflag:s12] =	ssyncadd.s32 $0xFFFFEC00  }
0x7f: {  	[tilespmem:s24], [sflag:$0x5] =	stream.indirect.gather [hbm4b:s4+s15], $0x40, s5, s15, $0xb8;
	[tilespmem:$0x18E20] =	vst v63  }
0x80: {  	_ =	swait.ge [sflag:s21], $0x1400  }
0x81: {  	[sflag:s21] =	ssyncset.done $0x0  }
0x82: {  	s7 =	sadd.s32 $0xC8A0, s30;
	[sflag:s21] =	ssyncadd.s32 $0xFFFFEC00  }
0x83: {  	[spmem:s2] =	stream.indirect.scatter.add.f32 [tilespmem:s26], [sflag:$0x9], $0x40, s7, s15, $0xb8;
	[tilespmem:$0x18E20] =	vst v63  }
0x84: {  	_ =	swait.ge [sflag:s12], $0x1400  }
0x85: {  	p0 =	seq.s32 s29, $0x8C00;
	[sflag:s12] =	ssyncset.done $0x0  }
0x86: {  	s25 =	simm.s32 @p0 $0x7;
	[sflag:s12] =	ssyncadd.s32 $0xFFFFEC00  }
0x87: {  	_ =	swait.ge @p0 [sflag:s25], $0x1400  }
0x88: {  	[sflag:s25] =	ssyncset.done @p0 $0x0  }
0x89: {  	[sflag:s25] =	ssyncadd.s32 @p0 $0xFFFFEC00;
	s25 =	sshra.s32 @p0 s29, $0x2  }
0x8a: {  	s3 =	simm.s32 @p0 $0x50;
	s5 =	simm.s32 @p0 $0x16620;
	s25 =	sadd.s32 @p0 $0xC8F0, s25  }
0x8b: {  	[spmem:s2] =	stream.indirect.scatter.add.f32 @p0 [tilespmem:s5], [sflag:$0x9], $0x40, s25, s3, $0xb8;
	[tilespmem:$0x18E20] =	vst v63  }
0x8c: {  	s3 =	simm.s32 @p0 $0x9  }
0x8d: {  	_ =	swait.ge @p0 [sflag:s3], $0x1400  }
0x8e: {  	[sflag:s3] =	ssyncset.done @p0 $0x0  }
0x8f: {  	[sflag:s3] =	ssyncadd.s32 @p0 $0xFFFFEC00;
	s3 =	sshra.s32 @!p0 s29, $0x2  }
0x90: {  	s7 =	simm.s32 @!p0 $0x15220;
	s25 =	simm.s32 @!p0 $0x50;
	s5 =	sadd.s32 @!p0 $0xA410, s3  }
0x91: {  	[tilespmem:s7], [sflag:$0x6] =	stream.indirect.gather @!p0 [hbm4b:s4+s25], $0x40, s5, s25, $0xb8;
	[tilespmem:$0x18E20] =	vst v63  }
0x92: {  	s5 =	simm.s32 @!p0 $0x7  }
0x93: {  	_ =	swait.ge @!p0 [sflag:s5], $0x1400  }
0x94: {  	[sflag:s5] =	ssyncset.done @!p0 $0x0  }
0x95: {  	s7 =	simm.s32 @!p0 $0x16620;
	[sflag:s5] =	ssyncadd.s32 @!p0 $0xFFFFEC00;
	s5 =	sadd.s32 @!p0 $0xC8F0, s3  }
0x96: {  	[spmem:s2] =	stream.indirect.scatter.add.f32 @!p0 [tilespmem:s7], [sflag:$0x9], $0x40, s5, s25, $0xb8;
	[tilespmem:$0x18E20] =	vst v63  }
0x97: {  	s5 =	simm.s32 @!p0 $0x9  }
0x98: {  	_ =	swait.ge @!p0 [sflag:s5], $0x1400  }
0x99: {  	[sflag:s5] =	ssyncset.done @!p0 $0x0  }
0x9a: {  	s3 =	sadd.s32 @!p0 $0xA460, s3;
	[sflag:s5] =	ssyncadd.s32 @!p0 $0xFFFFEC00  }
0x9b: {  	[tilespmem:s7], [sflag:$0x7] =	stream.indirect.gather @!p0 [hbm4b:s4+s25], $0x40, s3, s25, $0xb8;
	[tilespmem:$0x18E20] =	vst v63  }
0x9c: {  	_ =	swait.ge [sflag:s23], $0x1400  }
0x9d: {  	[sflag:s23] =	ssyncset.done $0x0  }
.Ltmp2:
0x9e: {  	s25 =	sadd.s32 $0xC940, s30;
	[sflag:s23] =	ssyncadd.s32 $0xFFFFEC00;
	(pc) =	sbr.rel @p0 .LBB2_4-.Ltmp2, $4  }
0x9f: {  	[spmem:s2] =	stream.indirect.scatter.add.f32 [tilespmem:s31], [sflag:$0x9], $0x40, s25, s15, $0xb8;
	[tilespmem:$0x18E20] =	vst v63  }
0xa0: {  	_ =	swait.ge [sflag:s12], $0x1400  }
0xa1: {  	[sflag:s12] =	ssyncset.done $0x0  }
0xa2: {  	[sflag:s12] =	ssyncadd.s32 $0xFFFFEC00  }
.Ltmp3:
0xa3: {  	(pc) =	sbr.rel .LBB2_2-.Ltmp3, $3  }
0xa4: {  	_ =	sdelay $0x1  }
0xa5: {  	s3 =	sadd.s32 $0xA4B0, s30;
	s29 =	sadd.s32 $0xA00, s29  }
0xa6: {  	[tilespmem:s31], [sflag:$0x8] =	stream.indirect.gather [hbm4b:s4+s15], $0x40, s3, s15, $0xb8;
	[tilespmem:$0x18E20] =	vst v63  }
.LBB2_5:
0xa7: {  	_ =	sfence.sel $0x180000  }
0xa8: {  	[bflag:$0x0] =	sbarrier.arrive $0xFFFF  }
0xa9: {  	_ =	strace $0x9000004A  }
0xaa: {  	s0 =	stileid.u32;
	[bflag:$0x2] =	sbarrier.arrive $0xFFFF  }
0xab: {  	p0 =	sne.s32 s0, $0x0;
	s0 =	rddreg [dreg:$0x2]  }
0xac: {  	s0 =	sadd.s32 @!p0 $0x100000, s0  }
0xad: {  	[sflag:s0] =	ssyncadd.tile.s32 @!p0 $0x1;
	_ =	shalt  }
.Lfunc_end2:
_tile_overlayer_lowered:
.L_overlay_start_2:
0xae: {  	(tag) =	ssettag $0x2  }
0xaf: {  	s0 =	rddreg [dreg:$0x0];
	s2 =	stileid.u32  }
0xb0: {  	s1 =	rddreg [dreg:$0x1];
	p0 =	sne.s32 s2, $0x0  }
0xb1: {  	s3 =	rddreg [dreg:$0x2];
	[bflag:$0x3] =	sbarrier.arrive $0xFFFF;
	s2 =	simm.s32 @!p0 $0x1C09  }
0xb2: {  	[timem:s3], [sflag:s2] =	dma.local @!p0 [hbm:s0], s1  }
0xb3: {  	s0 =	simm.s32 @!p0 $0x9  }
0xb4: {  	_ =	swait.ge @!p0 [sflag:s0], s1  }
0xb5: {  	s1 =	ssub.s32 @!p0 $0x0, s1;
	[sflag:s0] =	ssyncset.done @!p0 $0x0  }
0xb6: {  	[sflag:s0] =	ssyncadd.s32 @!p0 s1  }
0xb7: {  	[bflag:$0x3] =	sbarrier.arrive $0xFFFF  }
0xb8: {  	_ =	shalt  }

// kernel: kernel.18.cloned.1.call-start
scs
__scs_entry_jumppad:
0x0: {  	(pc) =	sbr.rel $0x88, $3  }
0x1: {  	(tag) =	ssettag $0x0;
	lr =	simm.s32 $0x1  }
0x2: {  	[smem:$0x3F95] =	sst lr;
	_ =	strace $0xD0000000  }
0x3: {  	_ = 	snop  }
0x4: {  	_ = 	snop  }
0x5: {  	_ = 	snop  }
0x6: {  	_ = 	snop  }
0x7: {  	_ = 	snop  }
__scs_overlays_trampoline_lowered:
0x8: {  	[smem:$0x3FA4] =	sst s0  }
0x9: {  	[smem:$0x3FA5] =	sst s1  }
0xa: {  	[smem:$0x3FA6] =	sst s2  }
0xb: {  	[smem:$0x3FA7] =	sst s3  }
0xc: {  	[smem:$0x3FA8] =	sst s4  }
0xd: {  	[smem:$0x3FA9] =	sst s5  }
0xe: {  	[smem:$0x3FAA] =	sst s6  }
0xf: {  	[smem:$0x3FAB] =	sst s7  }
0x10: {  	[smem:$0x3FAC] =	sst s8  }
0x11: {  	[smem:$0x3FAD] =	sst s9;
	s0 =	simm.s32 @!p0 $0x0  }
0x12: {  	s1 =	sld [smem:$0x3F93];
	s0 =	simm.s32 @p0 $0x1  }
0x13: {  	[smem:$0x3FAE] =	sst s0;
	s0 =	simm.s32 @!p1 $0x0  }
0x14: {  	s2 =	sld [smem:$0x3F92];
	s0 =	simm.s32 @p1 $0x1  }
0x15: {  	[smem:$0x3FAF] =	sst s0;
	s0 =	simm.s32 @!p2 $0x0  }
0x16: {  	s3 =	sld [smem:$0x3FDB];
	s0 =	simm.s32 @p2 $0x1  }
0x17: {  	s4 =	simm.s32 $0x1BF5;
	[smem:$0x3FB1] =	sst s0  }
0x18: {  	s0 =	sld [smem:$0x3F94];
	_ =	swait.ge [sflag:s4], $0x0  }
0x19: {  	s7 =	sld [smem:$0x3F95]  }
0x1a: {  	s8 =	sadd.s32 $0xFFFFE003, lr  }
0x1b: {  	s9 =	sadd.s32 $0xFFFFFEF7, lr;
	s5 =	simm.s32 $0xFFFFFFFF;
	p2 =	slt.u32 s8, $0xFFFFF086  }
0x1c: {  	p1 =	slt.u32 s9, $0xF7A;
	s5 =	simm.s32 @!p2 $0x0  }
0x1d: {  	s5 =	simm.s32 @p1 $0x1;
	p0 =	seq.s32 s7, s2  }
0x1e: {  	s7 =	smul.u32 @!p0 $0xF7A, s2;
	p2 =	seq.s32 @!p0 s5, $0x0  }
0x1f: {  	s9 =	smul.u32 $0xF7A, s1;
	s8 =	simm.s32 @!p0 $0x1BF5;
	p2 =	por !p2, p0  }
0x20: {  	[sflag:s8] =	ssyncset.s32 @!p0 $0xFFFFF086;
	s6 =	sadd.s32 @!p0 s3, s7;
	s7 =	simm.s32 @!p0 $0x108  }
0x21: {  	s3 =	sadd.s32 s3, s9;
	s6 =	sadd.s32 @!p0 $0x88, s6;
	s7 =	simm.s32 @p2 $0x1082  }
0x22: {  	[simem:s7], [sflag:s8] =	dma.local @!p0 [hbm:s6], $0xF7A  }
0x23: {  	s9 =	sor.u32 $0xD0000000, s2;
	s6 =	simm.s32 $0x108;
	_ =	swait.ge @!p0 [sflag:s8], $0x0  }
0x24: {  	s3 =	sadd.s32 $0x88, s3;
	s6 =	simm.s32 @!p1 $0x1082;
	[sflag:s4] =	ssyncset.s32 $0xFFFFF086  }
0x25: {  	[simem:s6], [sflag:s4] =	dma.local [hbm:s3], $0xF7A  }
0x26: {  	[smem:$0x3F95] =	sst s1;
	(tag) =	ssettag s2;
	_ =	strace s9  }
0x27: {  	s1 =	sld [smem:$0x3FA5]  }
0x28: {  	s2 =	sld [smem:$0x3FA6]  }
0x29: {  	s4 =	sld [smem:$0x3FA8]  }
0x2a: {  	p0 =	seq.s32 s5, $0x0;
	s5 =	sld [smem:$0x3FA9]  }
0x2b: {  	s6 =	sld [smem:$0x3FAA]  }
0x2c: {  	s7 =	sld [smem:$0x3FAB]  }
0x2d: {  	s3 =	simm.s32 $0x108;
	s8 =	sld [smem:$0x3FAC]  }
0x2e: {  	s3 =	simm.s32 @!p0 $0x1082;
	s9 =	sld [smem:$0x3FAD]  }
0x2f: {  	lr =	sadd.s32 s0, s3;
	s0 =	sld [smem:$0x3FA4]  }
0x30: {  	s3 =	sld [smem:$0x3FA7]  }
0x31: {  	[smem:$0x3FB0] =	sst s10  }
0x32: {  	s10 =	sld [smem:$0x3FAE];
	_ =	sdelay $0x3  }
0x33: {  	p0 =	seq.s32 s10, $0x1;
	s10 =	sld [smem:$0x3FB0];
	_ =	sdelay $0x3  }
0x34: {  	[smem:$0x3FB0] =	sst s10  }
0x35: {  	s10 =	sld [smem:$0x3FAF];
	_ =	sdelay $0x3  }
0x36: {  	p1 =	seq.s32 s10, $0x1;
	s10 =	sld [smem:$0x3FB0];
	_ =	sdelay $0x3  }
0x37: {  	[smem:$0x3FB0] =	sst s10  }
0x38: {  	s10 =	sld [smem:$0x3FB1]  }
0x39: {  	_ = 	snop;
	(pc) =	sbr.ind lr, $3  }
0x3a: {  	_ = 	snop  }
0x3b: {  	_ = 	snop  }
0x3c: {  	p2 =	seq.s32 s10, $0x1;
	s10 =	sld [smem:$0x3FB0]  }
0x3d: {  	_ =	shalt  }
0x3e: {  	_ =	shalt  }
0x3f: {  	_ =	shalt  }
0x40: {  	_ =	shalt  }
0x41: {  	_ =	shalt  }
0x42: {  	_ =	shalt  }
0x43: {  	_ =	shalt  }
0x44: {  	_ =	shalt  }
0x45: {  	_ =	shalt  }
0x46: {  	_ =	shalt  }
0x47: {  	_ =	shalt  }
0x48: {  	_ =	shalt  }
0x49: {  	_ =	shalt  }
0x4a: {  	_ =	shalt  }
0x4b: {  	_ =	shalt  }
0x4c: {  	_ =	shalt  }
0x4d: {  	_ =	shalt  }
0x4e: {  	_ =	shalt  }
0x4f: {  	_ =	shalt  }
0x50: {  	_ =	shalt  }
0x51: {  	_ =	shalt  }
0x52: {  	_ =	shalt  }
0x53: {  	_ =	shalt  }
0x54: {  	_ =	shalt  }
0x55: {  	_ =	shalt  }
0x56: {  	_ =	shalt  }
0x57: {  	_ =	shalt  }
0x58: {  	_ =	shalt  }
0x59: {  	_ =	shalt  }
0x5a: {  	_ =	shalt  }
0x5b: {  	_ =	shalt  }
0x5c: {  	_ =	shalt  }
0x5d: {  	_ =	shalt  }
0x5e: {  	_ =	shalt  }
0x5f: {  	_ =	shalt  }
0x60: {  	_ =	shalt  }
0x61: {  	_ =	shalt  }
0x62: {  	_ =	shalt  }
0x63: {  	_ =	shalt  }
0x64: {  	_ =	shalt  }
0x65: {  	_ =	shalt  }
0x66: {  	_ =	shalt  }
0x67: {  	_ =	shalt  }
0x68: {  	_ =	shalt  }
0x69: {  	_ =	shalt  }
0x6a: {  	_ =	shalt  }
0x6b: {  	_ =	shalt  }
0x6c: {  	_ =	shalt  }
0x6d: {  	_ =	shalt  }
0x6e: {  	_ =	shalt  }
0x6f: {  	_ =	shalt  }
0x70: {  	_ =	shalt  }
0x71: {  	_ =	shalt  }
0x72: {  	_ =	shalt  }
0x73: {  	_ =	shalt  }
0x74: {  	_ =	shalt  }
0x75: {  	_ =	shalt  }
0x76: {  	_ =	shalt  }
0x77: {  	_ =	shalt  }
0x78: {  	_ =	shalt  }
0x79: {  	_ =	shalt  }
0x7a: {  	_ =	shalt  }
0x7b: {  	_ =	shalt  }
0x7c: {  	_ =	shalt  }
0x7d: {  	_ =	shalt  }
0x7e: {  	_ =	shalt  }
0x7f: {  	_ =	shalt  }
0x80: {  	_ =	shalt  }
0x81: {  	_ =	shalt  }
0x82: {  	_ =	shalt  }
0x83: {  	_ =	shalt  }
0x84: {  	_ =	shalt  }
0x85: {  	_ =	shalt  }
0x86: {  	_ =	shalt  }
0x87: {  	_ =	shalt  }
.Lfunc_end0:
.L_simem_size_0:
called_computation.2_lowered:
.L_overlay_start_0:
0x88: {  	s2 =	sld [smem:$0x3FD9]  }
0x89: {  	s3 =	sld [smem:$0x3FFE];
	_ =	sdelay $0x1  }
0x8a: {  	s1 =	srdreg.scid  }
0x8b: {  	s0 =	sand.u32 $0x1, s1  }
0x8c: {  	s16 =	sshll.u32 s0, $0xA;
	s2 =	sadd.s32 s3, s2  }
0x8d: {  	s2 =	sadd.s32 s2, s16  }
0x8e: {  	[smem:$0x3FBC] =	sst s2  }
0x8f: {  	_ = 	snop  }
0x90: {  	(tm) =	ssettm $0x1  }
0x91: {  	s17 =	sld [smem:$0x3FFB];
	_ =	sdelay $0x3  }
0x92: {  	_ =	strace s17  }
0x93: {  	s2 =	sld [smem:$0x3FFC];
	_ =	sdelay $0x3  }
0x94: {  	_ =	strace s2  }
0x95: {  	s2 =	sld [smem:$0x3FFD];
	_ =	sdelay $0x3  }
0x96: {  	_ =	strace s2  }
0x97: {  	_ =	strace $0x8FFFFFFF  }
0x98: {  	s18 =	sld [smem:$0x3FDB];
	_ =	sdelay $0x1  }
0x99: {  	s19 =	simm.s32 $_scs_section_size  }
0x9a: {  	s4 =	simm.s32 $_size__tile_overlayer_lowered;
	s5 =	simm.s32 $_tile_overlayer_lowered  }
0x9b: {  	s22 =	simm.s32 $0x1BFF;
	s21 =	sshll.u32 s5, $0x1;
	s2 =	sadd.s32 s19, s18  }
0x9c: {  	s6 =	simm.s32 $0x0;
	s20 =	sshll.u32 s4, $0x1;
	s4 =	sadd.s32 s21, s2  }
0x9d: {  	[timem:s6], [sflag:s22] =	dma.local [hbm:s4], s20  }
0x9e: {  	_ =	swait.ge [sflag:s22], s20  }
0x9f: {  	s3 =	ssub.s32 $0x0, s20;
	[sflag:s22] =	ssyncset.done $0x0  }
0xa0: {  	[sflag:s22] =	ssyncadd.s32 s3;
	_ =	sdelay $0x1  }
0xa1: {  	s23 =	simm.s32 $0x1B8B  }
0xa2: {  	_ =	swait.ge [sflag:s23], $0x1  }
0xa3: {  	[sflag:s23] =	ssyncset.done $0x0  }
0xa4: {  	s25 =	simm.s32 $0x1B8E;
	s24 =	sld [smem:$0x3FFE];
	[sflag:s23] =	ssyncadd.s32 $0xFFFFFFFF  }
0xa5: {  	s26 =	simm.s32 $execute0_lowered;
	[smem:$0x3FD2] =	sst s25  }
0xa6: {  	s4 =	sshll.u32 s26, $0x1;
	_ =	strace $0x8000004C;
	[dreg:$0x1] =	wrdreg $0xFFFFFFFF  }
0xa7: {  	s28 =	simm.s32 $_size_execute0_lowered;
	s2 =	sadd.s32 s2, s4;
	[dreg:$0x0] =	wrdreg $0x0  }
0xa8: {  	s4 =	sshll.u32 s28, $0x1;
	[dreg:$0x2] =	wrdreg s2  }
0xa9: {  	[dreg:$0x3] =	wrdreg s4  }
0xaa: {  	[dreg:$0x4] =	wrdreg $0xC0  }
0xab: {  	_ =	task [dreg:s6], $0x5FFFF  }
0xac: {  	[dreg:$0x1] =	wrdreg $0xFFFFFFFF  }
0xad: {  	[dreg:$0x0] =	wrdreg $0x60  }
0xae: {  	[dreg:$0x2] =	wrdreg s24  }
0xaf: {  	[dreg:$0x3] =	wrdreg $0x0  }
0xb0: {  	[dreg:$0x4] =	wrdreg $0x9  }
0xb1: {  	_ =	task.clear_ibuf [dreg:s6], $0x5FFFF;
	_ =	strace $0x9000004C  }
0xb2: {  	s29 =	simm.s32 $0x9;
	_ =	strace $0x8000004E  }
0xb3: {  	_ =	swait.ge [sflag:s29], $0x1  }
0xb4: {  	[sflag:s29] =	ssyncadd.s32 $0xFFFFFFFF  }
0xb5: {  	_ =	strace $0x9000004E  }
0xb6: {  	_ =	sfence  }
0xb7: {  	s30 =	sld [smem:$0x0];
	_ =	sdelay $0x2  }
0xb8: {  	s31 =	sshll.u32 s1, $0xD;
	s1 =	sshrl.u32 s1, $0x2  }
0xb9: {  	s3 =	sand.u32 $0x4000, s31;
	s1 =	sadd.s32 s1, s30  }
0xba: {  	s0 =	sor.u32 s3, s0;
	s1 =	sshll.u32 s1, $0x11  }
0xbb: {  	s0 =	sor.u32 s1, s0  }
0xbc: {  	s0 =	sadd.s32 $0x8F2B, s0  }
0xbd: {  	[sflag:s0] =	ssyncadd.remote.s32 $0x1  }
0xbe: {  	_ =	sfence.sel $0xFFFF  }
0xbf: {  	[dreg:$0x0] =	wrdreg $0xFFFFFFFF;
	(pc) =	sbr.abs _section_cstart, $3  }
0xc0: {  	[dreg:$0x1] =	wrdreg $0xFFFFFFFF  }
0xc1: {  	_ =	task.clear_ibuf [dreg:s6], $0x2FFFF;
	_ =	strace $0x9FFFFFFF  }
0xc2: {  	(tm) =	ssettm $0x7FFFFFFF  }
0xc3: {  	_ =	shalt  }
tec
execute0_lowered:
.L_overlay_start_1:
0x0: {  	(tag) =	ssettag $0x1  }
0x1: {  	s0 =	srdreg.scid;
	s5 =	rddreg [dreg:$0x0]  }
0x2: {  	s3 =	stileid.u32;
	s2 =	rddreg [dreg:$0x1];
	s4 =	simm.s32 $0x0  }
0x3: {  	s12 =	simm.s32 $0x9;
	s13 =	simm.s32 $0xA000;
	s15 =	simm.s32 $0x50  }
0x4: {  	s16 =	simm.s32 $0xEE20;
	s18 =	simm.s32 $0x10220;
	s20 =	simm.s32 $0x11620  }
0x5: {  	s22 =	simm.s32 $0x12A20;
	s24 =	simm.s32 $0x13E20;
	s31 =	simm.s32 $0x17A20  }
0x6: {  	s14 =	simm.s32 $0x3;
	s17 =	simm.s32 $0x4;
	s19 =	simm.s32 $0x5  }
0x7: {  	s21 =	simm.s32 $0x6;
	s23 =	simm.s32 $0x8;
	s28 =	simm.s32 $0x0  }
0x8: {  	s0 =	sand.u32 $0x1, s0;
	s1 =	sshll.u32 s3, $0x1;
	s6 =	smul.u32 $0xA000, s3  }
0x9: {  	[smem:$0x7FF] =	sst s4;
	s4 =	sadd.s32 $0x3F600, s5;
	s26 =	sshll.u32 s3, $0x6  }
0xa: {  	s1 =	sor.u32 s0, s1;
	s7 =	smul.u32 $0xA0000, s0;
	_ =	strace $0x8000004D  }
0xb: {  	s0 =	ssub.s32 $0x2, s0;
	s1 =	smul.u32 $0x4E2, s1;
	s8 =	sshrl.u32 s6, $0x3  }
0xc: {  	s25 =	sshrl.u32 s0, $0x1;
	s11 =	sadd.s32 s6, s2;
	s7 =	sadd.s32 s6, s7  }
0xd: {  	s8 =	sadd.s32 s8, s5;
	s0 =	ssub.s32 s0, s25;
	s6 =	sor.u32 $0x1C09, s26  }
.Ltmp0:
0xe: {  	s11 =	sshrl.u32 s11, $0x3;
	s26 =	simm.s32 $0x15220;
	(pc) =	sbr.rel .LBB2_1-.Ltmp0, $4  }
0xf: {  	s1 =	sadd.s32 s1, s5;
	s7 =	sshrl.u32 s7, $0x3;
	s29 =	sadd.s32 $0x53600, s8  }
0x10: {  	s10 =	smax.u32 s0, $0x1;
	s0 =	simm.s32 $0x2;
	s9 =	sadd.s32 s7, s5  }
0x11: {  	[dreg:$0x3] =	wrdreg s29;
	s30 =	sadd.s32 $0xD800, s1;
	s8 =	sadd.s32 $0x3A00, s1  }
0x12: {  	s1 =	simm.s32 $0x1;
	[dreg:$0x4] =	wrdreg s30;
	s9 =	sadd.s32 $0x67600, s9  }
.LBB2_4:
0x13: {  	_ =	swait.ge [sflag:s1], $0x1400  }
0x14: {  	[sflag:s1] =	ssyncset.done $0x0  }
0x15: {  	s3 =	simm.s32 $0xEC90;
	[sflag:s1] =	ssyncadd.s32 $0xFFFFEC00  }
0x16: {  	[spmem:s2] =	stream.indirect.scatter.add.f32 [tilespmem:s16], [sflag:$0x9], $0x40, s3, s15, $0xb8;
	[tilespmem:$0x18E20] =	vst v63  }
0x17: {  	_ =	swait.ge [sflag:s12], $0x1400  }
0x18: {  	[sflag:s12] =	ssyncset.done $0x0  }
0x19: {  	[sflag:s12] =	ssyncadd.s32 $0xFFFFEC00  }
0x1a: {  	_ =	swait.ge [sflag:s0], $0x1400  }
0x1b: {  	[sflag:s0] =	ssyncset.done $0x0  }
0x1c: {  	s7 =	simm.s32 $0xECE0;
	[sflag:s0] =	ssyncadd.s32 $0xFFFFEC00  }
0x1d: {  	[spmem:s2] =	stream.indirect.scatter.add.f32 [tilespmem:s18], [sflag:$0x9], $0x40, s7, s15, $0xb8;
	[tilespmem:$0x18E20] =	vst v63  }
0x1e: {  	_ =	swait.ge [sflag:s12], $0x1400  }
0x1f: {  	[sflag:s12] =	ssyncset.done $0x0  }
0x20: {  	[sflag:s12] =	ssyncadd.s32 $0xFFFFEC00  }
0x21: {  	_ =	swait.ge [sflag:s14], $0x1400  }
0x22: {  	[sflag:s14] =	ssyncset.done $0x0  }
0x23: {  	s25 =	simm.s32 $0xED30;
	[sflag:s14] =	ssyncadd.s32 $0xFFFFEC00  }
0x24: {  	[spmem:s2] =	stream.indirect.scatter.add.f32 [tilespmem:s20], [sflag:$0x9], $0x40, s25, s15, $0xb8;
	[tilespmem:$0x18E20] =	vst v63  }
0x25: {  	_ =	swait.ge [sflag:s12], $0x1400  }
0x26: {  	[sflag:s12] =	ssyncset.done $0x0  }
0x27: {  	[sflag:s12] =	ssyncadd.s32 $0xFFFFEC00  }
0x28: {  	_ =	swait.ge [sflag:s17], $0x1400  }
0x29: {  	[sflag:s17] =	ssyncset.done $0x0  }
0x2a: {  	s29 =	simm.s32 $0xED80;
	[sflag:s17] =	ssyncadd.s32 $0xFFFFEC00  }
0x2b: {  	[spmem:s2] =	stream.indirect.scatter.add.f32 [tilespmem:s22], [sflag:$0x9], $0x40, s29, s15, $0xb8;
	[tilespmem:$0x18E20] =	vst v63  }
0x2c: {  	_ =	swait.ge [sflag:s12], $0x1400  }
0x2d: {  	[sflag:s12] =	ssyncset.done $0x0  }
0x2e: {  	[sflag:s12] =	ssyncadd.s32 $0xFFFFEC00  }
0x2f: {  	_ =	swait.ge [sflag:s19], $0x1400  }
0x30: {  	[sflag:s19] =	ssyncset.done $0x0  }
0x31: {  	s30 =	simm.s32 $0xEDD0;
	[sflag:s19] =	ssyncadd.s32 $0xFFFFEC00  }
0x32: {  	[spmem:s2] =	stream.indirect.scatter.add.f32 [tilespmem:s24], [sflag:$0x9], $0x40, s30, s15, $0xb8;
	[tilespmem:$0x18E20] =	vst v63  }
0x33: {  	_ =	swait.ge [sflag:s12], $0x1400  }
0x34: {  	s28 =	sadd.s32 $0x1, s28;
	[sflag:s12] =	ssyncset.done $0x0  }
0x35: {  	p0 =	sne.s32 s28, s10;
	[sflag:s12] =	ssyncadd.s32 $0xFFFFEC00  }
.Ltmp1:
0x36: {  	[bflag:$0x0] =	sbarrier.arrive $0xFFFF;
	(pc) =	sbr.rel @!p0 .LBB2_5-.Ltmp1, $4  }
0x37: {  	[hbm:s9], [sflag:s6] =	dma.local [spmem:s11], $0x1400  }
0x38: {  	_ =	swait.ge [sflag:s12], $0x1400  }
0x39: {  	[sflag:s12] =	ssyncset.done $0x0  }
0x3a: {  	[sflag:s12] =	ssyncadd.s32 $0xFFFFEC00  }
.LBB2_1:
0x3b: {  	s3 =	rddreg [dreg:$0x3]  }
0x3c: {  	[spmem:s11], [sflag:s6] =	dma.local [hbm:s3], $0x1400  }
0x3d: {  	_ =	swait.ge [sflag:s12], $0x1400  }
0x3e: {  	[sflag:s12] =	ssyncset.done $0x0  }
0x3f: {  	s25 =	simm.s32 $0x0;
	s5 =	rddreg [dreg:$0x4];
	[sflag:s12] =	ssyncadd.s32 $0xFFFFEC00  }
0x40: {  	[tilespmem:s13], [sflag:$0x9] =	stream.linear.gather [hbm4b:s5+s25], $0x2710, $0x38;
	[tilespmem:$0x18E20] =	vst v63  }
0x41: {  	_ =	swait.ge [sflag:s12], $0x2710  }
0x42: {  	[sflag:s12] =	ssyncset.done $0x0  }
0x43: {  	s30 =	simm.s32 $0xC710;
	[sflag:s12] =	ssyncadd.s32 $0xFFFFD8F0  }
0x44: {  	[tilespmem:s30], [sflag:$0x9] =	stream.linear.gather [hbm4b:s8+s25], $0x2710, $0x38;
	[tilespmem:$0x18E20] =	vst v63  }
0x45: {  	_ =	swait.ge [sflag:s12], $0x2710  }
0x46: {  	[sflag:s12] =	ssyncset.done $0x0  }
0x47: {  	[sflag:s12] =	ssyncadd.s32 $0xFFFFD8F0  }
0x48: {  	[bflag:$0x0] =	sbarrier.arrive $0xFFFF  }
0x49: {  	[tilespmem:s16], [sflag:$0x1] =	stream.indirect.gather [hbm4b:s4+s15], $0x40, s13, s15, $0xb8;
	[tilespmem:$0x18E20] =	vst v63  }
0x4a: {  	s5 =	simm.s32 $0xA050  }
0x4b: {  	[tilespmem:s18], [sflag:$0x2] =	stream.indirect.gather [hbm4b:s4+s15], $0x40, s5, s15, $0xb8;
	[tilespmem:$0x18E20] =	vst v63  }
0x4c: {  	s7 =	simm.s32 $0xA0A0  }
0x4d: {  	[tilespmem:s20], [sflag:$0x3] =	stream.indirect.gather [hbm4b:s4+s15], $0x40, s7, s15, $0xb8;
	[tilespmem:$0x18E20] =	vst v63  }
0x4e: {  	s25 =	simm.s32 $0xA0F0  }
0x4f: {  	[tilespmem:s22], [sflag:$0x4] =	stream.indirect.gather [hbm4b:s4+s15], $0x40, s25, s15, $0xb8;
	[tilespmem:$0x18E20] =	vst v63  }
0x50: {  	s30 =	simm.s32 $0xA140  }
0x51: {  	[tilespmem:s24], [sflag:$0x5] =	stream.indirect.gather [hbm4b:s4+s15], $0x40, s30, s15, $0xb8;
	[tilespmem:$0x18E20] =	vst v63  }
0x52: {  	s5 =	simm.s32 $0xA190  }
0x53: {  	[tilespmem:s26], [sflag:$0x6] =	stream.indirect.gather [hbm4b:s4+s15], $0x40, s5, s15, $0xb8;
	[tilespmem:$0x18E20] =	vst v63  }
0x54: {  	s7 =	simm.s32 $0xA1E0;
	s25 =	simm.s32 $0x16620  }
0x55: {  	[tilespmem:s25], [sflag:$0x7] =	stream.indirect.gather [hbm4b:s4+s15], $0x40, s7, s15, $0xb8;
	[tilespmem:$0x18E20] =	vst v63  }
0x56: {  	s29 =	simm.s32 $0x0;
	s30 =	simm.s32 $0xA230  }
0x57: {  	[tilespmem:s31], [sflag:$0x8] =	stream.indirect.gather [hbm4b:s4+s15], $0x40, s30, s15, $0xb8;
	[tilespmem:$0x18E20] =	vst v63  }
.LBB2_2:
0x58: {  	_ =	swait.ge [sflag:s1], $0x1400  }
0x59: {  	s30 =	sshra.s32 s29, $0x2;
	[sflag:s1] =	ssyncset.done $0x0  }
0x5a: {  	s25 =	sadd.s32 $0xC710, s30;
	[sflag:s1] =	ssyncadd.s32 $0xFFFFEC00  }
0x5b: {  	[spmem:s2] =	stream.indirect.scatter.add.f32 [tilespmem:s16], [sflag:$0x9], $0x40, s25, s15, $0xb8;
	[tilespmem:$0x18E20] =	vst v63  }
0x5c: {  	_ =	swait.ge [sflag:s12], $0x1400  }
0x5d: {  	[sflag:s12] =	ssyncset.done $0x0  }
0x5e: {  	s7 =	sadd.s32 $0xA280, s30;
	[sflag:s12] =	ssyncadd.s32 $0xFFFFEC00  }
0x5f: {  	[tilespmem:s16], [sflag:$0x1] =	stream.indirect.gather [hbm4b:s4+s15], $0x40, s7, s15, $0xb8;
	[tilespmem:$0x18E20] =	vst v63  }
0x60: {  	_ =	swait.ge [sflag:s0], $0x1400  }
0x61: {  	[sflag:s0] =	ssyncset.done $0x0  }
0x62: {  	s3 =	sadd.s32 $0xC760, s30;
	[sflag:s0] =	ssyncadd.s32 $0xFFFFEC00  }
0x63: {  	[spmem:s2] =	stream.indirect.scatter.add.f32 [tilespmem:s18], [sflag:$0x9], $0x40, s3, s15, $0xb8;
	[tilespmem:$0x18E20] =	vst v63  }
0x64: {  	_ =	swait.ge [sflag:s12], $0x1400  }
0x65: {  	[sflag:s12] =	ssyncset.done $0x0  }
0x66: {  	s5 =	sadd.s32 $0xA2D0, s30;
	[sflag:s12] =	ssyncadd.s32 $0xFFFFEC00  }
0x67: {  	[tilespmem:s18], [sflag:$0x2] =	stream.indirect.gather [hbm4b:s4+s15], $0x40, s5, s15, $0xb8;
	[tilespmem:$0x18E20] =	vst v63  }
0x68: {  	_ =	swait.ge [sflag:s14], $0x1400  }
0x69: {  	[sflag:s14] =	ssyncset.done $0x0  }
0x6a: {  	s7 =	sadd.s32 $0xC7B0, s30;
	[sflag:s14] =	ssyncadd.s32 $0xFFFFEC00  }
0x6b: {  	[spmem:s2] =	stream.indirect.scatter.add.f32 [tilespmem:s20], [sflag:$0x9], $0x40, s7, s15, $0xb8;
	[tilespmem:$0x18E20] =	vst v63  }
0x6c: {  	_ =	swait.ge [sflag:s12], $0x1400  }
0x6d: {  	[sflag:s12] =	ssyncset.done $0x0  }
0x6e: {  	s3 =	sadd.s32 $0xA320, s30;
	[sflag:s12] =	ssyncadd.s32 $0xFFFFEC00  }
0x6f: {  	[tilespmem:s20], [sflag:$0x3] =	stream.indirect.gather [hbm4b:s4+s15], $0x40, s3, s15, $0xb8;
	[tilespmem:$0x18E20] =	vst v63  }
0x70: {  	_ =	swait.ge [sflag:s17], $0x1400  }
0x71: {  	[sflag:s17] =	ssyncset.done $0x0  }
0x72: {  	s5 =	sadd.s32 $0xC800, s30;
	[sflag:s17] =	ssyncadd.s32 $0xFFFFEC00  }
0x73: {  	[spmem:s2] =	stream.indirect.scatter.add.f32 [tilespmem:s22], [sflag:$0x9], $0x40, s5, s15, $0xb8;
	[tilespmem:$0x18E20] =	vst v63  }
0x74: {  	_ =	swait.ge [sflag:s12], $0x1400  }
0x75: {  	[sflag:s12] =	ssyncset.done $0x0  }
0x76: {  	s7 =	sadd.s32 $0xA370, s30;
	[sflag:s12] =	ssyncadd.s32 $0xFFFFEC00  }
0x77: {  	[tilespmem:s22], [sflag:$0x4] =	stream.indirect.gather [hbm4b:s4+s15], $0x40, s7, s15, $0xb8;
	[tilespmem:$0x18E20] =	vst v63  }
0x78: {  	_ =	swait.ge [sflag:s19], $0x1400  }
0x79: {  	[sflag:s19] =	ssyncset.done $0x0  }
0x7a: {  	s3 =	sadd.s32 $0xC850, s30;
	[sflag:s19] =	ssyncadd.s32 $0xFFFFEC00  }
0x7b: {  	[spmem:s2] =	stream.indirect.scatter.add.f32 [tilespmem:s24], [sflag:$0x9], $0x40, s3, s15, $0xb8;
	[tilespmem:$0x18E20] =	vst v63  }
0x7c: {  	_ =	swait.ge [sflag:s12], $0x1400  }
0x7d: {  	[sflag:s12] =	ssyncset.done $0x0  }
0x7e: {  	s5 =	sadd.s32 $0xA3C0, s30;
	[sflag:s12] =	ssyncadd.s32 $0xFFFFEC00  }
0x7f: {  	[tilespmem:s24], [sflag:$0x5] =	stream.indirect.gather [hbm4b:s4+s15], $0x40, s5, s15, $0xb8;
	[tilespmem:$0x18E20] =	vst v63  }
0x80: {  	_ =	swait.ge [sflag:s21], $0x1400  }
0x81: {  	[sflag:s21] =	ssyncset.done $0x0  }
0x82: {  	s7 =	sadd.s32 $0xC8A0, s30;
	[sflag:s21] =	ssyncadd.s32 $0xFFFFEC00  }
0x83: {  	[spmem:s2] =	stream.indirect.scatter.add.f32 [tilespmem:s26], [sflag:$0x9], $0x40, s7, s15, $0xb8;
	[tilespmem:$0x18E20] =	vst v63  }
0x84: {  	_ =	swait.ge [sflag:s12], $0x1400  }
0x85: {  	p0 =	seq.s32 s29, $0x8C00;
	[sflag:s12] =	ssyncset.done $0x0  }
0x86: {  	s25 =	simm.s32 @p0 $0x7;
	[sflag:s12] =	ssyncadd.s32 $0xFFFFEC00  }
0x87: {  	_ =	swait.ge @p0 [sflag:s25], $0x1400  }
0x88: {  	[sflag:s25] =	ssyncset.done @p0 $0x0  }
0x89: {  	[sflag:s25] =	ssyncadd.s32 @p0 $0xFFFFEC00;
	s25 =	sshra.s32 @p0 s29, $0x2  }
0x8a: {  	s3 =	simm.s32 @p0 $0x50;
	s5 =	simm.s32 @p0 $0x16620;
	s25 =	sadd.s32 @p0 $0xC8F0, s25  }
0x8b: {  	[spmem:s2] =	stream.indirect.scatter.add.f32 @p0 [tilespmem:s5], [sflag:$0x9], $0x40, s25, s3, $0xb8;
	[tilespmem:$0x18E20] =	vst v63  }
0x8c: {  	s3 =	simm.s32 @p0 $0x9  }
0x8d: {  	_ =	swait.ge @p0 [sflag:s3], $0x1400  }
0x8e: {  	[sflag:s3] =	ssyncset.done @p0 $0x0  }
0x8f: {  	[sflag:s3] =	ssyncadd.s32 @p0 $0xFFFFEC00;
	s3 =	sshra.s32 @!p0 s29, $0x2  }
0x90: {  	s7 =	simm.s32 @!p0 $0x15220;
	s25 =	simm.s32 @!p0 $0x50;
	s5 =	sadd.s32 @!p0 $0xA410, s3  }
0x91: {  	[tilespmem:s7], [sflag:$0x6] =	stream.indirect.gather @!p0 [hbm4b:s4+s25], $0x40, s5, s25, $0xb8;
	[tilespmem:$0x18E20] =	vst v63  }
0x92: {  	s5 =	simm.s32 @!p0 $0x7  }
0x93: {  	_ =	swait.ge @!p0 [sflag:s5], $0x1400  }
0x94: {  	[sflag:s5] =	ssyncset.done @!p0 $0x0  }
0x95: {  	s7 =	simm.s32 @!p0 $0x16620;
	[sflag:s5] =	ssyncadd.s32 @!p0 $0xFFFFEC00;
	s5 =	sadd.s32 @!p0 $0xC8F0, s3  }
0x96: {  	[spmem:s2] =	stream.indirect.scatter.add.f32 @!p0 [tilespmem:s7], [sflag:$0x9], $0x40, s5, s25, $0xb8;
	[tilespmem:$0x18E20] =	vst v63  }
0x97: {  	s5 =	simm.s32 @!p0 $0x9  }
0x98: {  	_ =	swait.ge @!p0 [sflag:s5], $0x1400  }
0x99: {  	[sflag:s5] =	ssyncset.done @!p0 $0x0  }
0x9a: {  	s3 =	sadd.s32 @!p0 $0xA460, s3;
	[sflag:s5] =	ssyncadd.s32 @!p0 $0xFFFFEC00  }
0x9b: {  	[tilespmem:s7], [sflag:$0x7] =	stream.indirect.gather @!p0 [hbm4b:s4+s25], $0x40, s3, s25, $0xb8;
	[tilespmem:$0x18E20] =	vst v63  }
0x9c: {  	_ =	swait.ge [sflag:s23], $0x1400  }
0x9d: {  	[sflag:s23] =	ssyncset.done $0x0  }
.Ltmp2:
0x9e: {  	s25 =	sadd.s32 $0xC940, s30;
	[sflag:s23] =	ssyncadd.s32 $0xFFFFEC00;
	(pc) =	sbr.rel @p0 .LBB2_4-.Ltmp2, $4  }
0x9f: {  	[spmem:s2] =	stream.indirect.scatter.add.f32 [tilespmem:s31], [sflag:$0x9], $0x40, s25, s15, $0xb8;
	[tilespmem:$0x18E20] =	vst v63  }
0xa0: {  	_ =	swait.ge [sflag:s12], $0x1400  }
0xa1: {  	[sflag:s12] =	ssyncset.done $0x0  }
0xa2: {  	[sflag:s12] =	ssyncadd.s32 $0xFFFFEC00  }
.Ltmp3:
0xa3: {  	(pc) =	sbr.rel .LBB2_2-.Ltmp3, $3  }
0xa4: {  	_ =	sdelay $0x1  }
0xa5: {  	s3 =	sadd.s32 $0xA4B0, s30;
	s29 =	sadd.s32 $0xA00, s29  }
0xa6: {  	[tilespmem:s31], [sflag:$0x8] =	stream.indirect.gather [hbm4b:s4+s15], $0x40, s3, s15, $0xb8;
	[tilespmem:$0x18E20] =	vst v63  }
.LBB2_5:
0xa7: {  	_ =	sfence.sel $0x180000  }
0xa8: {  	[bflag:$0x0] =	sbarrier.arrive $0xFFFF  }
0xa9: {  	_ =	strace $0x9000004D  }
0xaa: {  	s0 =	stileid.u32;
	[bflag:$0x2] =	sbarrier.arrive $0xFFFF  }
0xab: {  	p0 =	sne.s32 s0, $0x0;
	s0 =	rddreg [dreg:$0x2]  }
0xac: {  	s0 =	sadd.s32 @!p0 $0x100000, s0  }
0xad: {  	[sflag:s0] =	ssyncadd.tile.s32 @!p0 $0x1;
	_ =	shalt  }
.Lfunc_end2:
_tile_overlayer_lowered:
.L_overlay_start_2:
0xae: {  	(tag) =	ssettag $0x2  }
0xaf: {  	s0 =	rddreg [dreg:$0x0];
	s2 =	stileid.u32  }
0xb0: {  	s1 =	rddreg [dreg:$0x1];
	p0 =	sne.s32 s2, $0x0  }
0xb1: {  	s3 =	rddreg [dreg:$0x2];
	[bflag:$0x3] =	sbarrier.arrive $0xFFFF;
	s2 =	simm.s32 @!p0 $0x1C09  }
0xb2: {  	[timem:s3], [sflag:s2] =	dma.local @!p0 [hbm:s0], s1  }
0xb3: {  	s0 =	simm.s32 @!p0 $0x9  }
0xb4: {  	_ =	swait.ge @!p0 [sflag:s0], s1  }
0xb5: {  	s1 =	ssub.s32 @!p0 $0x0, s1;
	[sflag:s0] =	ssyncset.done @!p0 $0x0  }
0xb6: {  	[sflag:s0] =	ssyncadd.s32 @!p0 s1  }
0xb7: {  	[bflag:$0x3] =	sbarrier.arrive $0xFFFF  }
0xb8: {  	_ =	shalt  }

// kernel: kernel.21.cloned.1.call-start
scs
__scs_entry_jumppad:
0x0: {  	(pc) =	sbr.rel $0x88, $3  }
0x1: {  	(tag) =	ssettag $0x0;
	lr =	simm.s32 $0x1  }
0x2: {  	[smem:$0x3F95] =	sst lr;
	_ =	strace $0xD0000000  }
0x3: {  	_ = 	snop  }
0x4: {  	_ = 	snop  }
0x5: {  	_ = 	snop  }
0x6: {  	_ = 	snop  }
0x7: {  	_ = 	snop  }
__scs_overlays_trampoline_lowered:
0x8: {  	[smem:$0x3FA4] =	sst s0  }
0x9: {  	[smem:$0x3FA5] =	sst s1  }
0xa: {  	[smem:$0x3FA6] =	sst s2  }
0xb: {  	[smem:$0x3FA7] =	sst s3  }
0xc: {  	[smem:$0x3FA8] =	sst s4  }
0xd: {  	[smem:$0x3FA9] =	sst s5  }
0xe: {  	[smem:$0x3FAA] =	sst s6  }
0xf: {  	[smem:$0x3FAB] =	sst s7  }
0x10: {  	[smem:$0x3FAC] =	sst s8  }
0x11: {  	[smem:$0x3FAD] =	sst s9;
	s0 =	simm.s32 @!p0 $0x0  }
0x12: {  	s1 =	sld [smem:$0x3F93];
	s0 =	simm.s32 @p0 $0x1  }
0x13: {  	[smem:$0x3FAE] =	sst s0;
	s0 =	simm.s32 @!p1 $0x0  }
0x14: {  	s2 =	sld [smem:$0x3F92];
	s0 =	simm.s32 @p1 $0x1  }
0x15: {  	[smem:$0x3FAF] =	sst s0;
	s0 =	simm.s32 @!p2 $0x0  }
0x16: {  	s3 =	sld [smem:$0x3FDB];
	s0 =	simm.s32 @p2 $0x1  }
0x17: {  	s4 =	simm.s32 $0x1BF5;
	[smem:$0x3FB1] =	sst s0  }
0x18: {  	s0 =	sld [smem:$0x3F94];
	_ =	swait.ge [sflag:s4], $0x0  }
0x19: {  	s7 =	sld [smem:$0x3F95]  }
0x1a: {  	s8 =	sadd.s32 $0xFFFFE003, lr  }
0x1b: {  	s9 =	sadd.s32 $0xFFFFFEF7, lr;
	s5 =	simm.s32 $0xFFFFFFFF;
	p2 =	slt.u32 s8, $0xFFFFF086  }
0x1c: {  	p1 =	slt.u32 s9, $0xF7A;
	s5 =	simm.s32 @!p2 $0x0  }
0x1d: {  	s5 =	simm.s32 @p1 $0x1;
	p0 =	seq.s32 s7, s2  }
0x1e: {  	s7 =	smul.u32 @!p0 $0xF7A, s2;
	p2 =	seq.s32 @!p0 s5, $0x0  }
0x1f: {  	s9 =	smul.u32 $0xF7A, s1;
	s8 =	simm.s32 @!p0 $0x1BF5;
	p2 =	por !p2, p0  }
0x20: {  	[sflag:s8] =	ssyncset.s32 @!p0 $0xFFFFF086;
	s6 =	sadd.s32 @!p0 s3, s7;
	s7 =	simm.s32 @!p0 $0x108  }
0x21: {  	s3 =	sadd.s32 s3, s9;
	s6 =	sadd.s32 @!p0 $0x88, s6;
	s7 =	simm.s32 @p2 $0x1082  }
0x22: {  	[simem:s7], [sflag:s8] =	dma.local @!p0 [hbm:s6], $0xF7A  }
0x23: {  	s9 =	sor.u32 $0xD0000000, s2;
	s6 =	simm.s32 $0x108;
	_ =	swait.ge @!p0 [sflag:s8], $0x0  }
0x24: {  	s3 =	sadd.s32 $0x88, s3;
	s6 =	simm.s32 @!p1 $0x1082;
	[sflag:s4] =	ssyncset.s32 $0xFFFFF086  }
0x25: {  	[simem:s6], [sflag:s4] =	dma.local [hbm:s3], $0xF7A  }
0x26: {  	[smem:$0x3F95] =	sst s1;
	(tag) =	ssettag s2;
	_ =	strace s9  }
0x27: {  	s1 =	sld [smem:$0x3FA5]  }
0x28: {  	s2 =	sld [smem:$0x3FA6]  }
0x29: {  	s4 =	sld [smem:$0x3FA8]  }
0x2a: {  	p0 =	seq.s32 s5, $0x0;
	s5 =	sld [smem:$0x3FA9]  }
0x2b: {  	s6 =	sld [smem:$0x3FAA]  }
0x2c: {  	s7 =	sld [smem:$0x3FAB]  }
0x2d: {  	s3 =	simm.s32 $0x108;
	s8 =	sld [smem:$0x3FAC]  }
0x2e: {  	s3 =	simm.s32 @!p0 $0x1082;
	s9 =	sld [smem:$0x3FAD]  }
0x2f: {  	lr =	sadd.s32 s0, s3;
	s0 =	sld [smem:$0x3FA4]  }
0x30: {  	s3 =	sld [smem:$0x3FA7]  }
0x31: {  	[smem:$0x3FB0] =	sst s10  }
0x32: {  	s10 =	sld [smem:$0x3FAE];
	_ =	sdelay $0x3  }
0x33: {  	p0 =	seq.s32 s10, $0x1;
	s10 =	sld [smem:$0x3FB0];
	_ =	sdelay $0x3  }
0x34: {  	[smem:$0x3FB0] =	sst s10  }
0x35: {  	s10 =	sld [smem:$0x3FAF];
	_ =	sdelay $0x3  }
0x36: {  	p1 =	seq.s32 s10, $0x1;
	s10 =	sld [smem:$0x3FB0];
	_ =	sdelay $0x3  }
0x37: {  	[smem:$0x3FB0] =	sst s10  }
0x38: {  	s10 =	sld [smem:$0x3FB1]  }
0x39: {  	_ = 	snop;
	(pc) =	sbr.ind lr, $3  }
0x3a: {  	_ = 	snop  }
0x3b: {  	_ = 	snop  }
0x3c: {  	p2 =	seq.s32 s10, $0x1;
	s10 =	sld [smem:$0x3FB0]  }
0x3d: {  	_ =	shalt  }
0x3e: {  	_ =	shalt  }
0x3f: {  	_ =	shalt  }
0x40: {  	_ =	shalt  }
0x41: {  	_ =	shalt  }
0x42: {  	_ =	shalt  }
0x43: {  	_ =	shalt  }
0x44: {  	_ =	shalt  }
0x45: {  	_ =	shalt  }
0x46: {  	_ =	shalt  }
0x47: {  	_ =	shalt  }
0x48: {  	_ =	shalt  }
0x49: {  	_ =	shalt  }
0x4a: {  	_ =	shalt  }
0x4b: {  	_ =	shalt  }
0x4c: {  	_ =	shalt  }
0x4d: {  	_ =	shalt  }
0x4e: {  	_ =	shalt  }
0x4f: {  	_ =	shalt  }
0x50: {  	_ =	shalt  }
0x51: {  	_ =	shalt  }
0x52: {  	_ =	shalt  }
0x53: {  	_ =	shalt  }
0x54: {  	_ =	shalt  }
0x55: {  	_ =	shalt  }
0x56: {  	_ =	shalt  }
0x57: {  	_ =	shalt  }
0x58: {  	_ =	shalt  }
0x59: {  	_ =	shalt  }
0x5a: {  	_ =	shalt  }
0x5b: {  	_ =	shalt  }
0x5c: {  	_ =	shalt  }
0x5d: {  	_ =	shalt  }
0x5e: {  	_ =	shalt  }
0x5f: {  	_ =	shalt  }
0x60: {  	_ =	shalt  }
0x61: {  	_ =	shalt  }
0x62: {  	_ =	shalt  }
0x63: {  	_ =	shalt  }
0x64: {  	_ =	shalt  }
0x65: {  	_ =	shalt  }
0x66: {  	_ =	shalt  }
0x67: {  	_ =	shalt  }
0x68: {  	_ =	shalt  }
0x69: {  	_ =	shalt  }
0x6a: {  	_ =	shalt  }
0x6b: {  	_ =	shalt  }
0x6c: {  	_ =	shalt  }
0x6d: {  	_ =	shalt  }
0x6e: {  	_ =	shalt  }
0x6f: {  	_ =	shalt  }
0x70: {  	_ =	shalt  }
0x71: {  	_ =	shalt  }
0x72: {  	_ =	shalt  }
0x73: {  	_ =	shalt  }
0x74: {  	_ =	shalt  }
0x75: {  	_ =	shalt  }
0x76: {  	_ =	shalt  }
0x77: {  	_ =	shalt  }
0x78: {  	_ =	shalt  }
0x79: {  	_ =	shalt  }
0x7a: {  	_ =	shalt  }
0x7b: {  	_ =	shalt  }
0x7c: {  	_ =	shalt  }
0x7d: {  	_ =	shalt  }
0x7e: {  	_ =	shalt  }
0x7f: {  	_ =	shalt  }
0x80: {  	_ =	shalt  }
0x81: {  	_ =	shalt  }
0x82: {  	_ =	shalt  }
0x83: {  	_ =	shalt  }
0x84: {  	_ =	shalt  }
0x85: {  	_ =	shalt  }
0x86: {  	_ =	shalt  }
0x87: {  	_ =	shalt  }
.Lfunc_end0:
.L_simem_size_0:
called_computation.3_lowered:
.L_overlay_start_0:
0x88: {  	s2 =	sld [smem:$0x3FD9]  }
0x89: {  	s3 =	sld [smem:$0x3FFE];
	_ =	sdelay $0x1  }
0x8a: {  	s1 =	srdreg.scid  }
0x8b: {  	s0 =	sand.u32 $0x1, s1  }
0x8c: {  	s16 =	sshll.u32 s0, $0xA;
	s2 =	sadd.s32 s3, s2  }
0x8d: {  	s2 =	sadd.s32 s2, s16  }
0x8e: {  	[smem:$0x3FBC] =	sst s2  }
0x8f: {  	_ = 	snop  }
0x90: {  	(tm) =	ssettm $0x1  }
0x91: {  	s17 =	sld [smem:$0x3FFB];
	_ =	sdelay $0x3  }
0x92: {  	_ =	strace s17  }
0x93: {  	s2 =	sld [smem:$0x3FFC];
	_ =	sdelay $0x3  }
0x94: {  	_ =	strace s2  }
0x95: {  	s2 =	sld [smem:$0x3FFD];
	_ =	sdelay $0x3  }
0x96: {  	_ =	strace s2  }
0x97: {  	_ =	strace $0x8FFFFFFF  }
0x98: {  	s18 =	sld [smem:$0x3FDB];
	_ =	sdelay $0x1  }
0x99: {  	s19 =	simm.s32 $_scs_section_size  }
0x9a: {  	s4 =	simm.s32 $_size__tile_overlayer_lowered;
	s5 =	simm.s32 $_tile_overlayer_lowered  }
0x9b: {  	s22 =	simm.s32 $0x1BFF;
	s21 =	sshll.u32 s5, $0x1;
	s2 =	sadd.s32 s19, s18  }
0x9c: {  	s6 =	simm.s32 $0x0;
	s20 =	sshll.u32 s4, $0x1;
	s4 =	sadd.s32 s21, s2  }
0x9d: {  	[timem:s6], [sflag:s22] =	dma.local [hbm:s4], s20  }
0x9e: {  	_ =	swait.ge [sflag:s22], s20  }
0x9f: {  	s3 =	ssub.s32 $0x0, s20;
	[sflag:s22] =	ssyncset.done $0x0  }
0xa0: {  	[sflag:s22] =	ssyncadd.s32 s3;
	_ =	sdelay $0x1  }
0xa1: {  	s23 =	simm.s32 $0x1B8B  }
0xa2: {  	_ =	swait.ge [sflag:s23], $0x1  }
0xa3: {  	[sflag:s23] =	ssyncset.done $0x0  }
0xa4: {  	s25 =	simm.s32 $0x1B8E;
	s24 =	sld [smem:$0x3FFE];
	[sflag:s23] =	ssyncadd.s32 $0xFFFFFFFF  }
0xa5: {  	s26 =	simm.s32 $execute0_lowered;
	[smem:$0x3FD2] =	sst s25  }
0xa6: {  	s4 =	sshll.u32 s26, $0x1;
	_ =	strace $0x8000004F;
	[dreg:$0x1] =	wrdreg $0xFFFFFFFF  }
0xa7: {  	s28 =	simm.s32 $_size_execute0_lowered;
	s2 =	sadd.s32 s2, s4;
	[dreg:$0x0] =	wrdreg $0x0  }
0xa8: {  	s4 =	sshll.u32 s28, $0x1;
	[dreg:$0x2] =	wrdreg s2  }
0xa9: {  	[dreg:$0x3] =	wrdreg s4  }
0xaa: {  	[dreg:$0x4] =	wrdreg $0xC0  }
0xab: {  	_ =	task [dreg:s6], $0x5FFFF  }
0xac: {  	[dreg:$0x1] =	wrdreg $0xFFFFFFFF  }
0xad: {  	[dreg:$0x0] =	wrdreg $0x60  }
0xae: {  	[dreg:$0x2] =	wrdreg s24  }
0xaf: {  	[dreg:$0x3] =	wrdreg $0x0  }
0xb0: {  	[dreg:$0x4] =	wrdreg $0x9  }
0xb1: {  	_ =	task.clear_ibuf [dreg:s6], $0x5FFFF;
	_ =	strace $0x9000004F  }
0xb2: {  	s29 =	simm.s32 $0x9;
	_ =	strace $0x80000051  }
0xb3: {  	_ =	swait.ge [sflag:s29], $0x1  }
0xb4: {  	[sflag:s29] =	ssyncadd.s32 $0xFFFFFFFF  }
0xb5: {  	_ =	strace $0x90000051  }
0xb6: {  	_ =	sfence  }
0xb7: {  	s30 =	sld [smem:$0x0];
	_ =	sdelay $0x2  }
0xb8: {  	s31 =	sshll.u32 s1, $0xD;
	s1 =	sshrl.u32 s1, $0x2  }
0xb9: {  	s3 =	sand.u32 $0x4000, s31;
	s1 =	sadd.s32 s1, s30  }
0xba: {  	s0 =	sor.u32 s3, s0;
	s1 =	sshll.u32 s1, $0x11  }
0xbb: {  	s0 =	sor.u32 s1, s0  }
0xbc: {  	s0 =	sadd.s32 $0x8F2B, s0  }
0xbd: {  	[sflag:s0] =	ssyncadd.remote.s32 $0x1  }
0xbe: {  	_ =	sfence.sel $0xFFFF  }
0xbf: {  	[dreg:$0x0] =	wrdreg $0xFFFFFFFF;
	(pc) =	sbr.abs _section_cstart, $3  }
0xc0: {  	[dreg:$0x1] =	wrdreg $0xFFFFFFFF  }
0xc1: {  	_ =	task.clear_ibuf [dreg:s6], $0x2FFFF;
	_ =	strace $0x9FFFFFFF  }
0xc2: {  	(tm) =	ssettm $0x7FFFFFFF  }
0xc3: {  	_ =	shalt  }
tec
execute0_lowered:
.L_overlay_start_1:
0x0: {  	(tag) =	ssettag $0x1  }
0x1: {  	s0 =	srdreg.scid;
	s5 =	rddreg [dreg:$0x0]  }
0x2: {  	s3 =	stileid.u32;
	s2 =	rddreg [dreg:$0x1];
	s4 =	simm.s32 $0x0  }
0x3: {  	s12 =	simm.s32 $0x9;
	s13 =	simm.s32 $0xA000;
	s15 =	simm.s32 $0x50  }
0x4: {  	s16 =	simm.s32 $0xEE20;
	s18 =	simm.s32 $0x10220;
	s20 =	simm.s32 $0x11620  }
0x5: {  	s22 =	simm.s32 $0x12A20;
	s24 =	simm.s32 $0x13E20;
	s31 =	simm.s32 $0x17A20  }
0x6: {  	s14 =	simm.s32 $0x3;
	s17 =	simm.s32 $0x4;
	s19 =	simm.s32 $0x5  }
0x7: {  	s21 =	simm.s32 $0x6;
	s23 =	simm.s32 $0x8;
	s28 =	simm.s32 $0x0  }
0x8: {  	s0 =	sand.u32 $0x1, s0;
	s1 =	sshll.u32 s3, $0x1;
	s6 =	smul.u32 $0xA000, s3  }
0x9: {  	[smem:$0x7FF] =	sst s4;
	s4 =	sadd.s32 $0x3F600, s5;
	s26 =	sshll.u32 s3, $0x6  }
0xa: {  	s1 =	sor.u32 s0, s1;
	s7 =	smul.u32 $0xA0000, s0;
	_ =	strace $0x80000050  }
0xb: {  	s0 =	ssub.s32 $0x2, s0;
	s1 =	smul.u32 $0x4E2, s1;
	s8 =	sshrl.u32 s6, $0x3  }
0xc: {  	s25 =	sshrl.u32 s0, $0x1;
	s11 =	sadd.s32 s6, s2;
	s7 =	sadd.s32 s6, s7  }
0xd: {  	s8 =	sadd.s32 s8, s5;
	s0 =	ssub.s32 s0, s25;
	s6 =	sor.u32 $0x1C09, s26  }
.Ltmp0:
0xe: {  	s11 =	sshrl.u32 s11, $0x3;
	s26 =	simm.s32 $0x15220;
	(pc) =	sbr.rel .LBB2_1-.Ltmp0, $4  }
0xf: {  	s1 =	sadd.s32 s1, s5;
	s7 =	sshrl.u32 s7, $0x3;
	s29 =	sadd.s32 $0x53600, s8  }
0x10: {  	s10 =	smax.u32 s0, $0x1;
	s0 =	simm.s32 $0x2;
	s9 =	sadd.s32 s7, s5  }
0x11: {  	[dreg:$0x3] =	wrdreg s29;
	s30 =	sadd.s32 $0xD800, s1;
	s8 =	sadd.s32 $0x3A00, s1  }
0x12: {  	s1 =	simm.s32 $0x1;
	[dreg:$0x4] =	wrdreg s30;
	s9 =	sadd.s32 $0x67600, s9  }
.LBB2_4:
0x13: {  	_ =	swait.ge [sflag:s1], $0x1400  }
0x14: {  	[sflag:s1] =	ssyncset.done $0x0  }
0x15: {  	s3 =	simm.s32 $0xEC90;
	[sflag:s1] =	ssyncadd.s32 $0xFFFFEC00  }
0x16: {  	[spmem:s2] =	stream.indirect.scatter.add.f32 [tilespmem:s16], [sflag:$0x9], $0x40, s3, s15, $0xb8;
	[tilespmem:$0x18E20] =	vst v63  }
0x17: {  	_ =	swait.ge [sflag:s12], $0x1400  }
0x18: {  	[sflag:s12] =	ssyncset.done $0x0  }
0x19: {  	[sflag:s12] =	ssyncadd.s32 $0xFFFFEC00  }
0x1a: {  	_ =	swait.ge [sflag:s0], $0x1400  }
0x1b: {  	[sflag:s0] =	ssyncset.done $0x0  }
0x1c: {  	s7 =	simm.s32 $0xECE0;
	[sflag:s0] =	ssyncadd.s32 $0xFFFFEC00  }
0x1d: {  	[spmem:s2] =	stream.indirect.scatter.add.f32 [tilespmem:s18], [sflag:$0x9], $0x40, s7, s15, $0xb8;
	[tilespmem:$0x18E20] =	vst v63  }
0x1e: {  	_ =	swait.ge [sflag:s12], $0x1400  }
0x1f: {  	[sflag:s12] =	ssyncset.done $0x0  }
0x20: {  	[sflag:s12] =	ssyncadd.s32 $0xFFFFEC00  }
0x21: {  	_ =	swait.ge [sflag:s14], $0x1400  }
0x22: {  	[sflag:s14] =	ssyncset.done $0x0  }
0x23: {  	s25 =	simm.s32 $0xED30;
	[sflag:s14] =	ssyncadd.s32 $0xFFFFEC00  }
0x24: {  	[spmem:s2] =	stream.indirect.scatter.add.f32 [tilespmem:s20], [sflag:$0x9], $0x40, s25, s15, $0xb8;
	[tilespmem:$0x18E20] =	vst v63  }
0x25: {  	_ =	swait.ge [sflag:s12], $0x1400  }
0x26: {  	[sflag:s12] =	ssyncset.done $0x0  }
0x27: {  	[sflag:s12] =	ssyncadd.s32 $0xFFFFEC00  }
0x28: {  	_ =	swait.ge [sflag:s17], $0x1400  }
0x29: {  	[sflag:s17] =	ssyncset.done $0x0  }
0x2a: {  	s29 =	simm.s32 $0xED80;
	[sflag:s17] =	ssyncadd.s32 $0xFFFFEC00  }
0x2b: {  	[spmem:s2] =	stream.indirect.scatter.add.f32 [tilespmem:s22], [sflag:$0x9], $0x40, s29, s15, $0xb8;
	[tilespmem:$0x18E20] =	vst v63  }
0x2c: {  	_ =	swait.ge [sflag:s12], $0x1400  }
0x2d: {  	[sflag:s12] =	ssyncset.done $0x0  }
0x2e: {  	[sflag:s12] =	ssyncadd.s32 $0xFFFFEC00  }
0x2f: {  	_ =	swait.ge [sflag:s19], $0x1400  }
0x30: {  	[sflag:s19] =	ssyncset.done $0x0  }
0x31: {  	s30 =	simm.s32 $0xEDD0;
	[sflag:s19] =	ssyncadd.s32 $0xFFFFEC00  }
0x32: {  	[spmem:s2] =	stream.indirect.scatter.add.f32 [tilespmem:s24], [sflag:$0x9], $0x40, s30, s15, $0xb8;
	[tilespmem:$0x18E20] =	vst v63  }
0x33: {  	_ =	swait.ge [sflag:s12], $0x1400  }
0x34: {  	s28 =	sadd.s32 $0x1, s28;
	[sflag:s12] =	ssyncset.done $0x0  }
0x35: {  	p0 =	sne.s32 s28, s10;
	[sflag:s12] =	ssyncadd.s32 $0xFFFFEC00  }
.Ltmp1:
0x36: {  	[bflag:$0x0] =	sbarrier.arrive $0xFFFF;
	(pc) =	sbr.rel @!p0 .LBB2_5-.Ltmp1, $4  }
0x37: {  	[hbm:s9], [sflag:s6] =	dma.local [spmem:s11], $0x1400  }
0x38: {  	_ =	swait.ge [sflag:s12], $0x1400  }
0x39: {  	[sflag:s12] =	ssyncset.done $0x0  }
0x3a: {  	[sflag:s12] =	ssyncadd.s32 $0xFFFFEC00  }
.LBB2_1:
0x3b: {  	s3 =	rddreg [dreg:$0x3]  }
0x3c: {  	[spmem:s11], [sflag:s6] =	dma.local [hbm:s3], $0x1400  }
0x3d: {  	_ =	swait.ge [sflag:s12], $0x1400  }
0x3e: {  	[sflag:s12] =	ssyncset.done $0x0  }
0x3f: {  	s25 =	simm.s32 $0x0;
	s5 =	rddreg [dreg:$0x4];
	[sflag:s12] =	ssyncadd.s32 $0xFFFFEC00  }
0x40: {  	[tilespmem:s13], [sflag:$0x9] =	stream.linear.gather [hbm4b:s5+s25], $0x2710, $0x38;
	[tilespmem:$0x18E20] =	vst v63  }
0x41: {  	_ =	swait.ge [sflag:s12], $0x2710  }
0x42: {  	[sflag:s12] =	ssyncset.done $0x0  }
0x43: {  	s30 =	simm.s32 $0xC710;
	[sflag:s12] =	ssyncadd.s32 $0xFFFFD8F0  }
0x44: {  	[tilespmem:s30], [sflag:$0x9] =	stream.linear.gather [hbm4b:s8+s25], $0x2710, $0x38;
	[tilespmem:$0x18E20] =	vst v63  }
0x45: {  	_ =	swait.ge [sflag:s12], $0x2710  }
0x46: {  	[sflag:s12] =	ssyncset.done $0x0  }
0x47: {  	[sflag:s12] =	ssyncadd.s32 $0xFFFFD8F0  }
0x48: {  	[bflag:$0x0] =	sbarrier.arrive $0xFFFF  }
0x49: {  	[tilespmem:s16], [sflag:$0x1] =	stream.indirect.gather [hbm4b:s4+s15], $0x40, s13, s15, $0xb8;
	[tilespmem:$0x18E20] =	vst v63  }
0x4a: {  	s5 =	simm.s32 $0xA050  }
0x4b: {  	[tilespmem:s18], [sflag:$0x2] =	stream.indirect.gather [hbm4b:s4+s15], $0x40, s5, s15, $0xb8;
	[tilespmem:$0x18E20] =	vst v63  }
0x4c: {  	s7 =	simm.s32 $0xA0A0  }
0x4d: {  	[tilespmem:s20], [sflag:$0x3] =	stream.indirect.gather [hbm4b:s4+s15], $0x40, s7, s15, $0xb8;
	[tilespmem:$0x18E20] =	vst v63  }
0x4e: {  	s25 =	simm.s32 $0xA0F0  }
0x4f: {  	[tilespmem:s22], [sflag:$0x4] =	stream.indirect.gather [hbm4b:s4+s15], $0x40, s25, s15, $0xb8;
	[tilespmem:$0x18E20] =	vst v63  }
0x50: {  	s30 =	simm.s32 $0xA140  }
0x51: {  	[tilespmem:s24], [sflag:$0x5] =	stream.indirect.gather [hbm4b:s4+s15], $0x40, s30, s15, $0xb8;
	[tilespmem:$0x18E20] =	vst v63  }
0x52: {  	s5 =	simm.s32 $0xA190  }
0x53: {  	[tilespmem:s26], [sflag:$0x6] =	stream.indirect.gather [hbm4b:s4+s15], $0x40, s5, s15, $0xb8;
	[tilespmem:$0x18E20] =	vst v63  }
0x54: {  	s7 =	simm.s32 $0xA1E0;
	s25 =	simm.s32 $0x16620  }
0x55: {  	[tilespmem:s25], [sflag:$0x7] =	stream.indirect.gather [hbm4b:s4+s15], $0x40, s7, s15, $0xb8;
	[tilespmem:$0x18E20] =	vst v63  }
0x56: {  	s29 =	simm.s32 $0x0;
	s30 =	simm.s32 $0xA230  }
0x57: {  	[tilespmem:s31], [sflag:$0x8] =	stream.indirect.gather [hbm4b:s4+s15], $0x40, s30, s15, $0xb8;
	[tilespmem:$0x18E20] =	vst v63  }
.LBB2_2:
0x58: {  	_ =	swait.ge [sflag:s1], $0x1400  }
0x59: {  	s30 =	sshra.s32 s29, $0x2;
	[sflag:s1] =	ssyncset.done $0x0  }
0x5a: {  	s25 =	sadd.s32 $0xC710, s30;
	[sflag:s1] =	ssyncadd.s32 $0xFFFFEC00  }
0x5b: {  	[spmem:s2] =	stream.indirect.scatter.add.f32 [tilespmem:s16], [sflag:$0x9], $0x40, s25, s15, $0xb8;
	[tilespmem:$0x18E20] =	vst v63  }
0x5c: {  	_ =	swait.ge [sflag:s12], $0x1400  }
0x5d: {  	[sflag:s12] =	ssyncset.done $0x0  }
0x5e: {  	s7 =	sadd.s32 $0xA280, s30;
	[sflag:s12] =	ssyncadd.s32 $0xFFFFEC00  }
0x5f: {  	[tilespmem:s16], [sflag:$0x1] =	stream.indirect.gather [hbm4b:s4+s15], $0x40, s7, s15, $0xb8;
	[tilespmem:$0x18E20] =	vst v63  }
0x60: {  	_ =	swait.ge [sflag:s0], $0x1400  }
0x61: {  	[sflag:s0] =	ssyncset.done $0x0  }
0x62: {  	s3 =	sadd.s32 $0xC760, s30;
	[sflag:s0] =	ssyncadd.s32 $0xFFFFEC00  }
0x63: {  	[spmem:s2] =	stream.indirect.scatter.add.f32 [tilespmem:s18], [sflag:$0x9], $0x40, s3, s15, $0xb8;
	[tilespmem:$0x18E20] =	vst v63  }
0x64: {  	_ =	swait.ge [sflag:s12], $0x1400  }
0x65: {  	[sflag:s12] =	ssyncset.done $0x0  }
0x66: {  	s5 =	sadd.s32 $0xA2D0, s30;
	[sflag:s12] =	ssyncadd.s32 $0xFFFFEC00  }
0x67: {  	[tilespmem:s18], [sflag:$0x2] =	stream.indirect.gather [hbm4b:s4+s15], $0x40, s5, s15, $0xb8;
	[tilespmem:$0x18E20] =	vst v63  }
0x68: {  	_ =	swait.ge [sflag:s14], $0x1400  }
0x69: {  	[sflag:s14] =	ssyncset.done $0x0  }
0x6a: {  	s7 =	sadd.s32 $0xC7B0, s30;
	[sflag:s14] =	ssyncadd.s32 $0xFFFFEC00  }
0x6b: {  	[spmem:s2] =	stream.indirect.scatter.add.f32 [tilespmem:s20], [sflag:$0x9], $0x40, s7, s15, $0xb8;
	[tilespmem:$0x18E20] =	vst v63  }
0x6c: {  	_ =	swait.ge [sflag:s12], $0x1400  }
0x6d: {  	[sflag:s12] =	ssyncset.done $0x0  }
0x6e: {  	s3 =	sadd.s32 $0xA320, s30;
	[sflag:s12] =	ssyncadd.s32 $0xFFFFEC00  }
0x6f: {  	[tilespmem:s20], [sflag:$0x3] =	stream.indirect.gather [hbm4b:s4+s15], $0x40, s3, s15, $0xb8;
	[tilespmem:$0x18E20] =	vst v63  }
0x70: {  	_ =	swait.ge [sflag:s17], $0x1400  }
0x71: {  	[sflag:s17] =	ssyncset.done $0x0  }
0x72: {  	s5 =	sadd.s32 $0xC800, s30;
	[sflag:s17] =	ssyncadd.s32 $0xFFFFEC00  }
0x73: {  	[spmem:s2] =	stream.indirect.scatter.add.f32 [tilespmem:s22], [sflag:$0x9], $0x40, s5, s15, $0xb8;
	[tilespmem:$0x18E20] =	vst v63  }
0x74: {  	_ =	swait.ge [sflag:s12], $0x1400  }
0x75: {  	[sflag:s12] =	ssyncset.done $0x0  }
0x76: {  	s7 =	sadd.s32 $0xA370, s30;
	[sflag:s12] =	ssyncadd.s32 $0xFFFFEC00  }
0x77: {  	[tilespmem:s22], [sflag:$0x4] =	stream.indirect.gather [hbm4b:s4+s15], $0x40, s7, s15, $0xb8;
	[tilespmem:$0x18E20] =	vst v63  }
0x78: {  	_ =	swait.ge [sflag:s19], $0x1400  }
0x79: {  	[sflag:s19] =	ssyncset.done $0x0  }
0x7a: {  	s3 =	sadd.s32 $0xC850, s30;
	[sflag:s19] =	ssyncadd.s32 $0xFFFFEC00  }
0x7b: {  	[spmem:s2] =	stream.indirect.scatter.add.f32 [tilespmem:s24], [sflag:$0x9], $0x40, s3, s15, $0xb8;
	[tilespmem:$0x18E20] =	vst v63  }
0x7c: {  	_ =	swait.ge [sflag:s12], $0x1400  }
0x7d: {  	[sflag:s12] =	ssyncset.done $0x0  }
0x7e: {  	s5 =	sadd.s32 $0xA3C0, s30;
	[sflag:s12] =	ssyncadd.s32 $0xFFFFEC00  }
0x7f: {  	[tilespmem:s24], [sflag:$0x5] =	stream.indirect.gather [hbm4b:s4+s15], $0x40, s5, s15, $0xb8;
	[tilespmem:$0x18E20] =	vst v63  }
0x80: {  	_ =	swait.ge [sflag:s21], $0x1400  }
0x81: {  	[sflag:s21] =	ssyncset.done $0x0  }
0x82: {  	s7 =	sadd.s32 $0xC8A0, s30;
	[sflag:s21] =	ssyncadd.s32 $0xFFFFEC00  }
0x83: {  	[spmem:s2] =	stream.indirect.scatter.add.f32 [tilespmem:s26], [sflag:$0x9], $0x40, s7, s15, $0xb8;
	[tilespmem:$0x18E20] =	vst v63  }
0x84: {  	_ =	swait.ge [sflag:s12], $0x1400  }
0x85: {  	p0 =	seq.s32 s29, $0x8C00;
	[sflag:s12] =	ssyncset.done $0x0  }
0x86: {  	s25 =	simm.s32 @p0 $0x7;
	[sflag:s12] =	ssyncadd.s32 $0xFFFFEC00  }
0x87: {  	_ =	swait.ge @p0 [sflag:s25], $0x1400  }
0x88: {  	[sflag:s25] =	ssyncset.done @p0 $0x0  }
0x89: {  	[sflag:s25] =	ssyncadd.s32 @p0 $0xFFFFEC00;
	s25 =	sshra.s32 @p0 s29, $0x2  }
0x8a: {  	s3 =	simm.s32 @p0 $0x50;
	s5 =	simm.s32 @p0 $0x16620;
	s25 =	sadd.s32 @p0 $0xC8F0, s25  }
0x8b: {  	[spmem:s2] =	stream.indirect.scatter.add.f32 @p0 [tilespmem:s5], [sflag:$0x9], $0x40, s25, s3, $0xb8;
	[tilespmem:$0x18E20] =	vst v63  }
0x8c: {  	s3 =	simm.s32 @p0 $0x9  }
0x8d: {  	_ =	swait.ge @p0 [sflag:s3], $0x1400  }
0x8e: {  	[sflag:s3] =	ssyncset.done @p0 $0x0  }
0x8f: {  	[sflag:s3] =	ssyncadd.s32 @p0 $0xFFFFEC00;
	s3 =	sshra.s32 @!p0 s29, $0x2  }
0x90: {  	s7 =	simm.s32 @!p0 $0x15220;
	s25 =	simm.s32 @!p0 $0x50;
	s5 =	sadd.s32 @!p0 $0xA410, s3  }
0x91: {  	[tilespmem:s7], [sflag:$0x6] =	stream.indirect.gather @!p0 [hbm4b:s4+s25], $0x40, s5, s25, $0xb8;
	[tilespmem:$0x18E20] =	vst v63  }
0x92: {  	s5 =	simm.s32 @!p0 $0x7  }
0x93: {  	_ =	swait.ge @!p0 [sflag:s5], $0x1400  }
0x94: {  	[sflag:s5] =	ssyncset.done @!p0 $0x0  }
0x95: {  	s7 =	simm.s32 @!p0 $0x16620;
	[sflag:s5] =	ssyncadd.s32 @!p0 $0xFFFFEC00;
	s5 =	sadd.s32 @!p0 $0xC8F0, s3  }
0x96: {  	[spmem:s2] =	stream.indirect.scatter.add.f32 @!p0 [tilespmem:s7], [sflag:$0x9], $0x40, s5, s25, $0xb8;
	[tilespmem:$0x18E20] =	vst v63  }
0x97: {  	s5 =	simm.s32 @!p0 $0x9  }
0x98: {  	_ =	swait.ge @!p0 [sflag:s5], $0x1400  }
0x99: {  	[sflag:s5] =	ssyncset.done @!p0 $0x0  }
0x9a: {  	s3 =	sadd.s32 @!p0 $0xA460, s3;
	[sflag:s5] =	ssyncadd.s32 @!p0 $0xFFFFEC00  }
0x9b: {  	[tilespmem:s7], [sflag:$0x7] =	stream.indirect.gather @!p0 [hbm4b:s4+s25], $0x40, s3, s25, $0xb8;
	[tilespmem:$0x18E20] =	vst v63  }
0x9c: {  	_ =	swait.ge [sflag:s23], $0x1400  }
0x9d: {  	[sflag:s23] =	ssyncset.done $0x0  }
.Ltmp2:
0x9e: {  	s25 =	sadd.s32 $0xC940, s30;
	[sflag:s23] =	ssyncadd.s32 $0xFFFFEC00;
	(pc) =	sbr.rel @p0 .LBB2_4-.Ltmp2, $4  }
0x9f: {  	[spmem:s2] =	stream.indirect.scatter.add.f32 [tilespmem:s31], [sflag:$0x9], $0x40, s25, s15, $0xb8;
	[tilespmem:$0x18E20] =	vst v63  }
0xa0: {  	_ =	swait.ge [sflag:s12], $0x1400  }
0xa1: {  	[sflag:s12] =	ssyncset.done $0x0  }
0xa2: {  	[sflag:s12] =	ssyncadd.s32 $0xFFFFEC00  }
.Ltmp3:
0xa3: {  	(pc) =	sbr.rel .LBB2_2-.Ltmp3, $3  }
0xa4: {  	_ =	sdelay $0x1  }
0xa5: {  	s3 =	sadd.s32 $0xA4B0, s30;
	s29 =	sadd.s32 $0xA00, s29  }
0xa6: {  	[tilespmem:s31], [sflag:$0x8] =	stream.indirect.gather [hbm4b:s4+s15], $0x40, s3, s15, $0xb8;
	[tilespmem:$0x18E20] =	vst v63  }
.LBB2_5:
0xa7: {  	_ =	sfence.sel $0x180000  }
0xa8: {  	[bflag:$0x0] =	sbarrier.arrive $0xFFFF  }
0xa9: {  	_ =	strace $0x90000050  }
0xaa: {  	s0 =	stileid.u32;
	[bflag:$0x2] =	sbarrier.arrive $0xFFFF  }
0xab: {  	p0 =	sne.s32 s0, $0x0;
	s0 =	rddreg [dreg:$0x2]  }
0xac: {  	s0 =	sadd.s32 @!p0 $0x100000, s0  }
0xad: {  	[sflag:s0] =	ssyncadd.tile.s32 @!p0 $0x1;
	_ =	shalt  }
.Lfunc_end2:
_tile_overlayer_lowered:
.L_overlay_start_2:
0xae: {  	(tag) =	ssettag $0x2  }
0xaf: {  	s0 =	rddreg [dreg:$0x0];
	s2 =	stileid.u32  }
0xb0: {  	s1 =	rddreg [dreg:$0x1];
	p0 =	sne.s32 s2, $0x0  }
0xb1: {  	s3 =	rddreg [dreg:$0x2];
	[bflag:$0x3] =	sbarrier.arrive $0xFFFF;
	s2 =	simm.s32 @!p0 $0x1C09  }
0xb2: {  	[timem:s3], [sflag:s2] =	dma.local @!p0 [hbm:s0], s1  }
0xb3: {  	s0 =	simm.s32 @!p0 $0x9  }
0xb4: {  	_ =	swait.ge @!p0 [sflag:s0], s1  }
0xb5: {  	s1 =	ssub.s32 @!p0 $0x0, s1;
	[sflag:s0] =	ssyncset.done @!p0 $0x0  }
0xb6: {  	[sflag:s0] =	ssyncadd.s32 @!p0 s1  }
0xb7: {  	[bflag:$0x3] =	sbarrier.arrive $0xFFFF  }
0xb8: {  	_ =	shalt  }

// kernel: kernel.24.cloned.1.call-start
scs
__scs_entry_jumppad:
0x0: {  	(pc) =	sbr.rel $0x88, $3  }
0x1: {  	(tag) =	ssettag $0x0;
	lr =	simm.s32 $0x1  }
0x2: {  	[smem:$0x3F95] =	sst lr;
	_ =	strace $0xD0000000  }
0x3: {  	_ = 	snop  }
0x4: {  	_ = 	snop  }
0x5: {  	_ = 	snop  }
0x6: {  	_ = 	snop  }
0x7: {  	_ = 	snop  }
__scs_overlays_trampoline_lowered:
0x8: {  	[smem:$0x3FA4] =	sst s0  }
0x9: {  	[smem:$0x3FA5] =	sst s1  }
0xa: {  	[smem:$0x3FA6] =	sst s2  }
0xb: {  	[smem:$0x3FA7] =	sst s3  }
0xc: {  	[smem:$0x3FA8] =	sst s4  }
0xd: {  	[smem:$0x3FA9] =	sst s5  }
0xe: {  	[smem:$0x3FAA] =	sst s6  }
0xf: {  	[smem:$0x3FAB] =	sst s7  }
0x10: {  	[smem:$0x3FAC] =	sst s8  }
0x11: {  	[smem:$0x3FAD] =	sst s9;
	s0 =	simm.s32 @!p0 $0x0  }
0x12: {  	s1 =	sld [smem:$0x3F93];
	s0 =	simm.s32 @p0 $0x1  }
0x13: {  	[smem:$0x3FAE] =	sst s0;
	s0 =	simm.s32 @!p1 $0x0  }
0x14: {  	s2 =	sld [smem:$0x3F92];
	s0 =	simm.s32 @p1 $0x1  }
0x15: {  	[smem:$0x3FAF] =	sst s0;
	s0 =	simm.s32 @!p2 $0x0  }
0x16: {  	s3 =	sld [smem:$0x3FDB];
	s0 =	simm.s32 @p2 $0x1  }
0x17: {  	s4 =	simm.s32 $0x1BF5;
	[smem:$0x3FB1] =	sst s0  }
0x18: {  	s0 =	sld [smem:$0x3F94];
	_ =	swait.ge [sflag:s4], $0x0  }
0x19: {  	s7 =	sld [smem:$0x3F95]  }
0x1a: {  	s8 =	sadd.s32 $0xFFFFE003, lr  }
0x1b: {  	s9 =	sadd.s32 $0xFFFFFEF7, lr;
	s5 =	simm.s32 $0xFFFFFFFF;
	p2 =	slt.u32 s8, $0xFFFFF086  }
0x1c: {  	p1 =	slt.u32 s9, $0xF7A;
	s5 =	simm.s32 @!p2 $0x0  }
0x1d: {  	s5 =	simm.s32 @p1 $0x1;
	p0 =	seq.s32 s7, s2  }
0x1e: {  	s7 =	smul.u32 @!p0 $0xF7A, s2;
	p2 =	seq.s32 @!p0 s5, $0x0  }
0x1f: {  	s9 =	smul.u32 $0xF7A, s1;
	s8 =	simm.s32 @!p0 $0x1BF5;
	p2 =	por !p2, p0  }
0x20: {  	[sflag:s8] =	ssyncset.s32 @!p0 $0xFFFFF086;
	s6 =	sadd.s32 @!p0 s3, s7;
	s7 =	simm.s32 @!p0 $0x108  }
0x21: {  	s3 =	sadd.s32 s3, s9;
	s6 =	sadd.s32 @!p0 $0x88, s6;
	s7 =	simm.s32 @p2 $0x1082  }
0x22: {  	[simem:s7], [sflag:s8] =	dma.local @!p0 [hbm:s6], $0xF7A  }
0x23: {  	s9 =	sor.u32 $0xD0000000, s2;
	s6 =	simm.s32 $0x108;
	_ =	swait.ge @!p0 [sflag:s8], $0x0  }
0x24: {  	s3 =	sadd.s32 $0x88, s3;
	s6 =	simm.s32 @!p1 $0x1082;
	[sflag:s4] =	ssyncset.s32 $0xFFFFF086  }
0x25: {  	[simem:s6], [sflag:s4] =	dma.local [hbm:s3], $0xF7A  }
0x26: {  	[smem:$0x3F95] =	sst s1;
	(tag) =	ssettag s2;
	_ =	strace s9  }
0x27: {  	s1 =	sld [smem:$0x3FA5]  }
0x28: {  	s2 =	sld [smem:$0x3FA6]  }
0x29: {  	s4 =	sld [smem:$0x3FA8]  }
0x2a: {  	p0 =	seq.s32 s5, $0x0;
	s5 =	sld [smem:$0x3FA9]  }
0x2b: {  	s6 =	sld [smem:$0x3FAA]  }
0x2c: {  	s7 =	sld [smem:$0x3FAB]  }
0x2d: {  	s3 =	simm.s32 $0x108;
	s8 =	sld [smem:$0x3FAC]  }
0x2e: {  	s3 =	simm.s32 @!p0 $0x1082;
	s9 =	sld [smem:$0x3FAD]  }
0x2f: {  	lr =	sadd.s32 s0, s3;
	s0 =	sld [smem:$0x3FA4]  }
0x30: {  	s3 =	sld [smem:$0x3FA7]  }
0x31: {  	[smem:$0x3FB0] =	sst s10  }
0x32: {  	s10 =	sld [smem:$0x3FAE];
	_ =	sdelay $0x3  }
0x33: {  	p0 =	seq.s32 s10, $0x1;
	s10 =	sld [smem:$0x3FB0];
	_ =	sdelay $0x3  }
0x34: {  	[smem:$0x3FB0] =	sst s10  }
0x35: {  	s10 =	sld [smem:$0x3FAF];
	_ =	sdelay $0x3  }
0x36: {  	p1 =	seq.s32 s10, $0x1;
	s10 =	sld [smem:$0x3FB0];
	_ =	sdelay $0x3  }
0x37: {  	[smem:$0x3FB0] =	sst s10  }
0x38: {  	s10 =	sld [smem:$0x3FB1]  }
0x39: {  	_ = 	snop;
	(pc) =	sbr.ind lr, $3  }
0x3a: {  	_ = 	snop  }
0x3b: {  	_ = 	snop  }
0x3c: {  	p2 =	seq.s32 s10, $0x1;
	s10 =	sld [smem:$0x3FB0]  }
0x3d: {  	_ =	shalt  }
0x3e: {  	_ =	shalt  }
0x3f: {  	_ =	shalt  }
0x40: {  	_ =	shalt  }
0x41: {  	_ =	shalt  }
0x42: {  	_ =	shalt  }
0x43: {  	_ =	shalt  }
0x44: {  	_ =	shalt  }
0x45: {  	_ =	shalt  }
0x46: {  	_ =	shalt  }
0x47: {  	_ =	shalt  }
0x48: {  	_ =	shalt  }
0x49: {  	_ =	shalt  }
0x4a: {  	_ =	shalt  }
0x4b: {  	_ =	shalt  }
0x4c: {  	_ =	shalt  }
0x4d: {  	_ =	shalt  }
0x4e: {  	_ =	shalt  }
0x4f: {  	_ =	shalt  }
0x50: {  	_ =	shalt  }
0x51: {  	_ =	shalt  }
0x52: {  	_ =	shalt  }
0x53: {  	_ =	shalt  }
0x54: {  	_ =	shalt  }
0x55: {  	_ =	shalt  }
0x56: {  	_ =	shalt  }
0x57: {  	_ =	shalt  }
0x58: {  	_ =	shalt  }
0x59: {  	_ =	shalt  }
0x5a: {  	_ =	shalt  }
0x5b: {  	_ =	shalt  }
0x5c: {  	_ =	shalt  }
0x5d: {  	_ =	shalt  }
0x5e: {  	_ =	shalt  }
0x5f: {  	_ =	shalt  }
0x60: {  	_ =	shalt  }
0x61: {  	_ =	shalt  }
0x62: {  	_ =	shalt  }
0x63: {  	_ =	shalt  }
0x64: {  	_ =	shalt  }
0x65: {  	_ =	shalt  }
0x66: {  	_ =	shalt  }
0x67: {  	_ =	shalt  }
0x68: {  	_ =	shalt  }
0x69: {  	_ =	shalt  }
0x6a: {  	_ =	shalt  }
0x6b: {  	_ =	shalt  }
0x6c: {  	_ =	shalt  }
0x6d: {  	_ =	shalt  }
0x6e: {  	_ =	shalt  }
0x6f: {  	_ =	shalt  }
0x70: {  	_ =	shalt  }
0x71: {  	_ =	shalt  }
0x72: {  	_ =	shalt  }
0x73: {  	_ =	shalt  }
0x74: {  	_ =	shalt  }
0x75: {  	_ =	shalt  }
0x76: {  	_ =	shalt  }
0x77: {  	_ =	shalt  }
0x78: {  	_ =	shalt  }
0x79: {  	_ =	shalt  }
0x7a: {  	_ =	shalt  }
0x7b: {  	_ =	shalt  }
0x7c: {  	_ =	shalt  }
0x7d: {  	_ =	shalt  }
0x7e: {  	_ =	shalt  }
0x7f: {  	_ =	shalt  }
0x80: {  	_ =	shalt  }
0x81: {  	_ =	shalt  }
0x82: {  	_ =	shalt  }
0x83: {  	_ =	shalt  }
0x84: {  	_ =	shalt  }
0x85: {  	_ =	shalt  }
0x86: {  	_ =	shalt  }
0x87: {  	_ =	shalt  }
.Lfunc_end0:
.L_simem_size_0:
called_computation.4_lowered:
.L_overlay_start_0:
0x88: {  	s2 =	sld [smem:$0x3FD9]  }
0x89: {  	s3 =	sld [smem:$0x3FFE];
	_ =	sdelay $0x1  }
0x8a: {  	s1 =	srdreg.scid  }
0x8b: {  	s0 =	sand.u32 $0x1, s1  }
0x8c: {  	s16 =	sshll.u32 s0, $0xA;
	s2 =	sadd.s32 s3, s2  }
0x8d: {  	s2 =	sadd.s32 s2, s16  }
0x8e: {  	[smem:$0x3FBC] =	sst s2  }
0x8f: {  	_ = 	snop  }
0x90: {  	(tm) =	ssettm $0x1  }
0x91: {  	s17 =	sld [smem:$0x3FFB];
	_ =	sdelay $0x3  }
0x92: {  	_ =	strace s17  }
0x93: {  	s2 =	sld [smem:$0x3FFC];
	_ =	sdelay $0x3  }
0x94: {  	_ =	strace s2  }
0x95: {  	s2 =	sld [smem:$0x3FFD];
	_ =	sdelay $0x3  }
0x96: {  	_ =	strace s2  }
0x97: {  	_ =	strace $0x8FFFFFFF  }
0x98: {  	s18 =	sld [smem:$0x3FDB];
	_ =	sdelay $0x1  }
0x99: {  	s19 =	simm.s32 $_scs_section_size  }
0x9a: {  	s4 =	simm.s32 $_size__tile_overlayer_lowered;
	s5 =	simm.s32 $_tile_overlayer_lowered  }
0x9b: {  	s22 =	simm.s32 $0x1BFF;
	s21 =	sshll.u32 s5, $0x1;
	s2 =	sadd.s32 s19, s18  }
0x9c: {  	s6 =	simm.s32 $0x0;
	s20 =	sshll.u32 s4, $0x1;
	s4 =	sadd.s32 s21, s2  }
0x9d: {  	[timem:s6], [sflag:s22] =	dma.local [hbm:s4], s20  }
0x9e: {  	_ =	swait.ge [sflag:s22], s20  }
0x9f: {  	s3 =	ssub.s32 $0x0, s20;
	[sflag:s22] =	ssyncset.done $0x0  }
0xa0: {  	[sflag:s22] =	ssyncadd.s32 s3;
	_ =	sdelay $0x1  }
0xa1: {  	s23 =	simm.s32 $0x1B8B  }
0xa2: {  	_ =	swait.ge [sflag:s23], $0x1  }
0xa3: {  	[sflag:s23] =	ssyncset.done $0x0  }
0xa4: {  	s25 =	simm.s32 $0x1B8E;
	s24 =	sld [smem:$0x3FFE];
	[sflag:s23] =	ssyncadd.s32 $0xFFFFFFFF  }
0xa5: {  	s26 =	simm.s32 $execute0_lowered;
	[smem:$0x3FD2] =	sst s25  }
0xa6: {  	s4 =	sshll.u32 s26, $0x1;
	_ =	strace $0x80000052;
	[dreg:$0x1] =	wrdreg $0xFFFFFFFF  }
0xa7: {  	s28 =	simm.s32 $_size_execute0_lowered;
	s2 =	sadd.s32 s2, s4;
	[dreg:$0x0] =	wrdreg $0x0  }
0xa8: {  	s4 =	sshll.u32 s28, $0x1;
	[dreg:$0x2] =	wrdreg s2  }
0xa9: {  	[dreg:$0x3] =	wrdreg s4  }
0xaa: {  	[dreg:$0x4] =	wrdreg $0xC0  }
0xab: {  	_ =	task [dreg:s6], $0x5FFFF  }
0xac: {  	[dreg:$0x1] =	wrdreg $0xFFFFFFFF  }
0xad: {  	[dreg:$0x0] =	wrdreg $0x60  }
0xae: {  	[dreg:$0x2] =	wrdreg s24  }
0xaf: {  	[dreg:$0x3] =	wrdreg $0x0  }
0xb0: {  	[dreg:$0x4] =	wrdreg $0x9  }
0xb1: {  	_ =	task.clear_ibuf [dreg:s6], $0x5FFFF;
	_ =	strace $0x90000052  }
0xb2: {  	s29 =	simm.s32 $0x9;
	_ =	strace $0x80000054  }
0xb3: {  	_ =	swait.ge [sflag:s29], $0x1  }
0xb4: {  	[sflag:s29] =	ssyncadd.s32 $0xFFFFFFFF  }
0xb5: {  	_ =	strace $0x90000054  }
0xb6: {  	_ =	sfence  }
0xb7: {  	s30 =	sld [smem:$0x0];
	_ =	sdelay $0x2  }
0xb8: {  	s31 =	sshll.u32 s1, $0xD;
	s1 =	sshrl.u32 s1, $0x2  }
0xb9: {  	s3 =	sand.u32 $0x4000, s31;
	s1 =	sadd.s32 s1, s30  }
0xba: {  	s0 =	sor.u32 s3, s0;
	s1 =	sshll.u32 s1, $0x11  }
0xbb: {  	s0 =	sor.u32 s1, s0  }
0xbc: {  	s0 =	sadd.s32 $0x8F2B, s0  }
0xbd: {  	[sflag:s0] =	ssyncadd.remote.s32 $0x1  }
0xbe: {  	_ =	sfence.sel $0xFFFF  }
0xbf: {  	[dreg:$0x0] =	wrdreg $0xFFFFFFFF;
	(pc) =	sbr.abs _section_cstart, $3  }
0xc0: {  	[dreg:$0x1] =	wrdreg $0xFFFFFFFF  }
0xc1: {  	_ =	task.clear_ibuf [dreg:s6], $0x2FFFF;
	_ =	strace $0x9FFFFFFF  }
0xc2: {  	(tm) =	ssettm $0x7FFFFFFF  }
0xc3: {  	_ =	shalt  }
tec
execute0_lowered:
.L_overlay_start_1:
0x0: {  	(tag) =	ssettag $0x1  }
0x1: {  	s0 =	srdreg.scid;
	s5 =	rddreg [dreg:$0x0]  }
0x2: {  	s3 =	stileid.u32;
	s2 =	rddreg [dreg:$0x1];
	s4 =	simm.s32 $0x0  }
0x3: {  	s12 =	simm.s32 $0x9;
	s13 =	simm.s32 $0xA000;
	s15 =	simm.s32 $0x50  }
0x4: {  	s16 =	simm.s32 $0xEE20;
	s18 =	simm.s32 $0x10220;
	s20 =	simm.s32 $0x11620  }
0x5: {  	s22 =	simm.s32 $0x12A20;
	s24 =	simm.s32 $0x13E20;
	s31 =	simm.s32 $0x17A20  }
0x6: {  	s14 =	simm.s32 $0x3;
	s17 =	simm.s32 $0x4;
	s19 =	simm.s32 $0x5  }
0x7: {  	s21 =	simm.s32 $0x6;
	s23 =	simm.s32 $0x8;
	s28 =	simm.s32 $0x0  }
0x8: {  	s0 =	sand.u32 $0x1, s0;
	s1 =	sshll.u32 s3, $0x1;
	s6 =	smul.u32 $0xA000, s3  }
0x9: {  	[smem:$0x7FF] =	sst s4;
	s4 =	sadd.s32 $0x17600, s5;
	s26 =	sshll.u32 s3, $0x6  }
0xa: {  	s1 =	sor.u32 s0, s1;
	s7 =	smul.u32 $0xA0000, s0;
	_ =	strace $0x80000053  }
0xb: {  	s0 =	ssub.s32 $0x2, s0;
	s1 =	smul.u32 $0x4E2, s1;
	s8 =	sshrl.u32 s6, $0x3  }
0xc: {  	s25 =	sshrl.u32 s0, $0x1;
	s11 =	sadd.s32 s6, s2;
	s7 =	sadd.s32 s6, s7  }
0xd: {  	s8 =	sadd.s32 s8, s5;
	s0 =	ssub.s32 s0, s25;
	s6 =	sor.u32 $0x1C09, s26  }
.Ltmp0:
0xe: {  	s11 =	sshrl.u32 s11, $0x3;
	s26 =	simm.s32 $0x15220;
	(pc) =	sbr.rel .LBB2_1-.Ltmp0, $4  }
0xf: {  	s1 =	sadd.s32 s1, s5;
	s7 =	sshrl.u32 s7, $0x3;
	s29 =	sadd.s32 $0x53600, s8  }
0x10: {  	s10 =	smax.u32 s0, $0x1;
	s0 =	simm.s32 $0x2;
	s9 =	sadd.s32 s7, s5  }
0x11: {  	[dreg:$0x3] =	wrdreg s29;
	s30 =	sadd.s32 $0xD800, s1;
	s8 =	sadd.s32 $0x3A00, s1  }
0x12: {  	s1 =	simm.s32 $0x1;
	[dreg:$0x4] =	wrdreg s30;
	s9 =	sadd.s32 $0x2B600, s9  }
.LBB2_4:
0x13: {  	_ =	swait.ge [sflag:s1], $0x1400  }
0x14: {  	[sflag:s1] =	ssyncset.done $0x0  }
0x15: {  	s3 =	simm.s32 $0xEC90;
	[sflag:s1] =	ssyncadd.s32 $0xFFFFEC00  }
0x16: {  	[spmem:s2] =	stream.indirect.scatter.add.f32 [tilespmem:s16], [sflag:$0x9], $0x40, s3, s15, $0xb8;
	[tilespmem:$0x18E20] =	vst v63  }
0x17: {  	_ =	swait.ge [sflag:s12], $0x1400  }
0x18: {  	[sflag:s12] =	ssyncset.done $0x0  }
0x19: {  	[sflag:s12] =	ssyncadd.s32 $0xFFFFEC00  }
0x1a: {  	_ =	swait.ge [sflag:s0], $0x1400  }
0x1b: {  	[sflag:s0] =	ssyncset.done $0x0  }
0x1c: {  	s7 =	simm.s32 $0xECE0;
	[sflag:s0] =	ssyncadd.s32 $0xFFFFEC00  }
0x1d: {  	[spmem:s2] =	stream.indirect.scatter.add.f32 [tilespmem:s18], [sflag:$0x9], $0x40, s7, s15, $0xb8;
	[tilespmem:$0x18E20] =	vst v63  }
0x1e: {  	_ =	swait.ge [sflag:s12], $0x1400  }
0x1f: {  	[sflag:s12] =	ssyncset.done $0x0  }
0x20: {  	[sflag:s12] =	ssyncadd.s32 $0xFFFFEC00  }
0x21: {  	_ =	swait.ge [sflag:s14], $0x1400  }
0x22: {  	[sflag:s14] =	ssyncset.done $0x0  }
0x23: {  	s25 =	simm.s32 $0xED30;
	[sflag:s14] =	ssyncadd.s32 $0xFFFFEC00  }
0x24: {  	[spmem:s2] =	stream.indirect.scatter.add.f32 [tilespmem:s20], [sflag:$0x9], $0x40, s25, s15, $0xb8;
	[tilespmem:$0x18E20] =	vst v63  }
0x25: {  	_ =	swait.ge [sflag:s12], $0x1400  }
0x26: {  	[sflag:s12] =	ssyncset.done $0x0  }
0x27: {  	[sflag:s12] =	ssyncadd.s32 $0xFFFFEC00  }
0x28: {  	_ =	swait.ge [sflag:s17], $0x1400  }
0x29: {  	[sflag:s17] =	ssyncset.done $0x0  }
0x2a: {  	s29 =	simm.s32 $0xED80;
	[sflag:s17] =	ssyncadd.s32 $0xFFFFEC00  }
0x2b: {  	[spmem:s2] =	stream.indirect.scatter.add.f32 [tilespmem:s22], [sflag:$0x9], $0x40, s29, s15, $0xb8;
	[tilespmem:$0x18E20] =	vst v63  }
0x2c: {  	_ =	swait.ge [sflag:s12], $0x1400  }
0x2d: {  	[sflag:s12] =	ssyncset.done $0x0  }
0x2e: {  	[sflag:s12] =	ssyncadd.s32 $0xFFFFEC00  }
0x2f: {  	_ =	swait.ge [sflag:s19], $0x1400  }
0x30: {  	[sflag:s19] =	ssyncset.done $0x0  }
0x31: {  	s30 =	simm.s32 $0xEDD0;
	[sflag:s19] =	ssyncadd.s32 $0xFFFFEC00  }
0x32: {  	[spmem:s2] =	stream.indirect.scatter.add.f32 [tilespmem:s24], [sflag:$0x9], $0x40, s30, s15, $0xb8;
	[tilespmem:$0x18E20] =	vst v63  }
0x33: {  	_ =	swait.ge [sflag:s12], $0x1400  }
0x34: {  	s28 =	sadd.s32 $0x1, s28;
	[sflag:s12] =	ssyncset.done $0x0  }
0x35: {  	p0 =	sne.s32 s28, s10;
	[sflag:s12] =	ssyncadd.s32 $0xFFFFEC00  }
.Ltmp1:
0x36: {  	[bflag:$0x0] =	sbarrier.arrive $0xFFFF;
	(pc) =	sbr.rel @!p0 .LBB2_5-.Ltmp1, $4  }
0x37: {  	[hbm:s9], [sflag:s6] =	dma.local [spmem:s11], $0x1400  }
0x38: {  	_ =	swait.ge [sflag:s12], $0x1400  }
0x39: {  	[sflag:s12] =	ssyncset.done $0x0  }
0x3a: {  	[sflag:s12] =	ssyncadd.s32 $0xFFFFEC00  }
.LBB2_1:
0x3b: {  	s3 =	rddreg [dreg:$0x3]  }
0x3c: {  	[spmem:s11], [sflag:s6] =	dma.local [hbm:s3], $0x1400  }
0x3d: {  	_ =	swait.ge [sflag:s12], $0x1400  }
0x3e: {  	[sflag:s12] =	ssyncset.done $0x0  }
0x3f: {  	s25 =	simm.s32 $0x0;
	s5 =	rddreg [dreg:$0x4];
	[sflag:s12] =	ssyncadd.s32 $0xFFFFEC00  }
0x40: {  	[tilespmem:s13], [sflag:$0x9] =	stream.linear.gather [hbm4b:s5+s25], $0x2710, $0x38;
	[tilespmem:$0x18E20] =	vst v63  }
0x41: {  	_ =	swait.ge [sflag:s12], $0x2710  }
0x42: {  	[sflag:s12] =	ssyncset.done $0x0  }
0x43: {  	s30 =	simm.s32 $0xC710;
	[sflag:s12] =	ssyncadd.s32 $0xFFFFD8F0  }
0x44: {  	[tilespmem:s30], [sflag:$0x9] =	stream.linear.gather [hbm4b:s8+s25], $0x2710, $0x38;
	[tilespmem:$0x18E20] =	vst v63  }
0x45: {  	_ =	swait.ge [sflag:s12], $0x2710  }
0x46: {  	[sflag:s12] =	ssyncset.done $0x0  }
0x47: {  	[sflag:s12] =	ssyncadd.s32 $0xFFFFD8F0  }
0x48: {  	[bflag:$0x0] =	sbarrier.arrive $0xFFFF  }
0x49: {  	[tilespmem:s16], [sflag:$0x1] =	stream.indirect.gather [hbm4b:s4+s15], $0x40, s13, s15, $0xb8;
	[tilespmem:$0x18E20] =	vst v63  }
0x4a: {  	s5 =	simm.s32 $0xA050  }
0x4b: {  	[tilespmem:s18], [sflag:$0x2] =	stream.indirect.gather [hbm4b:s4+s15], $0x40, s5, s15, $0xb8;
	[tilespmem:$0x18E20] =	vst v63  }
0x4c: {  	s7 =	simm.s32 $0xA0A0  }
0x4d: {  	[tilespmem:s20], [sflag:$0x3] =	stream.indirect.gather [hbm4b:s4+s15], $0x40, s7, s15, $0xb8;
	[tilespmem:$0x18E20] =	vst v63  }
0x4e: {  	s25 =	simm.s32 $0xA0F0  }
0x4f: {  	[tilespmem:s22], [sflag:$0x4] =	stream.indirect.gather [hbm4b:s4+s15], $0x40, s25, s15, $0xb8;
	[tilespmem:$0x18E20] =	vst v63  }
0x50: {  	s30 =	simm.s32 $0xA140  }
0x51: {  	[tilespmem:s24], [sflag:$0x5] =	stream.indirect.gather [hbm4b:s4+s15], $0x40, s30, s15, $0xb8;
	[tilespmem:$0x18E20] =	vst v63  }
0x52: {  	s5 =	simm.s32 $0xA190  }
0x53: {  	[tilespmem:s26], [sflag:$0x6] =	stream.indirect.gather [hbm4b:s4+s15], $0x40, s5, s15, $0xb8;
	[tilespmem:$0x18E20] =	vst v63  }
0x54: {  	s7 =	simm.s32 $0xA1E0;
	s25 =	simm.s32 $0x16620  }
0x55: {  	[tilespmem:s25], [sflag:$0x7] =	stream.indirect.gather [hbm4b:s4+s15], $0x40, s7, s15, $0xb8;
	[tilespmem:$0x18E20] =	vst v63  }
0x56: {  	s29 =	simm.s32 $0x0;
	s30 =	simm.s32 $0xA230  }
0x57: {  	[tilespmem:s31], [sflag:$0x8] =	stream.indirect.gather [hbm4b:s4+s15], $0x40, s30, s15, $0xb8;
	[tilespmem:$0x18E20] =	vst v63  }
.LBB2_2:
0x58: {  	_ =	swait.ge [sflag:s1], $0x1400  }
0x59: {  	s30 =	sshra.s32 s29, $0x2;
	[sflag:s1] =	ssyncset.done $0x0  }
0x5a: {  	s25 =	sadd.s32 $0xC710, s30;
	[sflag:s1] =	ssyncadd.s32 $0xFFFFEC00  }
0x5b: {  	[spmem:s2] =	stream.indirect.scatter.add.f32 [tilespmem:s16], [sflag:$0x9], $0x40, s25, s15, $0xb8;
	[tilespmem:$0x18E20] =	vst v63  }
0x5c: {  	_ =	swait.ge [sflag:s12], $0x1400  }
0x5d: {  	[sflag:s12] =	ssyncset.done $0x0  }
0x5e: {  	s7 =	sadd.s32 $0xA280, s30;
	[sflag:s12] =	ssyncadd.s32 $0xFFFFEC00  }
0x5f: {  	[tilespmem:s16], [sflag:$0x1] =	stream.indirect.gather [hbm4b:s4+s15], $0x40, s7, s15, $0xb8;
	[tilespmem:$0x18E20] =	vst v63  }
0x60: {  	_ =	swait.ge [sflag:s0], $0x1400  }
0x61: {  	[sflag:s0] =	ssyncset.done $0x0  }
0x62: {  	s3 =	sadd.s32 $0xC760, s30;
	[sflag:s0] =	ssyncadd.s32 $0xFFFFEC00  }
0x63: {  	[spmem:s2] =	stream.indirect.scatter.add.f32 [tilespmem:s18], [sflag:$0x9], $0x40, s3, s15, $0xb8;
	[tilespmem:$0x18E20] =	vst v63  }
0x64: {  	_ =	swait.ge [sflag:s12], $0x1400  }
0x65: {  	[sflag:s12] =	ssyncset.done $0x0  }
0x66: {  	s5 =	sadd.s32 $0xA2D0, s30;
	[sflag:s12] =	ssyncadd.s32 $0xFFFFEC00  }
0x67: {  	[tilespmem:s18], [sflag:$0x2] =	stream.indirect.gather [hbm4b:s4+s15], $0x40, s5, s15, $0xb8;
	[tilespmem:$0x18E20] =	vst v63  }
0x68: {  	_ =	swait.ge [sflag:s14], $0x1400  }
0x69: {  	[sflag:s14] =	ssyncset.done $0x0  }
0x6a: {  	s7 =	sadd.s32 $0xC7B0, s30;
	[sflag:s14] =	ssyncadd.s32 $0xFFFFEC00  }
0x6b: {  	[spmem:s2] =	stream.indirect.scatter.add.f32 [tilespmem:s20], [sflag:$0x9], $0x40, s7, s15, $0xb8;
	[tilespmem:$0x18E20] =	vst v63  }
0x6c: {  	_ =	swait.ge [sflag:s12], $0x1400  }
0x6d: {  	[sflag:s12] =	ssyncset.done $0x0  }
0x6e: {  	s3 =	sadd.s32 $0xA320, s30;
	[sflag:s12] =	ssyncadd.s32 $0xFFFFEC00  }
0x6f: {  	[tilespmem:s20], [sflag:$0x3] =	stream.indirect.gather [hbm4b:s4+s15], $0x40, s3, s15, $0xb8;
	[tilespmem:$0x18E20] =	vst v63  }
0x70: {  	_ =	swait.ge [sflag:s17], $0x1400  }
0x71: {  	[sflag:s17] =	ssyncset.done $0x0  }
0x72: {  	s5 =	sadd.s32 $0xC800, s30;
	[sflag:s17] =	ssyncadd.s32 $0xFFFFEC00  }
0x73: {  	[spmem:s2] =	stream.indirect.scatter.add.f32 [tilespmem:s22], [sflag:$0x9], $0x40, s5, s15, $0xb8;
	[tilespmem:$0x18E20] =	vst v63  }
0x74: {  	_ =	swait.ge [sflag:s12], $0x1400  }
0x75: {  	[sflag:s12] =	ssyncset.done $0x0  }
0x76: {  	s7 =	sadd.s32 $0xA370, s30;
	[sflag:s12] =	ssyncadd.s32 $0xFFFFEC00  }
0x77: {  	[tilespmem:s22], [sflag:$0x4] =	stream.indirect.gather [hbm4b:s4+s15], $0x40, s7, s15, $0xb8;
	[tilespmem:$0x18E20] =	vst v63  }
0x78: {  	_ =	swait.ge [sflag:s19], $0x1400  }
0x79: {  	[sflag:s19] =	ssyncset.done $0x0  }
0x7a: {  	s3 =	sadd.s32 $0xC850, s30;
	[sflag:s19] =	ssyncadd.s32 $0xFFFFEC00  }
0x7b: {  	[spmem:s2] =	stream.indirect.scatter.add.f32 [tilespmem:s24], [sflag:$0x9], $0x40, s3, s15, $0xb8;
	[tilespmem:$0x18E20] =	vst v63  }
0x7c: {  	_ =	swait.ge [sflag:s12], $0x1400  }
0x7d: {  	[sflag:s12] =	ssyncset.done $0x0  }
0x7e: {  	s5 =	sadd.s32 $0xA3C0, s30;
	[sflag:s12] =	ssyncadd.s32 $0xFFFFEC00  }
0x7f: {  	[tilespmem:s24], [sflag:$0x5] =	stream.indirect.gather [hbm4b:s4+s15], $0x40, s5, s15, $0xb8;
	[tilespmem:$0x18E20] =	vst v63  }
0x80: {  	_ =	swait.ge [sflag:s21], $0x1400  }
0x81: {  	[sflag:s21] =	ssyncset.done $0x0  }
0x82: {  	s7 =	sadd.s32 $0xC8A0, s30;
	[sflag:s21] =	ssyncadd.s32 $0xFFFFEC00  }
0x83: {  	[spmem:s2] =	stream.indirect.scatter.add.f32 [tilespmem:s26], [sflag:$0x9], $0x40, s7, s15, $0xb8;
	[tilespmem:$0x18E20] =	vst v63  }
0x84: {  	_ =	swait.ge [sflag:s12], $0x1400  }
0x85: {  	p0 =	seq.s32 s29, $0x8C00;
	[sflag:s12] =	ssyncset.done $0x0  }
0x86: {  	s25 =	simm.s32 @p0 $0x7;
	[sflag:s12] =	ssyncadd.s32 $0xFFFFEC00  }
0x87: {  	_ =	swait.ge @p0 [sflag:s25], $0x1400  }
0x88: {  	[sflag:s25] =	ssyncset.done @p0 $0x0  }
0x89: {  	[sflag:s25] =	ssyncadd.s32 @p0 $0xFFFFEC00;
	s25 =	sshra.s32 @p0 s29, $0x2  }
0x8a: {  	s3 =	simm.s32 @p0 $0x50;
	s5 =	simm.s32 @p0 $0x16620;
	s25 =	sadd.s32 @p0 $0xC8F0, s25  }
0x8b: {  	[spmem:s2] =	stream.indirect.scatter.add.f32 @p0 [tilespmem:s5], [sflag:$0x9], $0x40, s25, s3, $0xb8;
	[tilespmem:$0x18E20] =	vst v63  }
0x8c: {  	s3 =	simm.s32 @p0 $0x9  }
0x8d: {  	_ =	swait.ge @p0 [sflag:s3], $0x1400  }
0x8e: {  	[sflag:s3] =	ssyncset.done @p0 $0x0  }
0x8f: {  	[sflag:s3] =	ssyncadd.s32 @p0 $0xFFFFEC00;
	s3 =	sshra.s32 @!p0 s29, $0x2  }
0x90: {  	s7 =	simm.s32 @!p0 $0x15220;
	s25 =	simm.s32 @!p0 $0x50;
	s5 =	sadd.s32 @!p0 $0xA410, s3  }
0x91: {  	[tilespmem:s7], [sflag:$0x6] =	stream.indirect.gather @!p0 [hbm4b:s4+s25], $0x40, s5, s25, $0xb8;
	[tilespmem:$0x18E20] =	vst v63  }
0x92: {  	s5 =	simm.s32 @!p0 $0x7  }
0x93: {  	_ =	swait.ge @!p0 [sflag:s5], $0x1400  }
0x94: {  	[sflag:s5] =	ssyncset.done @!p0 $0x0  }
0x95: {  	s7 =	simm.s32 @!p0 $0x16620;
	[sflag:s5] =	ssyncadd.s32 @!p0 $0xFFFFEC00;
	s5 =	sadd.s32 @!p0 $0xC8F0, s3  }
0x96: {  	[spmem:s2] =	stream.indirect.scatter.add.f32 @!p0 [tilespmem:s7], [sflag:$0x9], $0x40, s5, s25, $0xb8;
	[tilespmem:$0x18E20] =	vst v63  }
0x97: {  	s5 =	simm.s32 @!p0 $0x9  }
0x98: {  	_ =	swait.ge @!p0 [sflag:s5], $0x1400  }
0x99: {  	[sflag:s5] =	ssyncset.done @!p0 $0x0  }
0x9a: {  	s3 =	sadd.s32 @!p0 $0xA460, s3;
	[sflag:s5] =	ssyncadd.s32 @!p0 $0xFFFFEC00  }
0x9b: {  	[tilespmem:s7], [sflag:$0x7] =	stream.indirect.gather @!p0 [hbm4b:s4+s25], $0x40, s3, s25, $0xb8;
	[tilespmem:$0x18E20] =	vst v63  }
0x9c: {  	_ =	swait.ge [sflag:s23], $0x1400  }
0x9d: {  	[sflag:s23] =	ssyncset.done $0x0  }
.Ltmp2:
0x9e: {  	s25 =	sadd.s32 $0xC940, s30;
	[sflag:s23] =	ssyncadd.s32 $0xFFFFEC00;
	(pc) =	sbr.rel @p0 .LBB2_4-.Ltmp2, $4  }
0x9f: {  	[spmem:s2] =	stream.indirect.scatter.add.f32 [tilespmem:s31], [sflag:$0x9], $0x40, s25, s15, $0xb8;
	[tilespmem:$0x18E20] =	vst v63  }
0xa0: {  	_ =	swait.ge [sflag:s12], $0x1400  }
0xa1: {  	[sflag:s12] =	ssyncset.done $0x0  }
0xa2: {  	[sflag:s12] =	ssyncadd.s32 $0xFFFFEC00  }
.Ltmp3:
0xa3: {  	(pc) =	sbr.rel .LBB2_2-.Ltmp3, $3  }
0xa4: {  	_ =	sdelay $0x1  }
0xa5: {  	s3 =	sadd.s32 $0xA4B0, s30;
	s29 =	sadd.s32 $0xA00, s29  }
0xa6: {  	[tilespmem:s31], [sflag:$0x8] =	stream.indirect.gather [hbm4b:s4+s15], $0x40, s3, s15, $0xb8;
	[tilespmem:$0x18E20] =	vst v63  }
.LBB2_5:
0xa7: {  	_ =	sfence.sel $0x180000  }
0xa8: {  	[bflag:$0x0] =	sbarrier.arrive $0xFFFF  }
0xa9: {  	_ =	strace $0x90000053  }
0xaa: {  	s0 =	stileid.u32;
	[bflag:$0x2] =	sbarrier.arrive $0xFFFF  }
0xab: {  	p0 =	sne.s32 s0, $0x0;
	s0 =	rddreg [dreg:$0x2]  }
0xac: {  	s0 =	sadd.s32 @!p0 $0x100000, s0  }
0xad: {  	[sflag:s0] =	ssyncadd.tile.s32 @!p0 $0x1;
	_ =	shalt  }
.Lfunc_end2:
_tile_overlayer_lowered:
.L_overlay_start_2:
0xae: {  	(tag) =	ssettag $0x2  }
0xaf: {  	s0 =	rddreg [dreg:$0x0];
	s2 =	stileid.u32  }
0xb0: {  	s1 =	rddreg [dreg:$0x1];
	p0 =	sne.s32 s2, $0x0  }
0xb1: {  	s3 =	rddreg [dreg:$0x2];
	[bflag:$0x3] =	sbarrier.arrive $0xFFFF;
	s2 =	simm.s32 @!p0 $0x1C09  }
0xb2: {  	[timem:s3], [sflag:s2] =	dma.local @!p0 [hbm:s0], s1  }
0xb3: {  	s0 =	simm.s32 @!p0 $0x9  }
0xb4: {  	_ =	swait.ge @!p0 [sflag:s0], s1  }
0xb5: {  	s1 =	ssub.s32 @!p0 $0x0, s1;
	[sflag:s0] =	ssyncset.done @!p0 $0x0  }
0xb6: {  	[sflag:s0] =	ssyncadd.s32 @!p0 s1  }
0xb7: {  	[bflag:$0x3] =	sbarrier.arrive $0xFFFF  }
0xb8: {  	_ =	shalt  }

</sc_bundles>
